<compile_context>
chip_gen: v7x
topology: tpu7x:2x2x1
jax: 0.10.2.dev20260603
libtpu: 0.0.44.dev20260713+nightly
codegen_flags: <defaults>
</compile_context>

<pallas_src>
import functools

import jax
import jax.numpy as jnp
from jax import lax
from jax.experimental import pallas as pl
from jax.experimental.pallas import tpu as pltpu
from jax.experimental.pallas import tpu_sc as plsc

N_NODES = 10000
N_EDGES = 320000
D = 128

NCORES = 2
NSUB = 16
NWORK = NCORES * NSUB
LANES = 16
EPW = N_EDGES // NWORK
CHUNK = 80
NCHUNK = EPW // CHUNK
GROUPS = CHUNK // LANES
EUNROLL = 8


def _pack_pair(lo_bf16, hi_bf16):
    lo = jax.lax.bitcast_convert_type(lo_bf16, jnp.uint16).astype(jnp.uint32)
    hi = jax.lax.bitcast_convert_type(hi_bf16, jnp.uint16).astype(jnp.uint32)
    return jax.lax.bitcast_convert_type((hi << 16) | lo, jnp.int32)


def _tc_transform_body(circ_ref, dis_ref, w_ref, wc_ref, t_out, d_out):
    w0 = w_ref[0]
    w1 = w_ref[1]
    m0 = w0 * wc_ref[0, 0] + w1 * wc_ref[1, 0]
    m1 = w0 * wc_ref[0, 1] + w1 * wc_ref[1, 1]
    c = circ_ref[...]
    t0 = jnp.dot(c, m0, preferred_element_type=jnp.float32
                 ).astype(jnp.bfloat16)
    t1 = jnp.dot(c, m1, preferred_element_type=jnp.float32
                 ).astype(jnp.bfloat16)
    t_out[...] = _pack_pair(t0, t1)
    d = dis_ref[...].astype(jnp.bfloat16)
    d_out[...] = _pack_pair(d[:, :D // 2], d[:, D // 2:])


def _tc_transform(circ, dis, weight, wc):
    return pl.pallas_call(
        _tc_transform_body,
        out_shape=(
            jax.ShapeDtypeStruct((N_NODES, D), jnp.int32),
            jax.ShapeDtypeStruct((N_NODES, D // 2), jnp.int32),
        ),
        in_specs=[
            pl.BlockSpec(memory_space=pltpu.VMEM),
            pl.BlockSpec(memory_space=pltpu.VMEM),
            pl.BlockSpec(memory_space=pltpu.VMEM),
            pl.BlockSpec(memory_space=pltpu.SMEM),
        ],
        out_specs=(pl.BlockSpec(memory_space=pltpu.VMEM),
                   pl.BlockSpec(memory_space=pltpu.VMEM)),
    )(circ, dis, weight, wc)


def _sc_edge_body(t_hbm, dis_hbm, ci_hbm, di_hbm, o0_hbm, o1_hbm,
                  cidx_v, didx_v, rows_t0, rows_d0, rows_t1, rows_d1,
                  o0_v, o1_v, sem0, sem1):
    wid = lax.axis_index("s") * NCORES + lax.axis_index("c")
    base = wid * EPW

    pltpu.sync_copy(ci_hbm.at[pl.ds(base, EPW)], cidx_v)
    pltpu.sync_copy(di_hbm.at[pl.ds(base, EPW)], didx_v)

    lane15 = lax.iota(jnp.int32, LANES) == (LANES - 1)

    def copies(c, rt, rd, sem):
        off = pl.multiple_of(c * CHUNK, CHUNK)
        return (
            pltpu.make_async_copy(
                t_hbm.at[cidx_v.at[pl.ds(off, CHUNK)]], rt, sem),
            pltpu.make_async_copy(
                dis_hbm.at[didx_v.at[pl.ds(off, CHUNK)]], rd, sem),
        )

    def gather_start(c, rt, rd, sem):
        cp_t, cp_d = copies(c, rt, rd, sem)
        cp_t.start()
        cp_d.start()

    def gather_wait(c, rt, rd, sem):
        cp_t, cp_d = copies(c, rt, rd, sem)
        cp_t.wait()
        cp_d.wait()

    def compute(c, rt, rd):
        off = pl.multiple_of(c * CHUNK, CHUNK)

        @plsc.parallel_loop(0, CHUNK, step=1, unroll=EUNROLL)
        def _(e):
            a0 = jnp.zeros((LANES,), jnp.float32)
            a1 = jnp.zeros((LANES,), jnp.float32)
            ilv = plsc.PackFormat.INTERLEAVED
            for q in range(D // (2 * LANES)):
                dp = plsc.bitcast(rd[e, pl.ds(q * LANES, LANES)],
                                  jnp.bfloat16)
                da, db = plsc.unpack(dp, format=ilv)
                ta = plsc.bitcast(rt[e, pl.ds(q * LANES, LANES)],
                                  jnp.bfloat16)
                t0a, t1a = plsc.unpack(ta, format=ilv)
                tb = plsc.bitcast(rt[e, pl.ds(D // 2 + q * LANES, LANES)],
                                  jnp.bfloat16)
                t0b, t1b = plsc.unpack(tb, format=ilv)
                a0 = a0 + t0a * da + t0b * db
                a1 = a1 + t1a * da + t1b * db
            c0 = jnp.maximum(plsc.cumsum(a0), 0.0)
            c1 = jnp.maximum(plsc.cumsum(a1), 0.0)
            ids = jnp.full((LANES,), off + e, jnp.int32)
            plsc.store_scatter(o0_v, [ids], c0, mask=lane15)
            plsc.store_scatter(o1_v, [ids], c1, mask=lane15)

    gather_start(0, rows_t0, rows_d0, sem0)

    def pair_body(i, carry):
        c0 = i * 2
        c1 = c0 + 1
        gather_wait(c0, rows_t0, rows_d0, sem0)
        gather_start(c1, rows_t1, rows_d1, sem1)
        compute(c0, rows_t0, rows_d0)
        gather_wait(c1, rows_t1, rows_d1, sem1)
        gather_start(c1 + 1, rows_t0, rows_d0, sem0)
        compute(c1, rows_t1, rows_d1)
        return carry

    lax.fori_loop(0, NCHUNK // 2, pair_body, 0)
    gather_wait(NCHUNK - 1, rows_t0, rows_d0, sem0)
    compute(NCHUNK - 1, rows_t0, rows_d0)

    pltpu.sync_copy(o0_v, o0_hbm.at[pl.ds(base, EPW)])
    pltpu.sync_copy(o1_v, o1_hbm.at[pl.ds(base, EPW)])


@functools.lru_cache(maxsize=1)
def _sc_edge():
  return pl.kernel(
    _sc_edge_body,
    out_type=(
        jax.ShapeDtypeStruct((N_EDGES,), jnp.float32),
        jax.ShapeDtypeStruct((N_EDGES,), jnp.float32),
    ),
    mesh=plsc.VectorSubcoreMesh(core_axis_name="c", subcore_axis_name="s",
                                num_cores=NCORES, num_subcores=NSUB),
    compiler_params=pltpu.CompilerParams(needs_layout_passes=False,
                                         use_tc_tiling_on_sc=False),
    scratch_types=[
        pltpu.VMEM((EPW,), jnp.int32),
        pltpu.VMEM((EPW,), jnp.int32),
        pltpu.VMEM((CHUNK, D), jnp.int32),
        pltpu.VMEM((CHUNK, D // 2), jnp.int32),
        pltpu.VMEM((CHUNK, D), jnp.int32),
        pltpu.VMEM((CHUNK, D // 2), jnp.int32),
        pltpu.VMEM((EPW,), jnp.float32),
        pltpu.VMEM((EPW,), jnp.float32),
        pltpu.SemaphoreType.DMA,
        pltpu.SemaphoreType.DMA,
    ],
  )


@jax.jit
def kernel(circ_inputs, dis_inputs, weight, weight_classifier,
           circ_indices, dis_indices):
    t, dp = _tc_transform(circ_inputs, dis_inputs, weight, weight_classifier)
    o0, o1 = _sc_edge()(t, dp,
                        circ_indices.astype(jnp.int32),
                        dis_indices.astype(jnp.int32))
    return jnp.stack([o0, o1], axis=1)

# --- scband reference (transcript-rebuilt; emitter-appended) ---
"""Pipeline reference for scband-cda-43731357008123 (READ-ONLY COPY).

The authoritative reference and input builder live on the scoring server;
editing this copy changes nothing except your own understanding.
"""

import jax, jax.numpy as jnp
import numpy as np

N_NODES = 10000
N_EDGES = 320000
D = 128
NUM_WEIGHTS = 2
NUM_CLASSES = 2


def setup_inputs(seed: int = 0) -> dict:
    key = jax.random.key(seed)
    k1, k2, k3, k4, k5, k6 = jax.random.split(key, 6)
    circ_inputs = jax.random.normal(k1, (N_NODES, D), dtype=jnp.float32)
    dis_inputs = jax.random.normal(k2, (N_NODES, D), dtype=jnp.float32)
    circ_indices = jax.random.randint(k3, (N_EDGES,), 0, N_NODES, dtype=jnp.int64 if jax.config.jax_enable_x64 else jnp.int32)
    dis_indices = jax.random.randint(k4, (N_EDGES,), 0, N_NODES, dtype=jnp.int64 if jax.config.jax_enable_x64 else jnp.int32)
    # learned parameters (kaiming_uniform-like init)
    bound_w = float(np.sqrt(6.0 / D))
    weight = jax.random.uniform(k5, (NUM_WEIGHTS, D, D), dtype=jnp.float32, minval=-bound_w, maxval=bound_w)
    bound_c = float(np.sqrt(6.0 / NUM_WEIGHTS))
    weight_classifier = jax.random.uniform(k6, (NUM_WEIGHTS, NUM_CLASSES), dtype=jnp.float32, minval=-bound_c, maxval=bound_c)
    return {
        "circ_inputs": circ_inputs,
        "dis_inputs": dis_inputs,
        "weight": weight,
        "weight_classifier": weight_classifier,
        "circ_indices": circ_indices,
        "dis_indices": dis_indices,
    }


def reference(circ_inputs, dis_inputs, weight, weight_classifier, circ_indices, dis_indices):
    # gather node embeddings per edge endpoint (SparseCore gather)
    ci = jnp.take(circ_inputs, circ_indices, axis=0)   # [E, D]
    di = jnp.take(dis_inputs, dis_indices, axis=0)     # [E, D]
    basis_outputs = []
    num_weights = weight.shape[0]
    for i in range(num_weights):
        tmp = jnp.matmul(ci, weight[i])                 # [E, D]
        out = jnp.sum(tmp * di, axis=1, keepdims=True)  # [E, 1]
        basis_outputs.append(out)
    basis = jnp.concatenate(basis_outputs, axis=1)      # [E, num_weights]
    outputs = jnp.matmul(basis, weight_classifier)      # [E, num_classes]
    outputs = jax.nn.relu(outputs)
    return outputs

if __name__ == "__main__":
    import jax
    _d = setup_inputs()
    print(jax.jit(kernel)(*tuple(_d.values())))

</pallas_src>

<mosaic_0001>
#map = affine_map<(d0, d1) -> (0, 0)>
#map1 = affine_map<(d0, d1) -> (0)>
module attributes {stable_mosaic.version = 14 : i64} {
  func.func @_sc_edge_body(%arg0: i32, %arg1: i32, %arg2: memref<10000x128xi32, #tpu.memory_space<hbm>>, %arg3: memref<10000x64xi32, #tpu.memory_space<hbm>>, %arg4: memref<320000xi32, #tpu.memory_space<hbm>>, %arg5: memref<320000xi32, #tpu.memory_space<hbm>>, %arg6: memref<320000xf32, #tpu.memory_space<hbm>>, %arg7: memref<320000xf32, #tpu.memory_space<hbm>>, %arg8: memref<10000xi32, #tpu.memory_space<vmem>>, %arg9: memref<10000xi32, #tpu.memory_space<vmem>>, %arg10: memref<80x128xi32, #tpu.memory_space<vmem>>, %arg11: memref<80x64xi32, #tpu.memory_space<vmem>>, %arg12: memref<80x128xi32, #tpu.memory_space<vmem>>, %arg13: memref<80x64xi32, #tpu.memory_space<vmem>>, %arg14: memref<10000xf32, #tpu.memory_space<vmem>>, %arg15: memref<10000xf32, #tpu.memory_space<vmem>>, %arg16: memref<!tpu.dma_semaphore, #tpu.memory_space<semaphore_mem>>, %arg17: memref<!tpu.dma_semaphore, #tpu.memory_space<semaphore_mem>>) attributes {dimension_semantics = [#tpu.dimension_semantics<core_parallel>, #tpu.dimension_semantics<subcore_parallel>], iteration_bounds = array<i64: 2, 16>, scalar_prefetch = 0 : i64, scratch_operands = 10 : i64, tpu.core_type = #tpu.core_type<sc_vector_subcore>, window_params = [{transform_indices = #map}, {transform_indices = #map}, {transform_indices = #map1}, {transform_indices = #map1}, {transform_indices = #map1}, {transform_indices = #map1}]} {
    %mul3A = arith.constant 2 : i32
    %mul3A_0 = arith.muli %arg1, %mul3A : i32
    %add3A = arith.addi %mul3A_0, %arg0 : i32
    %mul3A_1 = arith.constant 10000 : i32
    %mul3A_2 = arith.muli %add3A, %mul3A_1 : i32
    "tpu.region"() ({
      %run_scoped3A = tpu.sem_alloc : memref<!tpu.dma_semaphore, #tpu.memory_space<semaphore_mem>>
      %dma_start3A_31 = tpu.memref_slice %arg4[%mul3A_2] : memref<320000xi32, #tpu.memory_space<hbm>> -> memref<10000xi32, #tpu.memory_space<hbm>>
      %dma_start3A_32 = tpu.memref_slice %arg4[%mul3A_2] : memref<320000xi32, #tpu.memory_space<hbm>> -> memref<10000xi32, #tpu.memory_space<hbm>>
      tpu.enqueue_dma source(%dma_start3A_32 : memref<10000xi32, #tpu.memory_space<hbm>>) target(%arg8 : memref<10000xi32, #tpu.memory_space<vmem>>) target_semaphore(%run_scoped3A : memref<!tpu.dma_semaphore, #tpu.memory_space<semaphore_mem>>)
      %dma_wait3A_33 = tpu.memref_slice %arg4[%mul3A_2] : memref<320000xi32, #tpu.memory_space<hbm>> -> memref<10000xi32, #tpu.memory_space<hbm>>
      %dma_wait3A_34 = tpu.memref_slice %arg4[%mul3A_2] : memref<320000xi32, #tpu.memory_space<hbm>> -> memref<10000xi32, #tpu.memory_space<hbm>>
      tpu.wait_dma2 semaphore(%run_scoped3A : memref<!tpu.dma_semaphore, #tpu.memory_space<semaphore_mem>>) src(%dma_wait3A_34 : memref<10000xi32, #tpu.memory_space<hbm>>) dst(%arg8 : memref<10000xi32, #tpu.memory_space<vmem>>)
      tpu.yield
    }) : () -> ()
    "tpu.region"() ({
      %run_scoped3A = tpu.sem_alloc : memref<!tpu.dma_semaphore, #tpu.memory_space<semaphore_mem>>
      %dma_start3A_31 = tpu.memref_slice %arg5[%mul3A_2] : memref<320000xi32, #tpu.memory_space<hbm>> -> memref<10000xi32, #tpu.memory_space<hbm>>
      %dma_start3A_32 = tpu.memref_slice %arg5[%mul3A_2] : memref<320000xi32, #tpu.memory_space<hbm>> -> memref<10000xi32, #tpu.memory_space<hbm>>
      tpu.enqueue_dma source(%dma_start3A_32 : memref<10000xi32, #tpu.memory_space<hbm>>) target(%arg9 : memref<10000xi32, #tpu.memory_space<vmem>>) target_semaphore(%run_scoped3A : memref<!tpu.dma_semaphore, #tpu.memory_space<semaphore_mem>>)
      %dma_wait3A_33 = tpu.memref_slice %arg5[%mul3A_2] : memref<320000xi32, #tpu.memory_space<hbm>> -> memref<10000xi32, #tpu.memory_space<hbm>>
      %dma_wait3A_34 = tpu.memref_slice %arg5[%mul3A_2] : memref<320000xi32, #tpu.memory_space<hbm>> -> memref<10000xi32, #tpu.memory_space<hbm>>
      tpu.wait_dma2 semaphore(%run_scoped3A : memref<!tpu.dma_semaphore, #tpu.memory_space<semaphore_mem>>) src(%dma_wait3A_34 : memref<10000xi32, #tpu.memory_space<hbm>>) dst(%arg9 : memref<10000xi32, #tpu.memory_space<vmem>>)
      tpu.yield
    }) : () -> ()
    %iota3A = tpu.iota {dimensions = array<i32: 0>} : vector<16xi32>
    %eq3A = arith.constant 15 : i32
    %eq3A_3 = vector.broadcast %eq3A : i32 to vector<16xi32>
    %eq3A_4 = arith.cmpi eq, %iota3A, %eq3A_3 : vector<16xi32>
    %multiple_of3A = arith.constant 0 : i32
    %multiple_of3A_5 = tpu.assume_multiple %multiple_of3A, 80 : i32
    %dma_start3A = tpu.memref_slice %arg8[%multiple_of3A_5] : memref<10000xi32, #tpu.memory_space<vmem>> -> memref<80xi32, #tpu.memory_space<vmem>>
    %dma_start3A_6 = arith.constant 0 : i32
    %dma_start3A_7 = arith.constant 0 : i32
    %dma_start3A_8 = tpu.memref_slice %arg2[%dma_start3A_6, %dma_start3A_7] : memref<10000x128xi32, #tpu.memory_space<hbm>> -> memref<10000x128xi32, #tpu.memory_space<hbm>>
    tpu.enqueue_indirect_dma source(%dma_start3A_8 : memref<10000x128xi32, #tpu.memory_space<hbm>>) target(%arg10 : memref<80x128xi32, #tpu.memory_space<vmem>>) offsets(%dma_start3A : memref<80xi32, #tpu.memory_space<vmem>>) semaphore(%arg16 : memref<!tpu.dma_semaphore, #tpu.memory_space<semaphore_mem>>)
    %dma_start3A_9 = tpu.memref_slice %arg9[%multiple_of3A_5] : memref<10000xi32, #tpu.memory_space<vmem>> -> memref<80xi32, #tpu.memory_space<vmem>>
    %dma_start3A_10 = arith.constant 0 : i32
    %dma_start3A_11 = arith.constant 0 : i32
    %dma_start3A_12 = tpu.memref_slice %arg3[%dma_start3A_10, %dma_start3A_11] : memref<10000x64xi32, #tpu.memory_space<hbm>> -> memref<10000x64xi32, #tpu.memory_space<hbm>>
    tpu.enqueue_indirect_dma source(%dma_start3A_12 : memref<10000x64xi32, #tpu.memory_space<hbm>>) target(%arg11 : memref<80x64xi32, #tpu.memory_space<vmem>>) offsets(%dma_start3A_9 : memref<80xi32, #tpu.memory_space<vmem>>) semaphore(%arg16 : memref<!tpu.dma_semaphore, #tpu.memory_space<semaphore_mem>>)
    %scan3A = arith.constant 0 : i32
    %scan3A_13 = arith.constant 0 : i32
    %scan3A_14 = arith.constant 62 : i32
    %scan3A_15 = arith.addi %scan3A_13, %scan3A_14 : i32
    %scan3A_16 = arith.constant 1 : i32
    scf.for %scan3A_31 = %scan3A_13 to %scan3A_15 step %scan3A_16  : i32 {
      %mul3A_32 = arith.constant 2 : i32
      %mul3A_33 = arith.muli %scan3A_31, %mul3A_32 : i32
      %add3A_34 = arith.constant 1 : i32
      %add3A_35 = arith.addi %mul3A_33, %add3A_34 : i32
      %mul3A_36 = arith.constant 80 : i32
      %mul3A_37 = arith.muli %mul3A_33, %mul3A_36 : i32
      %multiple_of3A_38 = tpu.assume_multiple %mul3A_37, 80 : i32
      %dma_wait3A_39 = tpu.memref_slice %arg8[%multiple_of3A_38] : memref<10000xi32, #tpu.memory_space<vmem>> -> memref<80xi32, #tpu.memory_space<vmem>>
      %dma_wait3A_40 = arith.constant 0 : i32
      %dma_wait3A_41 = arith.constant 0 : i32
      %dma_wait3A_42 = tpu.memref_slice %arg2[%dma_wait3A_40, %dma_wait3A_41] : memref<10000x128xi32, #tpu.memory_space<hbm>> -> memref<10000x128xi32, #tpu.memory_space<hbm>>
      tpu.wait_indirect_dma semaphore(%arg16 : memref<!tpu.dma_semaphore, #tpu.memory_space<semaphore_mem>>) src(%dma_wait3A_42 : memref<10000x128xi32, #tpu.memory_space<hbm>>) dst(%arg10 : memref<80x128xi32, #tpu.memory_space<vmem>>)
      %dma_wait3A_43 = tpu.memref_slice %arg9[%multiple_of3A_38] : memref<10000xi32, #tpu.memory_space<vmem>> -> memref<80xi32, #tpu.memory_space<vmem>>
      %dma_wait3A_44 = arith.constant 0 : i32
      %dma_wait3A_45 = arith.constant 0 : i32
      %dma_wait3A_46 = tpu.memref_slice %arg3[%dma_wait3A_44, %dma_wait3A_45] : memref<10000x64xi32, #tpu.memory_space<hbm>> -> memref<10000x64xi32, #tpu.memory_space<hbm>>
      tpu.wait_indirect_dma semaphore(%arg16 : memref<!tpu.dma_semaphore, #tpu.memory_space<semaphore_mem>>) src(%dma_wait3A_46 : memref<10000x64xi32, #tpu.memory_space<hbm>>) dst(%arg11 : memref<80x64xi32, #tpu.memory_space<vmem>>)
      %mul3A_47 = arith.constant 80 : i32
      %mul3A_48 = arith.muli %add3A_35, %mul3A_47 : i32
      %multiple_of3A_49 = tpu.assume_multiple %mul3A_48, 80 : i32
      %dma_start3A_50 = tpu.memref_slice %arg8[%multiple_of3A_49] : memref<10000xi32, #tpu.memory_space<vmem>> -> memref<80xi32, #tpu.memory_space<vmem>>
      %dma_start3A_51 = arith.constant 0 : i32
      %dma_start3A_52 = arith.constant 0 : i32
      %dma_start3A_53 = tpu.memref_slice %arg2[%dma_start3A_51, %dma_start3A_52] : memref<10000x128xi32, #tpu.memory_space<hbm>> -> memref<10000x128xi32, #tpu.memory_space<hbm>>
      tpu.enqueue_indirect_dma source(%dma_start3A_53 : memref<10000x128xi32, #tpu.memory_space<hbm>>) target(%arg12 : memref<80x128xi32, #tpu.memory_space<vmem>>) offsets(%dma_start3A_50 : memref<80xi32, #tpu.memory_space<vmem>>) semaphore(%arg17 : memref<!tpu.dma_semaphore, #tpu.memory_space<semaphore_mem>>)
      %dma_start3A_54 = tpu.memref_slice %arg9[%multiple_of3A_49] : memref<10000xi32, #tpu.memory_space<vmem>> -> memref<80xi32, #tpu.memory_space<vmem>>
      %dma_start3A_55 = arith.constant 0 : i32
      %dma_start3A_56 = arith.constant 0 : i32
      %dma_start3A_57 = tpu.memref_slice %arg3[%dma_start3A_55, %dma_start3A_56] : memref<10000x64xi32, #tpu.memory_space<hbm>> -> memref<10000x64xi32, #tpu.memory_space<hbm>>
      tpu.enqueue_indirect_dma source(%dma_start3A_57 : memref<10000x64xi32, #tpu.memory_space<hbm>>) target(%arg13 : memref<80x64xi32, #tpu.memory_space<vmem>>) offsets(%dma_start3A_54 : memref<80xi32, #tpu.memory_space<vmem>>) semaphore(%arg17 : memref<!tpu.dma_semaphore, #tpu.memory_space<semaphore_mem>>)
      %mul3A_58 = arith.constant 80 : i32
      %mul3A_59 = arith.muli %mul3A_33, %mul3A_58 : i32
      %multiple_of3A_60 = tpu.assume_multiple %mul3A_59, 80 : i32
      %parallel_loop3A_61 = arith.constant 0 : i32
      %parallel_loop3A_62 = arith.constant 80 : i32
      %parallel_loop3A_63 = arith.constant 1 : i32
      scf.for %parallel_loop3A_94 = %parallel_loop3A_61 to %parallel_loop3A_62 step %parallel_loop3A_63  : i32 {
        %parallel_loop3A_95 = arith.constant 0.000000e+00 : f32
        %parallel_loop3A_96 = vector.broadcast %parallel_loop3A_95 : f32 to vector<16xf32>
        %parallel_loop3A_97 = arith.constant 0.000000e+00 : f32
        %parallel_loop3A_98 = vector.broadcast %parallel_loop3A_97 : f32 to vector<16xf32>
        %parallel_loop3A_99 = arith.index_cast %parallel_loop3A_94 : i32 to index
        %parallel_loop3A_100 = arith.constant 0 : index
        %parallel_loop3A_101 = tpu.vector_load %arg11[%parallel_loop3A_99, %parallel_loop3A_100] {strides = array<i32>} : memref<80x64xi32, #tpu.memory_space<vmem>>, vector<16xi32>,
        %parallel_loop3A_102 = vector.bitcast %parallel_loop3A_101 : vector<16xi32> to vector<32xbf16>
        %parallel_loop3A_103 = tpu.unpack_subelements %parallel_loop3A_102, 0 {pack_format = #tpu.pack_format<interleaved>} : vector<32xbf16> -> vector<16xf32>
        %parallel_loop3A_104 = tpu.unpack_subelements %parallel_loop3A_102, 1 {pack_format = #tpu.pack_format<interleaved>} : vector<32xbf16> -> vector<16xf32>
        %parallel_loop3A_105 = arith.index_cast %parallel_loop3A_94 : i32 to index
        %parallel_loop3A_106 = arith.constant 0 : index
        %parallel_loop3A_107 = tpu.vector_load %arg10[%parallel_loop3A_105, %parallel_loop3A_106] {strides = array<i32>} : memref<80x128xi32, #tpu.memory_space<vmem>>, vector<16xi32>,
        %parallel_loop3A_108 = vector.bitcast %parallel_loop3A_107 : vector<16xi32> to vector<32xbf16>
        %parallel_loop3A_109 = tpu.unpack_subelements %parallel_loop3A_108, 0 {pack_format = #tpu.pack_format<interleaved>} : vector<32xbf16> -> vector<16xf32>
        %parallel_loop3A_110 = tpu.unpack_subelements %parallel_loop3A_108, 1 {pack_format = #tpu.pack_format<interleaved>} : vector<32xbf16> -> vector<16xf32>
        %parallel_loop3A_111 = arith.index_cast %parallel_loop3A_94 : i32 to index
        %parallel_loop3A_112 = arith.constant 64 : index
        %parallel_loop3A_113 = tpu.vector_load %arg10[%parallel_loop3A_111, %parallel_loop3A_112] {strides = array<i32>} : memref<80x128xi32, #tpu.memory_space<vmem>>, vector<16xi32>,
        %parallel_loop3A_114 = vector.bitcast %parallel_loop3A_113 : vector<16xi32> to vector<32xbf16>
        %parallel_loop3A_115 = tpu.unpack_subelements %parallel_loop3A_114, 0 {pack_format = #tpu.pack_format<interleaved>} : vector<32xbf16> -> vector<16xf32>
        %parallel_loop3A_116 = tpu.unpack_subelements %parallel_loop3A_114, 1 {pack_format = #tpu.pack_format<interleaved>} : vector<32xbf16> -> vector<16xf32>
        %parallel_loop3A_117 = arith.mulf %parallel_loop3A_109, %parallel_loop3A_103 : vector<16xf32>
        %parallel_loop3A_118 = arith.addf %parallel_loop3A_96, %parallel_loop3A_117 : vector<16xf32>
        %parallel_loop3A_119 = arith.mulf %parallel_loop3A_115, %parallel_loop3A_104 : vector<16xf32>
        %parallel_loop3A_120 = arith.addf %parallel_loop3A_118, %parallel_loop3A_119 : vector<16xf32>
        %parallel_loop3A_121 = arith.mulf %parallel_loop3A_110, %parallel_loop3A_103 : vector<16xf32>
        %parallel_loop3A_122 = arith.addf %parallel_loop3A_98, %parallel_loop3A_121 : vector<16xf32>
        %parallel_loop3A_123 = arith.mulf %parallel_loop3A_116, %parallel_loop3A_104 : vector<16xf32>
        %parallel_loop3A_124 = arith.addf %parallel_loop3A_122, %parallel_loop3A_123 : vector<16xf32>
        %parallel_loop3A_125 = arith.index_cast %parallel_loop3A_94 : i32 to index
        %parallel_loop3A_126 = arith.constant 16 : index
        %parallel_loop3A_127 = tpu.vector_load %arg11[%parallel_loop3A_125, %parallel_loop3A_126] {strides = array<i32>} : memref<80x64xi32, #tpu.memory_space<vmem>>, vector<16xi32>,
        %parallel_loop3A_128 = vector.bitcast %parallel_loop3A_127 : vector<16xi32> to vector<32xbf16>
        %parallel_loop3A_129 = tpu.unpack_subelements %parallel_loop3A_128, 0 {pack_format = #tpu.pack_format<interleaved>} : vector<32xbf16> -> vector<16xf32>
        %parallel_loop3A_130 = tpu.unpack_subelements %parallel_loop3A_128, 1 {pack_format = #tpu.pack_format<interleaved>} : vector<32xbf16> -> vector<16xf32>
        %parallel_loop3A_131 = arith.index_cast %parallel_loop3A_94 : i32 to index
        %parallel_loop3A_132 = arith.constant 16 : index
        %parallel_loop3A_133 = tpu.vector_load %arg10[%parallel_loop3A_131, %parallel_loop3A_132] {strides = array<i32>} : memref<80x128xi32, #tpu.memory_space<vmem>>, vector<16xi32>,
        %parallel_loop3A_134 = vector.bitcast %parallel_loop3A_133 : vector<16xi32> to vector<32xbf16>
        %parallel_loop3A_135 = tpu.unpack_subelements %parallel_loop3A_134, 0 {pack_format = #tpu.pack_format<interleaved>} : vector<32xbf16> -> vector<16xf32>
        %parallel_loop3A_136 = tpu.unpack_subelements %parallel_loop3A_134, 1 {pack_format = #tpu.pack_format<interleaved>} : vector<32xbf16> -> vector<16xf32>
        %parallel_loop3A_137 = arith.index_cast %parallel_loop3A_94 : i32 to index
        %parallel_loop3A_138 = arith.constant 80 : index
        %parallel_loop3A_139 = tpu.vector_load %arg10[%parallel_loop3A_137, %parallel_loop3A_138] {strides = array<i32>} : memref<80x128xi32, #tpu.memory_space<vmem>>, vector<16xi32>,
        %parallel_loop3A_140 = vector.bitcast %parallel_loop3A_139 : vector<16xi32> to vector<32xbf16>
        %parallel_loop3A_141 = tpu.unpack_subelements %parallel_loop3A_140, 0 {pack_format = #tpu.pack_format<interleaved>} : vector<32xbf16> -> vector<16xf32>
        %parallel_loop3A_142 = tpu.unpack_subelements %parallel_loop3A_140, 1 {pack_format = #tpu.pack_format<interleaved>} : vector<32xbf16> -> vector<16xf32>
        %parallel_loop3A_143 = arith.mulf %parallel_loop3A_135, %parallel_loop3A_129 : vector<16xf32>
        %parallel_loop3A_144 = arith.addf %parallel_loop3A_120, %parallel_loop3A_143 : vector<16xf32>
        %parallel_loop3A_145 = arith.mulf %parallel_loop3A_141, %parallel_loop3A_130 : vector<16xf32>
        %parallel_loop3A_146 = arith.addf %parallel_loop3A_144, %parallel_loop3A_145 : vector<16xf32>
        %parallel_loop3A_147 = arith.mulf %parallel_loop3A_136, %parallel_loop3A_129 : vector<16xf32>
        %parallel_loop3A_148 = arith.addf %parallel_loop3A_124, %parallel_loop3A_147 : vector<16xf32>
        %parallel_loop3A_149 = arith.mulf %parallel_loop3A_142, %parallel_loop3A_130 : vector<16xf32>
        %parallel_loop3A_150 = arith.addf %parallel_loop3A_148, %parallel_loop3A_149 : vector<16xf32>
        %parallel_loop3A_151 = arith.index_cast %parallel_loop3A_94 : i32 to index
        %parallel_loop3A_152 = arith.constant 32 : index
        %parallel_loop3A_153 = tpu.vector_load %arg11[%parallel_loop3A_151, %parallel_loop3A_152] {strides = array<i32>} : memref<80x64xi32, #tpu.memory_space<vmem>>, vector<16xi32>,
        %parallel_loop3A_154 = vector.bitcast %parallel_loop3A_153 : vector<16xi32> to vector<32xbf16>
        %parallel_loop3A_155 = tpu.unpack_subelements %parallel_loop3A_154, 0 {pack_format = #tpu.pack_format<interleaved>} : vector<32xbf16> -> vector<16xf32>
        %parallel_loop3A_156 = tpu.unpack_subelements %parallel_loop3A_154, 1 {pack_format = #tpu.pack_format<interleaved>} : vector<32xbf16> -> vector<16xf32>
        %parallel_loop3A_157 = arith.index_cast %parallel_loop3A_94 : i32 to index
        %parallel_loop3A_158 = arith.constant 32 : index
        %parallel_loop3A_159 = tpu.vector_load %arg10[%parallel_loop3A_157, %parallel_loop3A_158] {strides = array<i32>} : memref<80x128xi32, #tpu.memory_space<vmem>>, vector<16xi32>,
        %parallel_loop3A_160 = vector.bitcast %parallel_loop3A_159 : vector<16xi32> to vector<32xbf16>
        %parallel_loop3A_161 = tpu.unpack_subelements %parallel_loop3A_160, 0 {pack_format = #tpu.pack_format<interleaved>} : vector<32xbf16> -> vector<16xf32>
        %parallel_loop3A_162 = tpu.unpack_subelements %parallel_loop3A_160, 1 {pack_format = #tpu.pack_format<interleaved>} : vector<32xbf16> -> vector<16xf32>
        %parallel_loop3A_163 = arith.index_cast %parallel_loop3A_94 : i32 to index
        %parallel_loop3A_164 = arith.constant 96 : index
        %parallel_loop3A_165 = tpu.vector_load %arg10[%parallel_loop3A_163, %parallel_loop3A_164] {strides = array<i32>} : memref<80x128xi32, #tpu.memory_space<vmem>>, vector<16xi32>,
        %parallel_loop3A_166 = vector.bitcast %parallel_loop3A_165 : vector<16xi32> to vector<32xbf16>
        %parallel_loop3A_167 = tpu.unpack_subelements %parallel_loop3A_166, 0 {pack_format = #tpu.pack_format<interleaved>} : vector<32xbf16> -> vector<16xf32>
        %parallel_loop3A_168 = tpu.unpack_subelements %parallel_loop3A_166, 1 {pack_format = #tpu.pack_format<interleaved>} : vector<32xbf16> -> vector<16xf32>
        %parallel_loop3A_169 = arith.mulf %parallel_loop3A_161, %parallel_loop3A_155 : vector<16xf32>
        %parallel_loop3A_170 = arith.addf %parallel_loop3A_146, %parallel_loop3A_169 : vector<16xf32>
        %parallel_loop3A_171 = arith.mulf %parallel_loop3A_167, %parallel_loop3A_156 : vector<16xf32>
        %parallel_loop3A_172 = arith.addf %parallel_loop3A_170, %parallel_loop3A_171 : vector<16xf32>
        %parallel_loop3A_173 = arith.mulf %parallel_loop3A_162, %parallel_loop3A_155 : vector<16xf32>
        %parallel_loop3A_174 = arith.addf %parallel_loop3A_150, %parallel_loop3A_173 : vector<16xf32>
        %parallel_loop3A_175 = arith.mulf %parallel_loop3A_168, %parallel_loop3A_156 : vector<16xf32>
        %parallel_loop3A_176 = arith.addf %parallel_loop3A_174, %parallel_loop3A_175 : vector<16xf32>
        %parallel_loop3A_177 = arith.index_cast %parallel_loop3A_94 : i32 to index
        %parallel_loop3A_178 = arith.constant 48 : index
        %parallel_loop3A_179 = tpu.vector_load %arg11[%parallel_loop3A_177, %parallel_loop3A_178] {strides = array<i32>} : memref<80x64xi32, #tpu.memory_space<vmem>>, vector<16xi32>,
        %parallel_loop3A_180 = vector.bitcast %parallel_loop3A_179 : vector<16xi32> to vector<32xbf16>
        %parallel_loop3A_181 = tpu.unpack_subelements %parallel_loop3A_180, 0 {pack_format = #tpu.pack_format<interleaved>} : vector<32xbf16> -> vector<16xf32>
        %parallel_loop3A_182 = tpu.unpack_subelements %parallel_loop3A_180, 1 {pack_format = #tpu.pack_format<interleaved>} : vector<32xbf16> -> vector<16xf32>
        %parallel_loop3A_183 = arith.index_cast %parallel_loop3A_94 : i32 to index
        %parallel_loop3A_184 = arith.constant 48 : index
        %parallel_loop3A_185 = tpu.vector_load %arg10[%parallel_loop3A_183, %parallel_loop3A_184] {strides = array<i32>} : memref<80x128xi32, #tpu.memory_space<vmem>>, vector<16xi32>,
        %parallel_loop3A_186 = vector.bitcast %parallel_loop3A_185 : vector<16xi32> to vector<32xbf16>
        %parallel_loop3A_187 = tpu.unpack_subelements %parallel_loop3A_186, 0 {pack_format = #tpu.pack_format<interleaved>} : vector<32xbf16> -> vector<16xf32>
        %parallel_loop3A_188 = tpu.unpack_subelements %parallel_loop3A_186, 1 {pack_format = #tpu.pack_format<interleaved>} : vector<32xbf16> -> vector<16xf32>
        %parallel_loop3A_189 = arith.index_cast %parallel_loop3A_94 : i32 to index
        %parallel_loop3A_190 = arith.constant 112 : index
        %parallel_loop3A_191 = tpu.vector_load %arg10[%parallel_loop3A_189, %parallel_loop3A_190] {strides = array<i32>} : memref<80x128xi32, #tpu.memory_space<vmem>>, vector<16xi32>,
        %parallel_loop3A_192 = vector.bitcast %parallel_loop3A_191 : vector<16xi32> to vector<32xbf16>
        %parallel_loop3A_193 = tpu.unpack_subelements %parallel_loop3A_192, 0 {pack_format = #tpu.pack_format<interleaved>} : vector<32xbf16> -> vector<16xf32>
        %parallel_loop3A_194 = tpu.unpack_subelements %parallel_loop3A_192, 1 {pack_format = #tpu.pack_format<interleaved>} : vector<32xbf16> -> vector<16xf32>
        %parallel_loop3A_195 = arith.mulf %parallel_loop3A_187, %parallel_loop3A_181 : vector<16xf32>
        %parallel_loop3A_196 = arith.addf %parallel_loop3A_172, %parallel_loop3A_195 : vector<16xf32>
        %parallel_loop3A_197 = arith.mulf %parallel_loop3A_193, %parallel_loop3A_182 : vector<16xf32>
        %parallel_loop3A_198 = arith.addf %parallel_loop3A_196, %parallel_loop3A_197 : vector<16xf32>
        %parallel_loop3A_199 = arith.mulf %parallel_loop3A_188, %parallel_loop3A_181 : vector<16xf32>
        %parallel_loop3A_200 = arith.addf %parallel_loop3A_176, %parallel_loop3A_199 : vector<16xf32>
        %parallel_loop3A_201 = arith.mulf %parallel_loop3A_194, %parallel_loop3A_182 : vector<16xf32>
        %parallel_loop3A_202 = arith.addf %parallel_loop3A_200, %parallel_loop3A_201 : vector<16xf32>
        %parallel_loop3A_203 = arith.constant true
        %parallel_loop3A_204 = vector.broadcast %parallel_loop3A_203 : i1 to vector<16xi1>
        %parallel_loop3A_205 = tpu.scan <sum>, %parallel_loop3A_198 masked %parallel_loop3A_204 : vector<16xf32>, vector<16xi1> -> vector<16xf32>
        %parallel_loop3A_206 = arith.constant 0.000000e+00 : f32
        %parallel_loop3A_207 = vector.broadcast %parallel_loop3A_206 : f32 to vector<16xf32>
        %parallel_loop3A_208 = arith.maximumf %parallel_loop3A_205, %parallel_loop3A_207 : vector<16xf32>
        %parallel_loop3A_209 = arith.constant true
        %parallel_loop3A_210 = vector.broadcast %parallel_loop3A_209 : i1 to vector<16xi1>
        %parallel_loop3A_211 = tpu.scan <sum>, %parallel_loop3A_202 masked %parallel_loop3A_210 : vector<16xf32>, vector<16xi1> -> vector<16xf32>
        %parallel_loop3A_212 = arith.constant 0.000000e+00 : f32
        %parallel_loop3A_213 = vector.broadcast %parallel_loop3A_212 : f32 to vector<16xf32>
        %parallel_loop3A_214 = arith.maximumf %parallel_loop3A_211, %parallel_loop3A_213 : vector<16xf32>
        %parallel_loop3A_215 = arith.addi %multiple_of3A_60, %parallel_loop3A_94 : i32
        %parallel_loop3A_216 = vector.broadcast %parallel_loop3A_215 : i32 to vector<16xi32>
        tpu.vector_store_idx %arg14[%parallel_loop3A_216], %parallel_loop3A_208 masked %eq3A_4 : memref<10000xf32, #tpu.memory_space<vmem>>[vector<16xi32>], vector<16xf32>, vector<16xi1>
        tpu.vector_store_idx %arg15[%parallel_loop3A_216], %parallel_loop3A_214 masked %eq3A_4 : memref<10000xf32, #tpu.memory_space<vmem>>[vector<16xi32>], vector<16xf32>, vector<16xi1>
      } {sc.loop_unroll_factor = 8 : i64, sc.parallel_access}
      %mul3A_64 = arith.constant 80 : i32
      %mul3A_65 = arith.muli %add3A_35, %mul3A_64 : i32
      %multiple_of3A_66 = tpu.assume_multiple %mul3A_65, 80 : i32
      %dma_wait3A_67 = tpu.memref_slice %arg8[%multiple_of3A_66] : memref<10000xi32, #tpu.memory_space<vmem>> -> memref<80xi32, #tpu.memory_space<vmem>>
      %dma_wait3A_68 = arith.constant 0 : i32
      %dma_wait3A_69 = arith.constant 0 : i32
      %dma_wait3A_70 = tpu.memref_slice %arg2[%dma_wait3A_68, %dma_wait3A_69] : memref<10000x128xi32, #tpu.memory_space<hbm>> -> memref<10000x128xi32, #tpu.memory_space<hbm>>
      tpu.wait_indirect_dma semaphore(%arg17 : memref<!tpu.dma_semaphore, #tpu.memory_space<semaphore_mem>>) src(%dma_wait3A_70 : memref<10000x128xi32, #tpu.memory_space<hbm>>) dst(%arg12 : memref<80x128xi32, #tpu.memory_space<vmem>>)
      %dma_wait3A_71 = tpu.memref_slice %arg9[%multiple_of3A_66] : memref<10000xi32, #tpu.memory_space<vmem>> -> memref<80xi32, #tpu.memory_space<vmem>>
      %dma_wait3A_72 = arith.constant 0 : i32
      %dma_wait3A_73 = arith.constant 0 : i32
      %dma_wait3A_74 = tpu.memref_slice %arg3[%dma_wait3A_72, %dma_wait3A_73] : memref<10000x64xi32, #tpu.memory_space<hbm>> -> memref<10000x64xi32, #tpu.memory_space<hbm>>
      tpu.wait_indirect_dma semaphore(%arg17 : memref<!tpu.dma_semaphore, #tpu.memory_space<semaphore_mem>>) src(%dma_wait3A_74 : memref<10000x64xi32, #tpu.memory_space<hbm>>) dst(%arg13 : memref<80x64xi32, #tpu.memory_space<vmem>>)
      %add3A_75 = arith.constant 1 : i32
      %add3A_76 = arith.addi %add3A_35, %add3A_75 : i32
      %mul3A_77 = arith.constant 80 : i32
      %mul3A_78 = arith.muli %add3A_76, %mul3A_77 : i32
      %multiple_of3A_79 = tpu.assume_multiple %mul3A_78, 80 : i32
      %dma_start3A_80 = tpu.memref_slice %arg8[%multiple_of3A_79] : memref<10000xi32, #tpu.memory_space<vmem>> -> memref<80xi32, #tpu.memory_space<vmem>>
      %dma_start3A_81 = arith.constant 0 : i32
      %dma_start3A_82 = arith.constant 0 : i32
      %dma_start3A_83 = tpu.memref_slice %arg2[%dma_start3A_81, %dma_start3A_82] : memref<10000x128xi32, #tpu.memory_space<hbm>> -> memref<10000x128xi32, #tpu.memory_space<hbm>>
      tpu.enqueue_indirect_dma source(%dma_start3A_83 : memref<10000x128xi32, #tpu.memory_space<hbm>>) target(%arg10 : memref<80x128xi32, #tpu.memory_space<vmem>>) offsets(%dma_start3A_80 : memref<80xi32, #tpu.memory_space<vmem>>) semaphore(%arg16 : memref<!tpu.dma_semaphore, #tpu.memory_space<semaphore_mem>>)
      %dma_start3A_84 = tpu.memref_slice %arg9[%multiple_of3A_79] : memref<10000xi32, #tpu.memory_space<vmem>> -> memref<80xi32, #tpu.memory_space<vmem>>
      %dma_start3A_85 = arith.constant 0 : i32
      %dma_start3A_86 = arith.constant 0 : i32
      %dma_start3A_87 = tpu.memref_slice %arg3[%dma_start3A_85, %dma_start3A_86] : memref<10000x64xi32, #tpu.memory_space<hbm>> -> memref<10000x64xi32, #tpu.memory_space<hbm>>
      tpu.enqueue_indirect_dma source(%dma_start3A_87 : memref<10000x64xi32, #tpu.memory_space<hbm>>) target(%arg11 : memref<80x64xi32, #tpu.memory_space<vmem>>) offsets(%dma_start3A_84 : memref<80xi32, #tpu.memory_space<vmem>>) semaphore(%arg16 : memref<!tpu.dma_semaphore, #tpu.memory_space<semaphore_mem>>)
      %mul3A_88 = arith.constant 80 : i32
      %mul3A_89 = arith.muli %add3A_35, %mul3A_88 : i32
      %multiple_of3A_90 = tpu.assume_multiple %mul3A_89, 80 : i32
      %parallel_loop3A_91 = arith.constant 0 : i32
      %parallel_loop3A_92 = arith.constant 80 : i32
      %parallel_loop3A_93 = arith.constant 1 : i32
      scf.for %parallel_loop3A_94 = %parallel_loop3A_91 to %parallel_loop3A_92 step %parallel_loop3A_93  : i32 {
        %parallel_loop3A_95 = arith.constant 0.000000e+00 : f32
        %parallel_loop3A_96 = vector.broadcast %parallel_loop3A_95 : f32 to vector<16xf32>
        %parallel_loop3A_97 = arith.constant 0.000000e+00 : f32
        %parallel_loop3A_98 = vector.broadcast %parallel_loop3A_97 : f32 to vector<16xf32>
        %parallel_loop3A_99 = arith.index_cast %parallel_loop3A_94 : i32 to index
        %parallel_loop3A_100 = arith.constant 0 : index
        %parallel_loop3A_101 = tpu.vector_load %arg13[%parallel_loop3A_99, %parallel_loop3A_100] {strides = array<i32>} : memref<80x64xi32, #tpu.memory_space<vmem>>, vector<16xi32>,
        %parallel_loop3A_102 = vector.bitcast %parallel_loop3A_101 : vector<16xi32> to vector<32xbf16>
        %parallel_loop3A_103 = tpu.unpack_subelements %parallel_loop3A_102, 0 {pack_format = #tpu.pack_format<interleaved>} : vector<32xbf16> -> vector<16xf32>
        %parallel_loop3A_104 = tpu.unpack_subelements %parallel_loop3A_102, 1 {pack_format = #tpu.pack_format<interleaved>} : vector<32xbf16> -> vector<16xf32>
        %parallel_loop3A_105 = arith.index_cast %parallel_loop3A_94 : i32 to index
        %parallel_loop3A_106 = arith.constant 0 : index
        %parallel_loop3A_107 = tpu.vector_load %arg12[%parallel_loop3A_105, %parallel_loop3A_106] {strides = array<i32>} : memref<80x128xi32, #tpu.memory_space<vmem>>, vector<16xi32>,
        %parallel_loop3A_108 = vector.bitcast %parallel_loop3A_107 : vector<16xi32> to vector<32xbf16>
        %parallel_loop3A_109 = tpu.unpack_subelements %parallel_loop3A_108, 0 {pack_format = #tpu.pack_format<interleaved>} : vector<32xbf16> -> vector<16xf32>
        %parallel_loop3A_110 = tpu.unpack_subelements %parallel_loop3A_108, 1 {pack_format = #tpu.pack_format<interleaved>} : vector<32xbf16> -> vector<16xf32>
        %parallel_loop3A_111 = arith.index_cast %parallel_loop3A_94 : i32 to index
        %parallel_loop3A_112 = arith.constant 64 : index
        %parallel_loop3A_113 = tpu.vector_load %arg12[%parallel_loop3A_111, %parallel_loop3A_112] {strides = array<i32>} : memref<80x128xi32, #tpu.memory_space<vmem>>, vector<16xi32>,
        %parallel_loop3A_114 = vector.bitcast %parallel_loop3A_113 : vector<16xi32> to vector<32xbf16>
        %parallel_loop3A_115 = tpu.unpack_subelements %parallel_loop3A_114, 0 {pack_format = #tpu.pack_format<interleaved>} : vector<32xbf16> -> vector<16xf32>
        %parallel_loop3A_116 = tpu.unpack_subelements %parallel_loop3A_114, 1 {pack_format = #tpu.pack_format<interleaved>} : vector<32xbf16> -> vector<16xf32>
        %parallel_loop3A_117 = arith.mulf %parallel_loop3A_109, %parallel_loop3A_103 : vector<16xf32>
        %parallel_loop3A_118 = arith.addf %parallel_loop3A_96, %parallel_loop3A_117 : vector<16xf32>
        %parallel_loop3A_119 = arith.mulf %parallel_loop3A_115, %parallel_loop3A_104 : vector<16xf32>
        %parallel_loop3A_120 = arith.addf %parallel_loop3A_118, %parallel_loop3A_119 : vector<16xf32>
        %parallel_loop3A_121 = arith.mulf %parallel_loop3A_110, %parallel_loop3A_103 : vector<16xf32>
        %parallel_loop3A_122 = arith.addf %parallel_loop3A_98, %parallel_loop3A_121 : vector<16xf32>
        %parallel_loop3A_123 = arith.mulf %parallel_loop3A_116, %parallel_loop3A_104 : vector<16xf32>
        %parallel_loop3A_124 = arith.addf %parallel_loop3A_122, %parallel_loop3A_123 : vector<16xf32>
        %parallel_loop3A_125 = arith.index_cast %parallel_loop3A_94 : i32 to index
        %parallel_loop3A_126 = arith.constant 16 : index
        %parallel_loop3A_127 = tpu.vector_load %arg13[%parallel_loop3A_125, %parallel_loop3A_126] {strides = array<i32>} : memref<80x64xi32, #tpu.memory_space<vmem>>, vector<16xi32>,
        %parallel_loop3A_128 = vector.bitcast %parallel_loop3A_127 : vector<16xi32> to vector<32xbf16>
        %parallel_loop3A_129 = tpu.unpack_subelements %parallel_loop3A_128, 0 {pack_format = #tpu.pack_format<interleaved>} : vector<32xbf16> -> vector<16xf32>
        %parallel_loop3A_130 = tpu.unpack_subelements %parallel_loop3A_128, 1 {pack_format = #tpu.pack_format<interleaved>} : vector<32xbf16> -> vector<16xf32>
        %parallel_loop3A_131 = arith.index_cast %parallel_loop3A_94 : i32 to index
        %parallel_loop3A_132 = arith.constant 16 : index
        %parallel_loop3A_133 = tpu.vector_load %arg12[%parallel_loop3A_131, %parallel_loop3A_132] {strides = array<i32>} : memref<80x128xi32, #tpu.memory_space<vmem>>, vector<16xi32>,
        %parallel_loop3A_134 = vector.bitcast %parallel_loop3A_133 : vector<16xi32> to vector<32xbf16>
        %parallel_loop3A_135 = tpu.unpack_subelements %parallel_loop3A_134, 0 {pack_format = #tpu.pack_format<interleaved>} : vector<32xbf16> -> vector<16xf32>
        %parallel_loop3A_136 = tpu.unpack_subelements %parallel_loop3A_134, 1 {pack_format = #tpu.pack_format<interleaved>} : vector<32xbf16> -> vector<16xf32>
        %parallel_loop3A_137 = arith.index_cast %parallel_loop3A_94 : i32 to index
        %parallel_loop3A_138 = arith.constant 80 : index
        %parallel_loop3A_139 = tpu.vector_load %arg12[%parallel_loop3A_137, %parallel_loop3A_138] {strides = array<i32>} : memref<80x128xi32, #tpu.memory_space<vmem>>, vector<16xi32>,
        %parallel_loop3A_140 = vector.bitcast %parallel_loop3A_139 : vector<16xi32> to vector<32xbf16>
        %parallel_loop3A_141 = tpu.unpack_subelements %parallel_loop3A_140, 0 {pack_format = #tpu.pack_format<interleaved>} : vector<32xbf16> -> vector<16xf32>
        %parallel_loop3A_142 = tpu.unpack_subelements %parallel_loop3A_140, 1 {pack_format = #tpu.pack_format<interleaved>} : vector<32xbf16> -> vector<16xf32>
        %parallel_loop3A_143 = arith.mulf %parallel_loop3A_135, %parallel_loop3A_129 : vector<16xf32>
        %parallel_loop3A_144 = arith.addf %parallel_loop3A_120, %parallel_loop3A_143 : vector<16xf32>
        %parallel_loop3A_145 = arith.mulf %parallel_loop3A_141, %parallel_loop3A_130 : vector<16xf32>
        %parallel_loop3A_146 = arith.addf %parallel_loop3A_144, %parallel_loop3A_145 : vector<16xf32>
        %parallel_loop3A_147 = arith.mulf %parallel_loop3A_136, %parallel_loop3A_129 : vector<16xf32>
        %parallel_loop3A_148 = arith.addf %parallel_loop3A_124, %parallel_loop3A_147 : vector<16xf32>
        %parallel_loop3A_149 = arith.mulf %parallel_loop3A_142, %parallel_loop3A_130 : vector<16xf32>
        %parallel_loop3A_150 = arith.addf %parallel_loop3A_148, %parallel_loop3A_149 : vector<16xf32>
        %parallel_loop3A_151 = arith.index_cast %parallel_loop3A_94 : i32 to index
        %parallel_loop3A_152 = arith.constant 32 : index
        %parallel_loop3A_153 = tpu.vector_load %arg13[%parallel_loop3A_151, %parallel_loop3A_152] {strides = array<i32>} : memref<80x64xi32, #tpu.memory_space<vmem>>, vector<16xi32>,
        %parallel_loop3A_154 = vector.bitcast %parallel_loop3A_153 : vector<16xi32> to vector<32xbf16>
        %parallel_loop3A_155 = tpu.unpack_subelements %parallel_loop3A_154, 0 {pack_format = #tpu.pack_format<interleaved>} : vector<32xbf16> -> vector<16xf32>
        %parallel_loop3A_156 = tpu.unpack_subelements %parallel_loop3A_154, 1 {pack_format = #tpu.pack_format<interleaved>} : vector<32xbf16> -> vector<16xf32>
        %parallel_loop3A_157 = arith.index_cast %parallel_loop3A_94 : i32 to index
        %parallel_loop3A_158 = arith.constant 32 : index
        %parallel_loop3A_159 = tpu.vector_load %arg12[%parallel_loop3A_157, %parallel_loop3A_158] {strides = array<i32>} : memref<80x128xi32, #tpu.memory_space<vmem>>, vector<16xi32>,
        %parallel_loop3A_160 = vector.bitcast %parallel_loop3A_159 : vector<16xi32> to vector<32xbf16>
        %parallel_loop3A_161 = tpu.unpack_subelements %parallel_loop3A_160, 0 {pack_format = #tpu.pack_format<interleaved>} : vector<32xbf16> -> vector<16xf32>
        %parallel_loop3A_162 = tpu.unpack_subelements %parallel_loop3A_160, 1 {pack_format = #tpu.pack_format<interleaved>} : vector<32xbf16> -> vector<16xf32>
        %parallel_loop3A_163 = arith.index_cast %parallel_loop3A_94 : i32 to index
        %parallel_loop3A_164 = arith.constant 96 : index
        %parallel_loop3A_165 = tpu.vector_load %arg12[%parallel_loop3A_163, %parallel_loop3A_164] {strides = array<i32>} : memref<80x128xi32, #tpu.memory_space<vmem>>, vector<16xi32>,
        %parallel_loop3A_166 = vector.bitcast %parallel_loop3A_165 : vector<16xi32> to vector<32xbf16>
        %parallel_loop3A_167 = tpu.unpack_subelements %parallel_loop3A_166, 0 {pack_format = #tpu.pack_format<interleaved>} : vector<32xbf16> -> vector<16xf32>
        %parallel_loop3A_168 = tpu.unpack_subelements %parallel_loop3A_166, 1 {pack_format = #tpu.pack_format<interleaved>} : vector<32xbf16> -> vector<16xf32>
        %parallel_loop3A_169 = arith.mulf %parallel_loop3A_161, %parallel_loop3A_155 : vector<16xf32>
        %parallel_loop3A_170 = arith.addf %parallel_loop3A_146, %parallel_loop3A_169 : vector<16xf32>
        %parallel_loop3A_171 = arith.mulf %parallel_loop3A_167, %parallel_loop3A_156 : vector<16xf32>
        %parallel_loop3A_172 = arith.addf %parallel_loop3A_170, %parallel_loop3A_171 : vector<16xf32>
        %parallel_loop3A_173 = arith.mulf %parallel_loop3A_162, %parallel_loop3A_155 : vector<16xf32>
        %parallel_loop3A_174 = arith.addf %parallel_loop3A_150, %parallel_loop3A_173 : vector<16xf32>
        %parallel_loop3A_175 = arith.mulf %parallel_loop3A_168, %parallel_loop3A_156 : vector<16xf32>
        %parallel_loop3A_176 = arith.addf %parallel_loop3A_174, %parallel_loop3A_175 : vector<16xf32>
        %parallel_loop3A_177 = arith.index_cast %parallel_loop3A_94 : i32 to index
        %parallel_loop3A_178 = arith.constant 48 : index
        %parallel_loop3A_179 = tpu.vector_load %arg13[%parallel_loop3A_177, %parallel_loop3A_178] {strides = array<i32>} : memref<80x64xi32, #tpu.memory_space<vmem>>, vector<16xi32>,
        %parallel_loop3A_180 = vector.bitcast %parallel_loop3A_179 : vector<16xi32> to vector<32xbf16>
        %parallel_loop3A_181 = tpu.unpack_subelements %parallel_loop3A_180, 0 {pack_format = #tpu.pack_format<interleaved>} : vector<32xbf16> -> vector<16xf32>
        %parallel_loop3A_182 = tpu.unpack_subelements %parallel_loop3A_180, 1 {pack_format = #tpu.pack_format<interleaved>} : vector<32xbf16> -> vector<16xf32>
        %parallel_loop3A_183 = arith.index_cast %parallel_loop3A_94 : i32 to index
        %parallel_loop3A_184 = arith.constant 48 : index
        %parallel_loop3A_185 = tpu.vector_load %arg12[%parallel_loop3A_183, %parallel_loop3A_184] {strides = array<i32>} : memref<80x128xi32, #tpu.memory_space<vmem>>, vector<16xi32>,
        %parallel_loop3A_186 = vector.bitcast %parallel_loop3A_185 : vector<16xi32> to vector<32xbf16>
        %parallel_loop3A_187 = tpu.unpack_subelements %parallel_loop3A_186, 0 {pack_format = #tpu.pack_format<interleaved>} : vector<32xbf16> -> vector<16xf32>
        %parallel_loop3A_188 = tpu.unpack_subelements %parallel_loop3A_186, 1 {pack_format = #tpu.pack_format<interleaved>} : vector<32xbf16> -> vector<16xf32>
        %parallel_loop3A_189 = arith.index_cast %parallel_loop3A_94 : i32 to index
        %parallel_loop3A_190 = arith.constant 112 : index
        %parallel_loop3A_191 = tpu.vector_load %arg12[%parallel_loop3A_189, %parallel_loop3A_190] {strides = array<i32>} : memref<80x128xi32, #tpu.memory_space<vmem>>, vector<16xi32>,
        %parallel_loop3A_192 = vector.bitcast %parallel_loop3A_191 : vector<16xi32> to vector<32xbf16>
        %parallel_loop3A_193 = tpu.unpack_subelements %parallel_loop3A_192, 0 {pack_format = #tpu.pack_format<interleaved>} : vector<32xbf16> -> vector<16xf32>
        %parallel_loop3A_194 = tpu.unpack_subelements %parallel_loop3A_192, 1 {pack_format = #tpu.pack_format<interleaved>} : vector<32xbf16> -> vector<16xf32>
        %parallel_loop3A_195 = arith.mulf %parallel_loop3A_187, %parallel_loop3A_181 : vector<16xf32>
        %parallel_loop3A_196 = arith.addf %parallel_loop3A_172, %parallel_loop3A_195 : vector<16xf32>
        %parallel_loop3A_197 = arith.mulf %parallel_loop3A_193, %parallel_loop3A_182 : vector<16xf32>
        %parallel_loop3A_198 = arith.addf %parallel_loop3A_196, %parallel_loop3A_197 : vector<16xf32>
        %parallel_loop3A_199 = arith.mulf %parallel_loop3A_188, %parallel_loop3A_181 : vector<16xf32>
        %parallel_loop3A_200 = arith.addf %parallel_loop3A_176, %parallel_loop3A_199 : vector<16xf32>
        %parallel_loop3A_201 = arith.mulf %parallel_loop3A_194, %parallel_loop3A_182 : vector<16xf32>
        %parallel_loop3A_202 = arith.addf %parallel_loop3A_200, %parallel_loop3A_201 : vector<16xf32>
        %parallel_loop3A_203 = arith.constant true
        %parallel_loop3A_204 = vector.broadcast %parallel_loop3A_203 : i1 to vector<16xi1>
        %parallel_loop3A_205 = tpu.scan <sum>, %parallel_loop3A_198 masked %parallel_loop3A_204 : vector<16xf32>, vector<16xi1> -> vector<16xf32>
        %parallel_loop3A_206 = arith.constant 0.000000e+00 : f32
        %parallel_loop3A_207 = vector.broadcast %parallel_loop3A_206 : f32 to vector<16xf32>
        %parallel_loop3A_208 = arith.maximumf %parallel_loop3A_205, %parallel_loop3A_207 : vector<16xf32>
        %parallel_loop3A_209 = arith.constant true
        %parallel_loop3A_210 = vector.broadcast %parallel_loop3A_209 : i1 to vector<16xi1>
        %parallel_loop3A_211 = tpu.scan <sum>, %parallel_loop3A_202 masked %parallel_loop3A_210 : vector<16xf32>, vector<16xi1> -> vector<16xf32>
        %parallel_loop3A_212 = arith.constant 0.000000e+00 : f32
        %parallel_loop3A_213 = vector.broadcast %parallel_loop3A_212 : f32 to vector<16xf32>
        %parallel_loop3A_214 = arith.maximumf %parallel_loop3A_211, %parallel_loop3A_213 : vector<16xf32>
        %parallel_loop3A_215 = arith.addi %multiple_of3A_90, %parallel_loop3A_94 : i32
        %parallel_loop3A_216 = vector.broadcast %parallel_loop3A_215 : i32 to vector<16xi32>
        tpu.vector_store_idx %arg14[%parallel_loop3A_216], %parallel_loop3A_208 masked %eq3A_4 : memref<10000xf32, #tpu.memory_space<vmem>>[vector<16xi32>], vector<16xf32>, vector<16xi1>
        tpu.vector_store_idx %arg15[%parallel_loop3A_216], %parallel_loop3A_214 masked %eq3A_4 : memref<10000xf32, #tpu.memory_space<vmem>>[vector<16xi32>], vector<16xf32>, vector<16xi1>
      } {sc.loop_unroll_factor = 8 : i64, sc.parallel_access}
    }
    %scan3A_17 = arith.constant 62 : i32
    %multiple_of3A_18 = arith.constant 9920 : i32
    %multiple_of3A_19 = tpu.assume_multiple %multiple_of3A_18, 80 : i32
    %dma_wait3A = tpu.memref_slice %arg8[%multiple_of3A_19] : memref<10000xi32, #tpu.memory_space<vmem>> -> memref<80xi32, #tpu.memory_space<vmem>>
    %dma_wait3A_20 = arith.constant 0 : i32
    %dma_wait3A_21 = arith.constant 0 : i32
    %dma_wait3A_22 = tpu.memref_slice %arg2[%dma_wait3A_20, %dma_wait3A_21] : memref<10000x128xi32, #tpu.memory_space<hbm>> -> memref<10000x128xi32, #tpu.memory_space<hbm>>
    tpu.wait_indirect_dma semaphore(%arg16 : memref<!tpu.dma_semaphore, #tpu.memory_space<semaphore_mem>>) src(%dma_wait3A_22 : memref<10000x128xi32, #tpu.memory_space<hbm>>) dst(%arg10 : memref<80x128xi32, #tpu.memory_space<vmem>>)
    %dma_wait3A_23 = tpu.memref_slice %arg9[%multiple_of3A_19] : memref<10000xi32, #tpu.memory_space<vmem>> -> memref<80xi32, #tpu.memory_space<vmem>>
    %dma_wait3A_24 = arith.constant 0 : i32
    %dma_wait3A_25 = arith.constant 0 : i32
    %dma_wait3A_26 = tpu.memref_slice %arg3[%dma_wait3A_24, %dma_wait3A_25] : memref<10000x64xi32, #tpu.memory_space<hbm>> -> memref<10000x64xi32, #tpu.memory_space<hbm>>
    tpu.wait_indirect_dma semaphore(%arg16 : memref<!tpu.dma_semaphore, #tpu.memory_space<semaphore_mem>>) src(%dma_wait3A_26 : memref<10000x64xi32, #tpu.memory_space<hbm>>) dst(%arg11 : memref<80x64xi32, #tpu.memory_space<vmem>>)
    %multiple_of3A_27 = arith.constant 9920 : i32
    %multiple_of3A_28 = tpu.assume_multiple %multiple_of3A_27, 80 : i32
    %parallel_loop3A = arith.constant 0 : i32
    %parallel_loop3A_29 = arith.constant 80 : i32
    %parallel_loop3A_30 = arith.constant 1 : i32
    scf.for %parallel_loop3A_31 = %parallel_loop3A to %parallel_loop3A_29 step %parallel_loop3A_30  : i32 {
      %parallel_loop3A_32 = arith.constant 0.000000e+00 : f32
      %parallel_loop3A_33 = vector.broadcast %parallel_loop3A_32 : f32 to vector<16xf32>
      %parallel_loop3A_34 = arith.constant 0.000000e+00 : f32
      %parallel_loop3A_35 = vector.broadcast %parallel_loop3A_34 : f32 to vector<16xf32>
      %parallel_loop3A_36 = arith.index_cast %parallel_loop3A_31 : i32 to index
      %parallel_loop3A_37 = arith.constant 0 : index
      %parallel_loop3A_38 = tpu.vector_load %arg11[%parallel_loop3A_36, %parallel_loop3A_37] {strides = array<i32>} : memref<80x64xi32, #tpu.memory_space<vmem>>, vector<16xi32>,
      %parallel_loop3A_39 = vector.bitcast %parallel_loop3A_38 : vector<16xi32> to vector<32xbf16>
      %parallel_loop3A_40 = tpu.unpack_subelements %parallel_loop3A_39, 0 {pack_format = #tpu.pack_format<interleaved>} : vector<32xbf16> -> vector<16xf32>
      %parallel_loop3A_41 = tpu.unpack_subelements %parallel_loop3A_39, 1 {pack_format = #tpu.pack_format<interleaved>} : vector<32xbf16> -> vector<16xf32>
      %parallel_loop3A_42 = arith.index_cast %parallel_loop3A_31 : i32 to index
      %parallel_loop3A_43 = arith.constant 0 : index
      %parallel_loop3A_44 = tpu.vector_load %arg10[%parallel_loop3A_42, %parallel_loop3A_43] {strides = array<i32>} : memref<80x128xi32, #tpu.memory_space<vmem>>, vector<16xi32>,
      %parallel_loop3A_45 = vector.bitcast %parallel_loop3A_44 : vector<16xi32> to vector<32xbf16>
      %parallel_loop3A_46 = tpu.unpack_subelements %parallel_loop3A_45, 0 {pack_format = #tpu.pack_format<interleaved>} : vector<32xbf16> -> vector<16xf32>
      %parallel_loop3A_47 = tpu.unpack_subelements %parallel_loop3A_45, 1 {pack_format = #tpu.pack_format<interleaved>} : vector<32xbf16> -> vector<16xf32>
      %parallel_loop3A_48 = arith.index_cast %parallel_loop3A_31 : i32 to index
      %parallel_loop3A_49 = arith.constant 64 : index
      %parallel_loop3A_50 = tpu.vector_load %arg10[%parallel_loop3A_48, %parallel_loop3A_49] {strides = array<i32>} : memref<80x128xi32, #tpu.memory_space<vmem>>, vector<16xi32>,
      %parallel_loop3A_51 = vector.bitcast %parallel_loop3A_50 : vector<16xi32> to vector<32xbf16>
      %parallel_loop3A_52 = tpu.unpack_subelements %parallel_loop3A_51, 0 {pack_format = #tpu.pack_format<interleaved>} : vector<32xbf16> -> vector<16xf32>
      %parallel_loop3A_53 = tpu.unpack_subelements %parallel_loop3A_51, 1 {pack_format = #tpu.pack_format<interleaved>} : vector<32xbf16> -> vector<16xf32>
      %parallel_loop3A_54 = arith.mulf %parallel_loop3A_46, %parallel_loop3A_40 : vector<16xf32>
      %parallel_loop3A_55 = arith.addf %parallel_loop3A_33, %parallel_loop3A_54 : vector<16xf32>
      %parallel_loop3A_56 = arith.mulf %parallel_loop3A_52, %parallel_loop3A_41 : vector<16xf32>
      %parallel_loop3A_57 = arith.addf %parallel_loop3A_55, %parallel_loop3A_56 : vector<16xf32>
      %parallel_loop3A_58 = arith.mulf %parallel_loop3A_47, %parallel_loop3A_40 : vector<16xf32>
      %parallel_loop3A_59 = arith.addf %parallel_loop3A_35, %parallel_loop3A_58 : vector<16xf32>
      %parallel_loop3A_60 = arith.mulf %parallel_loop3A_53, %parallel_loop3A_41 : vector<16xf32>
      %parallel_loop3A_61 = arith.addf %parallel_loop3A_59, %parallel_loop3A_60 : vector<16xf32>
      %parallel_loop3A_62 = arith.index_cast %parallel_loop3A_31 : i32 to index
      %parallel_loop3A_63 = arith.constant 16 : index
      %parallel_loop3A_64 = tpu.vector_load %arg11[%parallel_loop3A_62, %parallel_loop3A_63] {strides = array<i32>} : memref<80x64xi32, #tpu.memory_space<vmem>>, vector<16xi32>,
      %parallel_loop3A_65 = vector.bitcast %parallel_loop3A_64 : vector<16xi32> to vector<32xbf16>
      %parallel_loop3A_66 = tpu.unpack_subelements %parallel_loop3A_65, 0 {pack_format = #tpu.pack_format<interleaved>} : vector<32xbf16> -> vector<16xf32>
      %parallel_loop3A_67 = tpu.unpack_subelements %parallel_loop3A_65, 1 {pack_format = #tpu.pack_format<interleaved>} : vector<32xbf16> -> vector<16xf32>
      %parallel_loop3A_68 = arith.index_cast %parallel_loop3A_31 : i32 to index
      %parallel_loop3A_69 = arith.constant 16 : index
      %parallel_loop3A_70 = tpu.vector_load %arg10[%parallel_loop3A_68, %parallel_loop3A_69] {strides = array<i32>} : memref<80x128xi32, #tpu.memory_space<vmem>>, vector<16xi32>,
      %parallel_loop3A_71 = vector.bitcast %parallel_loop3A_70 : vector<16xi32> to vector<32xbf16>
      %parallel_loop3A_72 = tpu.unpack_subelements %parallel_loop3A_71, 0 {pack_format = #tpu.pack_format<interleaved>} : vector<32xbf16> -> vector<16xf32>
      %parallel_loop3A_73 = tpu.unpack_subelements %parallel_loop3A_71, 1 {pack_format = #tpu.pack_format<interleaved>} : vector<32xbf16> -> vector<16xf32>
      %parallel_loop3A_74 = arith.index_cast %parallel_loop3A_31 : i32 to index
      %parallel_loop3A_75 = arith.constant 80 : index
      %parallel_loop3A_76 = tpu.vector_load %arg10[%parallel_loop3A_74, %parallel_loop3A_75] {strides = array<i32>} : memref<80x128xi32, #tpu.memory_space<vmem>>, vector<16xi32>,
      %parallel_loop3A_77 = vector.bitcast %parallel_loop3A_76 : vector<16xi32> to vector<32xbf16>
      %parallel_loop3A_78 = tpu.unpack_subelements %parallel_loop3A_77, 0 {pack_format = #tpu.pack_format<interleaved>} : vector<32xbf16> -> vector<16xf32>
      %parallel_loop3A_79 = tpu.unpack_subelements %parallel_loop3A_77, 1 {pack_format = #tpu.pack_format<interleaved>} : vector<32xbf16> -> vector<16xf32>
      %parallel_loop3A_80 = arith.mulf %parallel_loop3A_72, %parallel_loop3A_66 : vector<16xf32>
      %parallel_loop3A_81 = arith.addf %parallel_loop3A_57, %parallel_loop3A_80 : vector<16xf32>
      %parallel_loop3A_82 = arith.mulf %parallel_loop3A_78, %parallel_loop3A_67 : vector<16xf32>
      %parallel_loop3A_83 = arith.addf %parallel_loop3A_81, %parallel_loop3A_82 : vector<16xf32>
      %parallel_loop3A_84 = arith.mulf %parallel_loop3A_73, %parallel_loop3A_66 : vector<16xf32>
      %parallel_loop3A_85 = arith.addf %parallel_loop3A_61, %parallel_loop3A_84 : vector<16xf32>
      %parallel_loop3A_86 = arith.mulf %parallel_loop3A_79, %parallel_loop3A_67 : vector<16xf32>
      %parallel_loop3A_87 = arith.addf %parallel_loop3A_85, %parallel_loop3A_86 : vector<16xf32>
      %parallel_loop3A_88 = arith.index_cast %parallel_loop3A_31 : i32 to index
      %parallel_loop3A_89 = arith.constant 32 : index
      %parallel_loop3A_90 = tpu.vector_load %arg11[%parallel_loop3A_88, %parallel_loop3A_89] {strides = array<i32>} : memref<80x64xi32, #tpu.memory_space<vmem>>, vector<16xi32>,
      %parallel_loop3A_91 = vector.bitcast %parallel_loop3A_90 : vector<16xi32> to vector<32xbf16>
      %parallel_loop3A_92 = tpu.unpack_subelements %parallel_loop3A_91, 0 {pack_format = #tpu.pack_format<interleaved>} : vector<32xbf16> -> vector<16xf32>
      %parallel_loop3A_93 = tpu.unpack_subelements %parallel_loop3A_91, 1 {pack_format = #tpu.pack_format<interleaved>} : vector<32xbf16> -> vector<16xf32>
      %parallel_loop3A_94 = arith.index_cast %parallel_loop3A_31 : i32 to index
      %parallel_loop3A_95 = arith.constant 32 : index
      %parallel_loop3A_96 = tpu.vector_load %arg10[%parallel_loop3A_94, %parallel_loop3A_95] {strides = array<i32>} : memref<80x128xi32, #tpu.memory_space<vmem>>, vector<16xi32>,
      %parallel_loop3A_97 = vector.bitcast %parallel_loop3A_96 : vector<16xi32> to vector<32xbf16>
      %parallel_loop3A_98 = tpu.unpack_subelements %parallel_loop3A_97, 0 {pack_format = #tpu.pack_format<interleaved>} : vector<32xbf16> -> vector<16xf32>
      %parallel_loop3A_99 = tpu.unpack_subelements %parallel_loop3A_97, 1 {pack_format = #tpu.pack_format<interleaved>} : vector<32xbf16> -> vector<16xf32>
      %parallel_loop3A_100 = arith.index_cast %parallel_loop3A_31 : i32 to index
      %parallel_loop3A_101 = arith.constant 96 : index
      %parallel_loop3A_102 = tpu.vector_load %arg10[%parallel_loop3A_100, %parallel_loop3A_101] {strides = array<i32>} : memref<80x128xi32, #tpu.memory_space<vmem>>, vector<16xi32>,
      %parallel_loop3A_103 = vector.bitcast %parallel_loop3A_102 : vector<16xi32> to vector<32xbf16>
      %parallel_loop3A_104 = tpu.unpack_subelements %parallel_loop3A_103, 0 {pack_format = #tpu.pack_format<interleaved>} : vector<32xbf16> -> vector<16xf32>
      %parallel_loop3A_105 = tpu.unpack_subelements %parallel_loop3A_103, 1 {pack_format = #tpu.pack_format<interleaved>} : vector<32xbf16> -> vector<16xf32>
      %parallel_loop3A_106 = arith.mulf %parallel_loop3A_98, %parallel_loop3A_92 : vector<16xf32>
      %parallel_loop3A_107 = arith.addf %parallel_loop3A_83, %parallel_loop3A_106 : vector<16xf32>
      %parallel_loop3A_108 = arith.mulf %parallel_loop3A_104, %parallel_loop3A_93 : vector<16xf32>
      %parallel_loop3A_109 = arith.addf %parallel_loop3A_107, %parallel_loop3A_108 : vector<16xf32>
      %parallel_loop3A_110 = arith.mulf %parallel_loop3A_99, %parallel_loop3A_92 : vector<16xf32>
      %parallel_loop3A_111 = arith.addf %parallel_loop3A_87, %parallel_loop3A_110 : vector<16xf32>
      %parallel_loop3A_112 = arith.mulf %parallel_loop3A_105, %parallel_loop3A_93 : vector<16xf32>
      %parallel_loop3A_113 = arith.addf %parallel_loop3A_111, %parallel_loop3A_112 : vector<16xf32>
      %parallel_loop3A_114 = arith.index_cast %parallel_loop3A_31 : i32 to index
      %parallel_loop3A_115 = arith.constant 48 : index
      %parallel_loop3A_116 = tpu.vector_load %arg11[%parallel_loop3A_114, %parallel_loop3A_115] {strides = array<i32>} : memref<80x64xi32, #tpu.memory_space<vmem>>, vector<16xi32>,
      %parallel_loop3A_117 = vector.bitcast %parallel_loop3A_116 : vector<16xi32> to vector<32xbf16>
      %parallel_loop3A_118 = tpu.unpack_subelements %parallel_loop3A_117, 0 {pack_format = #tpu.pack_format<interleaved>} : vector<32xbf16> -> vector<16xf32>
      %parallel_loop3A_119 = tpu.unpack_subelements %parallel_loop3A_117, 1 {pack_format = #tpu.pack_format<interleaved>} : vector<32xbf16> -> vector<16xf32>
      %parallel_loop3A_120 = arith.index_cast %parallel_loop3A_31 : i32 to index
      %parallel_loop3A_121 = arith.constant 48 : index
      %parallel_loop3A_122 = tpu.vector_load %arg10[%parallel_loop3A_120, %parallel_loop3A_121] {strides = array<i32>} : memref<80x128xi32, #tpu.memory_space<vmem>>, vector<16xi32>,
      %parallel_loop3A_123 = vector.bitcast %parallel_loop3A_122 : vector<16xi32> to vector<32xbf16>
      %parallel_loop3A_124 = tpu.unpack_subelements %parallel_loop3A_123, 0 {pack_format = #tpu.pack_format<interleaved>} : vector<32xbf16> -> vector<16xf32>
      %parallel_loop3A_125 = tpu.unpack_subelements %parallel_loop3A_123, 1 {pack_format = #tpu.pack_format<interleaved>} : vector<32xbf16> -> vector<16xf32>
      %parallel_loop3A_126 = arith.index_cast %parallel_loop3A_31 : i32 to index
      %parallel_loop3A_127 = arith.constant 112 : index
      %parallel_loop3A_128 = tpu.vector_load %arg10[%parallel_loop3A_126, %parallel_loop3A_127] {strides = array<i32>} : memref<80x128xi32, #tpu.memory_space<vmem>>, vector<16xi32>,
      %parallel_loop3A_129 = vector.bitcast %parallel_loop3A_128 : vector<16xi32> to vector<32xbf16>
      %parallel_loop3A_130 = tpu.unpack_subelements %parallel_loop3A_129, 0 {pack_format = #tpu.pack_format<interleaved>} : vector<32xbf16> -> vector<16xf32>
      %parallel_loop3A_131 = tpu.unpack_subelements %parallel_loop3A_129, 1 {pack_format = #tpu.pack_format<interleaved>} : vector<32xbf16> -> vector<16xf32>
      %parallel_loop3A_132 = arith.mulf %parallel_loop3A_124, %parallel_loop3A_118 : vector<16xf32>
      %parallel_loop3A_133 = arith.addf %parallel_loop3A_109, %parallel_loop3A_132 : vector<16xf32>
      %parallel_loop3A_134 = arith.mulf %parallel_loop3A_130, %parallel_loop3A_119 : vector<16xf32>
      %parallel_loop3A_135 = arith.addf %parallel_loop3A_133, %parallel_loop3A_134 : vector<16xf32>
      %parallel_loop3A_136 = arith.mulf %parallel_loop3A_125, %parallel_loop3A_118 : vector<16xf32>
      %parallel_loop3A_137 = arith.addf %parallel_loop3A_113, %parallel_loop3A_136 : vector<16xf32>
      %parallel_loop3A_138 = arith.mulf %parallel_loop3A_131, %parallel_loop3A_119 : vector<16xf32>
      %parallel_loop3A_139 = arith.addf %parallel_loop3A_137, %parallel_loop3A_138 : vector<16xf32>
      %parallel_loop3A_140 = arith.constant true
      %parallel_loop3A_141 = vector.broadcast %parallel_loop3A_140 : i1 to vector<16xi1>
      %parallel_loop3A_142 = tpu.scan <sum>, %parallel_loop3A_135 masked %parallel_loop3A_141 : vector<16xf32>, vector<16xi1> -> vector<16xf32>
      %parallel_loop3A_143 = arith.constant 0.000000e+00 : f32
      %parallel_loop3A_144 = vector.broadcast %parallel_loop3A_143 : f32 to vector<16xf32>
      %parallel_loop3A_145 = arith.maximumf %parallel_loop3A_142, %parallel_loop3A_144 : vector<16xf32>
      %parallel_loop3A_146 = arith.constant true
      %parallel_loop3A_147 = vector.broadcast %parallel_loop3A_146 : i1 to vector<16xi1>
      %parallel_loop3A_148 = tpu.scan <sum>, %parallel_loop3A_139 masked %parallel_loop3A_147 : vector<16xf32>, vector<16xi1> -> vector<16xf32>
      %parallel_loop3A_149 = arith.constant 0.000000e+00 : f32
      %parallel_loop3A_150 = vector.broadcast %parallel_loop3A_149 : f32 to vector<16xf32>
      %parallel_loop3A_151 = arith.maximumf %parallel_loop3A_148, %parallel_loop3A_150 : vector<16xf32>
      %parallel_loop3A_152 = arith.addi %multiple_of3A_28, %parallel_loop3A_31 : i32
      %parallel_loop3A_153 = vector.broadcast %parallel_loop3A_152 : i32 to vector<16xi32>
      tpu.vector_store_idx %arg14[%parallel_loop3A_153], %parallel_loop3A_145 masked %eq3A_4 : memref<10000xf32, #tpu.memory_space<vmem>>[vector<16xi32>], vector<16xf32>, vector<16xi1>
      tpu.vector_store_idx %arg15[%parallel_loop3A_153], %parallel_loop3A_151 masked %eq3A_4 : memref<10000xf32, #tpu.memory_space<vmem>>[vector<16xi32>], vector<16xf32>, vector<16xi1>
    } {sc.loop_unroll_factor = 8 : i64, sc.parallel_access}
    "tpu.region"() ({
      %run_scoped3A = tpu.sem_alloc : memref<!tpu.dma_semaphore, #tpu.memory_space<semaphore_mem>>
      %dma_start3A_31 = tpu.memref_slice %arg6[%mul3A_2] : memref<320000xf32, #tpu.memory_space<hbm>> -> memref<10000xf32, #tpu.memory_space<hbm>>
      %dma_start3A_32 = tpu.memref_slice %arg6[%mul3A_2] : memref<320000xf32, #tpu.memory_space<hbm>> -> memref<10000xf32, #tpu.memory_space<hbm>>
      tpu.enqueue_dma source(%arg14 : memref<10000xf32, #tpu.memory_space<vmem>>) target(%dma_start3A_32 : memref<10000xf32, #tpu.memory_space<hbm>>) target_semaphore(%run_scoped3A : memref<!tpu.dma_semaphore, #tpu.memory_space<semaphore_mem>>)
      %dma_wait3A_33 = tpu.memref_slice %arg6[%mul3A_2] : memref<320000xf32, #tpu.memory_space<hbm>> -> memref<10000xf32, #tpu.memory_space<hbm>>
      %dma_wait3A_34 = tpu.memref_slice %arg6[%mul3A_2] : memref<320000xf32, #tpu.memory_space<hbm>> -> memref<10000xf32, #tpu.memory_space<hbm>>
      tpu.wait_dma2 semaphore(%run_scoped3A : memref<!tpu.dma_semaphore, #tpu.memory_space<semaphore_mem>>) src(%arg14 : memref<10000xf32, #tpu.memory_space<vmem>>) dst(%dma_wait3A_34 : memref<10000xf32, #tpu.memory_space<hbm>>)
      tpu.yield
    }) : () -> ()
    "tpu.region"() ({
      %run_scoped3A = tpu.sem_alloc : memref<!tpu.dma_semaphore, #tpu.memory_space<semaphore_mem>>
      %dma_start3A_31 = tpu.memref_slice %arg7[%mul3A_2] : memref<320000xf32, #tpu.memory_space<hbm>> -> memref<10000xf32, #tpu.memory_space<hbm>>
      %dma_start3A_32 = tpu.memref_slice %arg7[%mul3A_2] : memref<320000xf32, #tpu.memory_space<hbm>> -> memref<10000xf32, #tpu.memory_space<hbm>>
      tpu.enqueue_dma source(%arg15 : memref<10000xf32, #tpu.memory_space<vmem>>) target(%dma_start3A_32 : memref<10000xf32, #tpu.memory_space<hbm>>) target_semaphore(%run_scoped3A : memref<!tpu.dma_semaphore, #tpu.memory_space<semaphore_mem>>)
      %dma_wait3A_33 = tpu.memref_slice %arg7[%mul3A_2] : memref<320000xf32, #tpu.memory_space<hbm>> -> memref<10000xf32, #tpu.memory_space<hbm>>
      %dma_wait3A_34 = tpu.memref_slice %arg7[%mul3A_2] : memref<320000xf32, #tpu.memory_space<hbm>> -> memref<10000xf32, #tpu.memory_space<hbm>>
      tpu.wait_dma2 semaphore(%run_scoped3A : memref<!tpu.dma_semaphore, #tpu.memory_space<semaphore_mem>>) src(%arg15 : memref<10000xf32, #tpu.memory_space<vmem>>) dst(%dma_wait3A_34 : memref<10000xf32, #tpu.memory_space<hbm>>)
      tpu.yield
    }) : () -> ()
    return
  }
}

module attributes {stable_mosaic.version = 14 : i64} {
  func.func @_tc_transform_body(%arg0: memref<10000x128xf32, #tpu.memory_space<vmem>>, %arg1: memref<10000x128xf32, #tpu.memory_space<vmem>>, %arg2: memref<2x128x128xf32, #tpu.memory_space<vmem>>, %arg3: memref<2x2xf32, #tpu.memory_space<smem>>, %arg4: memref<10000x128xi32, #tpu.memory_space<vmem>>, %arg5: memref<10000x64xi32, #tpu.memory_space<vmem>>) attributes {dimension_semantics = [], scalar_prefetch = 0 : i64, scratch_operands = 0 : i64, tpu.core_type = #tpu.core_type<tc>} {
    %get3A = arith.constant 0 : index
    %get3A_0 = arith.constant 0 : index
    %get3A_1 = arith.constant 0 : index
    %get3A_2 = vector.load %arg2[%get3A, %get3A_0, %get3A_1] : memref<2x128x128xf32, #tpu.memory_space<vmem>>, vector<1x128x128xf32>
    %get3A_3 = vector.shape_cast %get3A_2 : vector<1x128x128xf32> to vector<128x128xf32>
    %get3A_4 = arith.constant 1 : index
    %get3A_5 = arith.constant 0 : index
    %get3A_6 = arith.constant 0 : index
    %get3A_7 = vector.load %arg2[%get3A_4, %get3A_5, %get3A_6] : memref<2x128x128xf32, #tpu.memory_space<vmem>>, vector<1x128x128xf32>
    %get3A_8 = vector.shape_cast %get3A_7 : vector<1x128x128xf32> to vector<128x128xf32>
    %get3A_9 = arith.constant 0 : index
    %get3A_10 = arith.constant 0 : index
    %get3A_11 = memref.load %arg3[%get3A_9, %get3A_10] : memref<2x2xf32, #tpu.memory_space<smem>>
    %mul3A = vector.broadcast %get3A_11 : f32 to vector<128x128xf32>
    %mul3A_12 = arith.mulf %get3A_3, %mul3A : vector<128x128xf32>
    %get3A_13 = arith.constant 1 : index
    %get3A_14 = arith.constant 0 : index
    %get3A_15 = memref.load %arg3[%get3A_13, %get3A_14] : memref<2x2xf32, #tpu.memory_space<smem>>
    %mul3A_16 = vector.broadcast %get3A_15 : f32 to vector<128x128xf32>
    %mul3A_17 = arith.mulf %get3A_8, %mul3A_16 : vector<128x128xf32>
    %add3A = arith.addf %mul3A_12, %mul3A_17 : vector<128x128xf32>
    %get3A_18 = arith.constant 0 : index
    %get3A_19 = arith.constant 1 : index
    %get3A_20 = memref.load %arg3[%get3A_18, %get3A_19] : memref<2x2xf32, #tpu.memory_space<smem>>
    %mul3A_21 = vector.broadcast %get3A_20 : f32 to vector<128x128xf32>
    %mul3A_22 = arith.mulf %get3A_3, %mul3A_21 : vector<128x128xf32>
    %get3A_23 = arith.constant 1 : index
    %get3A_24 = arith.constant 1 : index
    %get3A_25 = memref.load %arg3[%get3A_23, %get3A_24] : memref<2x2xf32, #tpu.memory_space<smem>>
    %mul3A_26 = vector.broadcast %get3A_25 : f32 to vector<128x128xf32>
    %mul3A_27 = arith.mulf %get3A_8, %mul3A_26 : vector<128x128xf32>
    %add3A_28 = arith.addf %mul3A_22, %mul3A_27 : vector<128x128xf32>
    %get3A_29 = arith.constant 0 : index
    %get3A_30 = arith.constant 0 : index
    %get3A_31 = vector.load %arg0[%get3A_29, %get3A_30] : memref<10000x128xf32, #tpu.memory_space<vmem>>, vector<10000x128xf32>
    %dot_general3A = arith.constant dense<0.000000e+00> : vector<10000x128xf32>
    %dot_general3A_32 = tpu.matmul %get3A_31, %add3A, %dot_general3A {dimension_numbers = #tpu.dot_dimension_numbers<[1], [0], [0], [1], [0, 0, 1, 1], [], []>, transpose_lhs_hint = false} : vector<10000x128xf32>, vector<128x128xf32>, vector<10000x128xf32> -> vector<10000x128xf32>
    %convert_element_type3A = arith.truncf %dot_general3A_32 : vector<10000x128xf32> to vector<10000x128xbf16>
    %dot_general3A_33 = arith.constant dense<0.000000e+00> : vector<10000x128xf32>
    %dot_general3A_34 = tpu.matmul %get3A_31, %add3A_28, %dot_general3A_33 {dimension_numbers = #tpu.dot_dimension_numbers<[1], [0], [0], [1], [0, 0, 1, 1], [], []>, transpose_lhs_hint = false} : vector<10000x128xf32>, vector<128x128xf32>, vector<10000x128xf32> -> vector<10000x128xf32>
    %convert_element_type3A_35 = arith.truncf %dot_general3A_34 : vector<10000x128xf32> to vector<10000x128xbf16>
    %bitcast_convert_type3A = tpu.bitcast %convert_element_type3A : vector<10000x128xbf16> -> vector<10000x128xi16>
    %convert_element_type3A_36 = arith.extui %bitcast_convert_type3A : vector<10000x128xi16> to vector<10000x128xi32>
    %bitcast_convert_type3A_37 = tpu.bitcast %convert_element_type3A_35 : vector<10000x128xbf16> -> vector<10000x128xi16>
    %convert_element_type3A_38 = arith.extui %bitcast_convert_type3A_37 : vector<10000x128xi16> to vector<10000x128xi32>
    %shift_left3A = arith.constant 16 : i32
    %shift_left3A_39 = vector.broadcast %shift_left3A : i32 to vector<10000x128xi32>
    %shift_left3A_40 = arith.shli %convert_element_type3A_38, %shift_left3A_39 : vector<10000x128xi32>
    %or3A = arith.ori %shift_left3A_40, %convert_element_type3A_36 : vector<10000x128xi32>
    %bitcast_convert_type3A_41 = tpu.bitcast %or3A : vector<10000x128xi32> -> vector<10000x128xi32>
    %swap3A = arith.constant 0 : index
    %swap3A_42 = arith.constant 0 : index
    %swap3A_43 = vector.load %arg4[%swap3A, %swap3A_42] : memref<10000x128xi32, #tpu.memory_space<vmem>>, vector<10000x128xi32>
    tpu.vector_store %arg4[%swap3A, %swap3A_42], %bitcast_convert_type3A_41 {strides = array<i32>} : memref<10000x128xi32, #tpu.memory_space<vmem>>, vector<10000x128xi32>,
    %get3A_44 = arith.constant 0 : index
    %get3A_45 = arith.constant 0 : index
    %get3A_46 = vector.load %arg1[%get3A_44, %get3A_45] : memref<10000x128xf32, #tpu.memory_space<vmem>>, vector<10000x128xf32>
    %convert_element_type3A_47 = arith.truncf %get3A_46 : vector<10000x128xf32> to vector<10000x128xbf16>
    %slice3A = vector.extract_strided_slice %convert_element_type3A_47 {offsets = [0, 0], sizes = [10000, 64], strides = [1, 1]} : vector<10000x128xbf16> to vector<10000x64xbf16>
    %slice3A_48 = vector.extract_strided_slice %convert_element_type3A_47 {offsets = [0, 64], sizes = [10000, 64], strides = [1, 1]} : vector<10000x128xbf16> to vector<10000x64xbf16>
    %bitcast_convert_type3A_49 = tpu.bitcast %slice3A : vector<10000x64xbf16> -> vector<10000x64xi16>
    %convert_element_type3A_50 = arith.extui %bitcast_convert_type3A_49 : vector<10000x64xi16> to vector<10000x64xi32>
    %bitcast_convert_type3A_51 = tpu.bitcast %slice3A_48 : vector<10000x64xbf16> -> vector<10000x64xi16>
    %convert_element_type3A_52 = arith.extui %bitcast_convert_type3A_51 : vector<10000x64xi16> to vector<10000x64xi32>
    %shift_left3A_53 = arith.constant 16 : i32
    %shift_left3A_54 = vector.broadcast %shift_left3A_53 : i32 to vector<10000x64xi32>
    %shift_left3A_55 = arith.shli %convert_element_type3A_52, %shift_left3A_54 : vector<10000x64xi32>
    %or3A_56 = arith.ori %shift_left3A_55, %convert_element_type3A_50 : vector<10000x64xi32>
    %bitcast_convert_type3A_57 = tpu.bitcast %or3A_56 : vector<10000x64xi32> -> vector<10000x64xi32>
    %swap3A_58 = arith.constant 0 : index
    %swap3A_59 = arith.constant 0 : index
    %swap3A_60 = vector.load %arg5[%swap3A_58, %swap3A_59] : memref<10000x64xi32, #tpu.memory_space<vmem>>, vector<10000x64xi32>
    tpu.vector_store %arg5[%swap3A_58, %swap3A_59], %bitcast_convert_type3A_57 {strides = array<i32>} : memref<10000x64xi32, #tpu.memory_space<vmem>>, vector<10000x64xi32>,
    return
  }
}

</mosaic_0001>

<sc_bundles>
// kernel: kernel.4.cloned.1.call-start
scs
__scs_entry_jumppad:
0x0: {  	(pc) =	sbr.rel $0x88, $3  }
0x1: {  	(tag) =	ssettag $0x0;
	lr =	simm.s32 $0x1  }
0x2: {  	[smem:$0x3F9B] =	sst lr;
	_ =	strace $0xD0000000  }
0x3: {  	_ = 	snop  }
0x4: {  	_ = 	snop  }
0x5: {  	_ = 	snop  }
0x6: {  	_ = 	snop  }
0x7: {  	_ = 	snop  }
__scs_overlays_trampoline_lowered:
0x8: {  	[smem:$0x3FAA] =	sst s0  }
0x9: {  	[smem:$0x3FAB] =	sst s1  }
0xa: {  	[smem:$0x3FAC] =	sst s2  }
0xb: {  	[smem:$0x3FAD] =	sst s3  }
0xc: {  	[smem:$0x3FAE] =	sst s4  }
0xd: {  	[smem:$0x3FAF] =	sst s5  }
0xe: {  	[smem:$0x3FB0] =	sst s6  }
0xf: {  	[smem:$0x3FB1] =	sst s7  }
0x10: {  	[smem:$0x3FB2] =	sst s8  }
0x11: {  	[smem:$0x3FB3] =	sst s9;
	s0 =	simm.s32 @!p0 $0x0  }
0x12: {  	s1 =	sld [smem:$0x3F99];
	s0 =	simm.s32 @p0 $0x1  }
0x13: {  	[smem:$0x3FB4] =	sst s0;
	s0 =	simm.s32 @!p1 $0x0  }
0x14: {  	s2 =	sld [smem:$0x3F98];
	s0 =	simm.s32 @p1 $0x1  }
0x15: {  	[smem:$0x3FB5] =	sst s0;
	s0 =	simm.s32 @!p2 $0x0  }
0x16: {  	s3 =	sld [smem:$0x3FDB];
	s0 =	simm.s32 @p2 $0x1  }
0x17: {  	s4 =	simm.s32 $0x1BF5;
	[smem:$0x3FB7] =	sst s0  }
0x18: {  	s0 =	sld [smem:$0x3F9A];
	_ =	swait.ge [sflag:s4], $0x0  }
0x19: {  	s7 =	sld [smem:$0x3F9B]  }
0x1a: {  	s8 =	sadd.s32 $0xFFFFE003, lr  }
0x1b: {  	s9 =	sadd.s32 $0xFFFFFEF7, lr;
	s5 =	simm.s32 $0xFFFFFFFF;
	p2 =	slt.u32 s8, $0xFFFFF086  }
0x1c: {  	p1 =	slt.u32 s9, $0xF7A;
	s5 =	simm.s32 @!p2 $0x0  }
0x1d: {  	s5 =	simm.s32 @p1 $0x1;
	p0 =	seq.s32 s7, s2  }
0x1e: {  	s7 =	smul.u32 @!p0 $0xF7A, s2;
	p2 =	seq.s32 @!p0 s5, $0x0  }
0x1f: {  	s9 =	smul.u32 $0xF7A, s1;
	s8 =	simm.s32 @!p0 $0x1BF5;
	p2 =	por !p2, p0  }
0x20: {  	[sflag:s8] =	ssyncset.s32 @!p0 $0xFFFFF086;
	s6 =	sadd.s32 @!p0 s3, s7;
	s7 =	simm.s32 @!p0 $0x108  }
0x21: {  	s3 =	sadd.s32 s3, s9;
	s6 =	sadd.s32 @!p0 $0x88, s6;
	s7 =	simm.s32 @p2 $0x1082  }
0x22: {  	[simem:s7], [sflag:s8] =	dma.local @!p0 [hbm:s6], $0xF7A  }
0x23: {  	s9 =	sor.u32 $0xD0000000, s2;
	s6 =	simm.s32 $0x108;
	_ =	swait.ge @!p0 [sflag:s8], $0x0  }
0x24: {  	s3 =	sadd.s32 $0x88, s3;
	s6 =	simm.s32 @!p1 $0x1082;
	[sflag:s4] =	ssyncset.s32 $0xFFFFF086  }
0x25: {  	[simem:s6], [sflag:s4] =	dma.local [hbm:s3], $0xF7A  }
0x26: {  	[smem:$0x3F9B] =	sst s1;
	(tag) =	ssettag s2;
	_ =	strace s9  }
0x27: {  	s1 =	sld [smem:$0x3FAB]  }
0x28: {  	s2 =	sld [smem:$0x3FAC]  }
0x29: {  	s4 =	sld [smem:$0x3FAE]  }
0x2a: {  	p0 =	seq.s32 s5, $0x0;
	s5 =	sld [smem:$0x3FAF]  }
0x2b: {  	s6 =	sld [smem:$0x3FB0]  }
0x2c: {  	s7 =	sld [smem:$0x3FB1]  }
0x2d: {  	s3 =	simm.s32 $0x108;
	s8 =	sld [smem:$0x3FB2]  }
0x2e: {  	s3 =	simm.s32 @!p0 $0x1082;
	s9 =	sld [smem:$0x3FB3]  }
0x2f: {  	lr =	sadd.s32 s0, s3;
	s0 =	sld [smem:$0x3FAA]  }
0x30: {  	s3 =	sld [smem:$0x3FAD]  }
0x31: {  	[smem:$0x3FB6] =	sst s10  }
0x32: {  	s10 =	sld [smem:$0x3FB4];
	_ =	sdelay $0x3  }
0x33: {  	p0 =	seq.s32 s10, $0x1;
	s10 =	sld [smem:$0x3FB6];
	_ =	sdelay $0x3  }
0x34: {  	[smem:$0x3FB6] =	sst s10  }
0x35: {  	s10 =	sld [smem:$0x3FB5];
	_ =	sdelay $0x3  }
0x36: {  	p1 =	seq.s32 s10, $0x1;
	s10 =	sld [smem:$0x3FB6];
	_ =	sdelay $0x3  }
0x37: {  	[smem:$0x3FB6] =	sst s10  }
0x38: {  	s10 =	sld [smem:$0x3FB7]  }
0x39: {  	_ = 	snop;
	(pc) =	sbr.ind lr, $3  }
0x3a: {  	_ = 	snop  }
0x3b: {  	_ = 	snop  }
0x3c: {  	p2 =	seq.s32 s10, $0x1;
	s10 =	sld [smem:$0x3FB6]  }
0x3d: {  	_ =	shalt  }
0x3e: {  	_ =	shalt  }
0x3f: {  	_ =	shalt  }
0x40: {  	_ =	shalt  }
0x41: {  	_ =	shalt  }
0x42: {  	_ =	shalt  }
0x43: {  	_ =	shalt  }
0x44: {  	_ =	shalt  }
0x45: {  	_ =	shalt  }
0x46: {  	_ =	shalt  }
0x47: {  	_ =	shalt  }
0x48: {  	_ =	shalt  }
0x49: {  	_ =	shalt  }
0x4a: {  	_ =	shalt  }
0x4b: {  	_ =	shalt  }
0x4c: {  	_ =	shalt  }
0x4d: {  	_ =	shalt  }
0x4e: {  	_ =	shalt  }
0x4f: {  	_ =	shalt  }
0x50: {  	_ =	shalt  }
0x51: {  	_ =	shalt  }
0x52: {  	_ =	shalt  }
0x53: {  	_ =	shalt  }
0x54: {  	_ =	shalt  }
0x55: {  	_ =	shalt  }
0x56: {  	_ =	shalt  }
0x57: {  	_ =	shalt  }
0x58: {  	_ =	shalt  }
0x59: {  	_ =	shalt  }
0x5a: {  	_ =	shalt  }
0x5b: {  	_ =	shalt  }
0x5c: {  	_ =	shalt  }
0x5d: {  	_ =	shalt  }
0x5e: {  	_ =	shalt  }
0x5f: {  	_ =	shalt  }
0x60: {  	_ =	shalt  }
0x61: {  	_ =	shalt  }
0x62: {  	_ =	shalt  }
0x63: {  	_ =	shalt  }
0x64: {  	_ =	shalt  }
0x65: {  	_ =	shalt  }
0x66: {  	_ =	shalt  }
0x67: {  	_ =	shalt  }
0x68: {  	_ =	shalt  }
0x69: {  	_ =	shalt  }
0x6a: {  	_ =	shalt  }
0x6b: {  	_ =	shalt  }
0x6c: {  	_ =	shalt  }
0x6d: {  	_ =	shalt  }
0x6e: {  	_ =	shalt  }
0x6f: {  	_ =	shalt  }
0x70: {  	_ =	shalt  }
0x71: {  	_ =	shalt  }
0x72: {  	_ =	shalt  }
0x73: {  	_ =	shalt  }
0x74: {  	_ =	shalt  }
0x75: {  	_ =	shalt  }
0x76: {  	_ =	shalt  }
0x77: {  	_ =	shalt  }
0x78: {  	_ =	shalt  }
0x79: {  	_ =	shalt  }
0x7a: {  	_ =	shalt  }
0x7b: {  	_ =	shalt  }
0x7c: {  	_ =	shalt  }
0x7d: {  	_ =	shalt  }
0x7e: {  	_ =	shalt  }
0x7f: {  	_ =	shalt  }
0x80: {  	_ =	shalt  }
0x81: {  	_ =	shalt  }
0x82: {  	_ =	shalt  }
0x83: {  	_ =	shalt  }
0x84: {  	_ =	shalt  }
0x85: {  	_ =	shalt  }
0x86: {  	_ =	shalt  }
0x87: {  	_ =	shalt  }
.Lfunc_end0:
.L_simem_size_0:
called_computation_lowered:
.L_overlay_start_0:
0x88: {  	s2 =	sld [smem:$0x3FD9]  }
0x89: {  	s3 =	sld [smem:$0x3FFE];
	_ =	sdelay $0x1  }
0x8a: {  	s1 =	srdreg.scid  }
0x8b: {  	s0 =	sand.u32 $0x1, s1  }
0x8c: {  	s17 =	sshll.u32 s0, $0xA;
	s2 =	sadd.s32 s3, s2  }
0x8d: {  	s2 =	sadd.s32 s2, s17  }
0x8e: {  	[smem:$0x3FC2] =	sst s2  }
0x8f: {  	_ = 	snop  }
0x90: {  	s2 =	sld [smem:$0x3FC5]  }
0x91: {  	s18 =	sld [smem:$0x3FC4]  }
0x92: {  	s4 =	sld [smem:$0x3FD0];
	(tm) =	ssettm $0x1  }
0x93: {  	s5 =	sld [smem:$0x3FFB];
	_ =	sdelay $0x3  }
0x94: {  	_ =	strace s5  }
0x95: {  	s5 =	sld [smem:$0x3FFC];
	_ =	sdelay $0x3  }
0x96: {  	_ =	strace s5  }
0x97: {  	s5 =	sld [smem:$0x3FFD];
	_ =	sdelay $0x3  }
0x98: {  	_ =	strace s5  }
0x99: {  	_ =	strace $0x8FFFFFFF  }
0x9a: {  	s19 =	sld [smem:$0x3FDB];
	_ =	sdelay $0x1  }
0x9b: {  	s6 =	simm.s32 $_scs_section_size  }
0x9c: {  	s7 =	simm.s32 $_size__tile_overlayer_lowered;
	s8 =	simm.s32 $_tile_overlayer_lowered  }
0x9d: {  	s22 =	simm.s32 $0x1BFF;
	s21 =	sshll.u32 s8, $0x1;
	s5 =	sadd.s32 s6, s19  }
0x9e: {  	s9 =	simm.s32 $0x0;
	s20 =	sshll.u32 s7, $0x1;
	s7 =	sadd.s32 s21, s5  }
0x9f: {  	[timem:s9], [sflag:s22] =	dma.local [hbm:s7], s20  }
0xa0: {  	_ =	swait.ge [sflag:s22], s20  }
0xa1: {  	s6 =	ssub.s32 $0x0, s20;
	[sflag:s22] =	ssyncset.done $0x0  }
0xa2: {  	[sflag:s22] =	ssyncadd.s32 s6;
	_ =	sdelay $0x1  }
0xa3: {  	s23 =	simm.s32 $0x1B8B  }
0xa4: {  	_ =	swait.ge [sflag:s23], $0x1  }
0xa5: {  	[sflag:s23] =	ssyncset.done $0x0  }
0xa6: {  	s25 =	simm.s32 $0x1B8E;
	s24 =	sld [smem:$0x3FFE];
	[sflag:s23] =	ssyncadd.s32 $0xFFFFFFFF  }
0xa7: {  	s26 =	simm.s32 $execute0_lowered;
	[smem:$0x3FD2] =	sst s25  }
0xa8: {  	s7 =	sshll.u32 s26, $0x1;
	_ =	strace $0x80000046;
	[dreg:$0x1] =	wrdreg $0xFFFFFFFF  }
0xa9: {  	s28 =	simm.s32 $_size_execute0_lowered;
	s5 =	sadd.s32 s5, s7;
	[dreg:$0x0] =	wrdreg $0x0  }
0xaa: {  	s7 =	sshll.u32 s28, $0x1;
	[dreg:$0x2] =	wrdreg s5  }
0xab: {  	[dreg:$0x3] =	wrdreg s7  }
0xac: {  	[dreg:$0x4] =	wrdreg $0xC0  }
0xad: {  	_ =	task [dreg:s9], $0x5FFFF  }
0xae: {  	[dreg:$0x1] =	wrdreg $0xFFFFFFFF  }
0xaf: {  	[dreg:$0x0] =	wrdreg $0x60  }
0xb0: {  	[dreg:$0x2] =	wrdreg s24  }
0xb1: {  	[dreg:$0x3] =	wrdreg s4  }
0xb2: {  	[dreg:$0x4] =	wrdreg s2  }
0xb3: {  	[dreg:$0x5] =	wrdreg s18  }
0xb4: {  	[dreg:$0x6] =	wrdreg $0x9  }
0xb5: {  	_ =	task.clear_ibuf [dreg:s9], $0x7FFFF;
	_ =	strace $0x90000046  }
0xb6: {  	s29 =	simm.s32 $0x9;
	_ =	strace $0x80000048  }
0xb7: {  	_ =	swait.ge [sflag:s29], $0x1  }
0xb8: {  	[sflag:s29] =	ssyncadd.s32 $0xFFFFFFFF  }
0xb9: {  	_ =	strace $0x90000048  }
0xba: {  	_ =	sfence  }
0xbb: {  	s30 =	sld [smem:$0x0];
	_ =	sdelay $0x2  }
0xbc: {  	s31 =	sshll.u32 s1, $0xD;
	s1 =	sshrl.u32 s1, $0x2  }
0xbd: {  	s3 =	sand.u32 $0x4000, s31;
	s1 =	sadd.s32 s1, s30  }
0xbe: {  	s0 =	sor.u32 s3, s0;
	s1 =	sshll.u32 s1, $0x11  }
0xbf: {  	s0 =	sor.u32 s1, s0  }
0xc0: {  	s0 =	sadd.s32 $0x8F2B, s0  }
0xc1: {  	[sflag:s0] =	ssyncadd.remote.s32 $0x1  }
0xc2: {  	_ =	sfence.sel $0xFFFF  }
0xc3: {  	[dreg:$0x0] =	wrdreg $0xFFFFFFFF;
	(pc) =	sbr.abs _section_cstart, $3  }
0xc4: {  	[dreg:$0x1] =	wrdreg $0xFFFFFFFF  }
0xc5: {  	_ =	task.clear_ibuf [dreg:s9], $0x2FFFF;
	_ =	strace $0x9FFFFFFF  }
0xc6: {  	(tm) =	ssettm $0x7FFFFFFF  }
0xc7: {  	_ =	shalt  }
tec
execute0_lowered:
.L_overlay_start_1:
0x0: {  	(tag) =	ssettag $0x1  }
0x1: {  	s0 =	rddreg [dreg:$0x0]  }
0x2: {  	s1 =	rddreg [dreg:$0x1]  }
0x3: {  	s2 =	rddreg [dreg:$0x2]  }
0x4: {  	s3 =	srdreg.scid;
	s6 =	stileid.u32  }
0x5: {  	s5 =	rddreg [dreg:$0x3];
	s10 =	simm.s32 $0x3;
	s12 =	simm.s32 $0x50  }
0x6: {  	s13 =	simm.s32 $0x4E20;
	s14 =	simm.s32 $0x7620;
	s15 =	simm.s32 $0x1  }
0x7: {  	s16 =	simm.s32 $0x8A20;
	s17 =	simm.s32 $0xB220;
	s18 =	simm.s32 $0xC620  }
0x8: {  	s19 =	simm.s32 $0xED30;
	s4 =	sand.u32 $0x1, s3;
	s6 =	sshll.u32 s6, $0x1  }
0x9: {  	s20 =	simm.s32 $0x2;
	s21 =	simm.s32 $0x0;
	s6 =	sor.u32 s4, s6  }
0xa: {  	s3 =	simm.s32 $0x0;
	s7 =	ssub.s32 $0x2, s4;
	s6 =	smul.u32 $0x4E2, s6  }
0xb: {  	[smem:$0x7FF] =	sst s3;
	s4 =	sadd.s32 $0x1600, s0;
	s8 =	sshrl.u32 s7, $0x1  }
0xc: {  	v0 =	vimm.s32 $0x0;
	vm0 =	vcmask $0x300;
	_ =	strace $0x80000047;
	s9 =	ssub.s32 s7, s8;
	s0 =	sadd.s32 s6, s0  }
0xd: {  	v57 =	vsel vm0, $0x3, v0;
	vm0 =	vcmask $0x3F3C;
	s2 =	sadd.s32 s2, s6;
	s6 =	sadd.s32 s5, s6;
	s9 =	smax.u32 s9, $0x1  }
0xe: {  	[tilespmem:$0x1FFF0] =	vst v57;
	[dreg:$0x5] =	wrdreg s2;
	s7 =	sadd.s32 $0x28800, s0;
	s8 =	sadd.s32 $0x32600, s0  }
.LBB2_1:
0xf: {  	s0 =	rddreg [dreg:$0x5]  }
0x10: {  	[tilespmem:s3], [sflag:$0x3] =	stream.linear.gather [hbm4b:s0+s3], $0x2710, $0x38;
	[tilespmem:$0x11440] =	vst v63  }
0x11: {  	_ =	swait.ge [sflag:s10], $0x2710  }
0x12: {  	[sflag:s10] =	ssyncset.done $0x0  }
0x13: {  	s31 =	simm.s32 $0x2710;
	[sflag:s10] =	ssyncadd.s32 $0xFFFFD8F0  }
0x14: {  	[tilespmem:s31], [sflag:$0x3] =	stream.linear.gather [hbm4b:s6+s3], $0x2710, $0x38;
	[tilespmem:$0x11440] =	vst v63  }
0x15: {  	_ =	swait.ge [sflag:s10], $0x2710  }
0x16: {  	[sflag:s10] =	ssyncset.done $0x0  }
0x17: {  	[sflag:s10] =	ssyncadd.s32 $0xFFFFD8F0  }
0x18: {  	[tilespmem:s13], [sflag:$0x1] =	stream.indirect.gather [hbm4b:s4+s12], $0x80, s3, s12, $0xb8;
	[tilespmem:$0x11440] =	vst v63  }
0x19: {  	s22 =	simm.s32 $0x0;
	s23 =	simm.s32 $0x0  }
0x1a: {  	[tilespmem:s14], [sflag:$0x1] =	stream.indirect.gather [hbm4b:s1+s12], $0x40, s31, s12, $0xb8;
	[tilespmem:$0x11440] =	vst v63  }
.LBB2_2:
0x1b: {  	_ =	swait.ge [sflag:s15], $0x2800  }
0x1c: {  	[sflag:s15] =	ssyncset.done $0x0  }
0x1d: {  	[sflag:s15] =	ssyncadd.s32 $0xFFFFD800  }
0x1e: {  	s24 =	smul.u32 $0xA0, s23;
	_ =	swait.ge [sflag:s15], $0x1400  }
0x1f: {  	[sflag:s15] =	ssyncset.done $0x0  }
0x20: {  	s0 =	sadd.s32 $0x50, s24;
	[sflag:s15] =	ssyncadd.s32 $0xFFFFEC00  }
0x21: {  	[tilespmem:s16], [sflag:$0x2] =	stream.indirect.gather [hbm4b:s4+s12], $0x80, s0, s12, $0xb8;
	[tilespmem:$0x11440] =	vst v63  }
0x22: {  	s2 =	simm.s32 $0x7720;
	s29 =	sadd.s32 $0x2760, s24  }
0x23: {  	[tilespmem:s17], [sflag:$0x2] =	stream.indirect.gather [hbm4b:s1+s12], $0x40, s29, s12, $0xb8;
	[tilespmem:$0x11440] =	vst v63  }
0x24: {  	v1 =	vld [tilespmem:s2+$0xF0]  }
0x25: {  	v2 =	vld [tilespmem:s2+$0xE0]  }
0x26: {  	s30 =	simm.s32 $0x5020;
	v3 =	vld [tilespmem:s2+$0xC0]  }
0x27: {  	v4 =	vld [tilespmem:s30+$0x180]  }
0x28: {  	v5 =	vld [tilespmem:s2+$0xD0]  }
0x29: {  	v6 =	vld [tilespmem:s30+$0x1C0]  }
0x2a: {  	v19 =	vld [tilespmem:s2+$0x0]  }
0x2b: {  	v20 =	vld [tilespmem:s30+$0x80]  }
0x2c: {  	v26 =	vld [tilespmem:s30+$0xFFFFFE40]  }
0x2d: {  	v36 =	vld [tilespmem:s2+$0xFFFFFF10]  }
0x2e: {  	v38 =	vld [tilespmem:s30+$0xFFFFFE10]  }
0x2f: {  	v40 =	vld [tilespmem:s2+$0xFFFFFF50]  }
0x30: {  	v41 =	vld [tilespmem:s30+$0xFFFFFE90]  }
0x31: {  	v42 =	vld [tilespmem:s2+$0xFFFFFF90];
	v8 =	vunpack.i.l.bf16.f32 v3;
	v9 =	vunpack.i.l.bf16.f32 v4;
	v10 =	vunpack.i.l.bf16.f32 v1  }
0x32: {  	v58 =	vld [tilespmem:s30+$0xFFFFFF10];
	v12 =	vunpack.i.u.bf16.f32 v2;
	v2 =	vunpack.i.l.bf16.f32 v2;
	v3 =	vunpack.i.u.bf16.f32 v3  }
0x33: {  	v43 =	vld [tilespmem:s2+$0xFFFFFFD0];
	v13 =	vunpack.i.l.bf16.f32 v6;
	v14 =	vunpack.i.u.bf16.f32 v5;
	v4 =	vunpack.i.u.bf16.f32 v4  }
0x34: {  	v59 =	vld [tilespmem:s30+$0xFFFFFF90];
	v5 =	vunpack.i.l.bf16.f32 v5;
	v6 =	vunpack.i.u.bf16.f32 v6;
	v25 =	vunpack.i.l.bf16.f32 v19  }
0x35: {  	v44 =	vld [tilespmem:s2+$0x10];
	v29 =	vunpack.i.u.bf16.f32 v20;
	v20 =	vunpack.i.l.bf16.f32 v20;
	v32 =	vunpack.i.u.bf16.f32 v26  }
0x36: {  	v7 =	vld [tilespmem:s30+$0x190];
	v26 =	vunpack.i.l.bf16.f32 v26;
	v19 =	vunpack.i.u.bf16.f32 v19;
	v45 =	vunpack.i.l.bf16.f32 v36  }
0x37: {  	v46 =	vunpack.i.u.bf16.f32 v38;
	v38 =	vunpack.i.l.bf16.f32 v38;
	v47 =	vunpack.i.l.bf16.f32 v40  }
0x38: {  	v11 =	vld [tilespmem:s30+$0x1D0];
	v48 =	vunpack.i.u.bf16.f32 v41;
	v41 =	vunpack.i.l.bf16.f32 v41;
	v49 =	vunpack.i.l.bf16.f32 v42  }
0x39: {  	v50 =	vunpack.i.u.bf16.f32 v58;
	v51 =	vunpack.i.l.bf16.f32 v43;
	v52 =	vunpack.i.u.bf16.f32 v59  }
0x3a: {  	v15 =	vld [tilespmem:s30+$0x1A0];
	v53 =	vunpack.i.l.bf16.f32 v44;
	v9 =	vmul.f32 v9, v8;
	v4 =	vmul.f32 v4, v8  }
0x3b: {  	v40 =	vunpack.i.u.bf16.f32 v40;
	v13 =	vmul.f32 v13, v3;
	v8 =	vunpack.i.l.bf16.f32 v7  }
0x3c: {  	v3 =	vmul.f32 v6, v3;
	v9 =	vadd.f32 $0.0e+00, v9;
	v4 =	vadd.f32 $0.0e+00, v4  }
0x3d: {  	v6 =	vunpack.i.l.bf16.f32 v11;
	v7 =	vunpack.i.u.bf16.f32 v7;
	v8 =	vmul.f32 v8, v5  }
0x3e: {  	v6 =	vmul.f32 v6, v14;
	v9 =	vadd.f32 v13, v9;
	v13 =	vld [tilespmem:s30+$0x1E0];
	v3 =	vadd.f32 v3, v4  }
0x3f: {  	v4 =	vmul.f32 v7, v5;
	v5 =	vunpack.i.l.bf16.f32 v15;
	v7 =	vld [tilespmem:s2+$0xFFFFFF80];
	v15 =	vunpack.i.u.bf16.f32 v15  }
0x40: {  	v11 =	vunpack.i.u.bf16.f32 v11;
	v5 =	vmul.f32 v5, v2;
	v2 =	vmul.f32 v15, v2  }
0x41: {  	v15 =	vld [tilespmem:s30+$0xFFFFFF80];
	v8 =	vadd.f32 v8, v9;
	v3 =	vadd.f32 v4, v3;
	v4 =	vmul.f32 v11, v14  }
0x42: {  	v42 =	vunpack.i.u.bf16.f32 v42;
	v43 =	vunpack.i.u.bf16.f32 v43;
	v44 =	vunpack.i.u.bf16.f32 v44;
	v9 =	vld [tilespmem:s30+$0x1B0]  }
0x43: {  	v38 =	vmul.f32 v38, v45;
	v14 =	vld [tilespmem:s30+$0xFFFFFF00];
	v6 =	vadd.f32 v6, v8;
	v3 =	vadd.f32 v4, v3  }
0x44: {  	v11 =	vunpack.i.l.bf16.f32 v13;
	v13 =	vunpack.i.u.bf16.f32 v13;
	v21 =	vunpack.i.l.bf16.f32 v7  }
0x45: {  	v16 =	vld [tilespmem:s30+$0xFFFFFE00];
	v7 =	vunpack.i.u.bf16.f32 v7;
	v5 =	vadd.f32 v5, v6;
	v6 =	vmul.f32 v11, v12  }
0x46: {  	v60 =	vld [tilespmem:s30+$0x90];
	v55 =	vadd.f32 v2, v3;
	v56 =	vmul.f32 v13, v12;
	v23 =	vunpack.i.u.bf16.f32 v15  }
0x47: {  	v8 =	vld [tilespmem:s30+$0x1F0];
	v15 =	vunpack.i.l.bf16.f32 v15;
	v4 =	vunpack.i.l.bf16.f32 v9;
	v9 =	vunpack.i.u.bf16.f32 v9  }
0x48: {  	v18 =	vld [tilespmem:s30+$0xFFFFFE80];
	v22 =	vunpack.i.u.bf16.f32 v14;
	v14 =	vunpack.i.l.bf16.f32 v14;
	v5 =	vadd.f32 v6, v5  }
0x49: {  	v3 =	vld [tilespmem:s30+$0x0];
	v4 =	vmul.f32 v4, v10;
	v6 =	vunpack.i.u.bf16.f32 v1;
	v2 =	vadd.f32 v56, v55  }
0x4a: {  	v13 =	vld [tilespmem:s2+$0xFFFFFF00];
	v9 =	vmul.f32 v9, v10;
	v10 =	vunpack.i.u.bf16.f32 v16;
	v16 =	vunpack.i.l.bf16.f32 v16  }
0x4b: {  	v17 =	vld [tilespmem:s2+$0xFFFFFF40];
	v14 =	vmul.f32 v14, v21;
	v21 =	vmul.f32 v22, v21;
	v56 =	vunpack.i.u.bf16.f32 v60  }
0x4c: {  	v12 =	vunpack.i.l.bf16.f32 v8;
	v8 =	vunpack.i.u.bf16.f32 v8;
	v4 =	vadd.f32 v4, v5  }
0x4d: {  	v11 =	vld [tilespmem:s2+$0xFFFFFFC0];
	v12 =	vmul.f32 v12, v6;
	v2 =	vadd.f32 v9, v2;
	v6 =	vmul.f32 v8, v6  }
0x4e: {  	v8 =	vunpack.i.u.bf16.f32 v18;
	v14 =	vadd.f32 $0.0e+00, v14;
	v21 =	vadd.f32 $0.0e+00, v21  }
0x4f: {  	v24 =	vunpack.i.l.bf16.f32 v13;
	v27 =	vunpack.i.u.bf16.f32 v3;
	v3 =	vunpack.i.l.bf16.f32 v3  }
0x50: {  	v13 =	vunpack.i.u.bf16.f32 v13;
	v1 =	vadd.f32 v12, v4;
	v4 =	vunpack.i.l.bf16.f32 v17  }
0x51: {  	v22 =	vld [tilespmem:s30+$0xFFFFFFC0];
	v12 =	vunpack.i.l.bf16.f32 v18;
	v2 =	vadd.f32 v6, v2;
	v16 =	vmul.f32 v16, v24  }
0x52: {  	v6 =	vunpack.i.l.bf16.f32 v11;
	v10 =	vmul.f32 v10, v24;
	v3 =	vmul.f32 v3, v25  }
0x53: {  	v5 =	vld [tilespmem:s2+$0x40];
	v25 =	vmul.f32 v27, v25;
	v17 =	vunpack.i.u.bf16.f32 v17;
	v26 =	vmul.f32 v26, v13  }
0x54: {  	v9 =	vld [tilespmem:s2+$0x80];
	v11 =	vunpack.i.u.bf16.f32 v11;
	v13 =	vmul.f32 v32, v13;
	v12 =	vmul.f32 v12, v4  }
0x55: {  	v32 =	vunpack.i.l.bf16.f32 v58;
	v4 =	vmul.f32 v8, v4;
	v15 =	vmul.f32 v15, v6  }
0x56: {  	v61 =	vld [tilespmem:s30+$0x110];
	v6 =	vmul.f32 v23, v6;
	v34 =	vunpack.i.u.bf16.f32 v22;
	v16 =	vadd.f32 $0.0e+00, v16  }
0x57: {  	v18 =	vld [tilespmem:s30+$0x100];
	v22 =	vunpack.i.l.bf16.f32 v22;
	v10 =	vadd.f32 $0.0e+00, v10;
	v3 =	vadd.f32 $0.0e+00, v3  }
0x58: {  	v24 =	vld [tilespmem:s30+$0xFFFFFEC0];
	v25 =	vadd.f32 $0.0e+00, v25;
	v22 =	vmul.f32 v22, v11;
	v11 =	vmul.f32 v34, v11  }
0x59: {  	v27 =	vld [tilespmem:s30+$0xC0];
	v28 =	vunpack.i.l.bf16.f32 v5;
	v30 =	vunpack.i.l.bf16.f32 v9;
	v5 =	vunpack.i.u.bf16.f32 v5  }
0x5a: {  	v9 =	vunpack.i.u.bf16.f32 v9;
	v12 =	vadd.f32 $0.0e+00, v12;
	v4 =	vadd.f32 $0.0e+00, v4  }
0x5b: {  	v8 =	vld [tilespmem:s30+$0xFFFFFF40];
	v15 =	vadd.f32 $0.0e+00, v15;
	v6 =	vadd.f32 $0.0e+00, v6;
	v20 =	vmul.f32 v20, v28  }
0x5c: {  	v23 =	vld [tilespmem:s30+$0x40];
	v28 =	vmul.f32 v29, v28;
	v16 =	vadd.f32 v26, v16;
	v10 =	vadd.f32 v13, v10  }
0x5d: {  	v13 =	vunpack.i.u.bf16.f32 v61;
	v31 =	vunpack.i.u.bf16.f32 v18;
	v18 =	vunpack.i.l.bf16.f32 v18  }
0x5e: {  	v33 =	vunpack.i.u.bf16.f32 v24;
	v24 =	vunpack.i.l.bf16.f32 v24;
	v37 =	vunpack.i.u.bf16.f32 v27  }
0x5f: {  	v27 =	vunpack.i.l.bf16.f32 v27;
	v6 =	vadd.f32 v11, v6;
	v11 =	vmul.f32 v32, v49  }
0x60: {  	v15 =	vadd.f32 v22, v15;
	v18 =	vmul.f32 v18, v30;
	v30 =	vmul.f32 v31, v30  }
0x61: {  	v34 =	vld [tilespmem:s2+$0x50];
	v31 =	vunpack.i.u.bf16.f32 v8;
	v8 =	vunpack.i.l.bf16.f32 v8;
	v35 =	vunpack.i.u.bf16.f32 v23  }
0x62: {  	v62 =	vld [tilespmem:s30+$0x50];
	v23 =	vunpack.i.l.bf16.f32 v23;
	v24 =	vmul.f32 v24, v17;
	v17 =	vmul.f32 v33, v17  }
0x63: {  	v20 =	vadd.f32 $0.0e+00, v20;
	v28 =	vadd.f32 $0.0e+00, v28;
	v27 =	vmul.f32 v27, v5  }
0x64: {  	v5 =	vmul.f32 v37, v5;
	v33 =	vunpack.i.l.bf16.f32 v59;
	v8 =	vmul.f32 v8, v7  }
0x65: {  	v63 =	vld [tilespmem:s30+$0xD0];
	v16 =	vadd.f32 v38, v16;
	v7 =	vmul.f32 v31, v7;
	v23 =	vmul.f32 v23, v19  }
0x66: {  	v29 =	vld [tilespmem:s30+$0x140];
	v19 =	vmul.f32 v35, v19;
	v55 =	vunpack.i.l.bf16.f32 v34;
	v35 =	vunpack.i.l.bf16.f32 v60  }
0x67: {  	v60 =	vunpack.i.u.bf16.f32 v62;
	v34 =	vunpack.i.u.bf16.f32 v34;
	v18 =	vadd.f32 $0.0e+00, v18  }
0x68: {  	v30 =	vadd.f32 $0.0e+00, v30;
	v12 =	vadd.f32 v24, v12;
	v24 =	vmul.f32 v46, v45  }
0x69: {  	v4 =	vadd.f32 v17, v4;
	v20 =	vadd.f32 v27, v20;
	v27 =	vmul.f32 v33, v51  }
0x6a: {  	v5 =	vadd.f32 v5, v28;
	v28 =	vmul.f32 v52, v51;
	v35 =	vmul.f32 v35, v55  }
0x6b: {  	v22 =	vld [tilespmem:s30+$0xFFFFFED0];
	v33 =	vunpack.i.l.bf16.f32 v62;
	v45 =	vunpack.i.l.bf16.f32 v63;
	v39 =	vunpack.i.u.bf16.f32 v29  }
0x6c: {  	v8 =	vadd.f32 v8, v14;
	v14 =	vmul.f32 v41, v47;
	v7 =	vadd.f32 v7, v21  }
0x6d: {  	v37 =	vld [tilespmem:s2+$0x90];
	v21 =	vmul.f32 v48, v47;
	v3 =	vadd.f32 v23, v3;
	v23 =	vmul.f32 v50, v49  }
0x6e: {  	v29 =	vunpack.i.l.bf16.f32 v29;
	v41 =	vmul.f32 v56, v55;
	v33 =	vmul.f32 v33, v44  }
0x6f: {  	v19 =	vadd.f32 v19, v25;
	v29 =	vmul.f32 v29, v9;
	v9 =	vmul.f32 v39, v9  }
0x70: {  	v39 =	vunpack.i.l.bf16.f32 v61;
	v0 =	vunpack.i.u.bf16.f32 v22;
	v22 =	vunpack.i.l.bf16.f32 v22  }
0x71: {  	v31 =	vld [tilespmem:s30+$0x10];
	v61 =	vunpack.i.u.bf16.f32 v63;
	v10 =	vadd.f32 v24, v10;
	v15 =	vadd.f32 v27, v15  }
0x72: {  	v6 =	vadd.f32 v28, v6;
	v20 =	vadd.f32 v35, v20;
	v26 =	vunpack.i.l.bf16.f32 v37  }
0x73: {  	v37 =	vunpack.i.u.bf16.f32 v37;
	v12 =	vadd.f32 v14, v12;
	v4 =	vadd.f32 v21, v4  }
0x74: {  	v17 =	vld [tilespmem:s30+$0xFFFFFE50];
	v21 =	vmul.f32 v22, v40;
	v8 =	vadd.f32 v11, v8;
	v7 =	vadd.f32 v23, v7  }
0x75: {  	v62 =	vld [tilespmem:s30+$0xFFFFFE20];
	v22 =	vmul.f32 v0, v40;
	v5 =	vadd.f32 v41, v5;
	v40 =	vmul.f32 v45, v34  }
0x76: {  	v25 =	vld [tilespmem:s30+$0xFFFFFF50];
	v34 =	vmul.f32 v61, v34;
	v54 =	vunpack.i.u.bf16.f32 v31;
	v31 =	vunpack.i.l.bf16.f32 v31  }
0x77: {  	v50 =	vld [tilespmem:s2+$0xFFFFFF20];
	v18 =	vadd.f32 v29, v18;
	v9 =	vadd.f32 v9, v30;
	v39 =	vmul.f32 v39, v26  }
0x78: {  	v24 =	vld [tilespmem:s30+$0xFFFFFEA0];
	v30 =	vunpack.i.u.bf16.f32 v36;
	v13 =	vmul.f32 v13, v26;
	v31 =	vmul.f32 v31, v53  }
0x79: {  	v27 =	vld [tilespmem:s30+$0xFFFFFFA0];
	v32 =	vmul.f32 v54, v53;
	v36 =	vunpack.i.u.bf16.f32 v17;
	v17 =	vunpack.i.l.bf16.f32 v17  }
0x7a: {  	v14 =	vld [tilespmem:s2+$0xFFFFFFA0];
	v38 =	vunpack.i.u.bf16.f32 v62;
	v12 =	vadd.f32 v21, v12;
	v4 =	vadd.f32 v22, v4  }
0x7b: {  	v11 =	vld [tilespmem:s30+$0xFFFFFF20];
	v20 =	vadd.f32 v40, v20;
	v5 =	vadd.f32 v34, v5;
	v58 =	vunpack.i.u.bf16.f32 v25  }
0x7c: {  	v23 =	vld [tilespmem:s2+$0xFFFFFFE0];
	v25 =	vunpack.i.l.bf16.f32 v25;
	v17 =	vmul.f32 v17, v30;
	v30 =	vmul.f32 v36, v30  }
0x7d: {  	v41 =	vld [tilespmem:s30+$0xA0];
	v18 =	vadd.f32 v39, v18;
	v9 =	vadd.f32 v13, v9;
	v39 =	vmul.f32 v60, v44  }
0x7e: {  	v25 =	vmul.f32 v25, v42;
	v3 =	vadd.f32 v31, v3;
	v19 =	vadd.f32 v32, v19  }
0x7f: {  	v0 =	vld [tilespmem:s30+$0x120];
	v28 =	vmul.f32 v58, v42;
	v32 =	vunpack.i.l.bf16.f32 v50;
	v42 =	vunpack.i.l.bf16.f32 v62  }
0x80: {  	v45 =	vunpack.i.u.bf16.f32 v24;
	v24 =	vunpack.i.l.bf16.f32 v24;
	v61 =	vunpack.i.u.bf16.f32 v27  }
0x81: {  	v29 =	vld [tilespmem:s30+$0xFFFFFFD0];
	v27 =	vunpack.i.l.bf16.f32 v27;
	v47 =	vunpack.i.l.bf16.f32 v14;
	v48 =	vunpack.i.u.bf16.f32 v11  }
0x82: {  	v26 =	vld [tilespmem:s30+$0x150];
	v11 =	vunpack.i.l.bf16.f32 v11;
	v49 =	vunpack.i.l.bf16.f32 v23;
	v60 =	vunpack.i.u.bf16.f32 v41  }
0x83: {  	v41 =	vunpack.i.l.bf16.f32 v41;
	v16 =	vadd.f32 v17, v16;
	v10 =	vadd.f32 v30, v10  }
0x84: {  	v30 =	vunpack.i.u.bf16.f32 v0;
	v46 =	vunpack.i.l.bf16.f32 v0;
	v42 =	vmul.f32 v42, v32  }
0x85: {  	v21 =	vmul.f32 v38, v32;
	v32 =	vunpack.i.u.bf16.f32 v50;
	v14 =	vunpack.i.u.bf16.f32 v14  }
0x86: {  	v54 =	vld [tilespmem:s2+$0xFFFFFF60];
	v23 =	vunpack.i.u.bf16.f32 v23;
	v59 =	vunpack.i.u.bf16.f32 v29;
	v29 =	vunpack.i.l.bf16.f32 v29  }
0x87: {  	v13 =	vld [tilespmem:s30+$0x20];
	v63 =	vunpack.i.u.bf16.f32 v26;
	v26 =	vunpack.i.l.bf16.f32 v26;
	v8 =	vadd.f32 v25, v8  }
0x88: {  	v36 =	vld [tilespmem:s2+$0x60];
	v7 =	vadd.f32 v28, v7;
	v11 =	vmul.f32 v11, v47;
	v27 =	vmul.f32 v27, v49  }
0x89: {  	v53 =	vld [tilespmem:s2+$0xFFFFFF70];
	v3 =	vadd.f32 v33, v3;
	v33 =	vmul.f32 v61, v49;
	v29 =	vmul.f32 v29, v43  }
0x8a: {  	v31 =	vld [tilespmem:s2+$0x20];
	v19 =	vadd.f32 v39, v19;
	v35 =	vmul.f32 v59, v43;
	v26 =	vmul.f32 v26, v37  }
0x8b: {  	v44 =	vunpack.i.l.bf16.f32 v54;
	v37 =	vmul.f32 v63, v37;
	v0 =	vunpack.i.u.bf16.f32 v54  }
0x8c: {  	v22 =	vld [tilespmem:s30+$0xFFFFFE60];
	v16 =	vadd.f32 v42, v16;
	v10 =	vadd.f32 v21, v10;
	v62 =	vunpack.i.u.bf16.f32 v13  }
0x8d: {  	v13 =	vunpack.i.l.bf16.f32 v13;
	v63 =	vunpack.i.l.bf16.f32 v36;
	v24 =	vmul.f32 v24, v44  }
0x8e: {  	v25 =	vmul.f32 v45, v44;
	v36 =	vunpack.i.u.bf16.f32 v36;
	v8 =	vadd.f32 v11, v8  }
0x8f: {  	v44 =	vunpack.i.l.bf16.f32 v53;
	v52 =	vunpack.i.l.bf16.f32 v31;
	v15 =	vadd.f32 v29, v15  }
0x90: {  	v28 =	vld [tilespmem:s30+$0xFFFFFEE0];
	v6 =	vadd.f32 v35, v6;
	v29 =	vmul.f32 v48, v47;
	v18 =	vadd.f32 v26, v18  }
0x91: {  	v61 =	vld [tilespmem:s30+$0xFFFFFFE0];
	v9 =	vadd.f32 v37, v9;
	v35 =	vunpack.i.u.bf16.f32 v22;
	v39 =	vmul.f32 v41, v63  }
0x92: {  	v22 =	vunpack.i.l.bf16.f32 v22;
	v40 =	vmul.f32 v60, v63;
	v13 =	vmul.f32 v13, v52  }
0x93: {  	v43 =	vld [tilespmem:s2+$0xA0];
	v31 =	vunpack.i.u.bf16.f32 v31;
	v37 =	vmul.f32 v62, v52;
	v22 =	vmul.f32 v22, v32  }
0x94: {  	v12 =	vadd.f32 v24, v12;
	v24 =	vmul.f32 v35, v32;
	v4 =	vadd.f32 v25, v4  }
0x95: {  	v50 =	vld [tilespmem:s2+$0xFFFFFF30];
	v56 =	vunpack.i.u.bf16.f32 v28;
	v28 =	vunpack.i.l.bf16.f32 v28;
	v7 =	vadd.f32 v29, v7  }
0x96: {  	v11 =	vld [tilespmem:s2+$0xFFFFFFB0];
	v59 =	vunpack.i.u.bf16.f32 v61;
	v15 =	vadd.f32 v27, v15;
	v6 =	vadd.f32 v33, v6  }
0x97: {  	v26 =	vld [tilespmem:s30+$0xFFFFFF60];
	v34 =	vunpack.i.l.bf16.f32 v61;
	v20 =	vadd.f32 v39, v20;
	v5 =	vadd.f32 v40, v5  }
0x98: {  	v63 =	vld [tilespmem:s30+$0xE0];
	v17 =	vunpack.i.l.bf16.f32 v43;
	v43 =	vunpack.i.u.bf16.f32 v43;
	v25 =	vmul.f32 v28, v0  }
0x99: {  	v28 =	vmul.f32 v56, v0;
	v3 =	vadd.f32 v13, v3;
	v19 =	vadd.f32 v37, v19  }
0x9a: {  	v62 =	vld [tilespmem:s30+$0x60];
	v33 =	vmul.f32 v34, v23;
	v23 =	vmul.f32 v59, v23;
	v34 =	vunpack.i.l.bf16.f32 v50  }
0x9b: {  	v16 =	vadd.f32 v22, v16;
	v10 =	vadd.f32 v24, v10;
	v45 =	vmul.f32 v46, v17  }
0x9c: {  	v21 =	vld [tilespmem:s30+$0xFFFFFEB0];
	v17 =	vmul.f32 v30, v17;
	v47 =	vunpack.i.l.bf16.f32 v11;
	v11 =	vunpack.i.u.bf16.f32 v11  }
0x9d: {  	v32 =	vld [tilespmem:s2+$0x30];
	v58 =	vunpack.i.u.bf16.f32 v26;
	v26 =	vunpack.i.l.bf16.f32 v26;
	v61 =	vunpack.i.u.bf16.f32 v63  }
0x9e: {  	v27 =	vld [tilespmem:s30+$0xFFFFFF30];
	v41 =	vunpack.i.l.bf16.f32 v63;
	v12 =	vadd.f32 v25, v12;
	v4 =	vadd.f32 v28, v4  }
0x9f: {  	v13 =	vld [tilespmem:s2+$0xFFFFFFF0];
	v15 =	vadd.f32 v33, v15;
	v6 =	vadd.f32 v23, v6;
	v60 =	vunpack.i.u.bf16.f32 v62  }
0xa0: {  	v37 =	vld [tilespmem:s2+$0x70];
	v38 =	vunpack.i.l.bf16.f32 v62;
	v26 =	vmul.f32 v26, v14;
	v14 =	vmul.f32 v58, v14  }
0xa1: {  	v0 =	vld [tilespmem:s30+$0x130];
	v18 =	vadd.f32 v45, v18;
	v9 =	vadd.f32 v17, v9;
	v39 =	vmul.f32 v41, v36  }
0xa2: {  	v36 =	vmul.f32 v61, v36;
	v45 =	vunpack.i.u.bf16.f32 v21;
	v21 =	vunpack.i.l.bf16.f32 v21  }
0xa3: {  	v52 =	vunpack.i.l.bf16.f32 v32;
	v58 =	vunpack.i.u.bf16.f32 v53;
	v32 =	vunpack.i.u.bf16.f32 v32  }
0xa4: {  	v56 =	vld [tilespmem:s30+$0x170];
	v35 =	vmul.f32 v38, v31;
	v31 =	vmul.f32 v60, v31;
	v48 =	vunpack.i.u.bf16.f32 v27  }
0xa5: {  	v30 =	vld [tilespmem:s30+$0x160];
	v27 =	vunpack.i.l.bf16.f32 v27;
	v21 =	vmul.f32 v21, v44;
	v25 =	vmul.f32 v45, v44  }
0xa6: {  	v49 =	vunpack.i.l.bf16.f32 v13;
	v61 =	vunpack.i.l.bf16.f32 v37;
	v24 =	vunpack.i.u.bf16.f32 v0  }
0xa7: {  	v46 =	vunpack.i.l.bf16.f32 v0;
	v8 =	vadd.f32 v26, v8;
	v7 =	vadd.f32 v14, v7  }
0xa8: {  	v29 =	vld [tilespmem:s30+$0xFFFFFFB0];
	v23 =	vmul.f32 v27, v47;
	v27 =	vmul.f32 v48, v47;
	v20 =	vadd.f32 v39, v20  }
0xa9: {  	v62 =	vld [tilespmem:s30+$0xFFFFFE30];
	v5 =	vadd.f32 v36, v5;
	v13 =	vunpack.i.u.bf16.f32 v13;
	v37 =	vunpack.i.u.bf16.f32 v37  }
0xaa: {  	v17 =	vld [tilespmem:s30+$0x30];
	v45 =	vunpack.i.l.bf16.f32 v56;
	v63 =	vunpack.i.u.bf16.f32 v30;
	v30 =	vunpack.i.l.bf16.f32 v30  }
0xab: {  	v40 =	vld [tilespmem:s30+$0xB0];
	v3 =	vadd.f32 v35, v3;
	v19 =	vadd.f32 v31, v19;
	v31 =	vunpack.i.u.bf16.f32 v50  }
0xac: {  	v12 =	vadd.f32 v21, v12;
	v4 =	vadd.f32 v25, v4;
	v30 =	vmul.f32 v30, v43  }
0xad: {  	v42 =	vmul.f32 v63, v43;
	v63 =	vunpack.i.u.bf16.f32 v29;
	v29 =	vunpack.i.l.bf16.f32 v29  }
0xae: {  	v8 =	vadd.f32 v23, v8;
	v7 =	vadd.f32 v27, v7;
	v38 =	vunpack.i.u.bf16.f32 v62  }
0xaf: {  	v14 =	vld [tilespmem:s30+$0xFFFFFE70];
	v41 =	vunpack.i.l.bf16.f32 v62;
	v60 =	vunpack.i.u.bf16.f32 v17;
	v17 =	vunpack.i.l.bf16.f32 v17  }
0xb0: {  	v26 =	vld [tilespmem:s30+$0xFFFFFEF0];
	v62 =	vunpack.i.u.bf16.f32 v40;
	v29 =	vmul.f32 v29, v49;
	v33 =	vmul.f32 v63, v49  }
0xb1: {  	v40 =	vunpack.i.l.bf16.f32 v40;
	v41 =	vmul.f32 v41, v34;
	v34 =	vmul.f32 v38, v34  }
0xb2: {  	v18 =	vadd.f32 v30, v18;
	v17 =	vmul.f32 v17, v52;
	v38 =	vmul.f32 v60, v52  }
0xb3: {  	v43 =	vld [tilespmem:s2+$0xB0];
	v9 =	vadd.f32 v42, v9;
	v39 =	vmul.f32 v40, v61;
	v54 =	vmul.f32 v62, v61  }
0xb4: {  	v28 =	vld [tilespmem:s30+$0xFFFFFF70];
	v0 =	vunpack.i.u.bf16.f32 v14;
	v14 =	vunpack.i.l.bf16.f32 v14;
	v6 =	vadd.f32 v33, v6  }
0xb5: {  	v63 =	vld [tilespmem:s30+$0x70];
	v59 =	vunpack.i.u.bf16.f32 v26;
	v16 =	vadd.f32 v41, v16;
	v10 =	vadd.f32 v34, v10  }
0xb6: {  	v30 =	vld [tilespmem:s30+$0xFFFFFFF0];
	v14 =	vmul.f32 v14, v31;
	v21 =	vmul.f32 v0, v31;
	v3 =	vadd.f32 v17, v3  }
0xb7: {  	v52 =	vld [tilespmem:s30+$0xF0];
	v25 =	vmul.f32 v59, v58;
	v17 =	vadd.f32 v38, v19;
	v20 =	vadd.f32 v39, v20  }
0xb8: {  	v27 =	vadd.f32 v54, v5;
	v22 =	vunpack.i.l.bf16.f32 v43;
	v43 =	vunpack.i.u.bf16.f32 v43  }
0xb9: {  	v55 =	vmul.f32 v46, v22;
	v22 =	vmul.f32 v24, v22;
	v24 =	vunpack.i.l.bf16.f32 v26  }
0xba: {  	v26 =	vunpack.i.u.bf16.f32 v28;
	v28 =	vunpack.i.l.bf16.f32 v28;
	v61 =	vunpack.i.u.bf16.f32 v63  }
0xbb: {  	v35 =	vunpack.i.l.bf16.f32 v63;
	v63 =	vunpack.i.u.bf16.f32 v56;
	v16 =	vadd.f32 v14, v16  }
0xbc: {  	v60 =	vunpack.i.u.bf16.f32 v30;
	v30 =	vunpack.i.l.bf16.f32 v30;
	v62 =	vunpack.i.u.bf16.f32 v52  }
0xbd: {  	s25 =	simm.s32 $0x5420;
	v40 =	vunpack.i.l.bf16.f32 v52;
	v23 =	vmul.f32 v24, v58;
	v24 =	vadd.f32 v29, v15  }
0xbe: {  	s31 =	simm.s32 $0x7920;
	v53 =	vld [tilespmem:s25+$0xFFFFFE80];
	v19 =	vmul.f32 v28, v11;
	v5 =	vmul.f32 v26, v11;
	v11 =	vadd.f32 v25, v4  }
0xbf: {  	v26 =	vld [tilespmem:s31+$0xF0];
	v28 =	vmul.f32 v61, v32;
	v18 =	vadd.f32 v55, v18;
	v22 =	vadd.f32 v22, v9  }
0xc0: {  	v29 =	vld [tilespmem:s31+$0xE0];
	v9 =	vmul.f32 v30, v13;
	v14 =	vmul.f32 v60, v13;
	v13 =	vadd.f32 v21, v10  }
0xc1: {  	v25 =	vld [tilespmem:s31+$0xC0];
	v21 =	vmul.f32 v35, v32;
	v4 =	vmul.f32 v62, v37;
	v15 =	vadd.f32 v23, v12  }
0xc2: {  	v52 =	vld [tilespmem:s25+$0x1A0];
	v30 =	vmul.f32 v45, v43;
	v12 =	vadd.f32 v19, v8;
	v10 =	vadd.f32 v5, v7  }
0xc3: {  	v58 =	vld [tilespmem:s25+$0xFFFFFE40];
	v23 =	vmul.f32 v40, v37;
	v9 =	vadd.f32 v9, v24;
	v8 =	vadd.f32 v14, v6  }
0xc4: {  	v19 =	vld [tilespmem:s25+$0x180];
	v14 =	vmul.f32 v63, v43;
	v7 =	vadd.f32 v21, v3;
	v6 =	vadd.f32 v28, v17  }
0xc5: {  	v24 =	vld [tilespmem:s31+$0xD0];
	v4 =	vadd.f32 v4, v27;
	v3 =	vadd.f32 v30, v18  }
0xc6: {  	v34 =	vunpack.i.l.bf16.f32 v53;
	v17 =	vld [tilespmem:s25+$0x1C0];
	v5 =	vadd.f32 v23, v20;
	v14 =	vadd.f32 v14, v22  }
0xc7: {  	v18 =	vld [tilespmem:s25+$0x190];
	v20 =	vunpack.i.u.bf16.f32 v26;
	v21 =	vunpack.i.l.bf16.f32 v25;
	v23 =	vunpack.i.l.bf16.f32 v26  }
0xc8: {  	v27 =	vunpack.i.u.bf16.f32 v29;
	v28 =	vunpack.i.l.bf16.f32 v29;
	v25 =	vunpack.i.u.bf16.f32 v25  }
0xc9: {  	v32 =	vunpack.i.u.bf16.f32 v52;
	v41 =	vunpack.i.u.bf16.f32 v58;
	v22 =	vunpack.i.l.bf16.f32 v19  }
0xca: {  	v26 =	vld [tilespmem:s25+$0x1D0];
	v40 =	vunpack.i.l.bf16.f32 v58;
	v19 =	vunpack.i.u.bf16.f32 v19;
	v22 =	vmul.f32 v22, v21  }
0xcb: {  	v35 =	vld [tilespmem:s31+$0xFFFFFF80];
	v30 =	vunpack.i.l.bf16.f32 v17;
	v31 =	vunpack.i.u.bf16.f32 v24;
	v19 =	vmul.f32 v19, v21  }
0xcc: {  	v29 =	vld [tilespmem:s25+$0xFFFFFE00];
	v21 =	vunpack.i.l.bf16.f32 v24;
	v24 =	vunpack.i.l.bf16.f32 v18;
	v17 =	vunpack.i.u.bf16.f32 v17  }
0xcd: {  	v18 =	vunpack.i.u.bf16.f32 v18;
	v30 =	vmul.f32 v30, v25;
	v24 =	vmul.f32 v24, v21  }
0xce: {  	v17 =	vmul.f32 v17, v25;
	v18 =	vmul.f32 v18, v21;
	v22 =	vadd.f32 $0.0e+00, v22  }
0xcf: {  	v19 =	vadd.f32 $0.0e+00, v19;
	v25 =	vunpack.i.l.bf16.f32 v26;
	v21 =	vunpack.i.u.bf16.f32 v26;
	v26 =	vld [tilespmem:s25+$0xFFFFFF00]  }
0xd0: {  	v54 =	vunpack.i.l.bf16.f32 v35;
	v35 =	vunpack.i.u.bf16.f32 v35;
	v22 =	vadd.f32 v30, v22  }
0xd1: {  	v36 =	vunpack.i.u.bf16.f32 v29;
	v29 =	vunpack.i.l.bf16.f32 v29;
	v30 =	vld [tilespmem:s25+$0x1E0];
	v17 =	vadd.f32 v17, v19  }
0xd2: {  	v19 =	vunpack.i.l.bf16.f32 v52;
	v22 =	vadd.f32 v24, v22;
	v24 =	vmul.f32 v25, v31  }
0xd3: {  	v19 =	vmul.f32 v19, v28;
	v25 =	vld [tilespmem:s25+$0x1B0];
	v17 =	vadd.f32 v18, v17;
	v18 =	vmul.f32 v21, v31  }
0xd4: {  	v55 =	vunpack.i.u.bf16.f32 v26;
	v26 =	vunpack.i.l.bf16.f32 v26;
	v22 =	vadd.f32 v24, v22;
	v24 =	vld [tilespmem:s25+$0x1F0]  }
0xd5: {  	v17 =	vadd.f32 v18, v17;
	v18 =	vmul.f32 v32, v28;
	v32 =	vld [tilespmem:s31+$0x0];
	v26 =	vmul.f32 v26, v54  }
0xd6: {  	v37 =	vmul.f32 v55, v54;
	v54 =	vld [tilespmem:s25+$0xFFFFFFC0];
	v21 =	vunpack.i.l.bf16.f32 v30;
	v30 =	vunpack.i.u.bf16.f32 v30  }
0xd7: {  	v55 =	vld [tilespmem:s25+$0x40];
	v19 =	vadd.f32 v19, v22;
	v21 =	vmul.f32 v21, v27;
	v17 =	vadd.f32 v18, v17  }
0xd8: {  	v18 =	vmul.f32 v30, v27;
	v26 =	vadd.f32 $0.0e+00, v26;
	v37 =	vadd.f32 $0.0e+00, v37  }
0xd9: {  	v28 =	vunpack.i.l.bf16.f32 v25;
	v25 =	vunpack.i.u.bf16.f32 v25;
	v19 =	vadd.f32 v21, v19  }
0xda: {  	v22 =	vld [tilespmem:s25+$0xFFFFFF80];
	v21 =	vmul.f32 v28, v23;
	v18 =	vadd.f32 v18, v17;
	v23 =	vmul.f32 v25, v23  }
0xdb: {  	v30 =	vld [tilespmem:s31+$0x40];
	v27 =	vunpack.i.l.bf16.f32 v24;
	v24 =	vunpack.i.u.bf16.f32 v24;
	v60 =	vunpack.i.l.bf16.f32 v32  }
0xdc: {  	v33 =	vld [tilespmem:s31+$0xFFFFFF40];
	v38 =	vunpack.i.l.bf16.f32 v54;
	v32 =	vunpack.i.u.bf16.f32 v32;
	v51 =	vunpack.i.u.bf16.f32 v55  }
0xdd: {  	v31 =	vld [tilespmem:s31+$0xFFFFFFC0];
	v39 =	vunpack.i.l.bf16.f32 v55;
	v19 =	vadd.f32 v21, v19;
	v21 =	vmul.f32 v27, v20  }
0xde: {  	v25 =	vld [tilespmem:s31+$0xFFFFFF00];
	v18 =	vadd.f32 v23, v18;
	v20 =	vmul.f32 v24, v20;
	v24 =	vunpack.i.u.bf16.f32 v53  }
0xdf: {  	v28 =	vld [tilespmem:s25+$0x0];
	v39 =	vmul.f32 v39, v32;
	v32 =	vmul.f32 v51, v32;
	v56 =	vunpack.i.u.bf16.f32 v22  }
0xe0: {  	v22 =	vunpack.i.l.bf16.f32 v22;
	v62 =	vunpack.i.l.bf16.f32 v30;
	v30 =	vunpack.i.u.bf16.f32 v30  }
0xe1: {  	v17 =	vadd.f32 v21, v19;
	v21 =	vunpack.i.l.bf16.f32 v33;
	v18 =	vadd.f32 v20, v18  }
0xe2: {  	v27 =	vld [tilespmem:s25+$0x80];
	v20 =	vunpack.i.l.bf16.f32 v31;
	v31 =	vunpack.i.u.bf16.f32 v31;
	v34 =	vmul.f32 v34, v21  }
0xe3: {  	v23 =	vld [tilespmem:s25+$0x100];
	v59 =	vunpack.i.l.bf16.f32 v25;
	v21 =	vmul.f32 v24, v21;
	v22 =	vmul.f32 v22, v20  }
0xe4: {  	v53 =	vld [tilespmem:s25+$0xFFFFFEC0];
	v61 =	vunpack.i.u.bf16.f32 v28;
	v20 =	vmul.f32 v56, v20;
	v38 =	vmul.f32 v38, v31  }
0xe5: {  	v28 =	vunpack.i.l.bf16.f32 v28;
	v29 =	vmul.f32 v29, v59;
	v36 =	vmul.f32 v36, v59  }
0xe6: {  	v25 =	vunpack.i.u.bf16.f32 v25;
	v28 =	vmul.f32 v28, v60;
	v42 =	vmul.f32 v61, v60  }
0xe7: {  	v33 =	vunpack.i.u.bf16.f32 v33;
	v40 =	vmul.f32 v40, v25;
	v25 =	vmul.f32 v41, v25  }
0xe8: {  	v63 =	vunpack.i.u.bf16.f32 v27;
	v27 =	vunpack.i.l.bf16.f32 v27;
	v52 =	vunpack.i.u.bf16.f32 v23  }
0xe9: {  	v19 =	vld [tilespmem:s31+$0x80];
	v23 =	vunpack.i.l.bf16.f32 v23;
	v58 =	vunpack.i.u.bf16.f32 v53;
	v34 =	vadd.f32 $0.0e+00, v34  }
0xea: {  	v61 =	vunpack.i.l.bf16.f32 v53;
	v21 =	vadd.f32 $0.0e+00, v21;
	v22 =	vadd.f32 $0.0e+00, v22  }
0xeb: {  	v24 =	vld [tilespmem:s25+$0xFFFFFF40];
	v20 =	vadd.f32 $0.0e+00, v20;
	v27 =	vmul.f32 v27, v62;
	v44 =	vmul.f32 v63, v62  }
0xec: {  	v63 =	vunpack.i.u.bf16.f32 v54;
	v29 =	vadd.f32 $0.0e+00, v29;
	v36 =	vadd.f32 $0.0e+00, v36  }
0xed: {  	v56 =	vld [tilespmem:s25+$0xC0];
	v47 =	vmul.f32 v61, v33;
	v33 =	vmul.f32 v58, v33;
	v28 =	vadd.f32 $0.0e+00, v28  }
0xee: {  	v42 =	vadd.f32 $0.0e+00, v42;
	v0 =	vunpack.i.l.bf16.f32 v19;
	v19 =	vunpack.i.u.bf16.f32 v19  }
0xef: {  	v59 =	vld [tilespmem:s25+$0x140];
	v31 =	vmul.f32 v63, v31;
	v22 =	vadd.f32 v38, v22;
	v23 =	vmul.f32 v23, v0  }
0xf0: {  	v41 =	vld [tilespmem:s31+$0xFFFFFF10];
	v46 =	vmul.f32 v52, v0;
	v62 =	vunpack.i.u.bf16.f32 v24;
	v27 =	vadd.f32 $0.0e+00, v27  }
0xf1: {  	v49 =	vld [tilespmem:s31+$0xFFFFFF50];
	v24 =	vunpack.i.l.bf16.f32 v24;
	v44 =	vadd.f32 $0.0e+00, v44;
	v29 =	vadd.f32 v40, v29  }
0xf2: {  	v0 =	vunpack.i.u.bf16.f32 v56;
	v25 =	vadd.f32 v25, v36;
	v34 =	vadd.f32 v47, v34  }
0xf3: {  	v43 =	vunpack.i.l.bf16.f32 v56;
	v21 =	vadd.f32 v33, v21;
	v28 =	vadd.f32 v39, v28  }
0xf4: {  	v61 =	vld [tilespmem:s25+$0xFFFFFE10];
	v32 =	vadd.f32 v32, v42;
	v60 =	vunpack.i.u.bf16.f32 v59;
	v45 =	vunpack.i.l.bf16.f32 v59  }
0xf5: {  	v48 =	vld [tilespmem:s25+$0xFFFFFE90];
	v24 =	vmul.f32 v24, v35;
	v35 =	vmul.f32 v62, v35;
	v62 =	vunpack.i.l.bf16.f32 v41  }
0xf6: {  	v43 =	vmul.f32 v43, v30;
	v30 =	vmul.f32 v0, v30;
	v0 =	vunpack.i.l.bf16.f32 v49  }
0xf7: {  	v50 =	vld [tilespmem:s31+$0xFFFFFF90];
	v20 =	vadd.f32 v31, v20;
	v41 =	vunpack.i.u.bf16.f32 v41;
	v49 =	vunpack.i.u.bf16.f32 v49  }
0xf8: {  	v51 =	vld [tilespmem:s25+$0xFFFFFF10];
	v23 =	vadd.f32 $0.0e+00, v23;
	v46 =	vadd.f32 $0.0e+00, v46;
	v45 =	vmul.f32 v45, v19  }
0xf9: {  	v19 =	vmul.f32 v60, v19;
	v63 =	vunpack.i.u.bf16.f32 v61;
	v54 =	vunpack.i.l.bf16.f32 v61  }
0xfa: {  	v52 =	vld [tilespmem:s31+$0xFFFFFFD0];
	v61 =	vunpack.i.u.bf16.f32 v48;
	v24 =	vadd.f32 v24, v26;
	v35 =	vadd.f32 v35, v37  }
0xfb: {  	v38 =	vld [tilespmem:s25+$0x90];
	v48 =	vunpack.i.l.bf16.f32 v48;
	v27 =	vadd.f32 v43, v27;
	v30 =	vadd.f32 v30, v44  }
0xfc: {  	v54 =	vmul.f32 v54, v62;
	v47 =	vmul.f32 v63, v62;
	v62 =	vunpack.i.l.bf16.f32 v50  }
0xfd: {  	v60 =	vld [tilespmem:s25+$0xFFFFFF90];
	v63 =	vunpack.i.u.bf16.f32 v51;
	v51 =	vunpack.i.l.bf16.f32 v51;
	v48 =	vmul.f32 v48, v0  }
0xfe: {  	v55 =	vld [tilespmem:s31+$0x10];
	v36 =	vmul.f32 v61, v0;
	v23 =	vadd.f32 v45, v23;
	v19 =	vadd.f32 v19, v46  }
0xff: {  	v26 =	vld [tilespmem:s25+$0x10];
	v50 =	vunpack.i.u.bf16.f32 v50;
	v0 =	vunpack.i.l.bf16.f32 v52;
	v51 =	vmul.f32 v51, v62  }
0x100: {  	v37 =	vld [tilespmem:s31+$0x50];
	v33 =	vmul.f32 v63, v62;
	v63 =	vunpack.i.u.bf16.f32 v38;
	v38 =	vunpack.i.l.bf16.f32 v38  }
0x101: {  	v39 =	vld [tilespmem:s31+$0x90];
	v52 =	vunpack.i.u.bf16.f32 v52;
	v29 =	vadd.f32 v54, v29;
	v25 =	vadd.f32 v47, v25  }
0x102: {  	v34 =	vadd.f32 v48, v34;
	v21 =	vadd.f32 v36, v21;
	v31 =	vunpack.i.u.bf16.f32 v60  }
0x103: {  	v43 =	vld [tilespmem:s25+$0x110];
	v40 =	vunpack.i.l.bf16.f32 v60;
	v60 =	vunpack.i.l.bf16.f32 v55;
	v24 =	vadd.f32 v51, v24  }
0x104: {  	v45 =	vld [tilespmem:s25+$0xFFFFFE50];
	v33 =	vadd.f32 v33, v35;
	v55 =	vunpack.i.u.bf16.f32 v55;
	v61 =	vunpack.i.u.bf16.f32 v26  }
0x105: {  	v26 =	vunpack.i.l.bf16.f32 v26;
	v62 =	vunpack.i.l.bf16.f32 v37;
	v40 =	vmul.f32 v40, v0  }
0x106: {  	v46 =	vld [tilespmem:s25+$0xFFFFFED0];
	v31 =	vmul.f32 v31, v0;
	v0 =	vunpack.i.l.bf16.f32 v39;
	v26 =	vmul.f32 v26, v60  }
0x107: {  	v37 =	vunpack.i.u.bf16.f32 v37;
	v42 =	vmul.f32 v61, v60;
	v38 =	vmul.f32 v38, v62  }
0x108: {  	v44 =	vmul.f32 v63, v62;
	v60 =	vunpack.i.u.bf16.f32 v43;
	v43 =	vunpack.i.l.bf16.f32 v43  }
0x109: {  	v36 =	vld [tilespmem:s25+$0xD0];
	v62 =	vunpack.i.u.bf16.f32 v45;
	v45 =	vunpack.i.l.bf16.f32 v45;
	v43 =	vmul.f32 v43, v0  }
0x10a: {  	v39 =	vunpack.i.u.bf16.f32 v39;
	v53 =	vmul.f32 v60, v0;
	v45 =	vmul.f32 v45, v41  }
0x10b: {  	v41 =	vmul.f32 v62, v41;
	v0 =	vunpack.i.u.bf16.f32 v46;
	v46 =	vunpack.i.l.bf16.f32 v46  }
0x10c: {  	v61 =	vld [tilespmem:s25+$0xFFFFFF50];
	v22 =	vadd.f32 v40, v22;
	v20 =	vadd.f32 v31, v20;
	v46 =	vmul.f32 v46, v49  }
0x10d: {  	v63 =	vld [tilespmem:s25+$0xFFFFFFD0];
	v48 =	vmul.f32 v0, v49;
	v26 =	vadd.f32 v26, v28;
	v32 =	vadd.f32 v42, v32  }
0x10e: {  	v54 =	vld [tilespmem:s25+$0x50];
	v28 =	vunpack.i.u.bf16.f32 v36;
	v27 =	vadd.f32 v38, v27;
	v30 =	vadd.f32 v44, v30  }
0x10f: {  	v59 =	vld [tilespmem:s25+$0xFFFFFEA0];
	v36 =	vunpack.i.l.bf16.f32 v36;
	v23 =	vadd.f32 v43, v23;
	v19 =	vadd.f32 v53, v19  }
0x110: {  	v31 =	vld [tilespmem:s31+$0xFFFFFF20];
	v36 =	vmul.f32 v36, v37;
	v29 =	vadd.f32 v45, v29;
	v25 =	vadd.f32 v41, v25  }
0x111: {  	v0 =	vld [tilespmem:s25+$0xFFFFFE20];
	v28 =	vmul.f32 v28, v37;
	v34 =	vadd.f32 v46, v34;
	v21 =	vadd.f32 v48, v21  }
0x112: {  	v38 =	vld [tilespmem:s31+$0xFFFFFF60];
	v60 =	vunpack.i.u.bf16.f32 v61;
	v56 =	vunpack.i.l.bf16.f32 v61;
	v62 =	vunpack.i.u.bf16.f32 v63  }
0x113: {  	v49 =	vld [tilespmem:s25+$0x20];
	v47 =	vunpack.i.l.bf16.f32 v63;
	v63 =	vunpack.i.u.bf16.f32 v54;
	v54 =	vunpack.i.l.bf16.f32 v54  }
0x114: {  	v27 =	vadd.f32 v36, v27;
	v56 =	vmul.f32 v56, v50;
	v50 =	vmul.f32 v60, v50  }
0x115: {  	v28 =	vadd.f32 v28, v30;
	v44 =	vmul.f32 v47, v52;
	v43 =	vmul.f32 v62, v52  }
0x116: {  	v51 =	vld [tilespmem:s31+$0xFFFFFFE0];
	v60 =	vunpack.i.l.bf16.f32 v31;
	v52 =	vmul.f32 v54, v55;
	v40 =	vmul.f32 v63, v55  }
0x117: {  	v61 =	vld [tilespmem:s25+$0x150];
	v47 =	vunpack.i.l.bf16.f32 v59;
	v31 =	vunpack.i.u.bf16.f32 v31;
	v42 =	vunpack.i.l.bf16.f32 v0  }
0x118: {  	v63 =	vunpack.i.l.bf16.f32 v38;
	v30 =	vunpack.i.u.bf16.f32 v49;
	v49 =	vunpack.i.l.bf16.f32 v49  }
0x119: {  	v53 =	vld [tilespmem:s31+$0xFFFFFFA0];
	v38 =	vunpack.i.u.bf16.f32 v38;
	v24 =	vadd.f32 v56, v24;
	v33 =	vadd.f32 v50, v33  }
0x11a: {  	v41 =	vld [tilespmem:s25+$0xFFFFFFA0];
	v42 =	vmul.f32 v42, v60;
	v22 =	vadd.f32 v44, v22;
	v20 =	vadd.f32 v43, v20  }
0x11b: {  	v62 =	vld [tilespmem:s25+$0xFFFFFF20];
	v43 =	vunpack.i.l.bf16.f32 v51;
	v47 =	vmul.f32 v47, v63;
	v26 =	vadd.f32 v52, v26  }
0x11c: {  	v46 =	vld [tilespmem:s31+$0x20];
	v32 =	vadd.f32 v40, v32;
	v51 =	vunpack.i.u.bf16.f32 v51;
	v58 =	vunpack.i.u.bf16.f32 v61  }
0x11d: {  	v35 =	vunpack.i.l.bf16.f32 v61;
	v61 =	vunpack.i.u.bf16.f32 v0;
	v0 =	vunpack.i.u.bf16.f32 v59  }
0x11e: {  	v29 =	vadd.f32 v42, v29;
	v34 =	vadd.f32 v47, v34;
	v35 =	vmul.f32 v35, v39  }
0x11f: {  	v36 =	vld [tilespmem:s25+$0x120];
	v39 =	vmul.f32 v58, v39;
	v48 =	vmul.f32 v61, v60;
	v60 =	vunpack.i.l.bf16.f32 v53  }
0x120: {  	s2 =	sadd.s32 $0xFFFFFFF8, s22;
	v50 =	vld [tilespmem:s31+$0x60];
	v61 =	vunpack.i.u.bf16.f32 v62;
	v37 =	vunpack.i.l.bf16.f32 v62;
	v45 =	vmul.f32 v0, v63  }
0x121: {  	s5 =	sadd.s32 $0xF, s2;
	v63 =	vunpack.i.u.bf16.f32 v41;
	v41 =	vunpack.i.l.bf16.f32 v41;
	v0 =	vunpack.i.l.bf16.f32 v46  }
0x122: {  	v52 =	vld [tilespmem:s31+$0xA0];
	v58 =	vmov s5;
	v53 =	vunpack.i.u.bf16.f32 v53;
	v37 =	vmul.f32 v37, v60  }
0x123: {  	v46 =	vunpack.i.u.bf16.f32 v46;
	v54 =	vmul.f32 v61, v60;
	v49 =	vmul.f32 v49, v0  }
0x124: {  	v30 =	vmul.f32 v30, v0;
	v0 =	vunpack.i.l.bf16.f32 v36;
	v36 =	vunpack.i.u.bf16.f32 v36  }
0x125: {  	v55 =	vshrl.u32 v58, $0x3;
	v60 =	vunpack.i.l.bf16.f32 v50;
	v23 =	vadd.f32 v35, v23  }
0x126: {  	v59 =	vld [tilespmem:s25+$0xFFFFFEE0];
	v19 =	vadd.f32 v39, v19;
	v39 =	vmul.f32 v41, v43;
	v43 =	vmul.f32 v63, v43  }
0x127: {  	v63 =	vunpack.i.l.bf16.f32 v52;
	v25 =	vadd.f32 v48, v25;
	v47 =	vshll.u32 v55, v57  }
0x128: {  	v62 =	vld [tilespmem:s25+$0xA0];
	v45 =	vadd.f32 v45, v21;
	v50 =	vunpack.i.u.bf16.f32 v50;
	v52 =	vunpack.i.u.bf16.f32 v52  }
0x129: {  	v40 =	vmul.f32 v0, v63;
	v24 =	vadd.f32 v37, v24;
	v33 =	vadd.f32 v54, v33  }
0x12a: {  	v21 =	vld [tilespmem:s25+$0xFFFFFFE0];
	v36 =	vmul.f32 v36, v63;
	v26 =	vadd.f32 v49, v26;
	v30 =	vadd.f32 v30, v32  }
0x12b: {  	v0 =	vld [tilespmem:s25+$0xE0];
	v47 =	vadd.s32 $0x7, v47;
	v63 =	vunpack.i.u.bf16.f32 v59;
	v42 =	vunpack.i.l.bf16.f32 v59  }
0x12c: {  	(xrf2) =	vadd.scan.msk.f32 $0xffff, v1;
	v54 =	vld [tilespmem:s31+$0xFFFFFFB0];
	v22 =	vadd.f32 v39, v22;
	v43 =	vadd.f32 v43, v20;
	v1 =	vbroadcast v47, $0x0  }
0x12d: {  	v61 =	vunpack.i.u.bf16.f32 v62;
	v44 =	vunpack.i.l.bf16.f32 v62;
	v62 =	vld [tilespmem:s25+$0xFFFFFE60];
	v42 =	vmul.f32 v42, v38  }
0x12e: {  	v38 =	vmul.f32 v63, v38;
	v63 =	vld [tilespmem:s25+$0xFFFFFE30];
	v23 =	vadd.f32 v40, v23;
	v36 =	vadd.f32 v36, v19  }
0x12f: {  	v44 =	vmul.f32 v44, v60;
	v35 =	vmul.f32 v61, v60;
	v59 =	vunpack.i.u.bf16.f32 v21  }
0x130: {  	v60 =	vld [tilespmem:s25+$0xFFFFFF60];
	v21 =	vunpack.i.l.bf16.f32 v21;
	v34 =	vadd.f32 v42, v34;
	v38 =	vadd.f32 v38, v45  }
0x131: {  	v27 =	vadd.f32 v44, v27;
	v28 =	vadd.f32 v35, v28;
	v39 =	vunpack.i.l.bf16.f32 v0  }
0x132: {  	v44 =	vld [tilespmem:s31+$0xFFFFFF30];
	v49 =	vmul.f32 v59, v51;
	v59 =	vunpack.i.l.bf16.f32 v54;
	v39 =	vmul.f32 v39, v50  }
0x133: {  	v61 =	vunpack.i.u.bf16.f32 v62;
	v41 =	vunpack.i.l.bf16.f32 v62;
	v62 =	vld [tilespmem:s25+$0x60];
	v35 =	vunpack.i.l.bf16.f32 v63  }
0x134: {  	v20 =	vld [tilespmem:s25+$0x160];
	v43 =	vadd.f32 v49, v43;
	v41 =	vmul.f32 v41, v31;
	v31 =	vmul.f32 v61, v31  }
0x135: {  	v58 =	vunpack.i.u.bf16.f32 v60;
	v48 =	vunpack.i.l.bf16.f32 v60;
	v60 =	vmul.f32 v21, v51  }
0x136: {  	v27 =	vadd.f32 v39, v27;
	v48 =	vmul.f32 v48, v53;
	v53 =	vmul.f32 v58, v53  }
0x137: {  	v19 =	vunpack.i.l.bf16.f32 v44;
	v29 =	vadd.f32 v41, v29;
	v25 =	vadd.f32 v31, v25  }
0x138: {  	v51 =	vld [tilespmem:s31+$0xFFFFFF70];
	v31 =	vmul.f32 v35, v19;
	v24 =	vadd.f32 v48, v24;
	v61 =	vunpack.i.u.bf16.f32 v62  }
0x139: {  	v58 =	vld [tilespmem:s25+$0x30];
	v37 =	vunpack.i.l.bf16.f32 v62;
	v62 =	vunpack.i.u.bf16.f32 v0;
	v0 =	vunpack.i.u.bf16.f32 v20  }
0x13a: {  	v21 =	vld [tilespmem:s31+$0xFFFFFFF0];
	v20 =	vunpack.i.l.bf16.f32 v20;
	v37 =	vmul.f32 v37, v46;
	v32 =	vmul.f32 v61, v46  }
0x13b: {  	v33 =	vadd.f32 v53, v33;
	v61 =	vld [tilespmem:s25+$0xFFFFFEB0];
	v50 =	vmul.f32 v62, v50;
	v56 =	vmul.f32 v20, v52  }
0x13c: {  	v40 =	vmul.f32 v0, v52;
	v20 =	vunpack.i.u.bf16.f32 v63;
	v63 =	vld [tilespmem:s25+$0xFFFFFFB0];
	v29 =	vadd.f32 v31, v29  }
0x13d: {  	v62 =	vld [tilespmem:s25+$0xFFFFFF30];
	v35 =	vmul.f32 v20, v19;
	v20 =	vunpack.i.l.bf16.f32 v51;
	v26 =	vadd.f32 v37, v26  }
0x13e: {  	v19 =	vld [tilespmem:s31+$0x30];
	v46 =	vunpack.i.l.bf16.f32 v58;
	v30 =	vadd.f32 v32, v30;
	v28 =	vadd.f32 v50, v28  }
0x13f: {  	v51 =	vunpack.i.u.bf16.f32 v51;
	v23 =	vadd.f32 v56, v23;
	v36 =	vadd.f32 v40, v36  }
0x140: {  	(xrf2) =	vadd.scan.msk.f32 $0xffff, v2;
	v49 =	vld [tilespmem:s25+$0xB0];
	v25 =	vadd.f32 v35, v25;
	v0 =	vunpack.i.u.bf16.f32 v61;
	v48 =	vunpack.i.l.bf16.f32 v61  }
0x141: {  	v61 =	vunpack.i.l.bf16.f32 v21;
	v41 =	vunpack.i.l.bf16.f32 v63;
	v45 =	vmul.f32 v48, v20  }
0x142: {  	v2 =	vld [tilespmem:s25+$0x130];
	v42 =	vmul.f32 v0, v20;
	v48 =	vadd.f32 v60, v22;
	v60 =	vunpack.i.u.bf16.f32 v62  }
0x143: {  	v22 =	vunpack.i.l.bf16.f32 v62;
	v62 =	vunpack.i.u.bf16.f32 v63;
	v63 =	vunpack.i.l.bf16.f32 v19  }
0x144: {  	v0 =	vunpack.i.u.bf16.f32 v58;
	v41 =	vmul.f32 v41, v61;
	v52 =	vmul.f32 v22, v59  }
0x145: {  	v37 =	vmul.f32 v60, v59;
	v59 =	vunpack.i.u.bf16.f32 v49;
	v32 =	vmul.f32 v62, v61  }
0x146: {  	v20 =	vld [tilespmem:s31+$0x70];
	v49 =	vunpack.i.l.bf16.f32 v49;
	v46 =	vmul.f32 v46, v63;
	v39 =	vmul.f32 v0, v63  }
0x147: {  	v22 =	vld [tilespmem:s31+$0xB0];
	v62 =	vunpack.i.l.bf16.f32 v2;
	v34 =	vadd.f32 v45, v34;
	v38 =	vadd.f32 v42, v38  }
0x148: {  	v60 =	vld [tilespmem:s25+$0xFFFFFE70];
	v2 =	vunpack.i.u.bf16.f32 v2;
	v41 =	vadd.f32 v41, v48;
	v24 =	vadd.f32 v52, v24  }
0x149: {  	v31 =	vld [tilespmem:s25+$0xFFFFFEF0];
	v63 =	vunpack.i.u.bf16.f32 v44;
	s31 =	sadd.s32 $0xE, s2;
	v0, _, _ =	vpop (xrf2);
	v33 =	vadd.f32 v37, v33;
	v32 =	vadd.f32 v32, v43  }
0x14a: {  	v26 =	vadd.f32 v46, v26;
	v30 =	vadd.f32 v39, v30;
	v52 =	vmov s31;
	v56, _, _ =	vpop (xrf2)  }
0x14b: {  	v44 =	vmax.f32 v0, $0.0e+00;
	v58 =	vunpack.i.l.bf16.f32 v20;
	v42 =	vmax.f32 v56, $0.0e+00  }
0x14c: {  	s5 =	sadd.s32 $0x9, s2;
	v61 =	vunpack.i.l.bf16.f32 v22;
	v49 =	vmul.f32 v49, v58;
	v40 =	vmul.f32 v59, v58  }
0x14d: {  	s11 =	sadd.s32 $0xA, s2;
	v53 =	vunpack.i.u.bf16.f32 v60;
	v55 =	vunpack.i.l.bf16.f32 v60;
	v58 =	vmov s5  }
0x14e: {  	v59 =	vmov s11;
	v60 =	vunpack.i.l.bf16.f32 v31;
	v50 =	vmul.f32 v62, v61  }
0x14f: {  	s26 =	sadd.s32 $0xB, s2;
	v31 =	vunpack.i.u.bf16.f32 v31;
	v2 =	vmul.f32 v2, v61;
	v45 =	vmul.f32 v55, v63  }
0x150: {  	s29 =	sadd.s32 $0xC, s2;
	s30 =	sadd.s32 $0xD, s2;
	v35 =	vmul.f32 v53, v63;
	v61 =	vmov s26;
	v48 =	vmul.f32 v60, v51  }
0x151: {  	v0 =	vld [tilespmem:s25+$0xFFFFFF70];
	(xrf2) =	vadd.scan.msk.f32 $0xffff, v16;
	s5 =	sadd.s32 $0x8, s2;
	v31 =	vmul.f32 v31, v51;
	v62 =	vmov s29;
	v63 =	vmov s30  }
0x152: {  	(xrf2) =	vadd.scan.msk.f32 $0xffff, v13;
	v47 =	vshrl.u32 v58, $0x3;
	v37 =	vshrl.u32 v59, $0x3;
	v13 =	vmov s5  }
0x153: {  	v55 =	vunpack.i.u.bf16.f32 v54;
	v27 =	vadd.f32 v49, v27;
	v16 =	vshrl.u32 v61, $0x3  }
0x154: {  	(xrf2) =	vadd.scan.msk.f32 $0xffff, v15;
	v53 =	vshrl.u32 v62, $0x3;
	v46 =	vshrl.u32 v63, $0x3;
	v47 =	vshll.u32 v47, v57  }
0x155: {  	(xrf2) =	vadd.scan.msk.f32 $0xffff, v11;
	v49 =	vshrl.u32 v52, $0x3;
	v15 =	vshll.u32 v37, v57;
	v28 =	vadd.f32 v40, v28  }
0x156: {  	(xrf2) =	vadd.scan.msk.f32 $0xffff, v12;
	v16 =	vshll.u32 v16, v57;
	v11 =	vunpack.i.u.bf16.f32 v0;
	v39 =	vunpack.i.l.bf16.f32 v0  }
0x157: {  	v12 =	vshll.u32 v53, v57;
	(xrf2) =	vadd.scan.msk.f32 $0xffff, v10;
	v10 =	vshrl.u32 v13, $0x3;
	v13 =	vshll.u32 v46, v57  }
0x158: {  	v56 =	vld [tilespmem:s25+$0xFFFFFFF0];
	v58 =	vshll.u32 v49, v57;
	v46 =	vadd.f32 v50, v23;
	v36 =	vadd.f32 v2, v36  }
0x159: {  	v59 =	vadd.s32 $0x1, v47;
	v29 =	vadd.f32 v45, v29;
	v25 =	vadd.f32 v35, v25  }
0x15a: {  	v15 =	vadd.s32 $0x2, v15;
	v34 =	vadd.f32 v48, v34;
	v38 =	vadd.f32 v31, v38;
	(xrf2) =	vadd.scan.msk.f32 $0xffff, v9  }
0x15b: {  	v39 =	vmul.f32 v39, v55;
	v11 =	vmul.f32 v11, v55;
	v9 =	vld [tilespmem:s25+$0x70];
	v16 =	vadd.s32 $0x3, v16;
	(xrf2) =	vadd.scan.msk.f32 $0xffff, v8  }
0x15c: {  	v60 =	vld [tilespmem:s25+$0xF0];
	v12 =	vadd.s32 $0x4, v12;
	v13 =	vadd.s32 $0x5, v13;
	v40 =	vadd.s32 $0x6, v58;
	(xrf2) =	vadd.scan.msk.f32 $0xffff, v7  }
0x15d: {  	v43 =	vbroadcast v59, $0x0;
	v52 =	vbroadcast v15, $0x0;
	v8 =	vunpack.i.l.bf16.f32 v56;
	(xrf2) =	vadd.scan.msk.f32 $0xffff, v6  }
0x15e: {  	s0 =	sadd.s32 $0x0, s22;
	v51 =	vbroadcast v16, $0x0;
	v7 =	vunpack.i.u.bf16.f32 v21;
	v6 =	vunpack.i.u.bf16.f32 v56;
	(xrf2) =	vadd.scan.msk.f32 $0xffff, v5;
	v21, _, _ =	vpop (xrf2)  }
0x15f: {  	s11 =	sadd.s32 $0xF, s0;
	v50 =	vbroadcast v12, $0x0;
	v37 =	vmul.f32 v6, v7;
	v5 =	vld [tilespmem:s25+$0x170];
	v6 =	vunpack.i.u.bf16.f32 v19;
	(xrf2) =	vadd.scan.msk.f32 $0xffff, v4;
	v19, _, _ =	vpop (xrf2)  }
0x160: {  	v16 =	vmov s11;
	v23 =	vmul.f32 v8, v7;
	v7 =	vunpack.i.l.bf16.f32 v9;
	(xrf2) =	vadd.scan.msk.f32 $0xffff, v3;
	v61, _, _ =	vpop (xrf2)  }
0x161: {  	v2 =	vunpack.i.l.bf16.f32 v60;
	v4 =	vunpack.i.u.bf16.f32 v9;
	v9 =	vunpack.i.u.bf16.f32 v22;
	v63, _, _ =	vpop (xrf2);
	(xrf2) =	vadd.scan.msk.f32 $0xffff, v17  }
0x162: {  	v3 =	vunpack.i.u.bf16.f32 v20;
	v20 =	vmul.f32 v7, v6;
	v62 =	vmul.f32 v4, v6;
	v6, _, _ =	vpop (xrf2)  }
0x163: {  	v49 =	vbroadcast v40, $0x0;
	v4 =	vunpack.i.u.bf16.f32 v60;
	v17 =	vmul.f32 v2, v3;
	v7, _, _ =	vpop (xrf2)  }
0x164: {  	(xrf2) =	vadd.scan.msk.f32 $0xffff, v18;
	v18 =	vmul.f32 v4, v3;
	v56 =	vunpack.i.u.bf16.f32 v5;
	v3 =	vunpack.i.l.bf16.f32 v5;
	v8, _, _ =	vpop (xrf2)  }
0x165: {  	v16 =	vshrl.u32 v16, $0x3;
	v31 =	vmul.f32 v3, v9;
	v58 =	vmul.f32 v56, v9;
	v9, _, _ =	vpop (xrf2)  }
0x166: {  	v39 =	vadd.f32 v39, v24;
	v16 =	vshll.u32 v16, v57;
	v22 =	vshll.u32 v10, v57;
	v10, _, _ =	vpop (xrf2)  }
0x167: {  	v24 =	vadd.f32 v11, v33;
	v16 =	vadd.s32 $0x7, v16;
	v15 =	vmax.f32 v21, $0.0e+00;
	v11, _, _ =	vpop (xrf2)  }
0x168: {  	[tilespmem:v1+s18+$0x0] =	vst.idx.msk vm0, v44;
	v23 =	vadd.f32 v23, v41;
	v59 =	vmax.f32 v19, $0.0e+00;
	v60 =	vbroadcast v22, $0x0;
	v12, _, _ =	vpop (xrf2)  }
0x169: {  	s31 =	sadd.s32 $0xE, s0;
	v22 =	vadd.f32 v37, v32;
	v21 =	vadd.f32 v20, v26;
	v5 =	vbroadcast v13, $0x0;
	v13, _, _ =	vpop (xrf2);
	(xrf2) =	vadd.scan.msk.f32 $0xffff, v14  }
0x16a: {  	s26 =	sadd.s32 $0x9, s0;
	v26 =	vmax.f32 v61, $0.0e+00;
	v20 =	vadd.f32 v62, v30;
	v61 =	vmov s31;
	v14, _, _ =	vpop (xrf2);
	(xrf2) =	vadd.scan.msk.f32 $0xffff, v29  }
0x16b: {  	s11 =	sadd.s32 $0xB, s0;
	v19 =	vadd.f32 v17, v27;
	v27 =	vmov s26;
	v29 =	vbroadcast v16, $0x0;
	v16, _, _ =	vpop (xrf2);
	(xrf2) =	vadd.scan.msk.f32 $0xffff, v25  }
0x16c: {  	[tilespmem:v1+s19+$0x0] =	vst.idx.msk vm0, v42;
	v18 =	vadd.f32 v18, v28;
	v28 =	vmov s11;
	v27 =	vshrl.u32 v27, $0x3  }
0x16d: {  	s30 =	sadd.s32 $0xC, s0;
	[tilespmem:v43+s18+$0x0] =	vst.idx.msk vm0, v26;
	s26 =	sadd.s32 $0xD, s0;
	v28 =	vshrl.u32 v28, $0x3;
	v27 =	vshll.u32 v27, v57;
	v17 =	vadd.f32 v31, v46  }
0x16e: {  	[tilespmem:v60+s18+$0x0] =	vst.idx.msk vm0, v15;
	v15 =	vmov s30;
	v31 =	vmov s26;
	v28 =	vshll.u32 v28, v57  }
0x16f: {  	v33 =	vadd.s32 $0x1, v27;
	[tilespmem:v60+s19+$0x0] =	vst.idx.msk vm0, v59;
	v15 =	vshrl.u32 v15, $0x3;
	v25 =	vmax.f32 v63, $0.0e+00  }
0x170: {  	s29 =	sadd.s32 $0xA, s0;
	v28 =	vadd.s32 $0x3, v28;
	v62 =	vshll.u32 v15, v57;
	v30 =	vmax.f32 v16, $0.0e+00;
	[tilespmem:v43+s19+$0x0] =	vst.idx.msk vm0, v25  }
0x171: {  	v27 =	vadd.s32 $0x4, v62;
	v16, _, _ =	vpop (xrf2);
	v25 =	vmov s29;
	[tilespmem:v29+s18+$0x0] =	vst.idx.msk vm0, v30;
	v30 =	vshrl.u32 v31, $0x3  }
0x172: {  	s0 =	sadd.s32 $0x8, s0;
	(xrf2) =	vadd.scan.msk.f32 $0xffff, v34;
	v26 =	vmax.f32 v16, $0.0e+00;
	v16 =	vadd.f32 v58, v36;
	v25 =	vshrl.u32 v25, $0x3  }
0x173: {  	v25 =	vshll.u32 v25, v57;
	[tilespmem:v29+s19+$0x0] =	vst.idx.msk vm0, v26;
	v26 =	vmov s0;
	v29 =	vshrl.u32 v61, $0x3;
	v15, _, _ =	vpop (xrf2)  }
0x174: {  	(xrf2) =	vadd.scan.msk.f32 $0xffff, v38;
	v31 =	vshrl.u32 v26, $0x3;
	v26 =	vshll.u32 v30, v57;
	v63 =	vshll.u32 v29, v57;
	v30, _, _ =	vpop (xrf2)  }
0x175: {  	s28 =	simm.s32 $0x7B20;
	s26 =	simm.s32 $0x8;
	v29 =	vadd.s32 $0x2, v25;
	(xrf2) =	vadd.scan.msk.f32 $0xffff, v39;
	v26 =	vadd.s32 $0x5, v26;
	v25 =	vadd.s32 $0x6, v63;
	v32, _, _ =	vpop (xrf2)  }
.LBB2_3:
0x176: {  	_ = 	snop  }
0x177: {  	v34 =	vld [tilespmem:s28+$0xF0]  }
0x178: {  	v35 =	vld [tilespmem:s28+$0xE0]  }
0x179: {  	v31 =	vshll.u32 v31, v57;
	v33 =	vbroadcast v33, $0x0;
	(xrf2) =	vadd.scan.msk.f32 $0xffff, v24;
	v24 =	vld [tilespmem:s28+$0xC0]  }
0x17a: {  	v29 =	vbroadcast v29, $0x0;
	v30 =	vmax.f32 v30, $0.0e+00;
	s25 =	sadd.s32 $0x400, s25;
	v38 =	vld [tilespmem:s28+$0xD0];
	v6 =	vmax.f32 v6, $0.0e+00  }
0x17b: {  	v28 =	vbroadcast v28, $0x0;
	v27 =	vbroadcast v27, $0x0;
	v37 =	vld [tilespmem:s25+$0x180];
	v8 =	vmax.f32 v8, $0.0e+00;
	[tilespmem:v52+s18+$0x0] =	vst.idx.msk vm0, v6  }
0x17c: {  	v32 =	vmax.f32 v32, $0.0e+00;
	v26 =	vbroadcast v26, $0x0;
	v56 =	vld [tilespmem:s25+$0x190];
	v10 =	vmax.f32 v10, $0.0e+00;
	[tilespmem:v51+s18+$0x0] =	vst.idx.msk vm0, v8  }
0x17d: {  	v25 =	vbroadcast v25, $0x0;
	v31 =	vbroadcast v31, $0x0;
	v45 =	vld [tilespmem:s25+$0x1A0];
	v12 =	vmax.f32 v12, $0.0e+00;
	[tilespmem:v50+s18+$0x0] =	vst.idx.msk vm0, v10  }
0x17e: {  	v63 =	vld [tilespmem:s25+$0x1E0];
	v7 =	vmax.f32 v7, $0.0e+00;
	v9 =	vmax.f32 v9, $0.0e+00;
	v14 =	vmax.f32 v14, $0.0e+00;
	[tilespmem:v5+s18+$0x0] =	vst.idx.msk vm0, v12  }
0x17f: {  	v40 =	vld [tilespmem:s25+$0xFFFFFE00];
	v11 =	vmax.f32 v11, $0.0e+00;
	v13 =	vmax.f32 v13, $0.0e+00;
	v59 =	vmax.f32 v15, $0.0e+00;
	[tilespmem:v49+s18+$0x0] =	vst.idx.msk vm0, v14  }
0x180: {  	v60 =	vld [tilespmem:s25+$0x1D0];
	v58 =	vunpack.i.u.bf16.f32 v34;
	v34 =	vunpack.i.l.bf16.f32 v34;
	v42 =	vunpack.i.u.bf16.f32 v35;
	[tilespmem:v52+s19+$0x0] =	vst.idx.msk vm0, v7  }
0x181: {  	v2 =	vmovc v26;
	v35 =	vunpack.i.l.bf16.f32 v35;
	v43 =	vunpack.i.u.bf16.f32 v38;
	v41 =	vunpack.i.l.bf16.f32 v37;
	[tilespmem:v51+s19+$0x0] =	vst.idx.msk vm0, v9;
	v26 =	vld [tilespmem:s28+$0x80]  }
0x182: {  	v37 =	vunpack.i.u.bf16.f32 v37;
	v62 =	vunpack.i.l.bf16.f32 v56;
	[tilespmem:v50+s19+$0x0] =	vst.idx.msk vm0, v11;
	v36, _, _ =	vpop (xrf2);
	(xrf2) =	vadd.scan.msk.f32 $0xffff, v23;
	v23 =	vld [tilespmem:s25+$0x1C0]  }
0x183: {  	v4 =	vunpack.i.u.bf16.f32 v56;
	v3 =	vunpack.i.l.bf16.f32 v63;
	v12 =	vunpack.i.u.bf16.f32 v45;
	[tilespmem:v5+s19+$0x0] =	vst.idx.msk vm0, v13;
	v51 =	vld [tilespmem:s25+$0xFFFFFF80]  }
0x184: {  	v54 =	vunpack.i.u.bf16.f32 v63;
	[tilespmem:v49+s19+$0x0] =	vst.idx.msk vm0, v59;
	v14 =	vld [tilespmem:s25+$0x80];
	v39, _, _ =	vpop (xrf2);
	(xrf2) =	vadd.scan.msk.f32 $0xffff, v22;
	v22 =	vunpack.i.l.bf16.f32 v24  }
0x185: {  	[tilespmem:v31+s18+$0x0] =	vst.idx.msk vm0, v30;
	v12 =	vmul.f32 v12, v35;
	v50 =	vld [tilespmem:s25+$0x140];
	v36 =	vmax.f32 v36, $0.0e+00;
	v7 =	vmul.f32 v41, v22  }
0x186: {  	v56 =	vmovc v25;
	v24 =	vunpack.i.u.bf16.f32 v24;
	[tilespmem:v31+s19+$0x0] =	vst.idx.msk vm0, v32;
	v31 =	vunpack.i.l.bf16.f32 v38;
	v38 =	vld [tilespmem:s25+$0xFFFFFF40];
	v22 =	vmul.f32 v37, v22  }
0x187: {  	v6 =	vmax.f32 v39, $0.0e+00;
	[tilespmem:v33+s18+$0x0] =	vst.idx.msk vm0, v36;
	v0, _, _ =	vpop (xrf2);
	(xrf2) =	vadd.scan.msk.f32 $0xffff, v21;
	v25 =	vld [tilespmem:s28+$0xFFFFFF00];
	v44 =	vadd.f32 $0.0e+00, v7  }
0x188: {  	[tilespmem:v33+s19+$0x0] =	vst.idx.msk vm0, v6;
	v37 =	vadd.f32 $0.0e+00, v22;
	v22 =	vunpack.i.l.bf16.f32 v60;
	v63 =	vunpack.i.l.bf16.f32 v26  }
0x189: {  	v61, _, _ =	vpop (xrf2);
	(xrf2) =	vadd.scan.msk.f32 $0xffff, v20;
	v20 =	vld [tilespmem:s25+$0xFFFFFF00];
	v26 =	vunpack.i.u.bf16.f32 v26;
	v30 =	vunpack.i.l.bf16.f32 v23;
	v8 =	vunpack.i.u.bf16.f32 v23  }
0x18a: {  	v52 =	vmovc v27;
	v15 =	vld [tilespmem:s28+$0xFFFFFF40];
	v39 =	vunpack.i.u.bf16.f32 v51;
	v49 =	vunpack.i.l.bf16.f32 v14;
	v7 =	vunpack.i.u.bf16.f32 v50  }
0x18b: {  	v1 =	vmovc v29;
	[tilespmem:$0x1FEC0] =	vst v52;
	v29 =	vld [tilespmem:s25+$0xFFFFFE80];
	v30 =	vmul.f32 v30, v24;
	v24 =	vmul.f32 v8, v24;
	v52 =	vunpack.i.u.bf16.f32 v38  }
0x18c: {  	v21 =	vld [tilespmem:s28+$0xFFFFFF80];
	[tilespmem:$0x1FFC0] =	vst v61;
	v38 =	vunpack.i.l.bf16.f32 v38;
	v61 =	vunpack.i.l.bf16.f32 v25;
	v25 =	vunpack.i.u.bf16.f32 v25  }
0x18d: {  	v47 =	vld [tilespmem:s25+$0x1F0];
	v23 =	vadd.f32 v30, v44;
	v30 =	vmul.f32 v62, v31;
	v10 =	vadd.f32 v24, v37  }
0x18e: {  	[tilespmem:$0x1FFD0] =	vst v2;
	v2 =	vld [tilespmem:s28+$0xFFFFFF10];
	v24 =	vmul.f32 v4, v31;
	v31 =	vunpack.i.l.bf16.f32 v45;
	v36 =	vunpack.i.u.bf16.f32 v20  }
0x18f: {  	[tilespmem:$0x1FE10] =	vst v1;
	v1 =	vld [tilespmem:s28+$0xFFFFFF50];
	v20 =	vunpack.i.l.bf16.f32 v20;
	v37 =	vunpack.i.l.bf16.f32 v51;
	v31 =	vmul.f32 v31, v35  }
0x190: {  	v46 =	vmovc v28;
	v8 =	vld [tilespmem:s25+$0x110];
	v32 =	vunpack.i.l.bf16.f32 v15;
	v59 =	vunpack.i.u.bf16.f32 v29;
	v29 =	vunpack.i.l.bf16.f32 v29  }
0x191: {  	[tilespmem:$0x1FF30] =	vst v46;
	v4 =	vld [tilespmem:s28+$0xFFFFFFD0];
	v35 =	vunpack.i.l.bf16.f32 v21;
	v9 =	vadd.f32 v30, v23;
	v23 =	vmul.f32 v22, v43  }
0x192: {  	v44, _, _ =	vpop (xrf2);
	v30 =	vld [tilespmem:s25+$0x1B0];
	(xrf2) =	vadd.scan.msk.f32 $0xffff, v19;
	v19 =	vunpack.i.u.bf16.f32 v60;
	v29 =	vmul.f32 v29, v32;
	v32 =	vmul.f32 v59, v32  }
0x193: {  	[tilespmem:$0x1FEE0] =	vst v56;
	v22 =	vld [tilespmem:s28+$0xFFFFFFC0];
	v10 =	vadd.f32 v24, v10;
	v56 =	vmul.f32 v20, v35;
	v11 =	vmul.f32 v19, v43  }
0x194: {  	[tilespmem:$0x1FFE0] =	vst v0;
	v24 =	vld [tilespmem:s28+$0x40];
	v35 =	vmul.f32 v36, v35;
	v36 =	vunpack.i.u.bf16.f32 v15;
	v48, _, _ =	vpop (xrf2);
	v28 =	vadd.f32 v23, v9  }
0x195: {  	v59 =	vld [tilespmem:s25+$0x10];
	[tilespmem:$0x1FF70] =	vst v48;
	v48 =	vunpack.i.u.bf16.f32 v14;
	v29 =	vadd.f32 $0.0e+00, v29;
	v11 =	vadd.f32 v11, v10  }
0x196: {  	(xrf2) =	vadd.scan.msk.f32 $0xffff, v18;
	v18 =	vld [tilespmem:s25+$0x0];
	v56 =	vadd.f32 $0.0e+00, v56;
	v19 =	vadd.f32 v31, v28;
	v28 =	vmul.f32 v3, v42  }
0x197: {  	[tilespmem:$0x1FFB0] =	vst v44;
	v44 =	vld [tilespmem:s25+$0x40];
	v31 =	vunpack.i.u.bf16.f32 v47;
	v27 =	vunpack.i.l.bf16.f32 v30;
	v12 =	vadd.f32 v12, v11  }
0x198: {  	v23 =	vld [tilespmem:s28+$0x0];
	v53, _, _ =	vpop (xrf2);
	(xrf2) =	vadd.scan.msk.f32 $0xffff, v17;
	v11 =	vunpack.i.l.bf16.f32 v47;
	v17 =	vunpack.i.u.bf16.f32 v30;
	v31 =	vmul.f32 v31, v58  }
0x199: {  	[tilespmem:$0x1FF50] =	vst v53;
	v53 =	vld [tilespmem:s25+$0xFFFFFE10];
	v46 =	vunpack.i.l.bf16.f32 v24;
	v0 =	vunpack.i.u.bf16.f32 v24;
	v13 =	vadd.f32 v28, v19  }
0x19a: {  	v55, _, _ =	vpop (xrf2);
	v10 =	vld [tilespmem:s28+$0x10];
	v19 =	vmul.f32 v27, v34;
	v27 =	vmul.f32 v54, v42;
	v28 =	vunpack.i.u.bf16.f32 v40  }
0x19b: {  	[tilespmem:$0x1FF80] =	vst v55;
	v55 =	vld [tilespmem:s25+$0xFFFFFE90];
	v17 =	vmul.f32 v17, v34;
	v43 =	vunpack.i.u.bf16.f32 v18;
	v45 =	vunpack.i.l.bf16.f32 v18  }
0x19c: {  	v3 =	vld [tilespmem:s28+$0xFFFFFF90];
	v13 =	vadd.f32 v19, v13;
	v19 =	vmul.f32 v11, v58;
	v12 =	vadd.f32 v27, v12  }
0x19d: {  	v47 =	vld [tilespmem:s25+$0xC0];
	v49 =	vmul.f32 v49, v46;
	v46 =	vmul.f32 v48, v46;
	v42 =	vunpack.i.l.bf16.f32 v23  }
0x19e: {  	v30 =	vld [tilespmem:s25+$0x100];
	v28 =	vmul.f32 v28, v61;
	v13 =	vadd.f32 v19, v13;
	v17 =	vadd.f32 v17, v12  }
0x19f: {  	v34 =	vld [tilespmem:s25+$0xFFFFFEC0];
	v27 =	vunpack.i.l.bf16.f32 v40;
	v45 =	vmul.f32 v45, v42;
	v42 =	vmul.f32 v43, v42  }
0x1a0: {  	v40 =	vld [tilespmem:s25+$0xFFFFFFC0];
	v27 =	vmul.f32 v27, v61;
	v58, _, _ =	vpop (xrf2);
	(xrf2) =	vadd.scan.msk.f32 $0xffff, v13;
	v17 =	vadd.f32 v31, v17;
	v31 =	vunpack.i.l.bf16.f32 v22  }
0x1a1: {  	v48 =	vunpack.i.u.bf16.f32 v21;
	v21 =	vld [tilespmem:s28+$0x50];
	v37 =	vmul.f32 v37, v31;
	v31 =	vmul.f32 v39, v31  }
0x1a2: {  	v43 =	vld [tilespmem:s25+$0xFFFFFF90];
	v28 =	vadd.f32 $0.0e+00, v28;
	v6 =	vunpack.i.u.bf16.f32 v47;
	v47 =	vunpack.i.l.bf16.f32 v47;
	v60, _, _ =	vpop (xrf2)  }
0x1a3: {  	v19 =	vld [tilespmem:s25+$0xFFFFFE40];
	v47 =	vmul.f32 v47, v0;
	[tilespmem:$0x1FF60] =	vst v60;
	v60 =	vunpack.i.u.bf16.f32 v30;
	v5 =	vadd.f32 $0.0e+00, v31  }
0x1a4: {  	s0 =	smov.u32 s26;
	v13 =	vmul.f32 v38, v48;
	v38 =	vld [tilespmem:s25+$0xD0];
	v39 =	vunpack.i.u.bf16.f32 v34;
	v51 =	vmul.f32 v60, v63  }
0x1a5: {  	s31 =	sadd.s32 s0, s22;
	v41 =	vunpack.i.u.bf16.f32 v40;
	v60 =	vunpack.i.l.bf16.f32 v40;
	v40 =	vld [tilespmem:s25+$0xFFFFFED0];
	[tilespmem:$0x1FCB0] =	vst v5;
	v5 =	vadd.f32 $0.0e+00, v42  }
0x1a6: {  	s29 =	sadd.s32 $0xF, s31;
	v11 =	vmul.f32 v6, v0;
	v6 =	vunpack.i.l.bf16.f32 v1;
	v14 =	vmul.f32 v39, v36;
	v39 =	vld [tilespmem:s25+$0x150]  }
0x1a7: {  	(xrf2) =	vadd.scan.msk.f32 $0xffff, v17;
	v17 =	vmov s29;
	[tilespmem:$0x1FCC0] =	vst v5;
	v5 =	vadd.f32 $0.0e+00, v46;
	v46 =	vld [tilespmem:s25+$0xFFFFFE20]  }
0x1a8: {  	v62, _, _ =	vpop (xrf2);
	v22 =	vunpack.i.u.bf16.f32 v22;
	v34 =	vunpack.i.l.bf16.f32 v34;
	v18 =	vshrl.u32 v17, $0x3;
	(xrf2) =	vadd.scan.msk.f32 $0xffff, v16;
	v17 =	vld [tilespmem:s28+$0x90]  }
0x1a9: {  	v54 =	vunpack.i.u.bf16.f32 v19;
	v16 =	vmul.f32 v34, v36;
	v34 =	vld [tilespmem:s25+$0xFFFFFEA0];
	[tilespmem:$0x1FCD0] =	vst v5;
	v5 =	vadd.f32 $0.0e+00, v51  }
0x1aa: {  	v33 =	vunpack.i.l.bf16.f32 v19;
	v19 =	vadd.f32 $0.0e+00, v37;
	v37 =	vld [tilespmem:s28+$0xFFFFFFA0];
	v18 =	vshll.u32 v18, v57;
	v20, _, _ =	vpop (xrf2)  }
0x1ab: {  	v57 =	vld [tilespmem:s25+$0xFFFFFF10];
	v54 =	vmul.f32 v54, v25;
	v15 =	vmax.f32 v20, $0.0e+00;
	v20 =	vadd.f32 $0.0e+00, v32;
	[tilespmem:$0x1FCE0] =	vst v5  }
0x1ac: {  	v48 =	vmul.f32 v52, v48;
	v18 =	vadd.s32 $0x7, v18;
	v5 =	vunpack.i.u.bf16.f32 v55;
	[tilespmem:$0x1FD00] =	vst v46;
	v46 =	vld [tilespmem:s28+$0xFFFFFFE0]  }
0x1ad: {  	v54 =	vadd.f32 v54, v28;
	v28 =	vadd.f32 v14, v20;
	v20 =	vmul.f32 v5, v6;
	v5 =	vld [tilespmem:$0x1FCB0]  }
0x1ae: {  	v52 =	vmul.f32 v60, v22;
	v42 =	vld [tilespmem:s28+$0xFFFFFF20];
	v61 =	vbroadcast v18, $0x0;
	v18 =	vadd.f32 $0.0e+00, v27  }
0x1af: {  	v27 =	vunpack.i.l.bf16.f32 v50;
	v50 =	vmul.f32 v33, v25;
	v25 =	vadd.f32 $0.0e+00, v35;
	v33 =	vld [tilespmem:s28+$0xFFFFFF60]  }
0x1b0: {  	[tilespmem:$0x1FF40] =	vst v58;
	v0 =	vunpack.i.l.bf16.f32 v10;
	v41 =	vmul.f32 v41, v22;
	v60 =	vunpack.i.u.bf16.f32 v53;
	v35 =	vld [tilespmem:s25+$0x50]  }
0x1b1: {  	[tilespmem:$0x1FFA0] =	vst v62;
	v53 =	vunpack.i.l.bf16.f32 v53;
	v25 =	vadd.f32 v48, v25;
	v48 =	vadd.f32 v52, v19;
	v52 =	vld [tilespmem:s25+$0x120]  }
0x1b2: {  	v51 =	vunpack.i.l.bf16.f32 v2;
	[tilespmem:$0x1FD50] =	vst v46;
	v46 =	vadd.f32 v16, v29;
	v29 =	vadd.f32 v41, v5;
	v5 =	vld [tilespmem:s25+$0xFFFFFE60]  }
0x1b3: {  	v30 =	vunpack.i.l.bf16.f32 v30;
	[tilespmem:$0x1FD30] =	vst v37;
	v53 =	vmul.f32 v53, v51;
	v60 =	vmul.f32 v60, v51;
	v51 =	vld [tilespmem:s25+$0xA0]  }
0x1b4: {  	v58 =	vmul.f32 v30, v63;
	v31 =	vmov v4;
	v37 =	vunpack.i.l.bf16.f32 v4;
	v32 =	vld [tilespmem:s25+$0xFFFFFFD0];
	[tilespmem:$0x1FD10] =	vst v33;
	v62, _, _ =	vpop (xrf2)  }
0x1b5: {  	v4 =	vunpack.i.l.bf16.f32 v59;
	v33 =	vmov v10;
	v10 =	vunpack.i.u.bf16.f32 v59;
	v59 =	vld [tilespmem:s28+$0x20];
	[tilespmem:v61+s18+$0x0] =	vst.idx.msk vm0, v15;
	v63, _, _ =	vpop (xrf2)  }
0x1b6: {  	v49 =	vadd.f32 $0.0e+00, v49;
	v45 =	vadd.f32 $0.0e+00, v45;
	v12 =	vmul.f32 v7, v26;
	[tilespmem:$0x1FF90] =	vst v63;
	v63 =	vld [tilespmem:s25+$0x90]  }
0x1b7: {  	v9 =	vunpack.i.u.bf16.f32 v43;
	v43 =	vunpack.i.l.bf16.f32 v43;
	v30 =	vmax.f32 v62, $0.0e+00;
	[tilespmem:$0x1FDA0] =	vst v5;
	v5 =	vld [tilespmem:$0x1FCC0]  }
0x1b8: {  	v24 =	vmovc v2;
	v58 =	vadd.f32 $0.0e+00, v58;
	v36 =	vmovc v1;
	v1 =	vunpack.i.l.bf16.f32 v21;
	[tilespmem:v61+s19+$0x0] =	vst.idx.msk vm0, v30;
	v61 =	vunpack.i.u.bf16.f32 v23;
	v23 =	vld [tilespmem:s25+$0xFFFFFE50]  }
0x1b9: {  	v19 =	vunpack.i.u.bf16.f32 v24;
	v62 =	vunpack.i.u.bf16.f32 v44;
	v44 =	vunpack.i.l.bf16.f32 v44;
	v30 =	vld [tilespmem:s25+$0xFFFFFF50]  }
0x1ba: {  	v55 =	vunpack.i.l.bf16.f32 v55;
	v22 =	vmul.f32 v44, v61;
	v61 =	vmul.f32 v62, v61;
	v44 =	vld [tilespmem:s25+$0xFFFFFF20]  }
0x1bb: {  	v62 =	vmul.f32 v27, v26;
	v26 =	vunpack.i.u.bf16.f32 v57;
	v27 =	vunpack.i.l.bf16.f32 v57;
	v57 =	vld [tilespmem:s25+$0xFFFFFFA0]  }
0x1bc: {  	[tilespmem:$0x1FD20] =	vst v34;
	v34 =	vmovc v21;
	v2 =	vunpack.i.l.bf16.f32 v17;
	v21 =	vmul.f32 v55, v6;
	v55 =	vadd.f32 v61, v5;
	v5 =	vld [tilespmem:s25+$0xFFFFFEE0]  }
0x1bd: {  	v43 =	vmul.f32 v43, v37;
	v15 =	vunpack.i.l.bf16.f32 v3;
	v54 =	vadd.f32 v60, v54;
	v16 =	vld [tilespmem:s28+$0x60]  }
0x1be: {  	[tilespmem:$0x1FCF0] =	vst v42;
	v14 =	vmul.f32 v10, v0;
	v6 =	vunpack.i.u.bf16.f32 v38;
	v38 =	vunpack.i.l.bf16.f32 v38;
	v61 =	vld [tilespmem:s25+$0x60]  }
0x1bf: {  	v27 =	vmul.f32 v27, v15;
	v41 =	vadd.f32 v22, v45;
	v45 =	vld [tilespmem:s25+$0xFFFFFEB0];
	v7 =	vunpack.i.u.bf16.f32 v63;
	[tilespmem:$0x1FD40] =	vst v44  }
0x1c0: {  	v42 =	vmovc v3;
	v3 =	vunpack.i.l.bf16.f32 v63;
	v63 =	vld [tilespmem:s25+$0x20];
	v24 =	vunpack.i.u.bf16.f32 v23;
	v46 =	vadd.f32 v21, v46;
	[tilespmem:$0x1FD60] =	vst v57  }
0x1c1: {  	v57 =	vadd.f32 v50, v18;
	v18 =	vunpack.i.u.bf16.f32 v8;
	v8 =	vunpack.i.l.bf16.f32 v8;
	[tilespmem:$0x1FDB0] =	vst v5;
	v5 =	vld [tilespmem:$0x1FCD0]  }
0x1c2: {  	v44 =	vmovc v17;
	v50 =	vadd.f32 v13, v56;
	v13 =	vld [tilespmem:s28+$0xA0];
	v56 =	vadd.f32 v47, v49;
	v17 =	vmul.f32 v26, v15  }
0x1c3: {  	v26 =	vadd.f32 v62, v58;
	v58 =	vunpack.i.u.bf16.f32 v40;
	[tilespmem:$0x1FDE0] =	vst v61;
	v61 =	vunpack.i.u.bf16.f32 v42;
	v42 =	vld [tilespmem:s28+$0xFFFFFF70]  }
0x1c4: {  	v60 =	vmul.f32 v24, v19;
	[tilespmem:$0x1FD80] =	vst v16;
	v16 =	vmul.f32 v9, v37;
	v37 =	vunpack.i.u.bf16.f32 v36;
	v36 =	vld [tilespmem:s25+$0xFFFFFE30]  }
0x1c5: {  	v40 =	vunpack.i.l.bf16.f32 v40;
	v62 =	vld [tilespmem:s28+$0xFFFFFF30];
	v10 =	vmul.f32 v8, v2;
	v15 =	vmul.f32 v18, v2  }
0x1c6: {  	v18 =	vunpack.i.l.bf16.f32 v35;
	v2 =	vunpack.i.u.bf16.f32 v34;
	[tilespmem:$0x1FE30] =	vst v45;
	v22 =	vadd.f32 v11, v5;
	v5 =	vld [tilespmem:s25+$0xFFFFFF60]  }
0x1c7: {  	v8 =	vld [tilespmem:$0x1FCF0];
	[tilespmem:$0x1FD90] =	vst v13;
	v13 =	vmul.f32 v4, v0;
	v4 =	vunpack.i.l.bf16.f32 v30;
	v11 =	vmul.f32 v7, v1  }
0x1c8: {  	v7 =	vunpack.i.l.bf16.f32 v23;
	[tilespmem:$0x1FE20] =	vst v42;
	v42 =	vadd.f32 v17, v25;
	v25 =	vmul.f32 v4, v61;
	v4 =	vld [tilespmem:s25+$0x30]  }
0x1c9: {  	v34 =	vunpack.i.l.bf16.f32 v39;
	v9 =	vunpack.i.u.bf16.f32 v35;
	[tilespmem:$0x1FE00] =	vst v36;
	v36 =	vmul.f32 v7, v19;
	v7 =	vld [tilespmem:s25+$0xFFFFFF30]  }
0x1ca: {  	v53 =	vadd.f32 v53, v57;
	v21 =	vmul.f32 v38, v2;
	v38 =	vld [tilespmem:$0x1FD20];
	v45 =	vadd.f32 v20, v28;
	[tilespmem:$0x1FDF0] =	vst v62  }
0x1cb: {  	v28 =	vmul.f32 v40, v37;
	v29 =	vadd.f32 v16, v29;
	v62 =	vunpack.i.u.bf16.f32 v30;
	[tilespmem:$0x1FDC0] =	vst v5;
	v5 =	vld [tilespmem:$0x1FCE0]  }
0x1cc: {  	v0 =	vunpack.i.u.bf16.f32 v31;
	v31 =	vadd.f32 v10, v26;
	v40 =	vadd.f32 v13, v41;
	v41 =	vld [tilespmem:s25+$0xFFFFFEF0]  }
0x1cd: {  	v10 =	vunpack.i.l.bf16.f32 v51;
	v28 =	vadd.f32 v28, v46;
	v26 =	vunpack.i.l.bf16.f32 v8;
	[tilespmem:$0x1FE80] =	vst v4;
	v4 =	vld [tilespmem:s28+$0x70]  }
0x1ce: {  	v13 =	vunpack.i.u.bf16.f32 v52;
	v52 =	vunpack.i.l.bf16.f32 v52;
	v55 =	vadd.f32 v14, v55;
	[tilespmem:$0x1FE50] =	vst v7;
	v7 =	vld [tilespmem:s28+$0xFFFFFFF0]  }
0x1cf: {  	v14 =	vunpack.i.u.bf16.f32 v63;
	v23 =	vunpack.i.u.bf16.f32 v39;
	v61 =	vmul.f32 v62, v61;
	v62 =	vld [tilespmem:$0x1FD00]  }
0x1d0: {  	v47 =	vadd.f32 v12, v5;
	v5 =	vld [tilespmem:s25+$0xFFFFFFE0];
	v12 =	vmul.f32 v3, v1;
	v1 =	vunpack.i.u.bf16.f32 v33  }
0x1d1: {  	v35 =	vadd.f32 v11, v22;
	v36 =	vadd.f32 v36, v53;
	v3 =	vld [tilespmem:s28+$0xFFFFFFB0];
	v22 =	vmul.f32 v18, v1  }
0x1d2: {  	v53 =	vadd.f32 v60, v54;
	[tilespmem:$0x1FE90] =	vst v4;
	v4 =	vld [tilespmem:$0x1FD80];
	v33 =	vmul.f32 v9, v1;
	v18 =	vmul.f32 v6, v2  }
0x1d3: {  	[tilespmem:$0x1FE60] =	vst v7;
	v7 =	vld [tilespmem:s28+$0x30];
	v9 =	vunpack.i.l.bf16.f32 v63;
	v63 =	vunpack.i.u.bf16.f32 v51;
	v39 =	vadd.f32 v12, v56  }
0x1d4: {  	v6 =	vld [tilespmem:$0x1FD10];
	v30 =	vadd.f32 v15, v47;
	v15 =	vunpack.i.u.bf16.f32 v62;
	v47 =	vunpack.i.l.bf16.f32 v62  }
0x1d5: {  	v56 =	vld [tilespmem:s28+$0xB0];
	v47 =	vmul.f32 v47, v26;
	v60 =	vmul.f32 v15, v26;
	[tilespmem:$0x1FDD0] =	vst v5;
	v5 =	vunpack.i.u.bf16.f32 v32  }
0x1d6: {  	v12 =	vld [tilespmem:$0x1FD30];
	v32 =	vunpack.i.l.bf16.f32 v32;
	[tilespmem:$0x1FE40] =	vst v3;
	v3 =	vunpack.i.u.bf16.f32 v44;
	v44 =	vadd.f32 v27, v50  }
0x1d7: {  	v62 =	vld [tilespmem:s25+$0xFFFFFF70];
	v27 =	vmul.f32 v58, v37;
	v58 =	vadd.f32 v43, v48;
	v46 =	vunpack.i.u.bf16.f32 v4  }
0x1d8: {  	v37 =	vld [tilespmem:s25+$0xFFFFFE70];
	v36 =	vadd.f32 v47, v36;
	v24 =	vmul.f32 v32, v0;
	v20 =	vmul.f32 v5, v0  }
0x1d9: {  	[tilespmem:$0x1FD70] =	vst v59;
	v43 =	vld [tilespmem:$0x1FD40];
	v19 =	vmul.f32 v34, v3;
	v34 =	vunpack.i.u.bf16.f32 v38;
	v17 =	vmul.f32 v23, v3  }
0x1da: {  	v23 =	vunpack.i.l.bf16.f32 v38;
	v32 =	vld [tilespmem:$0x1FD60];
	v0 =	vunpack.i.l.bf16.f32 v4;
	[tilespmem:$0x1FEA0] =	vst v56;
	v56 =	vunpack.i.l.bf16.f32 v6  }
0x1db: {  	v5 =	vld [tilespmem:$0x1FD70];
	v25 =	vadd.f32 v25, v44;
	v23 =	vmul.f32 v23, v56;
	v26 =	vadd.f32 v24, v58  }
0x1dc: {  	v59 =	vld [tilespmem:s25+$0xE0];
	v58 =	vadd.f32 v20, v29;
	v29 =	vmul.f32 v34, v56;
	v56 =	vadd.f32 v22, v40  }
0x1dd: {  	v3 =	vld [tilespmem:s25+$0xF0];
	[tilespmem:$0x1FEF0] =	vst v62;
	v34 =	vadd.f32 v18, v35;
	v22 =	vadd.f32 v19, v31;
	v19 =	vunpack.i.u.bf16.f32 v8  }
0x1de: {  	v62 =	vld [tilespmem:$0x1FD50];
	v8 =	vunpack.i.u.bf16.f32 v6;
	v31 =	vunpack.i.u.bf16.f32 v12;
	[tilespmem:$0x1FEB0] =	vst v37;
	v37 =	vunpack.i.l.bf16.f32 v12  }
0x1df: {  	[tilespmem:$0x1FE70] =	vst v7;
	v6 =	vld [tilespmem:$0x1FDB0];
	v38 =	vunpack.i.u.bf16.f32 v43;
	v7 =	vunpack.i.l.bf16.f32 v43;
	v23 =	vadd.f32 v23, v28  }
0x1e0: {  	[tilespmem:$0x1FED0] =	vst v41;
	v41 =	vld [tilespmem:s25+$0xFFFFFFF0];
	v16 =	vunpack.i.u.bf16.f32 v32;
	v11 =	vunpack.i.l.bf16.f32 v32;
	v1 =	vunpack.i.l.bf16.f32 v5  }
0x1e1: {  	v48 =	vld [tilespmem:s25+$0xB0];
	v32 =	vadd.f32 v27, v45;
	v27 =	vadd.f32 v33, v55;
	v40 =	vmul.f32 v7, v37  }
0x1e2: {  	v43 =	vld [tilespmem:s25+$0x70];
	v55 =	vadd.f32 v17, v30;
	v15 =	vmul.f32 v9, v1;
	v1 =	vmul.f32 v14, v1  }
0x1e3: {  	[tilespmem:$0x1FF20] =	vst v3;
	v3 =	vld [tilespmem:$0x1FD90];
	v2 =	vunpack.i.l.bf16.f32 v62;
	v14 =	vmul.f32 v10, v0;
	v0 =	vmul.f32 v63, v0  }
0x1e4: {  	v7 =	vld [tilespmem:$0x1FDA0];
	v10 =	vadd.f32 v60, v53;
	v17 =	vmul.f32 v11, v2;
	v30 =	vunpack.i.l.bf16.f32 v6  }
0x1e5: {  	v2 =	vmul.f32 v16, v2;
	v24 =	vunpack.i.u.bf16.f32 v6;
	v18 =	vmul.f32 v30, v8  }
0x1e6: {  	v57 =	vld [tilespmem:s25+$0xFFFFFFB0];
	v8 =	vmul.f32 v24, v8;
	v1 =	vadd.f32 v1, v27;
	v0 =	vadd.f32 v0, v34  }
0x1e7: {  	v34 =	vunpack.i.u.bf16.f32 v48;
	[tilespmem:$0x1FF10] =	vst v43;
	v43 =	vadd.f32 v61, v42;
	v61 =	vadd.f32 v21, v39  }
0x1e8: {  	v49 =	vld [tilespmem:s25+$0x160];
	v21 =	vmul.f32 v38, v37;
	v37 =	vunpack.i.u.bf16.f32 v62;
	v42 =	vunpack.i.l.bf16.f32 v59  }
0x1e9: {  	[tilespmem:$0x1FF00] =	vst v41;
	v2 =	vadd.f32 v2, v58;
	v41 =	vunpack.i.l.bf16.f32 v3;
	v11 =	vunpack.i.u.bf16.f32 v7  }
0x1ea: {  	v53 =	vld [tilespmem:$0x1FE20];
	v9 =	vunpack.i.l.bf16.f32 v7;
	v62 =	vunpack.i.u.bf16.f32 v3;
	v3 =	vadd.f32 v40, v25  }
0x1eb: {  	v6 =	vld [tilespmem:$0x1FDC0];
	v25 =	vmul.f32 v42, v46;
	v40 =	vunpack.i.l.bf16.f32 v57;
	v18 =	vadd.f32 v18, v23  }
0x1ec: {  	v20 =	vmul.f32 v52, v41;
	v7 =	vmul.f32 v13, v41;
	v41 =	vunpack.i.u.bf16.f32 v5  }
0x1ed: {  	v27 =	vld [tilespmem:$0x1FE00];
	v52 =	vunpack.i.u.bf16.f32 v59;
	v59 =	vunpack.i.u.bf16.f32 v49;
	v49 =	vunpack.i.l.bf16.f32 v49  }
0x1ee: {  	v60 =	vld [tilespmem:$0x1FE30];
	v9 =	vmul.f32 v9, v19;
	v11 =	vmul.f32 v11, v19;
	v19 =	vadd.f32 v29, v32  }
0x1ef: {  	v54 =	vld [tilespmem:$0x1FE40];
	v21 =	vadd.f32 v21, v43;
	v4 =	vadd.f32 v14, v61;
	v30 =	vunpack.i.l.bf16.f32 v53  }
0x1f0: {  	v58 =	vld [tilespmem:$0x1FE70];
	v33 =	vunpack.i.u.bf16.f32 v6;
	v35 =	vunpack.i.l.bf16.f32 v6;
	v28 =	vmul.f32 v49, v62  }
0x1f1: {  	v5 =	vld [tilespmem:$0x1FDE0];
	v29 =	vmul.f32 v59, v62;
	v16 =	vmul.f32 v33, v31;
	v13 =	vadd.f32 v20, v22  }
0x1f2: {  	v7 =	vadd.f32 v7, v55;
	v24 =	vunpack.i.u.bf16.f32 v27;
	v27 =	vunpack.i.l.bf16.f32 v27  }
0x1f3: {  	v51 =	vld [tilespmem:s25+$0x170];
	v33 =	vunpack.i.l.bf16.f32 v60;
	v9 =	vadd.f32 v9, v36;
	v10 =	vadd.f32 v11, v10  }
0x1f4: {  	v6 =	vld [tilespmem:$0x1FDD0];
	v8 =	vadd.f32 v8, v19;
	v4 =	vadd.f32 v25, v4;
	v36 =	vunpack.i.u.bf16.f32 v54  }
0x1f5: {  	v50 =	vld [tilespmem:s25+$0x130];
	v42 =	vunpack.i.l.bf16.f32 v58;
	v19 =	vmul.f32 v33, v30;
	v13 =	vadd.f32 v28, v13  }
0x1f6: {  	v62 =	vld [tilespmem:$0x1FE80];
	v7 =	vadd.f32 v29, v7;
	v44 =	vunpack.i.u.bf16.f32 v5;
	v45 =	vunpack.i.l.bf16.f32 v5  }
0x1f7: {  	v59 =	vld [tilespmem:$0x1FE90];
	v5 =	vadd.f32 v15, v56;
	v15 =	vmul.f32 v35, v31;
	v31 =	vunpack.i.u.bf16.f32 v60  }
0x1f8: {  	v61 =	vld [tilespmem:$0x1FE50];
	v35 =	vunpack.i.l.bf16.f32 v54;
	v60 =	vunpack.i.l.bf16.f32 v48;
	v18 =	vadd.f32 v19, v18  }
0x1f9: {  	v55 =	vld [tilespmem:$0x1FDF0];
	v38 =	vunpack.i.u.bf16.f32 v6;
	v39 =	vunpack.i.l.bf16.f32 v6;
	v20 =	vmul.f32 v45, v41  }
0x1fa: {  	v6 =	vadd.f32 v17, v26;
	v22 =	vmul.f32 v44, v41;
	v26 =	vmul.f32 v52, v46  }
0x1fb: {  	v41 =	vunpack.i.u.bf16.f32 v57;
	v44 =	vunpack.i.u.bf16.f32 v62;
	v43 =	vunpack.i.l.bf16.f32 v62  }
0x1fc: {  	v32 =	vunpack.i.l.bf16.f32 v59;
	v62 =	vunpack.i.u.bf16.f32 v50;
	v50 =	vunpack.i.l.bf16.f32 v50  }
0x1fd: {  	v54 =	vunpack.i.u.bf16.f32 v59;
	v59 =	vunpack.i.u.bf16.f32 v51;
	v14 =	vmul.f32 v39, v37  }
0x1fe: {  	v17 =	vmul.f32 v38, v37;
	v12 =	vunpack.i.l.bf16.f32 v55;
	v37 =	vunpack.i.u.bf16.f32 v61  }
0x1ff: {  	v38 =	vunpack.i.l.bf16.f32 v61;
	v3 =	vadd.f32 v15, v3;
	v15 =	vadd.f32 v16, v21  }
0x200: {  	v16 =	vmul.f32 v31, v30;
	v21 =	vunpack.i.u.bf16.f32 v55;
	v23 =	vmul.f32 v43, v42  }
0x201: {  	v56 =	vld [tilespmem:$0x1FE60];
	v25 =	vmul.f32 v44, v42;
	v28 =	vmul.f32 v34, v32;
	v30 =	vunpack.i.u.bf16.f32 v53  }
0x202: {  	v11 =	vmul.f32 v27, v12;
	v12 =	vmul.f32 v24, v12;
	v5 =	vadd.f32 v20, v5  }
0x203: {  	v57 =	vld [tilespmem:$0x1FEA0];
	v1 =	vadd.f32 v22, v1;
	v0 =	vadd.f32 v26, v0;
	v26 =	vmul.f32 v60, v32  }
0x204: {  	v60 =	vunpack.i.u.bf16.f32 v58;
	v6 =	vadd.f32 v14, v6;
	v2 =	vadd.f32 v17, v2  }
0x205: {  	v14 =	vmul.f32 v38, v35;
	v17 =	vmul.f32 v37, v35;
	v8 =	vadd.f32 v16, v8  }
0x206: {  	v53 =	vld [tilespmem:$0x1FED0];
	v39 =	vunpack.i.l.bf16.f32 v56;
	v9 =	vadd.f32 v11, v9;
	v10 =	vadd.f32 v12, v10  }
0x207: {  	v55 =	vld [tilespmem:$0x1FEF0];
	v11 =	vunpack.i.l.bf16.f32 v51;
	v5 =	vadd.f32 v23, v5;
	v1 =	vadd.f32 v25, v1  }
0x208: {  	v27 =	vld [tilespmem:$0x1FEB0];
	v4 =	vadd.f32 v26, v4;
	v0 =	vadd.f32 v28, v0;
	v61 =	vunpack.i.l.bf16.f32 v57  }
0x209: {  	v20 =	vmul.f32 v40, v39;
	v22 =	vmul.f32 v41, v39;
	v39 =	vunpack.i.u.bf16.f32 v56  }
0x20a: {  	v58 =	vunpack.i.u.bf16.f32 v57;
	v3 =	vadd.f32 v14, v3;
	v14 =	vadd.f32 v17, v15  }
0x20b: {  	v29 =	vmul.f32 v50, v61;
	v31 =	vunpack.i.u.bf16.f32 v53;
	v33 =	vmul.f32 v62, v61  }
0x20c: {  	v35 =	vunpack.i.l.bf16.f32 v53;
	v37 =	vunpack.i.u.bf16.f32 v55;
	v38 =	vunpack.i.l.bf16.f32 v55  }
0x20d: {  	v24 =	vunpack.i.u.bf16.f32 v27;
	v27 =	vunpack.i.l.bf16.f32 v27;
	v15 =	vmul.f32 v35, v30  }
0x20e: {  	v56 =	vld [tilespmem:$0x1FF00];
	v6 =	vadd.f32 v20, v6;
	v17 =	vmul.f32 v31, v30;
	v19 =	vmul.f32 v38, v36  }
0x20f: {  	v61 =	vld [tilespmem:$0x1FF10];
	v2 =	vadd.f32 v22, v2;
	v20 =	vmul.f32 v37, v36;
	v12 =	vmul.f32 v27, v21  }
0x210: {  	s5 =	sadd.s32 $0x9, s31;
	v55 =	vld [tilespmem:$0x1FF20];
	v16 =	vmul.f32 v24, v21;
	v13 =	vadd.f32 v29, v13;
	v7 =	vadd.f32 v33, v7  }
0x211: {  	s2 =	sadd.s32 $0xA, s31;
	v27 =	vmov s5;
	v15 =	vadd.f32 v15, v18;
	v8 =	vadd.f32 v17, v8  }
0x212: {  	v3 =	vadd.f32 v19, v3;
	v24 =	vadd.f32 v20, v14;
	v14 =	vmov s2  }
0x213: {  	v63 =	vld [tilespmem:$0x1FFF0];
	v40 =	vunpack.i.u.bf16.f32 v56;
	v34 =	vunpack.i.l.bf16.f32 v56;
	v9 =	vadd.f32 v12, v9  }
0x214: {  	v49 =	vld [tilespmem:$0x1FEE0];
	v10 =	vadd.f32 v16, v10;
	v62 =	vunpack.i.u.bf16.f32 v61;
	v32 =	vunpack.i.l.bf16.f32 v61  }
0x215: {  	v52 =	vld [tilespmem:$0x1FE10];
	v56 =	vunpack.i.u.bf16.f32 v55;
	v12 =	vmul.f32 v34, v39;
	v21 =	vmul.f32 v40, v39  }
0x216: {  	s0 =	sadd.s32 $0xC, s31;
	v51 =	vld [tilespmem:$0x1FF30];
	v45 =	vunpack.i.l.bf16.f32 v55;
	v16 =	vmul.f32 v32, v60;
	v25 =	vmul.f32 v62, v60  }
0x217: {  	v50 =	vld [tilespmem:$0x1FEC0];
	v61 =	vmov s0;
	v18 =	vmul.f32 v45, v54;
	v26 =	vmul.f32 v56, v54;
	(xrf2) =	vadd.scan.msk.f32 $0xffff, v9  }
0x218: {  	s11 =	sadd.s32 $0xB, s31;
	s30 =	sadd.s32 $0xD, s31;
	v9 =	vmul.f32 v11, v58;
	v11 =	vmul.f32 v59, v58;
	v23 =	vadd.f32 v12, v6;
	v12 =	vld [tilespmem:$0x1FF40];
	(xrf2) =	vadd.scan.msk.f32 $0xffff, v10  }
0x219: {  	s29 =	sadd.s32 $0x8, s31;
	s31 =	sadd.s32 $0xE, s31;
	v60 =	vmov s11;
	v62 =	vmov s30;
	v22 =	vadd.f32 v21, v2;
	v10 =	vld [tilespmem:$0x1FF50]  }
0x21a: {  	v6 =	vmov s31;
	v21 =	vadd.f32 v16, v5;
	v17 =	vadd.f32 v9, v13;
	v13 =	vld [tilespmem:$0x1FF60]  }
0x21b: {  	v2 =	vshrl.u32 v60, $0x3;
	v20 =	vadd.f32 v25, v1;
	v19 =	vadd.f32 v18, v4;
	v9 =	vld [tilespmem:$0x1FF70]  }
0x21c: {  	s26 =	sadd.s32 $0x8, s26;
	v18 =	vadd.f32 v26, v0;
	v16 =	vadd.f32 v11, v7;
	v11 =	vld [tilespmem:$0x1FF80];
	v4 =	vshrl.u32 v27, $0x3  }
0x21d: {  	p0 =	slt.u32 s26, $0x48;
	(xrf2) =	vadd.scan.msk.f32 $0xffff, v15;
	v15 =	vld [tilespmem:$0x1FF90];
	v5 =	vshrl.u32 v14, $0x3;
	v1 =	vshrl.u32 v61, $0x3;
	v0 =	vshrl.u32 v62, $0x3  }
.Ltmp0:
0x21e: {  	v14 =	vld [tilespmem:$0x1FFA0];
	v7 =	vmov s29;
	v6 =	vshrl.u32 v6, $0x3;
	v2 =	vshll.u32 v2, v63;
	(pc) =	sbr.rel @p0 .LBB2_3-.Ltmp0, $4  }
0x21f: {  	v4 =	vshll.u32 v4, v63;
	(xrf2) =	vadd.scan.msk.f32 $0xffff, v8;
	v8 =	vld [tilespmem:$0x1FFB0];
	v5 =	vshll.u32 v5, v63;
	v1 =	vshll.u32 v1, v63  }
0x220: {  	v57 =	vmovc v63;
	v31 =	vshrl.u32 v7, $0x3;
	v7 =	vld [tilespmem:$0x1FFC0];
	v0 =	vshll.u32 v0, v63;
	v6 =	vshll.u32 v6, v63  }
0x221: {  	v28 =	vadd.s32 $0x3, v2;
	v33 =	vadd.s32 $0x1, v4;
	v29 =	vadd.s32 $0x2, v5;
	v5 =	vld [tilespmem:$0x1FFD0];
	v30, _, _ =	vpop (xrf2)  }
0x222: {  	s28 =	sadd.s32 $0x200, s28;
	v27 =	vadd.s32 $0x4, v1;
	v26 =	vadd.s32 $0x5, v0;
	v25 =	vadd.s32 $0x6, v6;
	v6 =	vld [tilespmem:$0x1FFE0];
	(xrf2) =	vadd.scan.msk.f32 $0xffff, v3;
	v32, _, _ =	vpop (xrf2)  }
0x223: {  	_ =	sdelay $0x3  }
0x224: {  	v36 =	vmax.f32 v10, $0.0e+00  }
0x225: {  	v41 =	vmax.f32 v14, $0.0e+00;
	[tilespmem:v50+s18+$0x0] =	vst.idx.msk vm0, v36  }
0x226: {  	v0 =	vbroadcast v33, $0x0;
	v34 =	vmax.f32 v8, $0.0e+00;
	[tilespmem:v49+s18+$0x0] =	vst.idx.msk vm0, v41  }
0x227: {  	v1 =	vshll.u32 v31, v57;
	(xrf2) =	vadd.scan.msk.f32 $0xffff, v24;
	v38 =	vmax.f32 v11, $0.0e+00;
	[tilespmem:v51+s18+$0x0] =	vst.idx.msk vm0, v34  }
0x228: {  	v35 =	vmax.f32 v9, $0.0e+00;
	v1 =	vbroadcast v1, $0x0;
	(xrf2) =	vadd.scan.msk.f32 $0xffff, v23;
	[tilespmem:v50+s19+$0x0] =	vst.idx.msk vm0, v38  }
0x229: {  	v39 =	vmax.f32 v12, $0.0e+00;
	[tilespmem:v51+s19+$0x0] =	vst.idx.msk vm0, v35  }
0x22a: {  	(xrf2) =	vadd.scan.msk.f32 $0xffff, v22;
	[tilespmem:v5+s18+$0x0] =	vst.idx.msk vm0, v39;
	v2, _, _ =	vpop (xrf2);
	v3 =	vmax.f32 v6, $0.0e+00  }
0x22b: {  	(xrf2) =	vadd.scan.msk.f32 $0xffff, v21;
	v2 =	vmax.f32 v2, $0.0e+00;
	[tilespmem:v52+s18+$0x0] =	vst.idx.msk vm0, v3  }
0x22c: {  	v62 =	vmax.f32 v7, $0.0e+00;
	(xrf2) =	vadd.scan.msk.f32 $0xffff, v20;
	[tilespmem:v0+s18+$0x0] =	vst.idx.msk vm0, v2  }
0x22d: {  	v63 =	vmax.f32 v30, $0.0e+00;
	v37 =	vbroadcast v29, $0x0;
	(xrf2) =	vadd.scan.msk.f32 $0xffff, v19;
	v4, _, _ =	vpop (xrf2);
	[tilespmem:v52+s19+$0x0] =	vst.idx.msk vm0, v62  }
0x22e: {  	(xrf2) =	vadd.scan.msk.f32 $0xffff, v18;
	v3 =	vmax.f32 v4, $0.0e+00;
	[tilespmem:v1+s18+$0x0] =	vst.idx.msk vm0, v63  }
0x22f: {  	v40 =	vbroadcast v28, $0x0;
	(xrf2) =	vadd.scan.msk.f32 $0xffff, v17;
	[tilespmem:v0+s19+$0x0] =	vst.idx.msk vm0, v3;
	v3 =	vmax.f32 v13, $0.0e+00  }
0x230: {  	v4 =	vmax.f32 v15, $0.0e+00;
	(xrf2) =	vadd.scan.msk.f32 $0xffff, v16;
	[tilespmem:v5+s19+$0x0] =	vst.idx.msk vm0, v3;
	v5, _, _ =	vpop (xrf2)  }
0x231: {  	v33 =	vmax.f32 v32, $0.0e+00;
	[tilespmem:v49+s19+$0x0] =	vst.idx.msk vm0, v4;
	v3 =	vbroadcast v27, $0x0;
	v42, _, _ =	vpop (xrf2);
	v4 =	vmax.f32 v5, $0.0e+00  }
0x232: {  	[tilespmem:v1+s19+$0x0] =	vst.idx.msk vm0, v33;
	v6, _, _ =	vpop (xrf2)  }
0x233: {  	v5 =	vbroadcast v26, $0x0;
	v0 =	vmax.f32 v42, $0.0e+00;
	[tilespmem:v37+s18+$0x0] =	vst.idx.msk vm0, v4;
	v6 =	vmax.f32 v6, $0.0e+00  }
0x234: {  	[tilespmem:v37+s19+$0x0] =	vst.idx.msk vm0, v0;
	v4, _, _ =	vpop (xrf2)  }
0x235: {  	v43 =	vbroadcast v25, $0x0;
	[tilespmem:v40+s18+$0x0] =	vst.idx.msk vm0, v6;
	v44, _, _ =	vpop (xrf2);
	v4 =	vmax.f32 v4, $0.0e+00  }
0x236: {  	v6, _, _ =	vpop (xrf2);
	v1 =	vmax.f32 v44, $0.0e+00;
	[tilespmem:v40+s19+$0x0] =	vst.idx.msk vm0, v4  }
0x237: {  	v45, _, _ =	vpop (xrf2);
	v4 =	vmax.f32 v6, $0.0e+00;
	[tilespmem:v3+s18+$0x0] =	vst.idx.msk vm0, v1  }
0x238: {  	v46, _, _ =	vpop (xrf2);
	v2 =	vmax.f32 v45, $0.0e+00;
	[tilespmem:v3+s19+$0x0] =	vst.idx.msk vm0, v4  }
0x239: {  	v3, _, _ =	vpop (xrf2);
	v1 =	vmax.f32 v46, $0.0e+00;
	[tilespmem:v5+s18+$0x0] =	vst.idx.msk vm0, v2  }
0x23a: {  	v47, _, _ =	vpop (xrf2);
	v3 =	vmax.f32 v3, $0.0e+00;
	[tilespmem:v5+s19+$0x0] =	vst.idx.msk vm0, v1  }
0x23b: {  	v48 =	vmax.f32 v47, $0.0e+00;
	[tilespmem:v43+s18+$0x0] =	vst.idx.msk vm0, v3  }
0x23c: {  	[tilespmem:v43+s19+$0x0] =	vst.idx.msk vm0, v48  }
0x23d: {  	_ =	swait.ge [sflag:s20], $0x2800  }
0x23e: {  	[sflag:s20] =	ssyncset.done $0x0  }
0x23f: {  	[sflag:s20] =	ssyncadd.s32 $0xFFFFD800  }
0x240: {  	_ =	swait.ge [sflag:s20], $0x1400  }
0x241: {  	[sflag:s20] =	ssyncset.done $0x0  }
0x242: {  	s0 =	sadd.s32 $0xA0, s24;
	[sflag:s20] =	ssyncadd.s32 $0xFFFFEC00  }
0x243: {  	[tilespmem:s13], [sflag:$0x1] =	stream.indirect.gather [hbm4b:s4+s12], $0x80, s0, s12, $0xb8;
	[tilespmem:$0x11440] =	vst v63  }
0x244: {  	s2 =	sadd.s32 $0x27B0, s24  }
0x245: {  	[tilespmem:s14], [sflag:$0x1] =	stream.indirect.gather [hbm4b:s1+s12], $0x40, s2, s12, $0xb8;
	[tilespmem:$0x11440] =	vst v63  }
0x246: {  	s2 =	simm.s32 $0xB320  }
0x247: {  	v49 =	vld [tilespmem:s2+$0xF0]  }
0x248: {  	v50 =	vld [tilespmem:s2+$0xE0]  }
0x249: {  	s5 =	simm.s32 $0x8C20;
	v51 =	vld [tilespmem:s2+$0xC0]  }
0x24a: {  	v3 =	vld [tilespmem:s5+$0x180]  }
0x24b: {  	v4 =	vld [tilespmem:s2+$0xD0]  }
0x24c: {  	v5 =	vld [tilespmem:s5+$0x1C0]  }
0x24d: {  	v18 =	vld [tilespmem:s2+$0xFFFFFF00]  }
0x24e: {  	v19 =	vld [tilespmem:s5+$0x80]  }
0x24f: {  	v25 =	vld [tilespmem:s5+$0xFFFFFE40]  }
0x250: {  	v35 =	vld [tilespmem:s2+$0xFFFFFF10]  }
0x251: {  	v37 =	vld [tilespmem:s5+$0xFFFFFE10]  }
0x252: {  	v39 =	vld [tilespmem:s2+$0xFFFFFF50]  }
0x253: {  	v40 =	vld [tilespmem:s5+$0xFFFFFE90];
	v7 =	vunpack.i.l.bf16.f32 v51;
	v8 =	vunpack.i.l.bf16.f32 v3;
	v9 =	vunpack.i.l.bf16.f32 v49  }
0x254: {  	v41 =	vld [tilespmem:s2+$0xFFFFFF90];
	v11 =	vunpack.i.u.bf16.f32 v50;
	v1 =	vunpack.i.l.bf16.f32 v50;
	v2 =	vunpack.i.u.bf16.f32 v51  }
0x255: {  	v42 =	vld [tilespmem:s2+$0xFFFFFFD0];
	v12 =	vunpack.i.l.bf16.f32 v5;
	v13 =	vunpack.i.u.bf16.f32 v4;
	v3 =	vunpack.i.u.bf16.f32 v3  }
0x256: {  	v56 =	vld [tilespmem:s5+$0xFFFFFF90];
	v4 =	vunpack.i.l.bf16.f32 v4;
	v5 =	vunpack.i.u.bf16.f32 v5;
	v0 =	vunpack.i.u.bf16.f32 v49  }
0x257: {  	v43 =	vld [tilespmem:s2+$0x10];
	v23 =	vunpack.i.l.bf16.f32 v18;
	v28 =	vunpack.i.u.bf16.f32 v19;
	v19 =	vunpack.i.l.bf16.f32 v19  }
0x258: {  	v18 =	vunpack.i.u.bf16.f32 v18;
	v31 =	vunpack.i.u.bf16.f32 v25;
	v25 =	vunpack.i.l.bf16.f32 v25  }
0x259: {  	v6 =	vld [tilespmem:s5+$0x190];
	v44 =	vunpack.i.l.bf16.f32 v35;
	v45 =	vunpack.i.u.bf16.f32 v37;
	v37 =	vunpack.i.l.bf16.f32 v37  }
0x25a: {  	v10 =	vld [tilespmem:s5+$0x1D0];
	v46 =	vunpack.i.l.bf16.f32 v39;
	v47 =	vunpack.i.u.bf16.f32 v40;
	v40 =	vunpack.i.l.bf16.f32 v40  }
0x25b: {  	v48 =	vunpack.i.l.bf16.f32 v41;
	v61 =	vunpack.i.l.bf16.f32 v42;
	v62 =	vunpack.i.u.bf16.f32 v56  }
0x25c: {  	v32 =	vunpack.i.l.bf16.f32 v56;
	v63 =	vunpack.i.l.bf16.f32 v43;
	v39 =	vunpack.i.u.bf16.f32 v39  }
0x25d: {  	v41 =	vunpack.i.u.bf16.f32 v41;
	v42 =	vunpack.i.u.bf16.f32 v42;
	v8 =	vmul.f32 v8, v7  }
0x25e: {  	v14 =	vld [tilespmem:s5+$0x1A0];
	v43 =	vunpack.i.u.bf16.f32 v43;
	v12 =	vmul.f32 v12, v2;
	v3 =	vmul.f32 v3, v7  }
0x25f: {  	v7 =	vunpack.i.l.bf16.f32 v6;
	v2 =	vmul.f32 v5, v2;
	v5 =	vunpack.i.l.bf16.f32 v10  }
0x260: {  	v25 =	vmul.f32 v25, v18;
	v8 =	vadd.f32 $0.0e+00, v8;
	v3 =	vadd.f32 $0.0e+00, v3  }
0x261: {  	v6 =	vunpack.i.u.bf16.f32 v6;
	v18 =	vmul.f32 v31, v18;
	v31 =	vld [tilespmem:s5+$0xFFFFFF10];
	v7 =	vmul.f32 v7, v4  }
0x262: {  	v5 =	vmul.f32 v5, v13;
	v8 =	vadd.f32 v12, v8;
	v12 =	vld [tilespmem:s5+$0x1E0];
	v2 =	vadd.f32 v2, v3  }
0x263: {  	v3 =	vmul.f32 v6, v4;
	v4 =	vunpack.i.l.bf16.f32 v14;
	v6 =	vld [tilespmem:s2+$0xFFFFFF80];
	v14 =	vunpack.i.u.bf16.f32 v14  }
0x264: {  	v10 =	vunpack.i.u.bf16.f32 v10;
	v4 =	vmul.f32 v4, v1;
	v1 =	vmul.f32 v14, v1;
	v14 =	vld [tilespmem:s5+$0xFFFFFF80]  }
0x265: {  	v7 =	vadd.f32 v7, v8;
	v8 =	vld [tilespmem:s5+$0x1B0];
	v2 =	vadd.f32 v3, v2;
	v3 =	vmul.f32 v10, v13  }
0x266: {  	v37 =	vmul.f32 v37, v44;
	v60 =	vunpack.i.u.bf16.f32 v31;
	v31 =	vunpack.i.l.bf16.f32 v31;
	v13 =	vld [tilespmem:s5+$0xFFFFFF00]  }
0x267: {  	v5 =	vadd.f32 v5, v7;
	v2 =	vadd.f32 v3, v2;
	v10 =	vunpack.i.l.bf16.f32 v12  }
0x268: {  	v15 =	vld [tilespmem:s5+$0xFFFFFE00];
	v12 =	vunpack.i.u.bf16.f32 v12;
	v20 =	vunpack.i.l.bf16.f32 v6;
	v6 =	vunpack.i.u.bf16.f32 v6  }
0x269: {  	v4 =	vadd.f32 v4, v5;
	v5 =	vmul.f32 v10, v11;
	v1 =	vadd.f32 v1, v2  }
0x26a: {  	v7 =	vld [tilespmem:s5+$0x1F0];
	v52 =	vmul.f32 v12, v11;
	v22 =	vunpack.i.u.bf16.f32 v14;
	v14 =	vunpack.i.l.bf16.f32 v14  }
0x26b: {  	v3 =	vunpack.i.l.bf16.f32 v8;
	v8 =	vunpack.i.u.bf16.f32 v8;
	v21 =	vunpack.i.u.bf16.f32 v13  }
0x26c: {  	v17 =	vld [tilespmem:s5+$0xFFFFFE80];
	v13 =	vunpack.i.l.bf16.f32 v13;
	v4 =	vadd.f32 v5, v4;
	v3 =	vmul.f32 v3, v9  }
0x26d: {  	v10 =	vld [tilespmem:s2+$0xFFFFFFC0];
	v2 =	vadd.f32 v52, v1;
	v8 =	vmul.f32 v8, v9;
	v9 =	vunpack.i.u.bf16.f32 v15  }
0x26e: {  	v11 =	vld [tilespmem:s5+$0x0];
	v15 =	vunpack.i.l.bf16.f32 v15;
	v13 =	vmul.f32 v13, v20;
	v20 =	vmul.f32 v21, v20  }
0x26f: {  	v12 =	vunpack.i.l.bf16.f32 v7;
	v7 =	vunpack.i.u.bf16.f32 v7;
	v15 =	vmul.f32 v15, v23  }
0x270: {  	v16 =	vld [tilespmem:s2+$0xFFFFFF40];
	v9 =	vmul.f32 v9, v23;
	v3 =	vadd.f32 v3, v4;
	v12 =	vmul.f32 v12, v0  }
0x271: {  	v2 =	vadd.f32 v8, v2;
	v0 =	vmul.f32 v7, v0;
	v7 =	vunpack.i.u.bf16.f32 v17  }
0x272: {  	v5 =	vld [tilespmem:s2+$0x0];
	v13 =	vadd.f32 $0.0e+00, v13;
	v20 =	vadd.f32 $0.0e+00, v20;
	v53 =	vunpack.i.l.bf16.f32 v10  }
0x273: {  	v21 =	vld [tilespmem:s5+$0xFFFFFFC0];
	v26 =	vunpack.i.u.bf16.f32 v11;
	v11 =	vunpack.i.l.bf16.f32 v11;
	v15 =	vadd.f32 $0.0e+00, v15  }
0x274: {  	v59 =	vld [tilespmem:s5+$0x110];
	v10 =	vunpack.i.u.bf16.f32 v10;
	v9 =	vadd.f32 $0.0e+00, v9;
	v1 =	vadd.f32 v12, v3  }
0x275: {  	v23 =	vld [tilespmem:s5+$0xFFFFFEC0];
	v3 =	vunpack.i.l.bf16.f32 v16;
	v12 =	vunpack.i.l.bf16.f32 v17;
	v2 =	vadd.f32 v0, v2  }
0x276: {  	v58 =	vld [tilespmem:s5+$0x90];
	v14 =	vmul.f32 v14, v53;
	v0 =	vmul.f32 v22, v53;
	v16 =	vunpack.i.u.bf16.f32 v16  }
0x277: {  	v4 =	vld [tilespmem:s2+$0x40];
	v24 =	vunpack.i.l.bf16.f32 v5;
	v12 =	vmul.f32 v12, v3;
	v3 =	vmul.f32 v7, v3  }
0x278: {  	v8 =	vld [tilespmem:s2+$0x80];
	v55 =	vunpack.i.u.bf16.f32 v21;
	v21 =	vunpack.i.l.bf16.f32 v21;
	v5 =	vunpack.i.u.bf16.f32 v5  }
0x279: {  	v15 =	vadd.f32 v25, v15;
	v9 =	vadd.f32 v18, v9;
	v18 =	vunpack.i.u.bf16.f32 v59  }
0x27a: {  	v33 =	vld [tilespmem:s2+$0x50];
	v11 =	vmul.f32 v11, v24;
	v24 =	vmul.f32 v26, v24;
	v54 =	vunpack.i.u.bf16.f32 v23  }
0x27b: {  	v23 =	vunpack.i.l.bf16.f32 v23;
	v14 =	vadd.f32 $0.0e+00, v14;
	v0 =	vadd.f32 $0.0e+00, v0  }
0x27c: {  	v21 =	vmul.f32 v21, v10;
	v10 =	vmul.f32 v55, v10;
	v55 =	vunpack.i.u.bf16.f32 v58  }
0x27d: {  	v17 =	vld [tilespmem:s5+$0x100];
	v27 =	vunpack.i.l.bf16.f32 v4;
	v29 =	vunpack.i.l.bf16.f32 v8;
	v4 =	vunpack.i.u.bf16.f32 v4  }
0x27e: {  	v22 =	vld [tilespmem:s5+$0x40];
	v8 =	vunpack.i.u.bf16.f32 v8;
	v12 =	vadd.f32 $0.0e+00, v12;
	v3 =	vadd.f32 $0.0e+00, v3  }
0x27f: {  	v23 =	vmul.f32 v23, v16;
	v16 =	vmul.f32 v54, v16;
	v54 =	vunpack.i.l.bf16.f32 v33  }
0x280: {  	v56 =	vld [tilespmem:s5+$0xD0];
	v33 =	vunpack.i.u.bf16.f32 v33;
	v15 =	vadd.f32 v37, v15;
	v19 =	vmul.f32 v19, v27  }
0x281: {  	v7 =	vld [tilespmem:s5+$0xFFFFFF40];
	v27 =	vmul.f32 v28, v27;
	v11 =	vadd.f32 $0.0e+00, v11;
	v24 =	vadd.f32 $0.0e+00, v24  }
0x282: {  	v14 =	vadd.f32 v21, v14;
	v0 =	vadd.f32 v10, v0;
	v30 =	vunpack.i.u.bf16.f32 v17  }
0x283: {  	v26 =	vld [tilespmem:s5+$0xC0];
	v17 =	vunpack.i.l.bf16.f32 v17;
	v34 =	vunpack.i.u.bf16.f32 v22;
	v22 =	vunpack.i.l.bf16.f32 v22  }
0x284: {  	v12 =	vadd.f32 v23, v12;
	v23 =	vmul.f32 v45, v44;
	v3 =	vadd.f32 v16, v3  }
0x285: {  	v44 =	vunpack.i.l.bf16.f32 v56;
	v17 =	vmul.f32 v17, v29;
	v29 =	vmul.f32 v30, v29  }
0x286: {  	v30 =	vunpack.i.u.bf16.f32 v7;
	v7 =	vunpack.i.l.bf16.f32 v7;
	v19 =	vadd.f32 $0.0e+00, v19  }
0x287: {  	v27 =	vadd.f32 $0.0e+00, v27;
	v22 =	vmul.f32 v22, v5;
	v5 =	vmul.f32 v34, v5  }
0x288: {  	v28 =	vld [tilespmem:s5+$0x140];
	v34 =	vunpack.i.l.bf16.f32 v58;
	v36 =	vunpack.i.u.bf16.f32 v26;
	v26 =	vunpack.i.l.bf16.f32 v26  }
0x289: {  	v7 =	vmul.f32 v7, v6;
	v6 =	vmul.f32 v30, v6;
	v9 =	vadd.f32 v23, v9  }
0x28a: {  	v21 =	vld [tilespmem:s5+$0xFFFFFED0];
	v34 =	vmul.f32 v34, v54;
	v17 =	vadd.f32 $0.0e+00, v17;
	v29 =	vadd.f32 $0.0e+00, v29  }
0x28b: {  	v26 =	vmul.f32 v26, v4;
	v4 =	vmul.f32 v36, v4;
	v10 =	vadd.f32 v22, v11  }
0x28c: {  	v11 =	vmul.f32 v31, v48;
	v5 =	vadd.f32 v5, v24;
	v22 =	vmul.f32 v60, v48  }
0x28d: {  	v38 =	vunpack.i.u.bf16.f32 v28;
	v28 =	vunpack.i.l.bf16.f32 v28;
	v7 =	vadd.f32 v7, v13  }
0x28e: {  	v13 =	vmul.f32 v40, v46;
	v6 =	vadd.f32 v6, v20;
	v20 =	vmul.f32 v47, v46  }
0x28f: {  	v40 =	vmul.f32 v55, v54;
	v58 =	vunpack.i.u.bf16.f32 v21;
	v21 =	vunpack.i.l.bf16.f32 v21  }
0x290: {  	v30 =	vld [tilespmem:s5+$0x10];
	v28 =	vmul.f32 v28, v8;
	v8 =	vmul.f32 v38, v8;
	v38 =	vunpack.i.l.bf16.f32 v59  }
0x291: {  	v19 =	vadd.f32 v26, v19;
	v4 =	vadd.f32 v4, v27;
	v26 =	vmul.f32 v32, v61  }
0x292: {  	v16 =	vld [tilespmem:s5+$0xFFFFFE50];
	v27 =	vmul.f32 v62, v61;
	v62 =	vunpack.i.u.bf16.f32 v56;
	v12 =	vadd.f32 v13, v12  }
0x293: {  	v23 =	vld [tilespmem:s5+$0xFFFFFEA0];
	v3 =	vadd.f32 v20, v3;
	v20 =	vmul.f32 v21, v39;
	v7 =	vadd.f32 v11, v7  }
0x294: {  	v36 =	vld [tilespmem:s2+$0x90];
	v6 =	vadd.f32 v22, v6;
	v21 =	vmul.f32 v58, v39;
	v39 =	vmul.f32 v44, v33  }
0x295: {  	v24 =	vld [tilespmem:s5+$0xFFFFFF50];
	v33 =	vmul.f32 v62, v33;
	v53 =	vunpack.i.u.bf16.f32 v30;
	v30 =	vunpack.i.l.bf16.f32 v30  }
0x296: {  	v17 =	vadd.f32 v28, v17;
	v8 =	vadd.f32 v8, v29;
	v29 =	vunpack.i.u.bf16.f32 v35  }
0x297: {  	v35 =	vunpack.i.u.bf16.f32 v16;
	v14 =	vadd.f32 v26, v14;
	v0 =	vadd.f32 v27, v0  }
0x298: {  	v16 =	vunpack.i.l.bf16.f32 v16;
	v19 =	vadd.f32 v34, v19;
	v4 =	vadd.f32 v40, v4  }
0x299: {  	v49 =	vld [tilespmem:s2+$0xFFFFFF20];
	v44 =	vunpack.i.u.bf16.f32 v23;
	v23 =	vunpack.i.l.bf16.f32 v23;
	v25 =	vunpack.i.l.bf16.f32 v36  }
0x29a: {  	v50 =	vld [tilespmem:s5+$0xFFFFFFE0];
	v30 =	vmul.f32 v30, v63;
	v31 =	vmul.f32 v53, v63;
	v59 =	vunpack.i.u.bf16.f32 v24  }
0x29b: {  	v45 =	vld [tilespmem:s5+$0x120];
	v24 =	vunpack.i.l.bf16.f32 v24;
	v36 =	vunpack.i.u.bf16.f32 v36;
	v16 =	vmul.f32 v16, v29  }
0x29c: {  	v13 =	vld [tilespmem:s2+$0xFFFFFFA0];
	v29 =	vmul.f32 v35, v29;
	v12 =	vadd.f32 v20, v12;
	v38 =	vmul.f32 v38, v25  }
0x29d: {  	v11 =	vld [tilespmem:s5+$0xFFFFFF20];
	v3 =	vadd.f32 v21, v3;
	v18 =	vmul.f32 v18, v25;
	v24 =	vmul.f32 v24, v41  }
0x29e: {  	v22 =	vld [tilespmem:s2+$0xFFFFFFE0];
	v27 =	vmul.f32 v59, v41;
	v19 =	vadd.f32 v39, v19;
	v4 =	vadd.f32 v33, v4  }
0x29f: {  	v28 =	vld [tilespmem:s5+$0xFFFFFFD0];
	v33 =	vunpack.i.l.bf16.f32 v50;
	v10 =	vadd.f32 v30, v10;
	v5 =	vadd.f32 v31, v5  }
0x2a0: {  	v26 =	vld [tilespmem:s5+$0xFFFFFFA0];
	v31 =	vunpack.i.l.bf16.f32 v49;
	v15 =	vadd.f32 v16, v15;
	v9 =	vadd.f32 v29, v9  }
0x2a1: {  	v53 =	vld [tilespmem:s5+$0x50];
	v29 =	vunpack.i.u.bf16.f32 v45;
	v45 =	vunpack.i.l.bf16.f32 v45;
	v17 =	vadd.f32 v38, v17  }
0x2a2: {  	v63 =	vld [tilespmem:s5+$0xFFFFFE20];
	v8 =	vadd.f32 v18, v8;
	v46 =	vunpack.i.l.bf16.f32 v13;
	v47 =	vunpack.i.u.bf16.f32 v11  }
0x2a3: {  	v35 =	vld [tilespmem:s2+$0x60];
	v11 =	vunpack.i.l.bf16.f32 v11;
	v58 =	vunpack.i.l.bf16.f32 v22;
	v7 =	vadd.f32 v24, v7  }
0x2a4: {  	v40 =	vld [tilespmem:s5+$0xA0];
	v6 =	vadd.f32 v27, v6;
	v13 =	vunpack.i.u.bf16.f32 v13;
	v22 =	vunpack.i.u.bf16.f32 v22  }
0x2a5: {  	v25 =	vld [tilespmem:s5+$0x150];
	v60 =	vunpack.i.u.bf16.f32 v28;
	v28 =	vunpack.i.l.bf16.f32 v28;
	v59 =	vunpack.i.u.bf16.f32 v26  }
0x2a6: {  	v26 =	vunpack.i.l.bf16.f32 v26;
	v11 =	vmul.f32 v11, v46;
	v61 =	vunpack.i.u.bf16.f32 v53  }
0x2a7: {  	v32 =	vunpack.i.l.bf16.f32 v53;
	v28 =	vmul.f32 v28, v42;
	v34 =	vmul.f32 v60, v42  }
0x2a8: {  	v52 =	vld [tilespmem:s5+$0x60];
	v37 =	vunpack.i.u.bf16.f32 v63;
	v41 =	vunpack.i.l.bf16.f32 v63;
	v62 =	vunpack.i.l.bf16.f32 v35  }
0x2a9: {  	v30 =	vld [tilespmem:s2+$0x20];
	v63 =	vunpack.i.u.bf16.f32 v40;
	v40 =	vunpack.i.l.bf16.f32 v40;
	v26 =	vmul.f32 v26, v58  }
0x2aa: {  	v21 =	vld [tilespmem:s5+$0xFFFFFE60];
	v35 =	vunpack.i.u.bf16.f32 v35;
	v56 =	vunpack.i.u.bf16.f32 v25;
	v32 =	vmul.f32 v32, v43  }
0x2ab: {  	v18 =	vld [tilespmem:s5+$0x20];
	v25 =	vunpack.i.l.bf16.f32 v25;
	v38 =	vmul.f32 v61, v43;
	v41 =	vmul.f32 v41, v31  }
0x2ac: {  	v20 =	vmul.f32 v37, v31;
	v31 =	vunpack.i.u.bf16.f32 v49;
	v39 =	vmul.f32 v63, v62  }
0x2ad: {  	v27 =	vld [tilespmem:s5+$0xFFFFFEE0];
	v37 =	vunpack.i.l.bf16.f32 v52;
	v7 =	vadd.f32 v11, v7;
	v25 =	vmul.f32 v25, v36  }
0x2ae: {  	v36 =	vmul.f32 v56, v36;
	v60 =	vunpack.i.l.bf16.f32 v30;
	v14 =	vadd.f32 v28, v14  }
0x2af: {  	v0 =	vadd.f32 v34, v0;
	v28 =	vmul.f32 v47, v46;
	v34 =	vunpack.i.u.bf16.f32 v21  }
0x2b0: {  	v21 =	vunpack.i.l.bf16.f32 v21;
	v30 =	vunpack.i.u.bf16.f32 v30;
	v61 =	vunpack.i.u.bf16.f32 v18  }
0x2b1: {  	v53 =	vld [tilespmem:s2+$0xFFFFFF60];
	v18 =	vunpack.i.l.bf16.f32 v18;
	v10 =	vadd.f32 v32, v10;
	v5 =	vadd.f32 v38, v5  }
0x2b2: {  	v42 =	vld [tilespmem:s2+$0xA0];
	v32 =	vmul.f32 v59, v58;
	v38 =	vmul.f32 v40, v62;
	v58 =	vunpack.i.u.bf16.f32 v27  }
0x2b3: {  	v27 =	vunpack.i.l.bf16.f32 v27;
	v15 =	vadd.f32 v41, v15;
	v9 =	vadd.f32 v20, v9  }
0x2b4: {  	v21 =	vmul.f32 v21, v31;
	v4 =	vadd.f32 v39, v4;
	v17 =	vadd.f32 v25, v17  }
0x2b5: {  	v8 =	vadd.f32 v36, v8;
	v18 =	vmul.f32 v18, v60;
	v36 =	vmul.f32 v61, v60  }
0x2b6: {  	v49 =	vld [tilespmem:s2+$0xFFFFFF30];
	v60 =	vunpack.i.u.bf16.f32 v50;
	v61 =	vunpack.i.u.bf16.f32 v52;
	v6 =	vadd.f32 v28, v6  }
0x2b7: {  	v11 =	vld [tilespmem:s2+$0xFFFFFFB0];
	v14 =	vadd.f32 v26, v14;
	v43 =	vunpack.i.l.bf16.f32 v53;
	v16 =	vunpack.i.l.bf16.f32 v42  }
0x2b8: {  	v56 =	vld [tilespmem:s5+$0xE0];
	v42 =	vunpack.i.u.bf16.f32 v42;
	v0 =	vadd.f32 v32, v0;
	v19 =	vadd.f32 v38, v19  }
0x2b9: {  	v32 =	vmul.f32 v33, v22;
	v22 =	vmul.f32 v60, v22;
	v15 =	vadd.f32 v21, v15  }
0x2ba: {  	v23 =	vmul.f32 v23, v43;
	v24 =	vmul.f32 v44, v43;
	v43 =	vunpack.i.u.bf16.f32 v53  }
0x2bb: {  	v63 =	vld [tilespmem:s5+$0xFFFFFE30];
	v44 =	vmul.f32 v45, v16;
	v16 =	vmul.f32 v29, v16;
	v10 =	vadd.f32 v18, v10  }
0x2bc: {  	v20 =	vld [tilespmem:s5+$0xFFFFFEB0];
	v5 =	vadd.f32 v36, v5;
	v33 =	vunpack.i.l.bf16.f32 v49;
	v46 =	vunpack.i.l.bf16.f32 v11  }
0x2bd: {  	v39 =	vld [tilespmem:s5+$0xB0];
	v11 =	vunpack.i.u.bf16.f32 v11;
	v62 =	vunpack.i.u.bf16.f32 v56;
	v14 =	vadd.f32 v32, v14  }
0x2be: {  	v25 =	vld [tilespmem:s5+$0xFFFFFF60];
	v40 =	vunpack.i.l.bf16.f32 v56;
	v0 =	vadd.f32 v22, v0;
	v12 =	vadd.f32 v23, v12  }
0x2bf: {  	v52 =	vld [tilespmem:s2+$0xFFFFFF70];
	v23 =	vmul.f32 v34, v31;
	v3 =	vadd.f32 v24, v3;
	v24 =	vmul.f32 v27, v43  }
0x2c0: {  	v26 =	vld [tilespmem:s5+$0xFFFFFF30];
	v27 =	vmul.f32 v58, v43;
	v17 =	vadd.f32 v44, v17;
	v8 =	vadd.f32 v16, v8  }
0x2c1: {  	v34 =	vmul.f32 v37, v30;
	v30 =	vmul.f32 v61, v30;
	v37 =	vunpack.i.u.bf16.f32 v63  }
0x2c2: {  	v28 =	vld [tilespmem:s5+$0xFFFFFFB0];
	v38 =	vmul.f32 v40, v35;
	v35 =	vmul.f32 v62, v35;
	v40 =	vunpack.i.l.bf16.f32 v63  }
0x2c3: {  	v44 =	vunpack.i.u.bf16.f32 v20;
	v20 =	vunpack.i.l.bf16.f32 v20;
	v63 =	vunpack.i.u.bf16.f32 v39  }
0x2c4: {  	v39 =	vunpack.i.l.bf16.f32 v39;
	v59 =	vunpack.i.u.bf16.f32 v25;
	v25 =	vunpack.i.l.bf16.f32 v25  }
0x2c5: {  	v29 =	vld [tilespmem:s5+$0x160];
	v43 =	vunpack.i.l.bf16.f32 v52;
	v47 =	vunpack.i.u.bf16.f32 v26;
	v40 =	vmul.f32 v40, v33  }
0x2c6: {  	v18 =	vld [tilespmem:s2+$0xFFFFFFF0];
	v26 =	vunpack.i.l.bf16.f32 v26;
	v33 =	vmul.f32 v37, v33;
	v25 =	vmul.f32 v25, v13  }
0x2c7: {  	v36 =	vld [tilespmem:s2+$0x70];
	v13 =	vmul.f32 v59, v13;
	v59 =	vunpack.i.u.bf16.f32 v28;
	v28 =	vunpack.i.l.bf16.f32 v28  }
0x2c8: {  	v45 =	vld [tilespmem:s5+$0x130];
	v9 =	vadd.f32 v23, v9;
	v12 =	vadd.f32 v24, v12;
	v20 =	vmul.f32 v20, v43  }
0x2c9: {  	v3 =	vadd.f32 v27, v3;
	v24 =	vmul.f32 v44, v43;
	v22 =	vmul.f32 v26, v46  }
0x2ca: {  	v10 =	vadd.f32 v34, v10;
	v5 =	vadd.f32 v30, v5;
	v26 =	vmul.f32 v47, v46  }
0x2cb: {  	v19 =	vadd.f32 v38, v19;
	v4 =	vadd.f32 v35, v4;
	v30 =	vunpack.i.u.bf16.f32 v49  }
0x2cc: {  	v56 =	vunpack.i.u.bf16.f32 v29;
	v29 =	vunpack.i.l.bf16.f32 v29;
	v58 =	vunpack.i.l.bf16.f32 v18  }
0x2cd: {  	v31 =	vld [tilespmem:s2+$0x30];
	v62 =	vunpack.i.l.bf16.f32 v36;
	v23 =	vunpack.i.u.bf16.f32 v45;
	v45 =	vunpack.i.l.bf16.f32 v45  }
0x2ce: {  	v16 =	vld [tilespmem:s5+$0x30];
	v18 =	vunpack.i.u.bf16.f32 v18;
	v36 =	vunpack.i.u.bf16.f32 v36;
	v15 =	vadd.f32 v40, v15  }
0x2cf: {  	s24 =	simm.s32 $0x9020;
	v29 =	vmul.f32 v29, v42;
	v41 =	vmul.f32 v56, v42;
	v7 =	vadd.f32 v25, v7  }
0x2d0: {  	v49 =	vld [tilespmem:s24+$0xFFFFFE40];
	v6 =	vadd.f32 v13, v6;
	v28 =	vmul.f32 v28, v58;
	v32 =	vmul.f32 v59, v58  }
0x2d1: {  	v42 =	vld [tilespmem:s2+$0xB0];
	v38 =	vmul.f32 v39, v62;
	v59 =	vmul.f32 v63, v62;
	v9 =	vadd.f32 v33, v9  }
0x2d2: {  	v13 =	vld [tilespmem:s5+$0xFFFFFE70];
	v62 =	vunpack.i.u.bf16.f32 v52;
	v12 =	vadd.f32 v20, v12;
	v3 =	vadd.f32 v24, v3  }
0x2d3: {  	v25 =	vld [tilespmem:s5+$0xFFFFFEF0];
	v60 =	vunpack.i.l.bf16.f32 v31;
	v61 =	vunpack.i.u.bf16.f32 v16;
	v16 =	vunpack.i.l.bf16.f32 v16  }
0x2d4: {  	v56 =	vld [tilespmem:s5+$0x70];
	v31 =	vunpack.i.u.bf16.f32 v31;
	v17 =	vadd.f32 v29, v17;
	v8 =	vadd.f32 v41, v8  }
0x2d5: {  	v58 =	vld [tilespmem:s5+$0xF0];
	v16 =	vmul.f32 v16, v60;
	v7 =	vadd.f32 v22, v7;
	v6 =	vadd.f32 v26, v6  }
0x2d6: {  	v37 =	vmul.f32 v61, v60;
	v14 =	vadd.f32 v28, v14;
	v0 =	vadd.f32 v32, v0  }
0x2d7: {  	v27 =	vld [tilespmem:s5+$0xFFFFFF70];
	v19 =	vadd.f32 v38, v19;
	v4 =	vadd.f32 v59, v4;
	v40 =	vunpack.i.u.bf16.f32 v49  }
0x2d8: {  	v24 =	vadd.f32 v16, v10;
	v5 =	vadd.f32 v37, v5;
	v21 =	vunpack.i.l.bf16.f32 v42  }
0x2d9: {  	v29 =	vld [tilespmem:s5+$0xFFFFFFF0];
	v35 =	vunpack.i.u.bf16.f32 v13;
	v13 =	vunpack.i.l.bf16.f32 v13;
	v63 =	vunpack.i.u.bf16.f32 v25  }
0x2da: {  	v61 =	vld [tilespmem:s5+$0x170];
	v53 =	vunpack.i.u.bf16.f32 v56;
	v34 =	vunpack.i.l.bf16.f32 v56;
	v54 =	vunpack.i.u.bf16.f32 v58  }
0x2db: {  	v39 =	vunpack.i.l.bf16.f32 v58;
	v42 =	vunpack.i.u.bf16.f32 v42;
	v60 =	vmul.f32 v45, v21  }
0x2dc: {  	v59 =	vld [tilespmem:s24+$0xFFFFFE80];
	v21 =	vmul.f32 v23, v21;
	v23 =	vunpack.i.l.bf16.f32 v25;
	v25 =	vunpack.i.u.bf16.f32 v27  }
0x2dd: {  	v27 =	vunpack.i.l.bf16.f32 v27;
	v13 =	vmul.f32 v13, v30;
	v20 =	vmul.f32 v35, v30  }
0x2de: {  	v52 =	vunpack.i.u.bf16.f32 v29;
	v29 =	vunpack.i.l.bf16.f32 v29;
	v22 =	vmul.f32 v23, v62  }
0x2df: {  	v55 =	vunpack.i.u.bf16.f32 v61;
	v23 =	vmul.f32 v63, v62;
	v10 =	vmul.f32 v27, v11  }
0x2e0: {  	s11 =	simm.s32 $0xB520;
	v56 =	vunpack.i.l.bf16.f32 v61;
	v25 =	vmul.f32 v25, v11;
	v27 =	vmul.f32 v53, v31  }
0x2e1: {  	v28 =	vld [tilespmem:s11+$0xE0];
	v33 =	vunpack.i.l.bf16.f32 v59;
	v17 =	vadd.f32 v60, v17;
	v21 =	vadd.f32 v21, v8  }
0x2e2: {  	v16 =	vadd.f32 v13, v15;
	v8 =	vmul.f32 v29, v18;
	v18 =	vmul.f32 v52, v18  }
0x2e3: {  	v58 =	vld [tilespmem:s11+$0xD0];
	v13 =	vadd.f32 v20, v9;
	v20 =	vmul.f32 v34, v31;
	v29 =	vmul.f32 v56, v42  }
0x2e4: {  	v26 =	vld [tilespmem:s11+$0xF0];
	v15 =	vadd.f32 v22, v12;
	v22 =	vmul.f32 v39, v36;
	v11 =	vadd.f32 v23, v3  }
0x2e5: {  	v34 =	vld [tilespmem:s11+$0xFFFFFF80];
	v3 =	vmul.f32 v54, v36;
	v12 =	vadd.f32 v10, v7;
	v10 =	vadd.f32 v25, v6  }
0x2e6: {  	v23 =	vld [tilespmem:s11+$0xC0];
	v6 =	vadd.f32 v27, v5;
	v27 =	vunpack.i.l.bf16.f32 v28;
	v39 =	vunpack.i.l.bf16.f32 v49  }
0x2e7: {  	v25 =	vld [tilespmem:s24+$0x180];
	v9 =	vadd.f32 v8, v14;
	v8 =	vadd.f32 v18, v0;
	v14 =	vmul.f32 v55, v42  }
0x2e8: {  	v7 =	vadd.f32 v20, v24;
	v18 =	vld [tilespmem:s24+$0x1C0];
	v30 =	vunpack.i.u.bf16.f32 v58;
	v5 =	vadd.f32 v22, v19  }
0x2e9: {  	v0 =	vunpack.i.l.bf16.f32 v58;
	v4 =	vadd.f32 v3, v4;
	v3 =	vadd.f32 v29, v17;
	v17 =	vld [tilespmem:s24+$0x190]  }
0x2ea: {  	v19 =	vunpack.i.u.bf16.f32 v26;
	v22 =	vunpack.i.l.bf16.f32 v26;
	v26 =	vunpack.i.u.bf16.f32 v28  }
0x2eb: {  	v24 =	vld [tilespmem:s24+$0x1D0];
	v14 =	vadd.f32 v14, v21;
	v61 =	vunpack.i.l.bf16.f32 v34;
	v20 =	vunpack.i.l.bf16.f32 v23  }
0x2ec: {  	v21 =	vunpack.i.l.bf16.f32 v25;
	v23 =	vunpack.i.u.bf16.f32 v23;
	v25 =	vunpack.i.u.bf16.f32 v25  }
0x2ed: {  	v21 =	vmul.f32 v21, v20;
	v29 =	vunpack.i.l.bf16.f32 v18;
	v20 =	vmul.f32 v25, v20  }
0x2ee: {  	v31 =	vld [tilespmem:s24+$0x1A0];
	v18 =	vunpack.i.u.bf16.f32 v18;
	v29 =	vmul.f32 v29, v23;
	v25 =	vunpack.i.l.bf16.f32 v17  }
0x2ef: {  	v28 =	vld [tilespmem:s24+$0xFFFFFE00];
	v18 =	vmul.f32 v18, v23;
	v21 =	vadd.f32 $0.0e+00, v21;
	v20 =	vadd.f32 $0.0e+00, v20  }
0x2f0: {  	v23 =	vunpack.i.l.bf16.f32 v24;
	v17 =	vunpack.i.u.bf16.f32 v17;
	v25 =	vmul.f32 v25, v0  }
0x2f1: {  	v0 =	vmul.f32 v17, v0;
	v21 =	vadd.f32 v29, v21;
	v29 =	vld [tilespmem:s24+$0x1E0];
	v18 =	vadd.f32 v18, v20  }
0x2f2: {  	v34 =	vunpack.i.u.bf16.f32 v34;
	v23 =	vmul.f32 v23, v30;
	v20 =	vunpack.i.u.bf16.f32 v24;
	v24 =	vld [tilespmem:s24+$0xFFFFFF00]  }
0x2f3: {  	v21 =	vadd.f32 v25, v21;
	v0 =	vadd.f32 v0, v18;
	v18 =	vmul.f32 v20, v30  }
0x2f4: {  	v60 =	vunpack.i.u.bf16.f32 v28;
	v17 =	vunpack.i.l.bf16.f32 v31;
	v31 =	vunpack.i.u.bf16.f32 v31;
	v25 =	vld [tilespmem:s24+$0x1B0]  }
0x2f5: {  	v17 =	vmul.f32 v17, v27;
	v30 =	vld [tilespmem:s11+$0xFFFFFFC0];
	v21 =	vadd.f32 v23, v21;
	v0 =	vadd.f32 v18, v0  }
0x2f6: {  	v18 =	vmul.f32 v31, v27;
	v20 =	vunpack.i.l.bf16.f32 v29;
	v29 =	vunpack.i.u.bf16.f32 v29  }
0x2f7: {  	v32 =	vld [tilespmem:s11+$0xFFFFFF40];
	v62 =	vunpack.i.u.bf16.f32 v24;
	v24 =	vunpack.i.l.bf16.f32 v24;
	v17 =	vadd.f32 v17, v21  }
0x2f8: {  	v23 =	vld [tilespmem:s24+$0x1F0];
	v20 =	vmul.f32 v20, v26;
	v0 =	vadd.f32 v18, v0;
	v18 =	vmul.f32 v29, v26  }
0x2f9: {  	v31 =	vld [tilespmem:s11+$0x0];
	v24 =	vmul.f32 v24, v61;
	v36 =	vmul.f32 v62, v61;
	v27 =	vunpack.i.l.bf16.f32 v25  }
0x2fa: {  	v25 =	vunpack.i.u.bf16.f32 v25;
	v63 =	vunpack.i.l.bf16.f32 v30;
	v30 =	vunpack.i.u.bf16.f32 v30  }
0x2fb: {  	v21 =	vld [tilespmem:s24+$0xFFFFFF80];
	v17 =	vadd.f32 v20, v17;
	v20 =	vmul.f32 v27, v22;
	v0 =	vadd.f32 v18, v0  }
0x2fc: {  	v29 =	vld [tilespmem:s11+$0x40];
	v18 =	vmul.f32 v25, v22;
	v25 =	vunpack.i.l.bf16.f32 v28;
	v28 =	vunpack.i.l.bf16.f32 v32  }
0x2fd: {  	v61 =	vld [tilespmem:s24+$0xC0];
	v32 =	vunpack.i.u.bf16.f32 v32;
	v24 =	vadd.f32 $0.0e+00, v24;
	v36 =	vadd.f32 $0.0e+00, v36  }
0x2fe: {  	v62 =	vld [tilespmem:s24+$0x140];
	v26 =	vunpack.i.l.bf16.f32 v23;
	v23 =	vunpack.i.u.bf16.f32 v23;
	v51 =	vunpack.i.l.bf16.f32 v31  }
0x2ff: {  	v58 =	vld [tilespmem:s24+$0xFFFFFEC0];
	v33 =	vmul.f32 v33, v28;
	v31 =	vunpack.i.u.bf16.f32 v31;
	v17 =	vadd.f32 v20, v17  }
0x300: {  	v27 =	vld [tilespmem:s24+$0x0];
	v20 =	vmul.f32 v26, v19;
	v0 =	vadd.f32 v18, v0;
	v18 =	vmul.f32 v23, v19  }
0x301: {  	v22 =	vld [tilespmem:s11+$0xFFFFFF00];
	v23 =	vunpack.i.u.bf16.f32 v59;
	v48 =	vunpack.i.u.bf16.f32 v21;
	v21 =	vunpack.i.l.bf16.f32 v21  }
0x302: {  	v53 =	vunpack.i.l.bf16.f32 v29;
	v23 =	vmul.f32 v23, v28;
	v29 =	vunpack.i.u.bf16.f32 v29  }
0x303: {  	v42 =	vunpack.i.l.bf16.f32 v61;
	v44 =	vunpack.i.l.bf16.f32 v62;
	v33 =	vadd.f32 $0.0e+00, v33  }
0x304: {  	v17 =	vadd.f32 v20, v17;
	v18 =	vadd.f32 v18, v0;
	v21 =	vmul.f32 v21, v63  }
0x305: {  	v26 =	vld [tilespmem:s24+$0x80];
	v0 =	vmul.f32 v48, v63;
	v48 =	vunpack.i.u.bf16.f32 v58;
	v63 =	vunpack.i.l.bf16.f32 v58  }
0x306: {  	v19 =	vld [tilespmem:s24+$0x100];
	v42 =	vmul.f32 v42, v29;
	v50 =	vunpack.i.l.bf16.f32 v22;
	v52 =	vunpack.i.u.bf16.f32 v27  }
0x307: {  	v59 =	vld [tilespmem:s24+$0xFFFFFFC0];
	v27 =	vunpack.i.l.bf16.f32 v27;
	v46 =	vmul.f32 v63, v32;
	v32 =	vmul.f32 v48, v32  }
0x308: {  	v22 =	vunpack.i.u.bf16.f32 v22;
	v25 =	vmul.f32 v25, v50;
	v35 =	vmul.f32 v60, v50  }
0x309: {  	v23 =	vadd.f32 $0.0e+00, v23;
	v27 =	vmul.f32 v27, v51;
	v41 =	vmul.f32 v52, v51  }
0x30a: {  	v39 =	vmul.f32 v39, v22;
	v22 =	vmul.f32 v40, v22;
	v21 =	vadd.f32 $0.0e+00, v21  }
0x30b: {  	v20 =	vld [tilespmem:s11+$0x80];
	v0 =	vadd.f32 $0.0e+00, v0;
	v54 =	vunpack.i.u.bf16.f32 v26;
	v26 =	vunpack.i.l.bf16.f32 v26  }
0x30c: {  	v56 =	vunpack.i.u.bf16.f32 v19;
	v19 =	vunpack.i.l.bf16.f32 v19;
	v58 =	vunpack.i.u.bf16.f32 v59  }
0x30d: {  	v28 =	vld [tilespmem:s24+$0xFFFFFF40];
	v37 =	vunpack.i.l.bf16.f32 v59;
	v33 =	vadd.f32 v46, v33;
	v23 =	vadd.f32 v32, v23  }
0x30e: {  	v26 =	vmul.f32 v26, v53;
	v25 =	vadd.f32 $0.0e+00, v25;
	v35 =	vadd.f32 $0.0e+00, v35  }
0x30f: {  	v43 =	vmul.f32 v54, v53;
	v27 =	vadd.f32 $0.0e+00, v27;
	v41 =	vadd.f32 $0.0e+00, v41  }
0x310: {  	v60 =	vld [tilespmem:s24+$0x40];
	v37 =	vmul.f32 v37, v30;
	v30 =	vmul.f32 v58, v30;
	v55 =	vunpack.i.l.bf16.f32 v20  }
0x311: {  	v20 =	vunpack.i.u.bf16.f32 v20;
	v19 =	vmul.f32 v19, v55;
	v45 =	vmul.f32 v56, v55  }
0x312: {  	v40 =	vld [tilespmem:s11+$0xFFFFFF10];
	v56 =	vunpack.i.u.bf16.f32 v28;
	v26 =	vadd.f32 $0.0e+00, v26;
	v43 =	vadd.f32 $0.0e+00, v43  }
0x313: {  	v28 =	vunpack.i.l.bf16.f32 v28;
	v25 =	vadd.f32 v39, v25;
	v22 =	vadd.f32 v22, v35  }
0x314: {  	v44 =	vmul.f32 v44, v20;
	v21 =	vadd.f32 v37, v21;
	v0 =	vadd.f32 v30, v0  }
0x315: {  	v47 =	vld [tilespmem:s24+$0xFFFFFE90];
	v59 =	vunpack.i.u.bf16.f32 v60;
	v38 =	vunpack.i.l.bf16.f32 v60;
	v60 =	vunpack.i.u.bf16.f32 v61  }
0x316: {  	v48 =	vld [tilespmem:s11+$0xFFFFFF50];
	v61 =	vunpack.i.u.bf16.f32 v62;
	v28 =	vmul.f32 v28, v34;
	v34 =	vmul.f32 v56, v34  }
0x317: {  	v49 =	vld [tilespmem:s11+$0xFFFFFF90];
	v63 =	vunpack.i.l.bf16.f32 v40;
	v40 =	vunpack.i.u.bf16.f32 v40;
	v19 =	vadd.f32 $0.0e+00, v19  }
0x318: {  	v62 =	vld [tilespmem:s24+$0xFFFFFE10];
	v45 =	vadd.f32 $0.0e+00, v45;
	v38 =	vmul.f32 v38, v31;
	v31 =	vmul.f32 v59, v31  }
0x319: {  	v51 =	vld [tilespmem:s11+$0xFFFFFFD0];
	v29 =	vmul.f32 v60, v29;
	v26 =	vadd.f32 v42, v26;
	v24 =	vadd.f32 v28, v24  }
0x31a: {  	v59 =	vld [tilespmem:s24+$0xFFFFFF10];
	v20 =	vmul.f32 v61, v20;
	v34 =	vadd.f32 v34, v36;
	v27 =	vadd.f32 v38, v27  }
0x31b: {  	v54 =	vld [tilespmem:s11+$0x10];
	v60 =	vunpack.i.l.bf16.f32 v48;
	v31 =	vadd.f32 v31, v41;
	v29 =	vadd.f32 v29, v43  }
0x31c: {  	v61 =	vld [tilespmem:s24+$0xFFFFFF90];
	v48 =	vunpack.i.u.bf16.f32 v48;
	v19 =	vadd.f32 v44, v19;
	v20 =	vadd.f32 v20, v45  }
0x31d: {  	v58 =	vunpack.i.u.bf16.f32 v62;
	v53 =	vunpack.i.l.bf16.f32 v62;
	v62 =	vunpack.i.u.bf16.f32 v47  }
0x31e: {  	v28 =	vld [tilespmem:s24+$0x10];
	v47 =	vunpack.i.l.bf16.f32 v47;
	v53 =	vmul.f32 v53, v63;
	v46 =	vmul.f32 v58, v63  }
0x31f: {  	v36 =	vld [tilespmem:s11+$0x50];
	v63 =	vunpack.i.l.bf16.f32 v49;
	v58 =	vunpack.i.u.bf16.f32 v59;
	v50 =	vunpack.i.l.bf16.f32 v59  }
0x320: {  	v37 =	vld [tilespmem:s24+$0x90];
	v47 =	vmul.f32 v47, v60;
	v35 =	vmul.f32 v62, v60;
	v59 =	vunpack.i.l.bf16.f32 v51  }
0x321: {  	v30 =	vunpack.i.u.bf16.f32 v61;
	v39 =	vunpack.i.l.bf16.f32 v61;
	v60 =	vunpack.i.l.bf16.f32 v54  }
0x322: {  	v38 =	vld [tilespmem:s11+$0x90];
	v49 =	vunpack.i.u.bf16.f32 v49;
	v51 =	vunpack.i.u.bf16.f32 v51;
	v54 =	vunpack.i.u.bf16.f32 v54  }
0x323: {  	v42 =	vld [tilespmem:s24+$0x110];
	v50 =	vmul.f32 v50, v63;
	v32 =	vmul.f32 v58, v63;
	v61 =	vunpack.i.u.bf16.f32 v28  }
0x324: {  	v45 =	vld [tilespmem:s24+$0xFFFFFED0];
	v28 =	vunpack.i.l.bf16.f32 v28;
	v62 =	vunpack.i.l.bf16.f32 v36;
	v39 =	vmul.f32 v39, v59  }
0x325: {  	v30 =	vmul.f32 v30, v59;
	v58 =	vunpack.i.u.bf16.f32 v37;
	v37 =	vunpack.i.l.bf16.f32 v37  }
0x326: {  	v36 =	vunpack.i.u.bf16.f32 v36;
	v28 =	vmul.f32 v28, v60;
	v41 =	vmul.f32 v61, v60  }
0x327: {  	v59 =	vunpack.i.l.bf16.f32 v38;
	v37 =	vmul.f32 v37, v62;
	v43 =	vmul.f32 v58, v62  }
0x328: {  	v60 =	vunpack.i.u.bf16.f32 v42;
	v42 =	vunpack.i.l.bf16.f32 v42;
	v25 =	vadd.f32 v53, v25  }
0x329: {  	v22 =	vadd.f32 v46, v22;
	v33 =	vadd.f32 v47, v33;
	v58 =	vunpack.i.u.bf16.f32 v45  }
0x32a: {  	v45 =	vunpack.i.l.bf16.f32 v45;
	v23 =	vadd.f32 v35, v23;
	v24 =	vadd.f32 v50, v24  }
0x32b: {  	v63 =	vld [tilespmem:s24+$0xFFFFFE50];
	v42 =	vmul.f32 v42, v59;
	v32 =	vadd.f32 v32, v34;
	v21 =	vadd.f32 v39, v21  }
0x32c: {  	v61 =	vld [tilespmem:s24+$0xFFFFFF50];
	v52 =	vmul.f32 v60, v59;
	v0 =	vadd.f32 v30, v0;
	v27 =	vadd.f32 v28, v27  }
0x32d: {  	v59 =	vld [tilespmem:s24+$0xD0];
	v45 =	vmul.f32 v45, v48;
	v31 =	vadd.f32 v41, v31;
	v26 =	vadd.f32 v37, v26  }
0x32e: {  	v47 =	vmul.f32 v58, v48;
	v30 =	vld [tilespmem:s11+$0xFFFFFF20];
	v29 =	vadd.f32 v43, v29;
	v19 =	vadd.f32 v42, v19  }
0x32f: {  	v38 =	vunpack.i.u.bf16.f32 v38;
	v58 =	vld [tilespmem:s24+$0xFFFFFE20];
	v20 =	vadd.f32 v52, v20;
	v33 =	vadd.f32 v45, v33  }
0x330: {  	v23 =	vadd.f32 v47, v23;
	v62 =	vunpack.i.u.bf16.f32 v63;
	v44 =	vunpack.i.l.bf16.f32 v63  }
0x331: {  	v53 =	vld [tilespmem:s24+$0x50];
	v44 =	vmul.f32 v44, v40;
	v40 =	vmul.f32 v62, v40;
	v60 =	vunpack.i.u.bf16.f32 v61  }
0x332: {  	v63 =	vld [tilespmem:s24+$0xFFFFFFD0];
	v55 =	vunpack.i.l.bf16.f32 v61;
	v28 =	vunpack.i.u.bf16.f32 v59;
	v35 =	vunpack.i.l.bf16.f32 v59  }
0x333: {  	v55 =	vmul.f32 v55, v49;
	v49 =	vmul.f32 v60, v49;
	v60 =	vunpack.i.l.bf16.f32 v30  }
0x334: {  	v48 =	vld [tilespmem:s24+$0x20];
	v41 =	vunpack.i.l.bf16.f32 v58;
	v30 =	vunpack.i.u.bf16.f32 v30;
	v35 =	vmul.f32 v35, v36  }
0x335: {  	v61 =	vld [tilespmem:s24+$0x150];
	v28 =	vmul.f32 v28, v36;
	v25 =	vadd.f32 v44, v25;
	v22 =	vadd.f32 v40, v22  }
0x336: {  	v41 =	vmul.f32 v41, v60;
	v24 =	vadd.f32 v55, v24;
	v32 =	vadd.f32 v49, v32  }
0x337: {  	v37 =	vld [tilespmem:s11+$0xFFFFFF60];
	v62 =	vunpack.i.u.bf16.f32 v63;
	v46 =	vunpack.i.l.bf16.f32 v63;
	v63 =	vunpack.i.u.bf16.f32 v53  }
0x338: {  	v53 =	vunpack.i.l.bf16.f32 v53;
	v26 =	vadd.f32 v35, v26;
	v28 =	vadd.f32 v28, v29  }
0x339: {  	v52 =	vld [tilespmem:s11+$0xFFFFFFA0];
	v29 =	vunpack.i.u.bf16.f32 v48;
	v48 =	vunpack.i.l.bf16.f32 v48;
	v25 =	vadd.f32 v41, v25  }
0x33a: {  	v50 =	vld [tilespmem:s11+$0xFFFFFFE0];
	v59 =	vunpack.i.u.bf16.f32 v61;
	v43 =	vmul.f32 v46, v51;
	v42 =	vmul.f32 v62, v51  }
0x33b: {  	v34 =	vunpack.i.l.bf16.f32 v61;
	v51 =	vmul.f32 v53, v54;
	v39 =	vmul.f32 v63, v54  }
0x33c: {  	v46 =	vld [tilespmem:s24+$0xFFFFFEA0];
	v61 =	vunpack.i.u.bf16.f32 v58;
	v63 =	vunpack.i.l.bf16.f32 v37;
	v34 =	vmul.f32 v34, v38  }
0x33d: {  	v62 =	vld [tilespmem:s24+$0xFFFFFF20];
	v37 =	vunpack.i.u.bf16.f32 v37;
	v38 =	vmul.f32 v59, v38;
	v47 =	vmul.f32 v61, v60  }
0x33e: {  	v58 =	vld [tilespmem:s24+$0xFFFFFFA0];
	v60 =	vunpack.i.l.bf16.f32 v52;
	v52 =	vunpack.i.u.bf16.f32 v52;
	v21 =	vadd.f32 v43, v21  }
0x33f: {  	v45 =	vld [tilespmem:s11+$0x20];
	v0 =	vadd.f32 v42, v0;
	v42 =	vunpack.i.l.bf16.f32 v50;
	v27 =	vadd.f32 v51, v27  }
0x340: {  	v49 =	vld [tilespmem:s11+$0x60];
	v31 =	vadd.f32 v39, v31;
	v50 =	vunpack.i.u.bf16.f32 v50;
	v19 =	vadd.f32 v34, v19  }
0x341: {  	v20 =	vadd.f32 v38, v20;
	v22 =	vadd.f32 v47, v22;
	v59 =	vunpack.i.u.bf16.f32 v46  }
0x342: {  	v46 =	vunpack.i.l.bf16.f32 v46;
	v61 =	vunpack.i.u.bf16.f32 v62;
	v36 =	vunpack.i.l.bf16.f32 v62  }
0x343: {  	v40 =	vunpack.i.l.bf16.f32 v58;
	v46 =	vmul.f32 v46, v63;
	v44 =	vmul.f32 v59, v63  }
0x344: {  	v51 =	vld [tilespmem:s11+$0xA0];
	v63 =	vunpack.i.u.bf16.f32 v58;
	v59 =	vunpack.i.l.bf16.f32 v45;
	v36 =	vmul.f32 v36, v60  }
0x345: {  	v62 =	vld [tilespmem:s24+$0xA0];
	v53 =	vmul.f32 v61, v60;
	v60 =	vunpack.i.l.bf16.f32 v49;
	v38 =	vmul.f32 v40, v42  }
0x346: {  	v58 =	vld [tilespmem:s24+$0x120];
	v45 =	vunpack.i.u.bf16.f32 v45;
	v49 =	vunpack.i.u.bf16.f32 v49;
	v42 =	vmul.f32 v63, v42  }
0x347: {  	v48 =	vmul.f32 v48, v59;
	v33 =	vadd.f32 v46, v33;
	v23 =	vadd.f32 v44, v23  }
0x348: {  	v29 =	vmul.f32 v29, v59;
	v24 =	vadd.f32 v36, v24;
	v32 =	vadd.f32 v53, v32  }
0x349: {  	v63 =	vunpack.i.l.bf16.f32 v51;
	v59 =	vld [tilespmem:s24+$0xFFFFFEE0];
	v38 =	vadd.f32 v38, v21;
	v0 =	vadd.f32 v42, v0  }
0x34a: {  	v51 =	vunpack.i.u.bf16.f32 v51;
	v27 =	vadd.f32 v48, v27;
	v29 =	vadd.f32 v29, v31  }
0x34b: {  	s25 =	sadd.s32 $0xFFFFFFF8, s22;
	v61 =	vunpack.i.u.bf16.f32 v62;
	v43 =	vunpack.i.l.bf16.f32 v62;
	v56 =	vunpack.i.l.bf16.f32 v58  }
0x34c: {  	s5 =	sadd.s32 $0x5F, s25;
	v62 =	vld [tilespmem:s24+$0xFFFFFE60];
	v43 =	vmul.f32 v43, v60;
	v34 =	vmul.f32 v61, v60;
	v35 =	vunpack.i.u.bf16.f32 v58  }
0x34d: {  	v58 =	vmov s5;
	v39 =	vmul.f32 v56, v63;
	v35 =	vmul.f32 v35, v63  }
0x34e: {  	v21 =	vld [tilespmem:s24+$0xE0];
	v54 =	vshrl.u32 v58, $0x3;
	v56 =	vunpack.i.u.bf16.f32 v59;
	v41 =	vunpack.i.l.bf16.f32 v59  }
0x34f: {  	v60 =	vld [tilespmem:s24+$0xFFFFFF60];
	v46 =	vshll.u32 v54, v57;
	v41 =	vmul.f32 v41, v37;
	v26 =	vadd.f32 v43, v26  }
0x350: {  	v63 =	vld [tilespmem:s24+$0x60];
	v37 =	vmul.f32 v56, v37;
	v28 =	vadd.f32 v34, v28;
	v39 =	vadd.f32 v39, v19  }
0x351: {  	v59 =	vld [tilespmem:s24+$0x160];
	v35 =	vadd.f32 v35, v20;
	v46 =	vadd.s32 $0x7, v46;
	v61 =	vunpack.i.u.bf16.f32 v62  }
0x352: {  	(xrf2) =	vadd.scan.msk.f32 $0xffff, v1;
	v40 =	vunpack.i.l.bf16.f32 v62;
	v33 =	vadd.f32 v41, v33;
	v1 =	vbroadcast v46, $0x0  }
0x353: {  	v43 =	vld [tilespmem:s11+$0xFFFFFF30];
	v23 =	vadd.f32 v37, v23;
	v40 =	vmul.f32 v40, v30;
	v30 =	vmul.f32 v61, v30  }
0x354: {  	v58 =	vunpack.i.u.bf16.f32 v60;
	v47 =	vunpack.i.l.bf16.f32 v60;
	v61 =	vunpack.i.u.bf16.f32 v21  }
0x355: {  	v56 =	vld [tilespmem:s24+$0xFFFFFFB0];
	v21 =	vunpack.i.l.bf16.f32 v21;
	v31 =	vunpack.i.u.bf16.f32 v63;
	v36 =	vunpack.i.l.bf16.f32 v63  }
0x356: {  	v47 =	vmul.f32 v47, v52;
	v52 =	vmul.f32 v58, v52;
	v19 =	vunpack.i.u.bf16.f32 v59  }
0x357: {  	v42 =	vunpack.i.l.bf16.f32 v59;
	v54 =	vmul.f32 v21, v49;
	v49 =	vmul.f32 v61, v49  }
0x358: {  	v62 =	vld [tilespmem:s24+$0xFFFFFFE0];
	v36 =	vmul.f32 v36, v45;
	v31 =	vmul.f32 v31, v45;
	v20 =	vunpack.i.l.bf16.f32 v43  }
0x359: {  	v42 =	vmul.f32 v42, v51;
	v51 =	vmul.f32 v19, v51;
	v25 =	vadd.f32 v40, v25  }
0x35a: {  	s26 =	sadd.s32 $0x59, s25;
	v63 =	vld [tilespmem:s24+$0xFFFFFEB0];
	v30 =	vadd.f32 v30, v22;
	v58 =	vunpack.i.u.bf16.f32 v56;
	v59 =	vunpack.i.l.bf16.f32 v56  }
0x35b: {  	v21 =	vld [tilespmem:s11+$0xFFFFFFF0];
	v56 =	vmov s26;
	v24 =	vadd.f32 v47, v24;
	v32 =	vadd.f32 v52, v32  }
0x35c: {  	v53 =	vld [tilespmem:s11+$0xFFFFFFB0];
	v26 =	vadd.f32 v54, v26;
	v28 =	vadd.f32 v49, v28;
	v46 =	vshrl.u32 v56, $0x3  }
0x35d: {  	v60 =	vunpack.i.u.bf16.f32 v62;
	v27 =	vadd.f32 v36, v27;
	v29 =	vadd.f32 v31, v29  }
0x35e: {  	v44 =	vunpack.i.l.bf16.f32 v62;
	v62 =	vld [tilespmem:s24+$0xFFFFFE30];
	v39 =	vadd.f32 v42, v39;
	v35 =	vadd.f32 v51, v35  }
0x35f: {  	v46 =	vshll.u32 v46, v57;
	v44 =	vmul.f32 v44, v50;
	v48 =	vmul.f32 v60, v50;
	v50 =	vld [tilespmem:s11+$0xFFFFFF70]  }
0x360: {  	v60 =	vld [tilespmem:s24+$0xFFFFFF30];
	v22 =	vunpack.i.u.bf16.f32 v63;
	v61 =	vunpack.i.l.bf16.f32 v63;
	v31 =	vunpack.i.l.bf16.f32 v21  }
0x361: {  	v63 =	vunpack.i.l.bf16.f32 v53;
	v38 =	vadd.f32 v44, v38;
	v44 =	vmul.f32 v59, v31  }
0x362: {  	v53 =	vunpack.i.u.bf16.f32 v53;
	v0 =	vadd.f32 v48, v0;
	v31 =	vmul.f32 v58, v31  }
0x363: {  	s29 =	sadd.s32 $0x5B, s25;
	v47 =	vld [tilespmem:s24+$0xB0];
	v19 =	vunpack.i.u.bf16.f32 v62;
	v34 =	vunpack.i.l.bf16.f32 v62;
	v38 =	vadd.f32 v44, v38  }
0x364: {  	v58 =	vld [tilespmem:s24+$0xFFFFFE70];
	v0 =	vadd.f32 v31, v0;
	v31 =	vmov s29;
	v34 =	vmul.f32 v34, v20  }
0x365: {  	(xrf2) =	vadd.scan.msk.f32 $0xffff, v2;
	v40 =	vmul.f32 v19, v20;
	v20 =	vunpack.i.l.bf16.f32 v50;
	v52 =	vunpack.i.u.bf16.f32 v60  }
0x366: {  	(xrf2) =	vadd.scan.msk.f32 $0xffff, v16;
	v16 =	vshrl.u32 v31, $0x3;
	v37 =	vmul.f32 v61, v20;
	v45 =	vmul.f32 v22, v20  }
0x367: {  	v2 =	vld [tilespmem:s24+$0x130];
	v22 =	vunpack.i.l.bf16.f32 v60;
	v36 =	vmul.f32 v52, v63;
	v16 =	vshll.u32 v16, v57  }
0x368: {  	v62 =	vld [tilespmem:s24+$0x30];
	v48 =	vmul.f32 v22, v63;
	v63 =	vunpack.i.u.bf16.f32 v47;
	v47 =	vunpack.i.l.bf16.f32 v47  }
0x369: {  	s28 =	sadd.s32 $0x5A, s25;
	v19 =	vld [tilespmem:s11+$0x30];
	v25 =	vadd.f32 v34, v25;
	v30 =	vadd.f32 v40, v30;
	v52 =	vunpack.i.u.bf16.f32 v58  }
0x36a: {  	s30 =	sadd.s32 $0x5C, s25;
	v20 =	vld [tilespmem:s11+$0x70];
	v54 =	vunpack.i.l.bf16.f32 v58;
	v58 =	vmov s28;
	v33 =	vadd.f32 v37, v33  }
0x36b: {  	s31 =	sadd.s32 $0x5D, s25;
	v22 =	vld [tilespmem:s11+$0xB0];
	s11 =	sadd.s32 $0x5E, s25;
	s25 =	sadd.s32 $0x58, s25;
	v16 =	vadd.s32 $0x3, v16;
	v23 =	vadd.f32 v45, v23;
	v32 =	vadd.f32 v36, v32  }
0x36c: {  	(xrf2) =	vadd.scan.msk.f32 $0xffff, v13;
	v36 =	vshrl.u32 v58, $0x3;
	v13 =	vmov s25;
	v58 =	vadd.s32 $0x1, v46  }
0x36d: {  	(xrf2) =	vadd.scan.msk.f32 $0xffff, v15;
	v61 =	vunpack.i.u.bf16.f32 v62;
	v41 =	vunpack.i.l.bf16.f32 v62;
	v15 =	vshll.u32 v36, v57  }
0x36e: {  	v24 =	vadd.f32 v48, v24;
	v60 =	vunpack.i.l.bf16.f32 v19;
	v15 =	vadd.s32 $0x2, v15  }
0x36f: {  	v62 =	vunpack.i.l.bf16.f32 v20;
	v41 =	vmul.f32 v41, v60;
	v49 =	vmul.f32 v61, v60  }
0x370: {  	v60 =	vunpack.i.l.bf16.f32 v2;
	v2 =	vunpack.i.u.bf16.f32 v2;
	v59 =	vunpack.i.l.bf16.f32 v22  }
0x371: {  	v47 =	vmul.f32 v47, v62;
	v42 =	vmul.f32 v63, v62;
	v62 =	vunpack.i.u.bf16.f32 v43;
	v63, _, _ =	vpop (xrf2)  }
0x372: {  	v51 =	vmul.f32 v60, v59;
	v2 =	vmul.f32 v2, v59;
	v37 =	vmax.f32 v63, $0.0e+00  }
0x373: {  	v45 =	vmul.f32 v54, v62;
	v40 =	vmul.f32 v52, v62;
	v59 =	vunpack.i.u.bf16.f32 v50  }
0x374: {  	v55, _, _ =	vpop (xrf2);
	v27 =	vadd.f32 v41, v27;
	v62 =	vmov s31;
	v29 =	vadd.f32 v49, v29  }
0x375: {  	v61 =	vld [tilespmem:s24+$0xFFFFFEF0];
	v52 =	vmov s11;
	(xrf2) =	vadd.scan.msk.f32 $0xffff, v11;
	v43 =	vmax.f32 v55, $0.0e+00;
	v26 =	vadd.f32 v47, v26  }
0x376: {  	v41 =	vshrl.u32 v62, $0x3;
	v47 =	vshrl.u32 v52, $0x3;
	v28 =	vadd.f32 v42, v28;
	(xrf2) =	vadd.scan.msk.f32 $0xffff, v12  }
0x377: {  	v42 =	vbroadcast v58, $0x0;
	(xrf2) =	vadd.scan.msk.f32 $0xffff, v10;
	v10 =	vshrl.u32 v13, $0x3;
	v13 =	vshll.u32 v41, v57  }
0x378: {  	v63 =	vld [tilespmem:s24+$0xFFFFFF70];
	v56 =	vshll.u32 v47, v57;
	v39 =	vadd.f32 v51, v39;
	v35 =	vadd.f32 v2, v35  }
0x379: {  	v25 =	vadd.f32 v45, v25;
	v30 =	vadd.f32 v40, v30;
	v51 =	vbroadcast v15, $0x0  }
0x37a: {  	v55 =	vld [tilespmem:s24+$0xFFFFFFF0];
	v60 =	vunpack.i.l.bf16.f32 v61;
	v34 =	vunpack.i.u.bf16.f32 v61;
	v61 =	vmov s30  }
0x37b: {  	v13 =	vadd.s32 $0x5, v13;
	v41 =	vadd.s32 $0x6, v56;
	v44 =	vmul.f32 v60, v59  }
0x37c: {  	(xrf2) =	vadd.scan.msk.f32 $0xffff, v9;
	v34 =	vmul.f32 v34, v59;
	v31 =	vshrl.u32 v61, $0x3;
	v45 =	vbroadcast v41, $0x0  }
0x37d: {  	v9 =	vld [tilespmem:s24+$0x70];
	(xrf2) =	vadd.scan.msk.f32 $0xffff, v8;
	v11 =	vunpack.i.u.bf16.f32 v63;
	v54 =	vunpack.i.l.bf16.f32 v63;
	v12 =	vshll.u32 v31, v57  }
0x37e: {  	(xrf2) =	vadd.scan.msk.f32 $0xffff, v7;
	v7 =	vunpack.i.u.bf16.f32 v21;
	v31 =	vmul.f32 v54, v53;
	v11 =	vmul.f32 v11, v53  }
0x37f: {  	v59 =	vld [tilespmem:s24+$0xF0];
	v21, _, _ =	vpop (xrf2);
	v12 =	vadd.s32 $0x4, v12;
	(xrf2) =	vadd.scan.msk.f32 $0xffff, v6;
	v6 =	vunpack.i.u.bf16.f32 v55;
	v8 =	vunpack.i.l.bf16.f32 v55  }
0x380: {  	v33 =	vadd.f32 v44, v33;
	v34 =	vadd.f32 v34, v23;
	v15 =	vmax.f32 v21, $0.0e+00;
	(xrf2) =	vadd.scan.msk.f32 $0xffff, v5  }
0x381: {  	v36 =	vmul.f32 v8, v7;
	v60 =	vmul.f32 v6, v7;
	v5 =	vld [tilespmem:s24+$0x170];
	v6 =	vunpack.i.u.bf16.f32 v19;
	v19, _, _ =	vpop (xrf2);
	(xrf2) =	vadd.scan.msk.f32 $0xffff, v4  }
0x382: {  	v50 =	vbroadcast v12, $0x0;
	v4 =	vunpack.i.u.bf16.f32 v9;
	v7 =	vunpack.i.l.bf16.f32 v9;
	v61, _, _ =	vpop (xrf2);
	(xrf2) =	vadd.scan.msk.f32 $0xffff, v3  }
0x383: {  	v9 =	vunpack.i.u.bf16.f32 v22;
	v22 =	vshll.u32 v10, v57;
	v3 =	vunpack.i.u.bf16.f32 v20;
	v63, _, _ =	vpop (xrf2);
	(xrf2) =	vadd.scan.msk.f32 $0xffff, v17  }
0x384: {  	v20 =	vmul.f32 v7, v6;
	v62 =	vmul.f32 v4, v6;
	v2 =	vunpack.i.l.bf16.f32 v59;
	v6, _, _ =	vpop (xrf2)  }
0x385: {  	v56 =	vadd.f32 v31, v24;
	v4 =	vunpack.i.u.bf16.f32 v59;
	v17 =	vmul.f32 v2, v3;
	v7, _, _ =	vpop (xrf2)  }
0x386: {  	s0 =	sadd.s32 $0x0, s22;
	(xrf2) =	vadd.scan.msk.f32 $0xffff, v18;
	v18 =	vmul.f32 v4, v3;
	v53 =	vunpack.i.u.bf16.f32 v5;
	v3 =	vunpack.i.l.bf16.f32 v5;
	v8, _, _ =	vpop (xrf2)  }
0x387: {  	s26 =	sadd.s32 $0x5F, s0;
	s29 =	sadd.s32 $0x5A, s0;
	v24 =	vadd.f32 v11, v32;
	v54 =	vmul.f32 v3, v9;
	v55 =	vmul.f32 v53, v9;
	v9, _, _ =	vpop (xrf2)  }
0x388: {  	s28 =	sadd.s32 $0x59, s0;
	s25 =	sadd.s32 $0x5D, s0;
	s11 =	sadd.s32 $0x5B, s0;
	v31 =	vmax.f32 v19, $0.0e+00;
	v23 =	vadd.f32 v36, v38;
	v58 =	vbroadcast v22, $0x0;
	v10, _, _ =	vpop (xrf2)  }
0x389: {  	s31 =	sadd.s32 $0x5E, s0;
	s30 =	sadd.s32 $0x5C, s0;
	s0 =	sadd.s32 $0x58, s0;
	v22 =	vadd.f32 v60, v0;
	v4 =	vbroadcast v16, $0x0;
	v16 =	vmov s26;
	v11, _, _ =	vpop (xrf2)  }
0x38a: {  	v60 =	vmov s0;
	v21 =	vadd.f32 v20, v27;
	v16 =	vshrl.u32 v16, $0x3;
	v12, _, _ =	vpop (xrf2)  }
0x38b: {  	v20 =	vadd.f32 v62, v29;
	v5 =	vbroadcast v13, $0x0;
	v59 =	vshll.u32 v16, v57;
	v13, _, _ =	vpop (xrf2);
	(xrf2) =	vadd.scan.msk.f32 $0xffff, v14  }
0x38c: {  	v16 =	vmax.f32 v61, $0.0e+00;
	v18 =	vadd.f32 v18, v28;
	v0 =	vadd.s32 $0x7, v59;
	v14, _, _ =	vpop (xrf2);
	(xrf2) =	vadd.scan.msk.f32 $0xffff, v25  }
0x38d: {  	v28 =	vmov s28;
	[tilespmem:v42+s18+$0x0] =	vst.idx.msk vm0, v16;
	v0 =	vbroadcast v0, $0x0;
	v19, _, _ =	vpop (xrf2);
	(xrf2) =	vadd.scan.msk.f32 $0xffff, v30  }
0x38e: {  	v29 =	vmov s11;
	v28 =	vshrl.u32 v28, $0x3;
	[tilespmem:v58+s18+$0x0] =	vst.idx.msk vm0, v15;
	v15 =	vmov s30  }
0x38f: {  	v16 =	vadd.f32 v55, v35;
	[tilespmem:v58+s19+$0x0] =	vst.idx.msk vm0, v31;
	v15 =	vshrl.u32 v15, $0x3;
	v25 =	vmax.f32 v63, $0.0e+00  }
0x390: {  	v31 =	vmov s31;
	v61 =	vshll.u32 v15, v57;
	[tilespmem:v42+s19+$0x0] =	vst.idx.msk vm0, v25;
	v25 =	vmov s29  }
0x391: {  	[tilespmem:v1+s18+$0x0] =	vst.idx.msk vm0, v37;
	v30 =	vmov s25;
	v27 =	vmax.f32 v19, $0.0e+00;
	v19 =	vadd.f32 v17, v26;
	v17, _, _ =	vpop (xrf2)  }
0x392: {  	[tilespmem:v1+s19+$0x0] =	vst.idx.msk vm0, v43;
	v25 =	vshrl.u32 v25, $0x3;
	v26 =	vmax.f32 v17, $0.0e+00;
	v17 =	vadd.f32 v54, v39  }
0x393: {  	[tilespmem:v0+s18+$0x0] =	vst.idx.msk vm0, v27;
	v27 =	vshrl.u32 v29, $0x3;
	v29 =	vshrl.u32 v30, $0x3;
	v25 =	vshll.u32 v25, v57  }
0x394: {  	[tilespmem:v0+s19+$0x0] =	vst.idx.msk vm0, v26;
	v26 =	vshll.u32 v28, v57;
	v28 =	vshrl.u32 v31, $0x3;
	v27 =	vshll.u32 v27, v57  }
0x395: {  	(xrf2) =	vadd.scan.msk.f32 $0xffff, v33;
	v31 =	vshrl.u32 v60, $0x3;
	v62 =	vshll.u32 v29, v57;
	v29 =	vadd.s32 $0x2, v25;
	v15, _, _ =	vpop (xrf2)  }
0x396: {  	(xrf2) =	vadd.scan.msk.f32 $0xffff, v34;
	v63 =	vshll.u32 v28, v57;
	v33 =	vadd.s32 $0x1, v26;
	v28 =	vadd.s32 $0x3, v27;
	v30, _, _ =	vpop (xrf2)  }
0x397: {  	s26 =	simm.s32 $0xB720;
	s25 =	simm.s32 $0x8;
	v27 =	vadd.s32 $0x4, v61;
	v26 =	vadd.s32 $0x5, v62;
	v25 =	vadd.s32 $0x6, v63;
	(xrf2) =	vadd.scan.msk.f32 $0xffff, v56;
	v32, _, _ =	vpop (xrf2)  }
.LBB2_5:
0x398: {  	v0 =	vld [tilespmem:s26+$0xF0]  }
0x399: {  	v31 =	vshll.u32 v31, v57;
	v34 =	vld [tilespmem:s26+$0xE0];
	v28 =	vbroadcast v28, $0x0  }
0x39a: {  	v33 =	vbroadcast v33, $0x0;
	v29 =	vbroadcast v29, $0x0;
	v30 =	vmax.f32 v30, $0.0e+00;
	s24 =	sadd.s32 $0x400, s24;
	v37 =	vld [tilespmem:s26+$0xD0]  }
0x39b: {  	v27 =	vbroadcast v27, $0x0;
	(xrf2) =	vadd.scan.msk.f32 $0xffff, v24;
	v32 =	vmax.f32 v32, $0.0e+00;
	v26 =	vbroadcast v26, $0x0;
	v36 =	vld [tilespmem:s24+$0x180];
	v46 =	vmovc v28  }
0x39c: {  	v25 =	vbroadcast v25, $0x0;
	v31 =	vbroadcast v31, $0x0;
	v56 =	vld [tilespmem:s24+$0x190];
	[tilespmem:$0x1FC80] =	vst v46;
	v6 =	vmax.f32 v6, $0.0e+00  }
0x39d: {  	v44 =	vld [tilespmem:s24+$0x1A0];
	v7 =	vmax.f32 v7, $0.0e+00;
	v8 =	vmax.f32 v8, $0.0e+00;
	v9 =	vmax.f32 v9, $0.0e+00;
	[tilespmem:v51+s18+$0x0] =	vst.idx.msk vm0, v6  }
0x39e: {  	v63 =	vld [tilespmem:s24+$0x1E0];
	v10 =	vmax.f32 v10, $0.0e+00;
	v11 =	vmax.f32 v11, $0.0e+00;
	v12 =	vmax.f32 v12, $0.0e+00;
	[tilespmem:v4+s18+$0x0] =	vst.idx.msk vm0, v8  }
0x39f: {  	v24 =	vld [tilespmem:s26+$0xC0];
	v13 =	vmax.f32 v13, $0.0e+00;
	v14 =	vmax.f32 v14, $0.0e+00;
	v59 =	vmax.f32 v15, $0.0e+00;
	[tilespmem:v5+s18+$0x0] =	vst.idx.msk vm0, v12  }
0x3a0: {  	v39 =	vld [tilespmem:s24+$0xFFFFFE00];
	v58 =	vunpack.i.u.bf16.f32 v0;
	v0 =	vunpack.i.l.bf16.f32 v0;
	v41 =	vunpack.i.u.bf16.f32 v34;
	[tilespmem:v45+s18+$0x0] =	vst.idx.msk vm0, v14  }
0x3a1: {  	v60 =	vld [tilespmem:s24+$0x1D0];
	v34 =	vunpack.i.l.bf16.f32 v34;
	v42 =	vunpack.i.u.bf16.f32 v37;
	v35, _, _ =	vpop (xrf2);
	(xrf2) =	vadd.scan.msk.f32 $0xffff, v23;
	[tilespmem:v51+s19+$0x0] =	vst.idx.msk vm0, v7  }
0x3a2: {  	v23 =	vld [tilespmem:s24+$0x1C0];
	v40 =	vunpack.i.l.bf16.f32 v36;
	v36 =	vunpack.i.u.bf16.f32 v36;
	v62 =	vunpack.i.l.bf16.f32 v56;
	[tilespmem:v4+s19+$0x0] =	vst.idx.msk vm0, v9  }
0x3a3: {  	v47 =	vld [tilespmem:s24+$0x1F0];
	v4 =	vunpack.i.u.bf16.f32 v56;
	v3 =	vunpack.i.l.bf16.f32 v63;
	v12 =	vunpack.i.u.bf16.f32 v44;
	[tilespmem:v5+s19+$0x0] =	vst.idx.msk vm0, v13  }
0x3a4: {  	v35 =	vmax.f32 v35, $0.0e+00;
	[tilespmem:v31+s18+$0x0] =	vst.idx.msk vm0, v30;
	v46 =	vld [tilespmem:s24+$0xC0];
	v38, _, _ =	vpop (xrf2);
	(xrf2) =	vadd.scan.msk.f32 $0xffff, v22;
	v22 =	vunpack.i.l.bf16.f32 v24  }
0x3a5: {  	v52 =	vunpack.i.u.bf16.f32 v63;
	v49 =	vld [tilespmem:s24+$0xFFFFFF80];
	v12 =	vmul.f32 v12, v34;
	[tilespmem:v33+s18+$0x0] =	vst.idx.msk vm0, v35;
	v7 =	vmul.f32 v40, v22  }
0x3a6: {  	v14 =	vld [tilespmem:s24+$0x80];
	v24 =	vunpack.i.u.bf16.f32 v24;
	[tilespmem:v31+s19+$0x0] =	vst.idx.msk vm0, v32;
	v31 =	vunpack.i.l.bf16.f32 v37;
	v22 =	vmul.f32 v36, v22  }
0x3a7: {  	v6 =	vmax.f32 v38, $0.0e+00;
	v1, _, _ =	vpop (xrf2);
	(xrf2) =	vadd.scan.msk.f32 $0xffff, v21;
	v21 =	vld [tilespmem:s26+$0xFFFFFF80];
	v30 =	vunpack.i.l.bf16.f32 v23;
	v43 =	vadd.f32 $0.0e+00, v7  }
0x3a8: {  	v54 =	vmovc v25;
	v25 =	vld [tilespmem:s26+$0xFFFFFF00];
	[tilespmem:v33+s19+$0x0] =	vst.idx.msk vm0, v6;
	v8 =	vunpack.i.u.bf16.f32 v23;
	v36 =	vadd.f32 $0.0e+00, v22;
	v30 =	vmul.f32 v30, v24  }
0x3a9: {  	v2 =	vmovc v29;
	v29 =	vld [tilespmem:s24+$0xFFFFFE80];
	v22 =	vunpack.i.l.bf16.f32 v60;
	v24 =	vmul.f32 v8, v24;
	v6 =	vunpack.i.u.bf16.f32 v46  }
0x3aa: {  	[tilespmem:$0x1FBE0] =	vst v54;
	v15 =	vld [tilespmem:s26+$0xFFFFFF40];
	v46 =	vunpack.i.l.bf16.f32 v46;
	v23 =	vadd.f32 v30, v43;
	v30 =	vmul.f32 v62, v31  }
0x3ab: {  	[tilespmem:v50+s18+$0x0] =	vst.idx.msk vm0, v10;
	v54 =	vld [tilespmem:s24+$0xFFFFFE90];
	v10 =	vadd.f32 v24, v36;
	v24 =	vmul.f32 v4, v31;
	v31 =	vunpack.i.l.bf16.f32 v44  }
0x3ac: {  	v37 =	vld [tilespmem:s24+$0xFFFFFF40];
	v61, _, _ =	vpop (xrf2);
	(xrf2) =	vadd.scan.msk.f32 $0xffff, v20;
	v36 =	vunpack.i.l.bf16.f32 v49;
	v31 =	vmul.f32 v31, v34;
	v34 =	vunpack.i.l.bf16.f32 v21  }
0x3ad: {  	v40 =	vld [tilespmem:s24+$0xFFFFFFC0];
	v43, _, _ =	vpop (xrf2);
	v9 =	vadd.f32 v30, v23;
	v23 =	vmul.f32 v22, v42;
	(xrf2) =	vadd.scan.msk.f32 $0xffff, v19;
	v19 =	vunpack.i.u.bf16.f32 v60  }
0x3ae: {  	v30 =	vld [tilespmem:s24+$0x1B0];
	v10 =	vadd.f32 v24, v10;
	v56 =	vunpack.i.u.bf16.f32 v29;
	v29 =	vunpack.i.l.bf16.f32 v29  }
0x3af: {  	[tilespmem:v50+s19+$0x0] =	vst.idx.msk vm0, v11;
	v22 =	vld [tilespmem:s26+$0xFFFFFFC0];
	v60 =	vunpack.i.l.bf16.f32 v25;
	v25 =	vunpack.i.u.bf16.f32 v25;
	v11 =	vmul.f32 v19, v42  }
0x3b0: {  	v24 =	vld [tilespmem:s26+$0x40];
	v35 =	vunpack.i.u.bf16.f32 v15;
	v5 =	vunpack.i.u.bf16.f32 v54;
	v28 =	vadd.f32 v23, v9;
	v48, _, _ =	vpop (xrf2)  }
0x3b1: {  	v20 =	vld [tilespmem:s24+$0xFFFFFF00];
	v54 =	vunpack.i.l.bf16.f32 v54;
	[tilespmem:$0x1FC20] =	vst v48;
	v11 =	vadd.f32 v11, v10;
	v48 =	vunpack.i.l.bf16.f32 v14  }
0x3b2: {  	v33 =	vld [tilespmem:s24+$0xFFFFFEC0];
	(xrf2) =	vadd.scan.msk.f32 $0xffff, v18;
	v51, _, _ =	vpop (xrf2);
	v19 =	vadd.f32 v31, v28;
	v28 =	vmul.f32 v3, v41;
	v31 =	vunpack.i.l.bf16.f32 v15  }
0x3b3: {  	v50 =	vmovc v27;
	v23 =	vld [tilespmem:s26+$0x0];
	[tilespmem:$0x1FC40] =	vst v51;
	v51 =	vunpack.i.u.bf16.f32 v37;
	v37 =	vunpack.i.l.bf16.f32 v37;
	v27 =	vunpack.i.l.bf16.f32 v30  }
0x3b4: {  	v18 =	vld [tilespmem:s24+$0x0];
	(xrf2) =	vadd.scan.msk.f32 $0xffff, v17;
	v12 =	vadd.f32 v12, v11;
	v11 =	vunpack.i.l.bf16.f32 v47;
	v17 =	vunpack.i.u.bf16.f32 v30  }
0x3b5: {  	v3 =	vmovc v26;
	v26 =	vld [tilespmem:s26+$0x80];
	[tilespmem:v45+s19+$0x0] =	vst.idx.msk vm0, v59;
	v38 =	vunpack.i.l.bf16.f32 v22;
	v45 =	vunpack.i.l.bf16.f32 v24;
	v29 =	vmul.f32 v29, v31  }
0x3b6: {  	[tilespmem:$0x1FBD0] =	vst v2;
	v2 =	vld [tilespmem:s26+$0xFFFFFF50];
	v31 =	vmul.f32 v56, v31;
	v13 =	vadd.f32 v28, v19;
	v19 =	vmul.f32 v27, v0  }
0x3b7: {  	v44 =	vld [tilespmem:s24+$0x40];
	v27 =	vmul.f32 v52, v41;
	v28 =	vunpack.i.u.bf16.f32 v39;
	v0 =	vmul.f32 v17, v0  }
0x3b8: {  	v4 =	vld [tilespmem:s26+$0xFFFFFF90];
	v17 =	vunpack.i.u.bf16.f32 v47;
	v47 =	vunpack.i.u.bf16.f32 v14;
	v36 =	vmul.f32 v36, v38  }
0x3b9: {  	[tilespmem:$0x1FC60] =	vst v43;
	v30 =	vld [tilespmem:s24+$0x100];
	v48 =	vmul.f32 v48, v45;
	v41 =	vunpack.i.u.bf16.f32 v40;
	v17 =	vmul.f32 v17, v58  }
0x3ba: {  	[tilespmem:$0x1FCA0] =	vst v3;
	v3 =	vld [tilespmem:s26+$0xFFFFFF10];
	v42 =	vunpack.i.l.bf16.f32 v23;
	v43 =	vunpack.i.u.bf16.f32 v18;
	v45 =	vmul.f32 v47, v45  }
0x3bb: {  	v56 =	vld [tilespmem:s24+$0xFFFFFF10];
	v47 =	vunpack.i.u.bf16.f32 v21;
	v13 =	vadd.f32 v19, v13;
	v19 =	vmul.f32 v11, v58  }
0x3bc: {  	v8 =	vld [tilespmem:s24+$0x110];
	v12 =	vadd.f32 v27, v12;
	v27 =	vunpack.i.l.bf16.f32 v39;
	v58 =	vunpack.i.u.bf16.f32 v20  }
0x3bd: {  	v52 =	vld [tilespmem:s24+$0xFFFFFE10];
	v20 =	vunpack.i.l.bf16.f32 v20;
	v39 =	vunpack.i.u.bf16.f32 v49;
	v21 =	vadd.f32 $0.0e+00, v36  }
0x3be: {  	v49 =	vld [tilespmem:s24+$0x140];
	v62 =	vunpack.i.l.bf16.f32 v26;
	v27 =	vmul.f32 v27, v60;
	v38 =	vmul.f32 v39, v38  }
0x3bf: {  	v53, _, _ =	vpop (xrf2);
	v39 =	vunpack.i.u.bf16.f32 v33;
	v33 =	vunpack.i.l.bf16.f32 v33;
	v13 =	vadd.f32 v19, v13;
	v19 =	vld [tilespmem:s24+$0xFFFFFE40]  }
0x3c0: {  	s0 =	smov.u32 s25;
	v0 =	vadd.f32 v0, v12;
	v55, _, _ =	vpop (xrf2);
	v63 =	vunpack.i.u.bf16.f32 v30;
	v12 =	vld [tilespmem:s26+$0x10];
	v14 =	vmul.f32 v33, v35  }
0x3c1: {  	s30 =	sadd.s32 s0, s22;
	v30 =	vunpack.i.l.bf16.f32 v30;
	v36 =	vmul.f32 v39, v35;
	v35 =	vld [tilespmem:s24+$0x50];
	[tilespmem:$0x1FC00] =	vst v55;
	v55 =	vmul.f32 v20, v34  }
0x3c2: {  	s28 =	sadd.s32 $0x5F, s30;
	[tilespmem:$0x1FB90] =	vst v50;
	v39 =	vld [tilespmem:s24+$0x150];
	v34 =	vmul.f32 v58, v34;
	v50 =	vmul.f32 v63, v62;
	v0 =	vadd.f32 v17, v0;
	v59, _, _ =	vpop (xrf2)  }
0x3c3: {  	v58 =	vld [tilespmem:s24+$0x10];
	(xrf2) =	vadd.scan.msk.f32 $0xffff, v13;
	v17 =	vmov s28;
	v13 =	vmul.f32 v37, v47;
	[tilespmem:$0x1FC50] =	vst v59  }
0x3c4: {  	v37 =	vld [tilespmem:s26+$0xFFFFFF20];
	v59 =	vunpack.i.l.bf16.f32 v40;
	v7 =	vunpack.i.u.bf16.f32 v49;
	(xrf2) =	vadd.scan.msk.f32 $0xffff, v0;
	v0 =	vunpack.i.l.bf16.f32 v18  }
0x3c5: {  	[tilespmem:$0x1FBF0] =	vst v61;
	v40 =	vld [tilespmem:s24+$0xFFFFFED0];
	v18 =	vshrl.u32 v17, $0x3;
	v17 =	vadd.f32 $0.0e+00, v27;
	v27 =	vunpack.i.l.bf16.f32 v49  }
0x3c6: {  	v61, _, _ =	vpop (xrf2);
	v18 =	vshll.u32 v18, v57;
	(xrf2) =	vadd.scan.msk.f32 $0xffff, v16;
	v0 =	vmul.f32 v0, v42;
	v42 =	vmul.f32 v43, v42;
	v43 =	vld [tilespmem:s24+$0xFFFFFF90]  }
0x3c7: {  	[tilespmem:$0x1FC30] =	vst v53;
	v32 =	vunpack.i.l.bf16.f32 v19;
	v57 =	vmul.f32 v30, v62;
	v62 =	vld [tilespmem:s26+$0x50];
	v18 =	vadd.s32 $0x7, v18  }
0x3c8: {  	[tilespmem:$0x1FC90] =	vst v61;
	v49 =	vmul.f32 v32, v25;
	v32 =	vadd.f32 $0.0e+00, v31;
	v33 =	vadd.f32 $0.0e+00, v42;
	v42 =	vld [tilespmem:s24+$0xFFFFFE20]  }
0x3c9: {  	v22 =	vunpack.i.u.bf16.f32 v22;
	v28 =	vmul.f32 v28, v60;
	v60 =	vbroadcast v18, $0x0;
	[tilespmem:$0x1F9B0] =	vst v37;
	v37 =	vld [tilespmem:s26+$0xFFFFFFA0]  }
0x3ca: {  	v29 =	vadd.f32 $0.0e+00, v29;
	v41 =	vmul.f32 v41, v22;
	v48 =	vadd.f32 $0.0e+00, v48;
	v16 =	vld [tilespmem:s24+$0xFFFFFE50];
	[tilespmem:$0x1F980] =	vst v32  }
0x3cb: {  	v26 =	vunpack.i.u.bf16.f32 v26;
	v28 =	vadd.f32 $0.0e+00, v28;
	v53 =	vunpack.i.u.bf16.f32 v19;
	v18 =	vld [tilespmem:s26+$0xFFFFFFD0];
	[tilespmem:$0x1F990] =	vst v33  }
0x3cc: {  	v55 =	vadd.f32 $0.0e+00, v55;
	v53 =	vmul.f32 v53, v25;
	v31 =	vadd.f32 $0.0e+00, v38;
	v38 =	vld [tilespmem:s24+$0xD0];
	[tilespmem:$0x1F970] =	vst v62  }
0x3cd: {  	v50 =	vadd.f32 $0.0e+00, v50;
	v11 =	vmul.f32 v7, v26;
	v19 =	vadd.f32 $0.0e+00, v0;
	v32 =	vld [tilespmem:s24+$0xFFFFFFD0];
	v20, _, _ =	vpop (xrf2);
	[tilespmem:$0x1F9C0] =	vst v42  }
0x3ce: {  	v0 =	vunpack.i.l.bf16.f32 v12;
	v53 =	vadd.f32 v53, v28;
	v33 =	vld [tilespmem:s26+$0xFFFFFF60];
	[tilespmem:$0x1F9F0] =	vst v37;
	v15 =	vmax.f32 v20, $0.0e+00;
	v61, _, _ =	vpop (xrf2)  }
0x3cf: {  	v9 =	vunpack.i.u.bf16.f32 v43;
	v43 =	vunpack.i.l.bf16.f32 v43;
	v42 =	vld [tilespmem:s24+$0xFFFFFF20];
	[tilespmem:v60+s18+$0x0] =	vst.idx.msk vm0, v15;
	v30 =	vmax.f32 v61, $0.0e+00  }
0x3d0: {  	v62 =	vld [tilespmem:s24+$0x90];
	v37 =	vunpack.i.l.bf16.f32 v18;
	v15 =	vunpack.i.l.bf16.f32 v4;
	v63, _, _ =	vpop (xrf2);
	v61 =	vunpack.i.u.bf16.f32 v44;
	[tilespmem:v60+s19+$0x0] =	vst.idx.msk vm0, v30  }
0x3d1: {  	v20 =	vld [tilespmem:s26+$0x90];
	v44 =	vunpack.i.l.bf16.f32 v44;
	[tilespmem:$0x1FC10] =	vst v63;
	v60 =	vunpack.i.u.bf16.f32 v23;
	v63 =	vunpack.i.u.bf16.f32 v24  }
0x3d2: {  	v23 =	vadd.f32 $0.0e+00, v34;
	v30 =	vld [tilespmem:s24+$0xFFFFFF50];
	v34 =	vadd.f32 $0.0e+00, v45;
	v45 =	vmul.f32 v51, v47  }
0x3d3: {  	v47 =	vadd.f32 $0.0e+00, v57;
	v51 =	vunpack.i.l.bf16.f32 v3;
	v57 =	vmul.f32 v59, v22;
	v24 =	vmovc v4;
	v4 =	vld [tilespmem:$0x1F970]  }
0x3d4: {  	v25 =	vmovc v3;
	v59 =	vunpack.i.u.bf16.f32 v52;
	v52 =	vunpack.i.l.bf16.f32 v52;
	v3 =	vmovc v12;
	v12 =	vunpack.i.u.bf16.f32 v58;
	[tilespmem:$0x1FA00] =	vst v42;
	v42 =	vld [tilespmem:s26+$0x20]  }
0x3d5: {  	v44 =	vmul.f32 v44, v60;
	v60 =	vmul.f32 v61, v60;
	v61 =	vunpack.i.l.bf16.f32 v2;
	[tilespmem:$0x1F9A0] =	vst v34;
	v34 =	vld [tilespmem:s24+$0xFFFFFEA0]  }
0x3d6: {  	[tilespmem:$0x1F9D0] =	vst v33;
	v46 =	vmul.f32 v46, v63;
	v23 =	vadd.f32 v45, v23;
	v45 =	vmul.f32 v5, v61;
	v5 =	vld [tilespmem:s24+$0xFFFFFE60]  }
0x3d7: {  	v33 =	vmovc v2;
	v7 =	vmovc v20;
	v2 =	vunpack.i.l.bf16.f32 v20;
	v20 =	vmul.f32 v54, v61;
	v54 =	vadd.f32 v57, v21;
	v57 =	vld [tilespmem:s26+$0xFFFFFF30]  }
0x3d8: {  	[tilespmem:$0x1FC70] =	vst v1;
	v58 =	vunpack.i.l.bf16.f32 v58;
	v10 =	vmul.f32 v6, v63;
	v48 =	vadd.f32 v46, v48;
	v46 =	vld [tilespmem:s24+$0xE0]  }
0x3d9: {  	v63 =	vmul.f32 v27, v26;
	v26 =	vunpack.i.u.bf16.f32 v56;
	[tilespmem:$0x1FA30] =	vst v42;
	v42 =	vadd.f32 v14, v29;
	v14 =	vld [tilespmem:s26+$0x60]  }
0x3da: {  	v27 =	vunpack.i.l.bf16.f32 v56;
	v6 =	vunpack.i.u.bf16.f32 v62;
	v28 =	vmul.f32 v52, v51;
	[tilespmem:$0x1F9E0] =	vst v34;
	v34 =	vld [tilespmem:s24+$0xFFFFFFA0]  }
0x3db: {  	v56 =	vld [tilespmem:s26+$0xFFFFFFE0];
	v62 =	vunpack.i.l.bf16.f32 v62;
	v59 =	vmul.f32 v59, v51;
	v12 =	vmul.f32 v12, v0;
	[tilespmem:$0x1FA60] =	vst v5  }
0x3dc: {  	v27 =	vmul.f32 v27, v15;
	v61 =	vunpack.i.u.bf16.f32 v24;
	v47 =	vadd.f32 v63, v47;
	v5 =	vld [tilespmem:$0x1F990];
	[tilespmem:$0x1FAC0] =	vst v57  }
0x3dd: {  	v53 =	vadd.f32 v59, v53;
	v1 =	vunpack.i.l.bf16.f32 v4;
	v29 =	vadd.f32 v44, v19;
	v44 =	vld [tilespmem:s24+$0x60];
	[tilespmem:$0x1FAB0] =	vst v46  }
0x3de: {  	v63 =	vunpack.i.l.bf16.f32 v30;
	v19 =	vunpack.i.u.bf16.f32 v25;
	v57 =	vunpack.i.u.bf16.f32 v32;
	[tilespmem:$0x1FA40] =	vst v14;
	v14 =	vld [tilespmem:$0x1F980]  }
0x3df: {  	v51 =	vld [tilespmem:s24+$0xA0];
	v32 =	vunpack.i.l.bf16.f32 v32;
	v46 =	vadd.f32 v20, v42;
	[tilespmem:$0x1FA20] =	vst v34;
	v34 =	vadd.f32 v49, v17  }
0x3e0: {  	v52 =	vld [tilespmem:s24+$0x120];
	v49 =	vunpack.i.u.bf16.f32 v8;
	v8 =	vunpack.i.l.bf16.f32 v8;
	v17 =	vmul.f32 v26, v15  }
0x3e1: {  	[tilespmem:$0x1FA10] =	vst v56;
	v60 =	vadd.f32 v60, v5;
	v5 =	vld [tilespmem:s24+$0xFFFFFEE0];
	v26 =	vmul.f32 v43, v37;
	v43 =	vunpack.i.u.bf16.f32 v40  }
0x3e2: {  	v56 =	vld [tilespmem:s24+$0x20];
	[tilespmem:$0x1FAA0] =	vst v44;
	v40 =	vunpack.i.l.bf16.f32 v40;
	v15 =	vmul.f32 v8, v2;
	v44 =	vadd.f32 v17, v23  }
0x3e3: {  	v8 =	vunpack.i.l.bf16.f32 v35;
	v22 =	vadd.f32 v36, v14;
	v36 =	vadd.f32 v13, v55;
	v13 =	vld [tilespmem:s26+$0xA0]  }
0x3e4: {  	v55 =	vadd.f32 v41, v31;
	v31 =	vadd.f32 v11, v50;
	v11 =	vmul.f32 v58, v0;
	v58 =	vld [tilespmem:s24+$0xFFFFFE30]  }
0x3e5: {  	v50 =	vmul.f32 v62, v1;
	v14 =	vunpack.i.u.bf16.f32 v33;
	v62 =	vunpack.i.u.bf16.f32 v30;
	v33 =	vld [tilespmem:s26+$0xFFFFFF70]  }
0x3e6: {  	v0 =	vunpack.i.u.bf16.f32 v18;
	v41 =	vadd.f32 v28, v34;
	v28 =	vadd.f32 v12, v60;
	[tilespmem:$0x1FA70] =	vst v5;
	v5 =	vld [tilespmem:$0x1F9A0]  }
0x3e7: {  	v12 =	vld [tilespmem:$0x1F9F0];
	v25 =	vmul.f32 v40, v14;
	v24 =	vmul.f32 v43, v14;
	v43 =	vadd.f32 v26, v54  }
0x3e8: {  	v26 =	vmul.f32 v63, v61;
	v30 =	vadd.f32 v45, v22;
	v45 =	vadd.f32 v27, v36;
	v36 =	vld [tilespmem:s24+$0xFFFFFE70]  }
0x3e9: {  	v23 =	vmul.f32 v57, v0;
	v40 =	vadd.f32 v11, v29;
	v27 =	vmul.f32 v62, v61;
	v11 =	vld [tilespmem:$0x1FA10]  }
0x3ea: {  	v54 =	vadd.f32 v50, v48;
	v26 =	vadd.f32 v26, v45;
	[tilespmem:$0x1FA50] =	vst v13;
	v13 =	vmul.f32 v9, v37;
	v9 =	vld [tilespmem:$0x1F9D0]  }
0x3eb: {  	v27 =	vadd.f32 v27, v44;
	v37 =	vunpack.i.u.bf16.f32 v16;
	v21 =	vadd.f32 v10, v5;
	v5 =	vld [tilespmem:s24+$0xFFFFFF60]  }
0x3ec: {  	v10 =	vmul.f32 v6, v1;
	v6 =	vunpack.i.l.bf16.f32 v16;
	v16 =	vmul.f32 v49, v2;
	v49 =	vld [tilespmem:s24+$0x160]  }
0x3ed: {  	[tilespmem:$0x1FAD0] =	vst v58;
	v58 =	vunpack.i.u.bf16.f32 v39;
	v39 =	vunpack.i.l.bf16.f32 v39;
	v1 =	vunpack.i.u.bf16.f32 v3;
	v3 =	vld [tilespmem:s26+$0xFFFFFFB0]  }
0x3ee: {  	v2 =	vunpack.i.u.bf16.f32 v4;
	v4 =	vunpack.i.u.bf16.f32 v38;
	v34 =	vmul.f32 v6, v19;
	v6 =	vld [tilespmem:s24+$0xFFFFFF30]  }
0x3ef: {  	v38 =	vunpack.i.l.bf16.f32 v38;
	v59 =	vmul.f32 v37, v19;
	v37 =	vld [tilespmem:s26+$0xB0];
	v42 =	vadd.f32 v13, v55  }
0x3f0: {  	[tilespmem:$0x1FAE0] =	vst v33;
	v55 =	vmul.f32 v32, v0;
	v32 =	vadd.f32 v15, v47;
	v33 =	vmul.f32 v8, v1;
	v47 =	vld [tilespmem:$0x1F9C0]  }
0x3f1: {  	v60 =	vmul.f32 v38, v2;
	v22 =	vmul.f32 v4, v2;
	v4 =	vunpack.i.l.bf16.f32 v12;
	[tilespmem:$0x1FA80] =	vst v5;
	v5 =	vld [tilespmem:s24+$0xFFFFFFE0]  }
0x3f2: {  	[tilespmem:$0x1FB80] =	vst v36;
	v36 =	vld [tilespmem:$0x1FA20];
	v19 =	vunpack.i.u.bf16.f32 v56;
	v13 =	vunpack.i.l.bf16.f32 v51;
	v15 =	vunpack.i.u.bf16.f32 v52  }
0x3f3: {  	v52 =	vunpack.i.l.bf16.f32 v52;
	v29 =	vadd.f32 v16, v31;
	v16 =	vunpack.i.u.bf16.f32 v51;
	[tilespmem:$0x1FB10] =	vst v6;
	v6 =	vld [tilespmem:s26+$0xFFFFFFF0]  }
0x3f4: {  	v34 =	vadd.f32 v34, v41;
	v41 =	vadd.f32 v59, v53;
	[tilespmem:$0x1FB00] =	vst v3;
	v3 =	vunpack.i.u.bf16.f32 v7;
	v7 =	vld [tilespmem:$0x1FA30]  }
0x3f5: {  	v59 =	vadd.f32 v24, v30;
	v62 =	vunpack.i.l.bf16.f32 v9;
	v9 =	vunpack.i.u.bf16.f32 v9;
	[tilespmem:$0x1FB70] =	vst v37;
	v37 =	vld [tilespmem:$0x1F9E0]  }
0x3f6: {  	v57 =	vunpack.i.u.bf16.f32 v47;
	v61 =	vunpack.i.l.bf16.f32 v47;
	[tilespmem:$0x1FA90] =	vst v5;
	v5 =	vunpack.i.u.bf16.f32 v35;
	v35 =	vld [tilespmem:s24+$0xFFFFFEB0]  }
0x3f7: {  	v39 =	vmul.f32 v39, v3;
	v47 =	vld [tilespmem:$0x1FA00];
	v20 =	vunpack.i.u.bf16.f32 v36;
	v14 =	vunpack.i.l.bf16.f32 v36  }
0x3f8: {  	v36 =	vunpack.i.l.bf16.f32 v56;
	v56 =	vadd.f32 v25, v46;
	v25 =	vadd.f32 v55, v43;
	[tilespmem:$0x1FB20] =	vst v6;
	v6 =	vld [tilespmem:s24+$0xFFFFFFB0]  }
0x3f9: {  	v55 =	vadd.f32 v23, v42;
	v2 =	vunpack.i.l.bf16.f32 v7;
	v42 =	vunpack.i.u.bf16.f32 v7;
	v7 =	vld [tilespmem:$0x1FAA0]  }
0x3fa: {  	v18 =	vmul.f32 v58, v3;
	v3 =	vunpack.i.l.bf16.f32 v11;
	v23 =	vadd.f32 v33, v40  }
0x3fb: {  	v43 =	vunpack.i.u.bf16.f32 v49;
	v49 =	vunpack.i.l.bf16.f32 v49;
	[tilespmem:$0x1FAF0] =	vst v35;
	v35 =	vadd.f32 v10, v21;
	v10 =	vld [tilespmem:$0x1F9B0]  }
0x3fc: {  	v63 =	vunpack.i.u.bf16.f32 v37;
	v8 =	vunpack.i.l.bf16.f32 v37;
	v21 =	vmul.f32 v5, v1;
	v5 =	vld [tilespmem:$0x1FA50]  }
0x3fd: {  	v17 =	vunpack.i.u.bf16.f32 v47;
	v37 =	vunpack.i.l.bf16.f32 v47;
	v24 =	vmul.f32 v63, v62;
	[tilespmem:$0x1FB30] =	vst v6;
	v6 =	vld [tilespmem:s26+$0x30]  }
0x3fe: {  	v63 =	vadd.f32 v18, v29;
	v44 =	vunpack.i.u.bf16.f32 v7;
	v45 =	vunpack.i.l.bf16.f32 v7  }
0x3ff: {  	v40 =	vadd.f32 v21, v28;
	v21 =	vmul.f32 v37, v4;
	v4 =	vmul.f32 v17, v4  }
0x400: {  	v28 =	vadd.f32 v60, v54;
	v60 =	vadd.f32 v22, v35;
	v22 =	vmul.f32 v44, v42  }
0x401: {  	v4 =	vadd.f32 v4, v27;
	v31 =	vunpack.i.l.bf16.f32 v10;
	v47 =	vunpack.i.l.bf16.f32 v5  }
0x402: {  	v18 =	vunpack.i.u.bf16.f32 v10;
	[tilespmem:$0x1FB40] =	vst v6;
	v6 =	vld [tilespmem:s24+$0x30];
	v53 =	vmul.f32 v61, v31;
	v30 =	vmul.f32 v57, v31  }
0x403: {  	v57 =	vmul.f32 v8, v62;
	v62 =	vadd.f32 v39, v32;
	v32 =	vmul.f32 v14, v3;
	v8 =	vld [tilespmem:$0x1FA60]  }
0x404: {  	v54 =	vunpack.i.u.bf16.f32 v5;
	v3 =	vmul.f32 v20, v3;
	v0 =	vmul.f32 v15, v47;
	v15 =	vld [tilespmem:$0x1FA70]  }
0x405: {  	v14 =	vmul.f32 v36, v2;
	v2 =	vmul.f32 v19, v2;
	v31 =	vunpack.i.u.bf16.f32 v12;
	v12 =	vld [tilespmem:$0x1FA80]  }
0x406: {  	v36 =	vunpack.i.u.bf16.f32 v11;
	v11 =	vld [tilespmem:$0x1FA90];
	v34 =	vadd.f32 v53, v34;
	v30 =	vadd.f32 v30, v41  }
0x407: {  	v20 =	vmul.f32 v52, v47;
	v5 =	vadd.f32 v57, v56;
	v2 =	vadd.f32 v2, v40  }
0x408: {  	v27 =	vmul.f32 v49, v54;
	v7 =	vadd.f32 v32, v25;
	v3 =	vadd.f32 v3, v55  }
0x409: {  	v0 =	vadd.f32 v0, v63;
	v2 =	vadd.f32 v22, v2;
	v17 =	vunpack.i.u.bf16.f32 v8  }
0x40a: {  	[tilespmem:$0x1FB50] =	vst v6;
	v6 =	vld [tilespmem:s26+$0x70];
	v10 =	vunpack.i.l.bf16.f32 v8;
	v8 =	vunpack.i.u.bf16.f32 v15;
	v29 =	vunpack.i.l.bf16.f32 v15  }
0x40b: {  	v48 =	vld [tilespmem:s24+$0xB0];
	v33 =	vunpack.i.u.bf16.f32 v12;
	v35 =	vunpack.i.l.bf16.f32 v12;
	v37 =	vunpack.i.u.bf16.f32 v11  }
0x40c: {  	v55 =	vld [tilespmem:$0x1FAC0];
	v39 =	vunpack.i.l.bf16.f32 v11;
	v11 =	vadd.f32 v20, v62;
	v20 =	vmul.f32 v45, v42  }
0x40d: {  	v57 =	vld [tilespmem:$0x1FB70];
	v10 =	vmul.f32 v10, v18;
	v12 =	vmul.f32 v17, v18;
	v17 =	vadd.f32 v24, v59  }
0x40e: {  	v62 =	vld [tilespmem:$0x1FB30];
	v18 =	vadd.f32 v21, v26;
	v21 =	vmul.f32 v29, v9;
	v8 =	vmul.f32 v8, v9  }
0x40f: {  	v9 =	vadd.f32 v14, v23;
	v15 =	vmul.f32 v33, v31;
	v11 =	vadd.f32 v27, v11;
	[tilespmem:$0x1FB60] =	vst v6;
	v6 =	vld [tilespmem:$0x1FA40]  }
0x410: {  	v14 =	vmul.f32 v39, v36;
	v26 =	vld [tilespmem:$0x1FAD0];
	v10 =	vadd.f32 v10, v34;
	v12 =	vadd.f32 v12, v30  }
0x411: {  	v53 =	vld [tilespmem:$0x1FB00];
	v19 =	vmul.f32 v37, v36;
	v5 =	vadd.f32 v21, v5;
	v8 =	vadd.f32 v8, v17  }
0x412: {  	v32 =	vunpack.i.l.bf16.f32 v48;
	v59 =	vld [tilespmem:$0x1FAF0];
	v4 =	vadd.f32 v15, v4;
	v7 =	vadd.f32 v14, v7  }
0x413: {  	v63 =	vld [tilespmem:$0x1FB50];
	v3 =	vadd.f32 v19, v3;
	v9 =	vadd.f32 v20, v9;
	v20 =	vunpack.i.u.bf16.f32 v55  }
0x414: {  	v41 =	vunpack.i.u.bf16.f32 v62;
	v1 =	vunpack.i.l.bf16.f32 v6;
	v46 =	vunpack.i.u.bf16.f32 v6;
	v6 =	vld [tilespmem:$0x1FAB0]  }
0x415: {  	v50 =	vld [tilespmem:s24+$0x130];
	v40 =	vunpack.i.l.bf16.f32 v62;
	v62 =	vunpack.i.l.bf16.f32 v57;
	v23 =	vunpack.i.u.bf16.f32 v26  }
0x416: {  	v38 =	vld [tilespmem:s24+$0xFFFFFEF0];
	v26 =	vunpack.i.l.bf16.f32 v26;
	v13 =	vmul.f32 v13, v1;
	v1 =	vmul.f32 v16, v1  }
0x417: {  	v33 =	vunpack.i.l.bf16.f32 v59;
	v16 =	vmul.f32 v35, v31;
	v31 =	vunpack.i.u.bf16.f32 v59;
	v59 =	vld [tilespmem:$0x1FB40]  }
0x418: {  	v58 =	vld [tilespmem:s24+$0xFFFFFF70];
	v44 =	vunpack.i.u.bf16.f32 v63;
	v35 =	vunpack.i.l.bf16.f32 v53;
	v1 =	vadd.f32 v1, v60  }
0x419: {  	v27 =	vld [tilespmem:$0x1FB80];
	v16 =	vadd.f32 v16, v18;
	v52 =	vunpack.i.u.bf16.f32 v6;
	v47 =	vunpack.i.l.bf16.f32 v6  }
0x41a: {  	v60 =	vld [tilespmem:$0x1FB10];
	v6 =	vadd.f32 v13, v28;
	v13 =	vunpack.i.l.bf16.f32 v55;
	v28 =	vmul.f32 v43, v54  }
0x41b: {  	v51 =	vld [tilespmem:s24+$0x170];
	v43 =	vunpack.i.l.bf16.f32 v63;
	v63 =	vunpack.i.u.bf16.f32 v50;
	v50 =	vunpack.i.l.bf16.f32 v50  }
0x41c: {  	[tilespmem:$0x1FBA0] =	vst v38;
	v38 =	vld [tilespmem:s24+$0xFFFFFFF0];
	v24 =	vmul.f32 v47, v46;
	v25 =	vmul.f32 v52, v46;
	v42 =	vunpack.i.l.bf16.f32 v59  }
0x41d: {  	v46 =	vunpack.i.u.bf16.f32 v48;
	v26 =	vmul.f32 v26, v13;
	v13 =	vmul.f32 v23, v13  }
0x41e: {  	[tilespmem:$0x1FBB0] =	vst v58;
	v54 =	vld [tilespmem:$0x1FB20];
	v23 =	vunpack.i.u.bf16.f32 v27;
	v27 =	vunpack.i.l.bf16.f32 v27;
	v0 =	vadd.f32 v28, v0  }
0x41f: {  	v55 =	vld [tilespmem:$0x1FBB0];
	v22 =	vmul.f32 v43, v42;
	v36 =	vunpack.i.u.bf16.f32 v60;
	v37 =	vunpack.i.l.bf16.f32 v60  }
0x420: {  	v52 =	vld [tilespmem:$0x1FAE0];
	v6 =	vadd.f32 v24, v6;
	v1 =	vadd.f32 v25, v1;
	v24 =	vmul.f32 v44, v42  }
0x421: {  	s5 =	sadd.s32 $0x59, s30;
	[tilespmem:$0x1FBC0] =	vst v38;
	v58 =	vld [tilespmem:s24+$0x70];
	v10 =	vadd.f32 v26, v10;
	v12 =	vadd.f32 v13, v12;
	v13 =	vunpack.i.l.bf16.f32 v51  }
0x422: {  	v56 =	vld [tilespmem:$0x1FBC0];
	v26 =	vmul.f32 v27, v20;
	v27 =	vmov s5;
	v14 =	vmul.f32 v37, v35  }
0x423: {  	v18 =	vmul.f32 v36, v35;
	v35 =	vunpack.i.u.bf16.f32 v53;
	v9 =	vadd.f32 v22, v9  }
0x424: {  	v39 =	vunpack.i.l.bf16.f32 v54;
	v36 =	vunpack.i.u.bf16.f32 v55;
	v37 =	vunpack.i.l.bf16.f32 v55  }
0x425: {  	v2 =	vadd.f32 v24, v2;
	v10 =	vadd.f32 v26, v10;
	v29 =	vunpack.i.l.bf16.f32 v52  }
0x426: {  	v60 =	vld [tilespmem:$0x1FB60];
	v19 =	vmul.f32 v40, v39;
	v21 =	vmul.f32 v41, v39;
	v30 =	vunpack.i.u.bf16.f32 v52  }
0x427: {  	v39 =	vunpack.i.u.bf16.f32 v54;
	v40 =	vunpack.i.u.bf16.f32 v56;
	v54 =	vunpack.i.l.bf16.f32 v58  }
0x428: {  	v4 =	vadd.f32 v18, v4;
	v18 =	vmul.f32 v37, v35;
	v17 =	vmul.f32 v33, v29  }
0x429: {  	v14 =	vadd.f32 v14, v16;
	v15 =	vmul.f32 v31, v29;
	v29 =	vmul.f32 v50, v62  }
0x42a: {  	v33 =	vmul.f32 v63, v62;
	v62 =	vunpack.i.u.bf16.f32 v59;
	v63 =	vunpack.i.u.bf16.f32 v58  }
0x42b: {  	v38 =	vld [tilespmem:s24+$0xF0];
	v58 =	vunpack.i.u.bf16.f32 v57;
	v59 =	vunpack.i.u.bf16.f32 v51;
	v45 =	vunpack.i.l.bf16.f32 v60  }
0x42c: {  	v55 =	vunpack.i.u.bf16.f32 v60;
	v7 =	vadd.f32 v19, v7;
	v19 =	vmul.f32 v36, v35  }
0x42d: {  	s2 =	sadd.s32 $0x5C, s30;
	(xrf2) =	vadd.scan.msk.f32 $0xffff, v10;
	v3 =	vadd.f32 v21, v3;
	v21 =	vmul.f32 v40, v39;
	v10 =	vmul.f32 v13, v58  }
0x42e: {  	v13 =	vmul.f32 v59, v58;
	v14 =	vadd.f32 v18, v14;
	v60 =	vmov s2  }
0x42f: {  	v52 =	vld [tilespmem:$0x1FBA0];
	v25 =	vmul.f32 v32, v45;
	v28 =	vmul.f32 v46, v45;
	v32 =	vunpack.i.l.bf16.f32 v56  }
0x430: {  	v56 =	vunpack.i.u.bf16.f32 v38;
	v38 =	vunpack.i.l.bf16.f32 v38;
	v5 =	vadd.f32 v17, v5  }
0x431: {  	v8 =	vadd.f32 v15, v8;
	v15 =	vmul.f32 v23, v20;
	v11 =	vadd.f32 v29, v11  }
0x432: {  	s0 =	sadd.s32 $0x5A, s30;
	v61 =	vld [tilespmem:$0x1FFF0];
	v0 =	vadd.f32 v33, v0;
	v20 =	vmul.f32 v32, v39;
	v26 =	vmul.f32 v56, v55  }
0x433: {  	s11 =	sadd.s32 $0x5B, s30;
	v50 =	vld [tilespmem:$0x1FB90];
	v24 =	vadd.f32 v19, v4;
	v4 =	vmov s0;
	v22 =	vadd.f32 v21, v3  }
0x434: {  	v51 =	vld [tilespmem:$0x1FBD0];
	v3 =	vmov s11;
	v31 =	vunpack.i.u.bf16.f32 v52;
	v6 =	vadd.f32 v25, v6  }
0x435: {  	v45 =	vld [tilespmem:$0x1FBE0];
	v34 =	vunpack.i.l.bf16.f32 v52;
	v1 =	vadd.f32 v28, v1;
	v12 =	vadd.f32 v15, v12  }
0x436: {  	s29 =	sadd.s32 $0x5D, s30;
	v15 =	vmul.f32 v54, v62;
	v25 =	vmul.f32 v63, v62;
	v23 =	vadd.f32 v20, v7;
	v7 =	vld [tilespmem:$0x1FBF0]  }
0x437: {  	v62 =	vmov s29;
	v63 =	vshrl.u32 v27, $0x3;
	v4 =	vshrl.u32 v4, $0x3;
	(xrf2) =	vadd.scan.msk.f32 $0xffff, v12;
	v12 =	vld [tilespmem:$0x1FC00]  }
0x438: {  	v3 =	vshrl.u32 v3, $0x3;
	v16 =	vmul.f32 v34, v30;
	v21 =	vadd.f32 v15, v9;
	v15 =	vld [tilespmem:$0x1FC10]  }
0x439: {  	v17 =	vmul.f32 v31, v30;
	v4 =	vshll.u32 v4, v61;
	v3 =	vshll.u32 v3, v61;
	v9 =	vld [tilespmem:$0x1FC20]  }
0x43a: {  	v20 =	vadd.f32 v25, v2;
	v29 =	vadd.s32 $0x2, v4;
	v4 =	vld [tilespmem:$0x1FC80];
	v5 =	vadd.f32 v16, v5  }
0x43b: {  	s25 =	sadd.s32 $0x8, s25;
	v16 =	vmul.f32 v38, v55;
	v8 =	vadd.f32 v17, v8;
	v17 =	vadd.f32 v10, v11;
	v11 =	vld [tilespmem:$0x1FC30]  }
0x43c: {  	p0 =	slt.u32 s25, $0x48;
	v18 =	vadd.f32 v26, v1;
	v2 =	vshrl.u32 v60, $0x3;
	v1 =	vshrl.u32 v62, $0x3;
	v10 =	vld [tilespmem:$0x1FC40]  }
.Ltmp1:
0x43d: {  	s31 =	sadd.s32 $0x58, s30;
	s30 =	sadd.s32 $0x5E, s30;
	v28 =	vadd.s32 $0x3, v3;
	v19 =	vadd.f32 v16, v6;
	v16 =	vadd.f32 v13, v0;
	v13 =	vld [tilespmem:$0x1FC50];
	(xrf2) =	vadd.scan.msk.f32 $0xffff, v5;
	(pc) =	sbr.rel @p0 .LBB2_5-.Ltmp1, $4  }
0x43e: {  	v2 =	vshll.u32 v2, v61;
	v5 =	vmov s30;
	v6 =	vmov s31;
	(xrf2) =	vadd.scan.msk.f32 $0xffff, v8;
	v8 =	vld [tilespmem:$0x1FC60]  }
0x43f: {  	v57 =	vmovc v61;
	v1 =	vshll.u32 v1, v61;
	v5 =	vshrl.u32 v5, $0x3;
	v31 =	vshrl.u32 v6, $0x3;
	v6 =	vld [tilespmem:$0x1FC70]  }
0x440: {  	v27 =	vadd.s32 $0x4, v2;
	v0 =	vshll.u32 v63, v61;
	v30, _, _ =	vpop (xrf2);
	v5 =	vshll.u32 v5, v61;
	(xrf2) =	vadd.scan.msk.f32 $0xffff, v14;
	v14 =	vld [tilespmem:$0x1FC90]  }
0x441: {  	s26 =	sadd.s32 $0x200, s26;
	v26 =	vadd.s32 $0x5, v1;
	v33 =	vadd.s32 $0x1, v0;
	v25 =	vadd.s32 $0x6, v5;
	v5 =	vld [tilespmem:$0x1FCA0];
	v32, _, _ =	vpop (xrf2)  }
0x442: {  	_ =	sdelay $0x3  }
0x443: {  	v39 =	vmax.f32 v10, $0.0e+00  }
0x444: {  	v37 =	vmax.f32 v8, $0.0e+00;
	[tilespmem:v50+s18+$0x0] =	vst.idx.msk vm0, v39  }
0x445: {  	v41 =	vmax.f32 v11, $0.0e+00;
	[tilespmem:v4+s18+$0x0] =	vst.idx.msk vm0, v37  }
0x446: {  	v3 =	vmax.f32 v6, $0.0e+00;
	[tilespmem:v50+s19+$0x0] =	vst.idx.msk vm0, v41  }
0x447: {  	v0 =	vbroadcast v33, $0x0;
	v38 =	vmax.f32 v9, $0.0e+00;
	[tilespmem:v51+s18+$0x0] =	vst.idx.msk vm0, v3;
	v2, _, _ =	vpop (xrf2);
	(xrf2) =	vadd.scan.msk.f32 $0xffff, v24  }
0x448: {  	v1 =	vshll.u32 v31, v57;
	v34 =	vmax.f32 v7, $0.0e+00;
	[tilespmem:v4+s19+$0x0] =	vst.idx.msk vm0, v38;
	v31, _, _ =	vpop (xrf2);
	(xrf2) =	vadd.scan.msk.f32 $0xffff, v23  }
0x449: {  	v42 =	vmax.f32 v12, $0.0e+00;
	v1 =	vbroadcast v1, $0x0;
	[tilespmem:v51+s19+$0x0] =	vst.idx.msk vm0, v34;
	(xrf2) =	vadd.scan.msk.f32 $0xffff, v22  }
0x44a: {  	v46 =	vmax.f32 v14, $0.0e+00;
	[tilespmem:v5+s18+$0x0] =	vst.idx.msk vm0, v42;
	(xrf2) =	vadd.scan.msk.f32 $0xffff, v21  }
0x44b: {  	v44 =	vmax.f32 v13, $0.0e+00;
	[tilespmem:v45+s18+$0x0] =	vst.idx.msk vm0, v46;
	(xrf2) =	vadd.scan.msk.f32 $0xffff, v20  }
0x44c: {  	v40 =	vbroadcast v29, $0x0;
	v49 =	vmax.f32 v15, $0.0e+00;
	[tilespmem:v5+s19+$0x0] =	vst.idx.msk vm0, v44;
	(xrf2) =	vadd.scan.msk.f32 $0xffff, v19  }
0x44d: {  	[tilespmem:v45+s19+$0x0] =	vst.idx.msk vm0, v49;
	v2 =	vmax.f32 v2, $0.0e+00;
	(xrf2) =	vadd.scan.msk.f32 $0xffff, v18  }
0x44e: {  	v35 =	vmax.f32 v30, $0.0e+00;
	v43 =	vbroadcast v28, $0x0;
	[tilespmem:v0+s18+$0x0] =	vst.idx.msk vm0, v2;
	(xrf2) =	vadd.scan.msk.f32 $0xffff, v17  }
0x44f: {  	v33 =	vmax.f32 v31, $0.0e+00;
	[tilespmem:v1+s18+$0x0] =	vst.idx.msk vm0, v35;
	(xrf2) =	vadd.scan.msk.f32 $0xffff, v16  }
0x450: {  	v36 =	vmax.f32 v32, $0.0e+00;
	v48 =	vbroadcast v27, $0x0;
	[tilespmem:v0+s19+$0x0] =	vst.idx.msk vm0, v33;
	v47, _, _ =	vpop (xrf2)  }
0x451: {  	[tilespmem:v1+s19+$0x0] =	vst.idx.msk vm0, v36;
	v3 =	vmax.f32 v47, $0.0e+00;
	v50, _, _ =	vpop (xrf2)  }
0x452: {  	v52 =	vbroadcast v26, $0x0;
	[tilespmem:v40+s18+$0x0] =	vst.idx.msk vm0, v3;
	v51, _, _ =	vpop (xrf2);
	v0 =	vmax.f32 v50, $0.0e+00  }
0x453: {  	v53, _, _ =	vpop (xrf2);
	v5 =	vmax.f32 v51, $0.0e+00;
	[tilespmem:v40+s19+$0x0] =	vst.idx.msk vm0, v0  }
0x454: {  	v55 =	vbroadcast v25, $0x0;
	v54, _, _ =	vpop (xrf2);
	v3 =	vmax.f32 v53, $0.0e+00;
	[tilespmem:v43+s18+$0x0] =	vst.idx.msk vm0, v5  }
0x455: {  	s23 =	sadd.s32 $0x1, s23;
	v56, _, _ =	vpop (xrf2);
	v0 =	vmax.f32 v54, $0.0e+00;
	[tilespmem:v43+s19+$0x0] =	vst.idx.msk vm0, v3  }
0x456: {  	p0 =	sne.s32 s23, $0x3E;
	v58, _, _ =	vpop (xrf2);
	v59 =	vmax.f32 v56, $0.0e+00;
	[tilespmem:v48+s18+$0x0] =	vst.idx.msk vm0, v0  }
.Ltmp2:
0x457: {  	v60, _, _ =	vpop (xrf2);
	v2 =	vmax.f32 v58, $0.0e+00;
	[tilespmem:v48+s19+$0x0] =	vst.idx.msk vm0, v59;
	(pc) =	sbr.rel @p0 .LBB2_2-.Ltmp2, $4  }
0x458: {  	v61, _, _ =	vpop (xrf2);
	v0 =	vmax.f32 v60, $0.0e+00;
	[tilespmem:v52+s18+$0x0] =	vst.idx.msk vm0, v2  }
0x459: {  	v62, _, _ =	vpop (xrf2);
	v3 =	vmax.f32 v61, $0.0e+00;
	[tilespmem:v52+s19+$0x0] =	vst.idx.msk vm0, v0  }
0x45a: {  	v63 =	vmax.f32 v62, $0.0e+00;
	[tilespmem:v55+s18+$0x0] =	vst.idx.msk vm0, v3  }
0x45b: {  	s22 =	sadd.s32 $0xA0, s22;
	[tilespmem:v55+s19+$0x0] =	vst.idx.msk vm0, v63  }
0x45c: {  	_ =	swait.ge [sflag:s15], $0x2800  }
0x45d: {  	[sflag:s15] =	ssyncset.done $0x0  }
0x45e: {  	[sflag:s15] =	ssyncadd.s32 $0xFFFFD800  }
0x45f: {  	_ =	swait.ge [sflag:s15], $0x1400  }
0x460: {  	[sflag:s15] =	ssyncset.done $0x0  }
0x461: {  	s2 =	simm.s32 $0x7720;
	[sflag:s15] =	ssyncadd.s32 $0xFFFFEC00  }
0x462: {  	v0 =	vld [tilespmem:s2+$0xF0]  }
0x463: {  	v1 =	vld [tilespmem:s2+$0xE0]  }
0x464: {  	s0 =	simm.s32 $0x5020;
	v2 =	vld [tilespmem:s2+$0xC0]  }
0x465: {  	v3 =	vld [tilespmem:s0+$0x180]  }
0x466: {  	v4 =	vld [tilespmem:s2+$0xD0]  }
0x467: {  	v5 =	vld [tilespmem:s0+$0x1C0]  }
0x468: {  	v12 =	vld [tilespmem:s0+$0xFFFFFE00]  }
0x469: {  	v18 =	vld [tilespmem:s2+$0xFFFFFF80]  }
0x46a: {  	v31 =	vld [tilespmem:s0+$0xFFFFFEC0]  }
0x46b: {  	v35 =	vld [tilespmem:s2+$0xFFFFFF10]  }
0x46c: {  	v37 =	vld [tilespmem:s0+$0xFFFFFE10]  }
0x46d: {  	v39 =	vld [tilespmem:s2+$0xFFFFFF50]  }
0x46e: {  	v40 =	vld [tilespmem:s0+$0xFFFFFE90]  }
0x46f: {  	v41 =	vld [tilespmem:s0+$0xFFFFFF10];
	v7 =	vunpack.i.u.bf16.f32 v0;
	v8 =	vunpack.i.l.bf16.f32 v2  }
0x470: {  	v42 =	vld [tilespmem:s0+$0xFFFFFF90];
	v9 =	vunpack.i.l.bf16.f32 v3;
	v0 =	vunpack.i.l.bf16.f32 v0;
	v11 =	vunpack.i.u.bf16.f32 v1  }
0x471: {  	v44 =	vld [tilespmem:s0+$0x10];
	v1 =	vunpack.i.l.bf16.f32 v1;
	v2 =	vunpack.i.u.bf16.f32 v2;
	v13 =	vunpack.i.l.bf16.f32 v5  }
0x472: {  	v45 =	vld [tilespmem:s2+$0x50];
	v14 =	vunpack.i.u.bf16.f32 v4;
	v3 =	vunpack.i.u.bf16.f32 v3;
	v4 =	vunpack.i.l.bf16.f32 v4  }
0x473: {  	v61 =	vld [tilespmem:s0+$0x90];
	v5 =	vunpack.i.u.bf16.f32 v5;
	v19 =	vunpack.i.u.bf16.f32 v12;
	v12 =	vunpack.i.l.bf16.f32 v12  }
0x474: {  	v46 =	vld [tilespmem:s2+$0x90];
	v20 =	vunpack.i.l.bf16.f32 v18;
	v32 =	vunpack.i.u.bf16.f32 v31;
	v58 =	vunpack.i.l.bf16.f32 v31  }
0x475: {  	v18 =	vunpack.i.u.bf16.f32 v18;
	v43 =	vunpack.i.l.bf16.f32 v35;
	v60 =	vunpack.i.l.bf16.f32 v37  }
0x476: {  	v6 =	vld [tilespmem:s0+$0x190];
	v62 =	vunpack.i.l.bf16.f32 v39;
	v63 =	vunpack.i.u.bf16.f32 v40;
	v40 =	vunpack.i.l.bf16.f32 v40  }
0x477: {  	v10 =	vld [tilespmem:s0+$0x1D0];
	v49 =	vunpack.i.u.bf16.f32 v41;
	v41 =	vunpack.i.l.bf16.f32 v41;
	v51 =	vunpack.i.u.bf16.f32 v42  }
0x478: {  	v42 =	vunpack.i.l.bf16.f32 v42;
	v53 =	vunpack.i.u.bf16.f32 v44;
	v44 =	vunpack.i.l.bf16.f32 v44  }
0x479: {  	v54 =	vunpack.i.l.bf16.f32 v45;
	v55 =	vunpack.i.u.bf16.f32 v61;
	v56 =	vunpack.i.l.bf16.f32 v46  }
0x47a: {  	v15 =	vld [tilespmem:s0+$0x1A0];
	v39 =	vunpack.i.u.bf16.f32 v39;
	v9 =	vmul.f32 v9, v8;
	v3 =	vmul.f32 v3, v8  }
0x47b: {  	v13 =	vmul.f32 v13, v2;
	v8 =	vunpack.i.l.bf16.f32 v6;
	v2 =	vmul.f32 v5, v2  }
0x47c: {  	v5 =	vunpack.i.l.bf16.f32 v10;
	v9 =	vadd.f32 $0.0e+00, v9;
	v3 =	vadd.f32 $0.0e+00, v3  }
0x47d: {  	v31 =	vld [tilespmem:s2+$0x10];
	v6 =	vunpack.i.u.bf16.f32 v6;
	v8 =	vmul.f32 v8, v4;
	v5 =	vmul.f32 v5, v14  }
0x47e: {  	v9 =	vadd.f32 v13, v9;
	v13 =	vld [tilespmem:s0+$0x1E0];
	v2 =	vadd.f32 v2, v3;
	v3 =	vmul.f32 v6, v4  }
0x47f: {  	v4 =	vunpack.i.l.bf16.f32 v15;
	v6 =	vunpack.i.u.bf16.f32 v10;
	v10 =	vld [tilespmem:s0+$0xFFFFFF00];
	v15 =	vunpack.i.u.bf16.f32 v15  }
0x480: {  	v45 =	vunpack.i.u.bf16.f32 v45;
	v4 =	vmul.f32 v4, v1;
	v1 =	vmul.f32 v15, v1  }
0x481: {  	v15 =	vld [tilespmem:s2+$0x0];
	v8 =	vadd.f32 v8, v9;
	v2 =	vadd.f32 v3, v2;
	v3 =	vmul.f32 v6, v14  }
0x482: {  	v46 =	vunpack.i.u.bf16.f32 v46;
	v52 =	vunpack.i.l.bf16.f32 v31;
	v31 =	vunpack.i.u.bf16.f32 v31;
	v9 =	vld [tilespmem:s0+$0x1B0]  }
0x483: {  	v5 =	vadd.f32 v5, v8;
	v2 =	vadd.f32 v3, v2;
	v6 =	vunpack.i.l.bf16.f32 v13  }
0x484: {  	v16 =	vld [tilespmem:s2+$0xFFFFFF40];
	v13 =	vunpack.i.u.bf16.f32 v13;
	v21 =	vunpack.i.u.bf16.f32 v10;
	v10 =	vunpack.i.l.bf16.f32 v10  }
0x485: {  	v8 =	vld [tilespmem:s0+$0x1F0];
	v4 =	vadd.f32 v4, v5;
	v5 =	vmul.f32 v6, v11;
	v1 =	vadd.f32 v1, v2  }
0x486: {  	v17 =	vld [tilespmem:s0+$0xFFFFFE80];
	v2 =	vmul.f32 v13, v11;
	v25 =	vunpack.i.l.bf16.f32 v15;
	v10 =	vmul.f32 v10, v20  }
0x487: {  	v6 =	vld [tilespmem:s0+$0xFFFFFF80];
	v20 =	vmul.f32 v21, v20;
	v15 =	vunpack.i.u.bf16.f32 v15;
	v3 =	vunpack.i.l.bf16.f32 v9  }
0x488: {  	v13 =	vld [tilespmem:s2+$0x40];
	v9 =	vunpack.i.u.bf16.f32 v9;
	v4 =	vadd.f32 v5, v4;
	v3 =	vmul.f32 v3, v0  }
0x489: {  	v21 =	vld [tilespmem:s0+$0xFFFFFFC0];
	v1 =	vadd.f32 v2, v1;
	v0 =	vmul.f32 v9, v0;
	v10 =	vadd.f32 $0.0e+00, v10  }
0x48a: {  	v14 =	vld [tilespmem:s2+$0xFFFFFFC0];
	v20 =	vadd.f32 $0.0e+00, v20;
	v11 =	vunpack.i.l.bf16.f32 v8;
	v8 =	vunpack.i.u.bf16.f32 v8  }
0x48b: {  	v5 =	vld [tilespmem:s0+$0x0];
	v3 =	vadd.f32 v3, v4;
	v4 =	vmul.f32 v11, v7;
	v0 =	vadd.f32 v0, v1  }
0x48c: {  	v9 =	vld [tilespmem:s2+$0xFFFFFF00];
	v1 =	vmul.f32 v8, v7;
	v8 =	vunpack.i.u.bf16.f32 v17;
	v17 =	vunpack.i.l.bf16.f32 v17  }
0x48d: {  	v22 =	vunpack.i.u.bf16.f32 v6;
	v6 =	vunpack.i.l.bf16.f32 v6;
	v27 =	vunpack.i.l.bf16.f32 v13  }
0x48e: {  	v33 =	vunpack.i.u.bf16.f32 v21;
	v21 =	vunpack.i.l.bf16.f32 v21;
	v13 =	vunpack.i.u.bf16.f32 v13  }
0x48f: {  	v2 =	vadd.f32 v4, v3;
	v4 =	vunpack.i.l.bf16.f32 v16;
	v1 =	vadd.f32 v1, v0  }
0x490: {  	v23 =	vld [tilespmem:s0+$0xFFFFFE40];
	v0 =	vunpack.i.l.bf16.f32 v14;
	v16 =	vunpack.i.u.bf16.f32 v16;
	v14 =	vunpack.i.u.bf16.f32 v14  }
0x491: {  	v24 =	vunpack.i.l.bf16.f32 v9;
	v26 =	vunpack.i.u.bf16.f32 v5;
	v17 =	vmul.f32 v17, v4  }
0x492: {  	v11 =	vld [tilespmem:s0+$0x80];
	v5 =	vunpack.i.l.bf16.f32 v5;
	v4 =	vmul.f32 v8, v4;
	v6 =	vmul.f32 v6, v0  }
0x493: {  	v7 =	vld [tilespmem:s0+$0x100];
	v9 =	vunpack.i.u.bf16.f32 v9;
	v0 =	vmul.f32 v22, v0;
	v21 =	vmul.f32 v21, v14  }
0x494: {  	v14 =	vmul.f32 v33, v14;
	v33 =	vunpack.i.u.bf16.f32 v37;
	v37 =	vunpack.i.l.bf16.f32 v61  }
0x495: {  	v12 =	vmul.f32 v12, v24;
	v19 =	vmul.f32 v19, v24;
	v24 =	vunpack.i.u.bf16.f32 v23  }
0x496: {  	v23 =	vunpack.i.l.bf16.f32 v23;
	v5 =	vmul.f32 v5, v25;
	v25 =	vmul.f32 v26, v25  }
0x497: {  	v3 =	vld [tilespmem:s2+$0x80];
	v37 =	vmul.f32 v37, v54;
	v28 =	vunpack.i.u.bf16.f32 v11;
	v11 =	vunpack.i.l.bf16.f32 v11  }
0x498: {  	v30 =	vunpack.i.u.bf16.f32 v7;
	v7 =	vunpack.i.l.bf16.f32 v7;
	v23 =	vmul.f32 v23, v9  }
0x499: {  	v8 =	vld [tilespmem:s0+$0xFFFFFF40];
	v17 =	vadd.f32 $0.0e+00, v17;
	v4 =	vadd.f32 $0.0e+00, v4;
	v9 =	vmul.f32 v24, v9  }
0x49a: {  	v22 =	vld [tilespmem:s0+$0x40];
	v6 =	vadd.f32 $0.0e+00, v6;
	v0 =	vadd.f32 $0.0e+00, v0;
	v11 =	vmul.f32 v11, v27  }
0x49b: {  	v27 =	vmul.f32 v28, v27;
	v12 =	vadd.f32 $0.0e+00, v12;
	v19 =	vadd.f32 $0.0e+00, v19  }
0x49c: {  	v47 =	vld [tilespmem:s0+$0x110];
	v5 =	vadd.f32 $0.0e+00, v5;
	v25 =	vadd.f32 $0.0e+00, v25;
	v29 =	vunpack.i.l.bf16.f32 v3  }
0x49d: {  	v3 =	vunpack.i.u.bf16.f32 v3;
	v6 =	vadd.f32 v21, v6;
	v0 =	vadd.f32 v14, v0  }
0x49e: {  	v26 =	vld [tilespmem:s0+$0xC0];
	v7 =	vmul.f32 v7, v29;
	v29 =	vmul.f32 v30, v29;
	v59 =	vunpack.i.u.bf16.f32 v8  }
0x49f: {  	v8 =	vunpack.i.l.bf16.f32 v8;
	v34 =	vunpack.i.u.bf16.f32 v22;
	v22 =	vunpack.i.l.bf16.f32 v22  }
0x4a0: {  	v30 =	vmul.f32 v58, v16;
	v16 =	vmul.f32 v32, v16;
	v11 =	vadd.f32 $0.0e+00, v11  }
0x4a1: {  	v27 =	vadd.f32 $0.0e+00, v27;
	v12 =	vadd.f32 v23, v12;
	v23 =	vunpack.i.u.bf16.f32 v47  }
0x4a2: {  	v24 =	vld [tilespmem:s2+$0xFFFFFF90];
	v47 =	vunpack.i.l.bf16.f32 v47;
	v9 =	vadd.f32 v9, v19;
	v19 =	vmul.f32 v60, v43  }
0x4a3: {  	v36 =	vunpack.i.u.bf16.f32 v26;
	v8 =	vmul.f32 v8, v18;
	v18 =	vmul.f32 v59, v18  }
0x4a4: {  	v28 =	vld [tilespmem:s0+$0x140];
	v26 =	vunpack.i.l.bf16.f32 v26;
	v22 =	vmul.f32 v22, v15;
	v15 =	vmul.f32 v34, v15  }
0x4a5: {  	v34 =	vmul.f32 v53, v52;
	v23 =	vmul.f32 v23, v56;
	v7 =	vadd.f32 $0.0e+00, v7  }
0x4a6: {  	v29 =	vadd.f32 $0.0e+00, v29;
	v26 =	vmul.f32 v26, v13;
	v13 =	vmul.f32 v36, v13  }
0x4a7: {  	v48 =	vunpack.i.l.bf16.f32 v24;
	v17 =	vadd.f32 v30, v17;
	v30 =	vmul.f32 v33, v43  }
0x4a8: {  	v4 =	vadd.f32 v16, v4;
	v33 =	vmul.f32 v44, v52;
	v24 =	vunpack.i.u.bf16.f32 v24  }
0x4a9: {  	v12 =	vadd.f32 v19, v12;
	v38 =	vunpack.i.u.bf16.f32 v28;
	v28 =	vunpack.i.l.bf16.f32 v28  }
0x4aa: {  	v32 =	vld [tilespmem:s2+$0xFFFFFFD0];
	v8 =	vadd.f32 v8, v10;
	v10 =	vmul.f32 v40, v62;
	v18 =	vadd.f32 v18, v20  }
0x4ab: {  	v20 =	vmul.f32 v63, v62;
	v5 =	vadd.f32 v22, v5;
	v14 =	vmul.f32 v41, v48  }
0x4ac: {  	v60 =	vld [tilespmem:s0+$0xD0];
	v15 =	vadd.f32 v15, v25;
	v21 =	vmul.f32 v49, v48;
	v41 =	vmul.f32 v47, v56  }
0x4ad: {  	v28 =	vmul.f32 v28, v3;
	v3 =	vmul.f32 v38, v3;
	v11 =	vadd.f32 v26, v11  }
0x4ae: {  	v59 =	vld [tilespmem:s0+$0x50];
	v13 =	vadd.f32 v13, v27;
	v38 =	vmul.f32 v55, v54;
	v9 =	vadd.f32 v30, v9  }
0x4af: {  	v50 =	vunpack.i.l.bf16.f32 v32;
	v10 =	vadd.f32 v10, v17;
	v4 =	vadd.f32 v20, v4  }
0x4b0: {  	v58 =	vld [tilespmem:s0+$0xFFFFFE20];
	v32 =	vunpack.i.u.bf16.f32 v32;
	v8 =	vadd.f32 v14, v8;
	v14 =	vadd.f32 v21, v18  }
0x4b1: {  	v16 =	vld [tilespmem:s0+$0xFFFFFE50];
	v40 =	vunpack.i.l.bf16.f32 v60;
	v5 =	vadd.f32 v33, v5;
	v15 =	vadd.f32 v34, v15  }
0x4b2: {  	v19 =	vld [tilespmem:s0+$0xFFFFFEA0];
	v7 =	vadd.f32 v28, v7;
	v25 =	vmul.f32 v42, v50;
	v27 =	vmul.f32 v51, v50  }
0x4b3: {  	v22 =	vld [tilespmem:s0+$0xFFFFFED0];
	v3 =	vadd.f32 v3, v29;
	v28 =	vunpack.i.u.bf16.f32 v35;
	v56 =	vunpack.i.u.bf16.f32 v59  }
0x4b4: {  	v36 =	vunpack.i.l.bf16.f32 v59;
	v59 =	vunpack.i.u.bf16.f32 v60;
	v11 =	vadd.f32 v37, v11  }
0x4b5: {  	v13 =	vadd.f32 v38, v13;
	v37 =	vmul.f32 v40, v45;
	v38 =	vunpack.i.l.bf16.f32 v58  }
0x4b6: {  	v48 =	vld [tilespmem:s2+$0xFFFFFF20];
	v35 =	vunpack.i.u.bf16.f32 v16;
	v16 =	vunpack.i.l.bf16.f32 v16;
	v34 =	vmul.f32 v36, v31  }
0x4b7: {  	v26 =	vld [tilespmem:s0+$0xFFFFFF50];
	v31 =	vmul.f32 v56, v31;
	v40 =	vmul.f32 v59, v45;
	v44 =	vunpack.i.u.bf16.f32 v19  }
0x4b8: {  	v19 =	vunpack.i.l.bf16.f32 v19;
	v61 =	vunpack.i.u.bf16.f32 v22;
	v22 =	vunpack.i.l.bf16.f32 v22  }
0x4b9: {  	v20 =	vld [tilespmem:s0+$0xFFFFFF20];
	v16 =	vmul.f32 v16, v28;
	v6 =	vadd.f32 v25, v6;
	v0 =	vadd.f32 v27, v0  }
0x4ba: {  	v21 =	vld [tilespmem:s2+$0xFFFFFFE0];
	v28 =	vmul.f32 v35, v28;
	v7 =	vadd.f32 v41, v7;
	v3 =	vadd.f32 v23, v3  }
0x4bb: {  	v33 =	vld [tilespmem:s2+$0x60];
	v23 =	vunpack.i.l.bf16.f32 v48;
	v35 =	vunpack.i.u.bf16.f32 v58;
	v11 =	vadd.f32 v37, v11  }
0x4bc: {  	v43 =	vld [tilespmem:s0+$0x120];
	v62 =	vunpack.i.u.bf16.f32 v26;
	v26 =	vunpack.i.l.bf16.f32 v26;
	v17 =	vmul.f32 v22, v39  }
0x4bd: {  	v52 =	vld [tilespmem:s2+$0xFFFFFF60];
	v18 =	vmul.f32 v61, v39;
	v38 =	vmul.f32 v38, v23;
	v5 =	vadd.f32 v34, v5  }
0x4be: {  	v29 =	vld [tilespmem:s0+$0xFFFFFFD0];
	v15 =	vadd.f32 v31, v15;
	v13 =	vadd.f32 v40, v13;
	v31 =	vunpack.i.u.bf16.f32 v48  }
0x4bf: {  	v42 =	vld [tilespmem:s0+$0x150];
	v22 =	vmul.f32 v26, v24;
	v24 =	vmul.f32 v62, v24;
	v62 =	vunpack.i.u.bf16.f32 v20  }
0x4c0: {  	v20 =	vunpack.i.l.bf16.f32 v20;
	v49 =	vunpack.i.l.bf16.f32 v21;
	v54 =	vunpack.i.l.bf16.f32 v33  }
0x4c1: {  	v12 =	vadd.f32 v16, v12;
	v16 =	vunpack.i.u.bf16.f32 v43;
	v9 =	vadd.f32 v28, v9  }
0x4c2: {  	v30 =	vld [tilespmem:s2+$0xFFFFFFA0];
	v28 =	vunpack.i.l.bf16.f32 v43;
	v43 =	vunpack.i.u.bf16.f32 v52;
	v21 =	vunpack.i.u.bf16.f32 v21  }
0x4c3: {  	v33 =	vunpack.i.u.bf16.f32 v33;
	v63 =	vunpack.i.u.bf16.f32 v29;
	v29 =	vunpack.i.l.bf16.f32 v29  }
0x4c4: {  	v25 =	vld [tilespmem:s0+$0xFFFFFFA0];
	v60 =	vunpack.i.u.bf16.f32 v42;
	v42 =	vunpack.i.l.bf16.f32 v42;
	v10 =	vadd.f32 v17, v10  }
0x4c5: {  	v4 =	vadd.f32 v18, v4;
	v17 =	vmul.f32 v35, v23;
	v27 =	vmul.f32 v29, v32  }
0x4c6: {  	v61 =	vld [tilespmem:s0+$0xA0];
	v32 =	vmul.f32 v63, v32;
	v41 =	vmul.f32 v42, v46;
	v42 =	vunpack.i.l.bf16.f32 v52  }
0x4c7: {  	v39 =	vld [tilespmem:s2+$0xA0];
	v45 =	vmul.f32 v60, v46;
	v46 =	vunpack.i.l.bf16.f32 v30;
	v8 =	vadd.f32 v22, v8  }
0x4c8: {  	v14 =	vadd.f32 v24, v14;
	v30 =	vunpack.i.u.bf16.f32 v30;
	v12 =	vadd.f32 v38, v12  }
0x4c9: {  	v58 =	vld [tilespmem:s0+$0xE0];
	v63 =	vunpack.i.u.bf16.f32 v25;
	v19 =	vmul.f32 v19, v42;
	v22 =	vmul.f32 v44, v42  }
0x4ca: {  	v59 =	vld [tilespmem:s0+$0x160];
	v25 =	vunpack.i.l.bf16.f32 v25;
	v20 =	vmul.f32 v20, v46;
	v24 =	vmul.f32 v62, v46  }
0x4cb: {  	v26 =	vld [tilespmem:s2+$0x20];
	v9 =	vadd.f32 v17, v9;
	v60 =	vunpack.i.u.bf16.f32 v61;
	v36 =	vunpack.i.l.bf16.f32 v61  }
0x4cc: {  	v61 =	vunpack.i.l.bf16.f32 v39;
	v6 =	vadd.f32 v27, v6;
	v0 =	vadd.f32 v32, v0  }
0x4cd: {  	v18 =	vld [tilespmem:s0+$0xFFFFFE60];
	v7 =	vadd.f32 v41, v7;
	v3 =	vadd.f32 v45, v3;
	v25 =	vmul.f32 v25, v49  }
0x4ce: {  	v23 =	vld [tilespmem:s0+$0xFFFFFEE0];
	v34 =	vmul.f32 v63, v49;
	v41 =	vunpack.i.l.bf16.f32 v58;
	v39 =	vunpack.i.u.bf16.f32 v39  }
0x4cf: {  	v29 =	vld [tilespmem:s0+$0x20];
	v45 =	vunpack.i.l.bf16.f32 v59;
	v36 =	vmul.f32 v36, v54;
	v42 =	vmul.f32 v60, v54  }
0x4d0: {  	v51 =	vunpack.i.l.bf16.f32 v26;
	v28 =	vmul.f32 v28, v61;
	v16 =	vmul.f32 v16, v61  }
0x4d1: {  	v26 =	vunpack.i.u.bf16.f32 v26;
	v10 =	vadd.f32 v19, v10;
	v4 =	vadd.f32 v22, v4  }
0x4d2: {  	v56 =	vld [tilespmem:s0+$0xFFFFFE30];
	v8 =	vadd.f32 v20, v8;
	v14 =	vadd.f32 v24, v14;
	v35 =	vunpack.i.u.bf16.f32 v18  }
0x4d3: {  	v38 =	vld [tilespmem:s2+$0xFFFFFF70];
	v18 =	vunpack.i.l.bf16.f32 v18;
	v44 =	vunpack.i.u.bf16.f32 v23;
	v23 =	vunpack.i.l.bf16.f32 v23  }
0x4d4: {  	v62 =	vld [tilespmem:s0+$0xFFFFFFE0];
	v6 =	vadd.f32 v25, v6;
	v0 =	vadd.f32 v34, v0;
	v53 =	vunpack.i.u.bf16.f32 v29  }
0x4d5: {  	v27 =	vld [tilespmem:s0+$0xFFFFFF60];
	v29 =	vunpack.i.l.bf16.f32 v29;
	v18 =	vmul.f32 v18, v31;
	v17 =	vmul.f32 v35, v31  }
0x4d6: {  	v63 =	vld [tilespmem:s0+$0x60];
	v20 =	vmul.f32 v23, v43;
	v11 =	vadd.f32 v36, v11;
	v13 =	vadd.f32 v42, v13  }
0x4d7: {  	v23 =	vmul.f32 v44, v43;
	v7 =	vadd.f32 v28, v7;
	v3 =	vadd.f32 v16, v3  }
0x4d8: {  	v35 =	vunpack.i.u.bf16.f32 v56;
	v42 =	vmul.f32 v45, v39;
	v43 =	vunpack.i.l.bf16.f32 v38  }
0x4d9: {  	v49 =	vld [tilespmem:s2+$0xFFFFFF30];
	v38 =	vunpack.i.u.bf16.f32 v38;
	v29 =	vmul.f32 v29, v51;
	v40 =	vmul.f32 v53, v51  }
0x4da: {  	v61 =	vunpack.i.u.bf16.f32 v62;
	v32 =	vunpack.i.l.bf16.f32 v62;
	v60 =	vunpack.i.u.bf16.f32 v27  }
0x4db: {  	v27 =	vunpack.i.l.bf16.f32 v27;
	v62 =	vunpack.i.u.bf16.f32 v63;
	v37 =	vunpack.i.l.bf16.f32 v63  }
0x4dc: {  	v19 =	vld [tilespmem:s2+$0xFFFFFFB0];
	v63 =	vunpack.i.u.bf16.f32 v58;
	v58 =	vunpack.i.u.bf16.f32 v59;
	v28 =	vmul.f32 v32, v21  }
0x4dd: {  	v22 =	vld [tilespmem:s0+$0xFFFFFF30];
	v21 =	vmul.f32 v61, v21;
	v12 =	vadd.f32 v18, v12;
	v9 =	vadd.f32 v17, v9  }
0x4de: {  	s23 =	simm.s32 $0x5420;
	v24 =	vld [tilespmem:s2+$0xFFFFFFF0];
	v16 =	vunpack.i.l.bf16.f32 v49;
	v10 =	vadd.f32 v20, v10;
	v4 =	vadd.f32 v23, v4  }
0x4df: {  	v48 =	vld [tilespmem:s23+$0x0];
	v5 =	vadd.f32 v29, v5;
	v25 =	vmul.f32 v27, v30;
	v29 =	vmul.f32 v60, v30  }
0x4e0: {  	v7 =	vadd.f32 v42, v7;
	v34 =	vmul.f32 v37, v26;
	v26 =	vmul.f32 v62, v26  }
0x4e1: {  	v15 =	vadd.f32 v40, v15;
	v37 =	vmul.f32 v41, v33;
	v33 =	vmul.f32 v63, v33  }
0x4e2: {  	v55 =	vld [tilespmem:s0+$0x170];
	v40 =	vunpack.i.l.bf16.f32 v56;
	v39 =	vmul.f32 v58, v39;
	v47 =	vunpack.i.l.bf16.f32 v19  }
0x4e3: {  	v44 =	vld [tilespmem:s0+$0x130];
	v62 =	vunpack.i.u.bf16.f32 v22;
	v22 =	vunpack.i.l.bf16.f32 v22;
	v50 =	vunpack.i.l.bf16.f32 v24  }
0x4e4: {  	v59 =	vld [tilespmem:s0+$0xFFFFFEB0];
	v19 =	vunpack.i.u.bf16.f32 v19;
	v24 =	vunpack.i.u.bf16.f32 v24;
	v56 =	vunpack.i.u.bf16.f32 v48  }
0x4e5: {  	v32 =	vld [tilespmem:s2+$0x70];
	v17 =	vmul.f32 v40, v16;
	v16 =	vmul.f32 v35, v16;
	v6 =	vadd.f32 v28, v6  }
0x4e6: {  	v61 =	vld [tilespmem:s0+$0xB0];
	v0 =	vadd.f32 v21, v0;
	v21 =	vmul.f32 v22, v47;
	v8 =	vadd.f32 v25, v8  }
0x4e7: {  	v23 =	vld [tilespmem:s0+$0xFFFFFE70];
	v22 =	vmul.f32 v62, v47;
	v14 =	vadd.f32 v29, v14;
	v5 =	vadd.f32 v34, v5  }
0x4e8: {  	v27 =	vld [tilespmem:s0+$0xFFFFFFB0];
	v18 =	vunpack.i.u.bf16.f32 v44;
	v15 =	vadd.f32 v26, v15;
	v11 =	vadd.f32 v37, v11  }
0x4e9: {  	v30 =	vld [tilespmem:s2+$0x30];
	v44 =	vunpack.i.l.bf16.f32 v44;
	v13 =	vadd.f32 v33, v13;
	v3 =	vadd.f32 v39, v3  }
0x4ea: {  	v60 =	vld [tilespmem:s0+$0x30];
	v29 =	vunpack.i.u.bf16.f32 v49;
	v12 =	vadd.f32 v17, v12;
	v9 =	vadd.f32 v16, v9  }
0x4eb: {  	v17 =	vunpack.i.l.bf16.f32 v55;
	v45 =	vunpack.i.u.bf16.f32 v59;
	v46 =	vunpack.i.l.bf16.f32 v59  }
0x4ec: {  	v54 =	vunpack.i.l.bf16.f32 v32;
	v36 =	vunpack.i.l.bf16.f32 v61;
	v35 =	vunpack.i.u.bf16.f32 v23  }
0x4ed: {  	v41 =	vld [tilespmem:s2+$0xB0];
	v23 =	vunpack.i.l.bf16.f32 v23;
	v32 =	vunpack.i.u.bf16.f32 v32;
	v8 =	vadd.f32 v21, v8  }
0x4ee: {  	v21 =	vadd.f32 v22, v14;
	v63 =	vunpack.i.u.bf16.f32 v27;
	v27 =	vunpack.i.l.bf16.f32 v27  }
0x4ef: {  	v28 =	vld [tilespmem:s0+$0xFFFFFF70];
	v52 =	vunpack.i.l.bf16.f32 v30;
	v53 =	vunpack.i.u.bf16.f32 v60;
	v20 =	vmul.f32 v46, v43  }
0x4f0: {  	v62 =	vld [tilespmem:s0+$0xFFFFFFF0];
	v31 =	vunpack.i.l.bf16.f32 v60;
	v25 =	vmul.f32 v45, v43;
	v36 =	vmul.f32 v36, v54  }
0x4f1: {  	v26 =	vld [tilespmem:s0+$0xFFFFFEF0];
	v60 =	vunpack.i.u.bf16.f32 v61;
	v16 =	vmul.f32 v23, v29;
	v27 =	vmul.f32 v27, v50  }
0x4f2: {  	v61 =	vunpack.i.l.bf16.f32 v41;
	v34 =	vmul.f32 v63, v50;
	v31 =	vmul.f32 v31, v52  }
0x4f3: {  	v49 =	vld [tilespmem:s23+$0x80];
	v30 =	vunpack.i.u.bf16.f32 v30;
	v39 =	vmul.f32 v53, v52;
	v53 =	vmul.f32 v60, v54  }
0x4f4: {  	v41 =	vunpack.i.u.bf16.f32 v41;
	v54 =	vmul.f32 v44, v61;
	v18 =	vmul.f32 v18, v61  }
0x4f5: {  	v59 =	vunpack.i.u.bf16.f32 v28;
	v28 =	vunpack.i.l.bf16.f32 v28;
	v60 =	vunpack.i.u.bf16.f32 v62  }
0x4f6: {  	v33 =	vunpack.i.l.bf16.f32 v62;
	v17 =	vmul.f32 v17, v41;
	v58 =	vunpack.i.u.bf16.f32 v26  }
0x4f7: {  	v26 =	vunpack.i.l.bf16.f32 v26;
	v10 =	vadd.f32 v20, v10;
	v4 =	vadd.f32 v25, v4  }
0x4f8: {  	v20 =	vmul.f32 v35, v29;
	v16 =	vadd.f32 v16, v12;
	v35 =	vunpack.i.l.bf16.f32 v49  }
0x4f9: {  	v45 =	vld [tilespmem:s23+$0xFFFFFE00];
	v6 =	vadd.f32 v27, v6;
	v22 =	vmul.f32 v26, v38;
	v0 =	vadd.f32 v34, v0  }
0x4fa: {  	v46 =	vld [tilespmem:s23+$0xFFFFFE80];
	v5 =	vadd.f32 v31, v5;
	v23 =	vmul.f32 v58, v38;
	v25 =	vadd.f32 v39, v15  }
0x4fb: {  	v63 =	vld [tilespmem:s0+$0x70];
	v26 =	vadd.f32 v36, v11;
	v11 =	vmul.f32 v28, v19;
	v27 =	vadd.f32 v53, v13  }
0x4fc: {  	v52 =	vld [tilespmem:s0+$0xF0];
	v28 =	vadd.f32 v54, v7;
	v7 =	vmul.f32 v59, v19;
	v3 =	vadd.f32 v18, v3  }
0x4fd: {  	s22 =	simm.s32 $0x7920;
	v19 =	vmul.f32 v33, v24;
	v14 =	vadd.f32 v20, v9;
	v15 =	vadd.f32 v22, v10  }
0x4fe: {  	v24 =	vmul.f32 v60, v24;
	v34 =	vld [tilespmem:s22+$0x0];
	v13 =	vadd.f32 v23, v4;
	v12 =	vadd.f32 v11, v8  }
0x4ff: {  	v54 =	vld [tilespmem:s23+$0xFFFFFE40];
	v59 =	vunpack.i.u.bf16.f32 v49;
	v11 =	vadd.f32 v7, v21;
	v10 =	vadd.f32 v19, v6  }
0x500: {  	v44 =	vld [tilespmem:s23+$0x1A0];
	v9 =	vadd.f32 v24, v0;
	v31 =	vunpack.i.l.bf16.f32 v45;
	v33 =	vunpack.i.l.bf16.f32 v46  }
0x501: {  	v18 =	vld [tilespmem:s22+$0xF0];
	v61 =	vunpack.i.u.bf16.f32 v63;
	v37 =	vunpack.i.l.bf16.f32 v63;
	v62 =	vunpack.i.u.bf16.f32 v52  }
0x502: {  	v20 =	vld [tilespmem:s22+$0xE0];
	v40 =	vunpack.i.l.bf16.f32 v52;
	v29 =	vmul.f32 v37, v30;
	v30 =	vmul.f32 v61, v30  }
0x503: {  	v22 =	vld [tilespmem:s22+$0xC0];
	v63 =	vunpack.i.u.bf16.f32 v55;
	v43 =	vmul.f32 v40, v32;
	v4 =	vmul.f32 v62, v32  }
0x504: {  	v23 =	vld [tilespmem:s23+$0x180];
	v21 =	vmul.f32 v63, v41;
	v55 =	vunpack.i.l.bf16.f32 v34;
	v63 =	vunpack.i.u.bf16.f32 v54  }
0x505: {  	(xrf2) =	vadd.scan.msk.f32 $0xffff, v2;
	v0 =	vld [tilespmem:s23+$0x1C0];
	v40 =	vunpack.i.l.bf16.f32 v54;
	v8 =	vadd.f32 v29, v5;
	v7 =	vadd.f32 v30, v25  }
0x506: {  	(xrf2) =	vadd.scan.msk.f32 $0xffff, v1;
	v19 =	vld [tilespmem:s22+$0xD0];
	v34 =	vunpack.i.u.bf16.f32 v34;
	v6 =	vadd.f32 v43, v26;
	v5 =	vadd.f32 v4, v27  }
0x507: {  	(xrf2) =	vadd.scan.msk.f32 $0xffff, v16;
	v4 =	vadd.f32 v17, v28;
	v3 =	vadd.f32 v21, v3;
	v25 =	vunpack.i.u.bf16.f32 v18  }
0x508: {  	(xrf2) =	vadd.scan.msk.f32 $0xffff, v14;
	v27 =	vunpack.i.l.bf16.f32 v20;
	v20 =	vunpack.i.u.bf16.f32 v20;
	v30 =	vunpack.i.u.bf16.f32 v44  }
0x509: {  	(xrf2) =	vadd.scan.msk.f32 $0xffff, v15;
	v54 =	vld [tilespmem:s23+$0x40];
	v18 =	vunpack.i.l.bf16.f32 v18;
	v41 =	vmul.f32 v56, v55;
	v21 =	vunpack.i.l.bf16.f32 v22  }
0x50a: {  	(xrf2) =	vadd.scan.msk.f32 $0xffff, v13;
	v17 =	vld [tilespmem:s23+$0x190];
	v24 =	vunpack.i.l.bf16.f32 v23;
	v22 =	vunpack.i.u.bf16.f32 v22;
	v28 =	vunpack.i.l.bf16.f32 v0  }
0x50b: {  	s5 =	simm.s32 $0x26C1;
	v26 =	vld [tilespmem:s23+$0x1D0];
	(xrf2) =	vadd.scan.msk.f32 $0xffff, v12;
	v29 =	vunpack.i.u.bf16.f32 v19;
	v23 =	vunpack.i.u.bf16.f32 v23;
	v19 =	vunpack.i.l.bf16.f32 v19  }
0x50c: {  	v0 =	vunpack.i.u.bf16.f32 v0;
	(xrf2) =	vadd.scan.msk.f32 $0xffff, v11;
	v11 =	vmov s5;
	v24 =	vmul.f32 v24, v21  }
0x50d: {  	v28 =	vmul.f32 v28, v22;
	v21 =	vmul.f32 v23, v21;
	v11 =	vshrl.u32 v11, $0x3  }
0x50e: {  	v0 =	vmul.f32 v0, v22;
	v41 =	vadd.f32 $0.0e+00, v41;
	v11 =	vshll.u32 v11, v57  }
0x50f: {  	v24 =	vadd.f32 $0.0e+00, v24;
	v21 =	vadd.f32 $0.0e+00, v21;
	v38 =	vunpack.i.l.bf16.f32 v54  }
0x510: {  	v62 =	vld [tilespmem:s23+$0xFFFFFEC0];
	v11 =	vadd.s32 $0x1, v11;
	v23 =	vunpack.i.l.bf16.f32 v17;
	v22 =	vunpack.i.l.bf16.f32 v26  }
0x511: {  	v17 =	vunpack.i.u.bf16.f32 v17;
	v26 =	vunpack.i.u.bf16.f32 v26;
	v24 =	vadd.f32 v28, v24  }
0x512: {  	v23 =	vmul.f32 v23, v19;
	v28 =	vld [tilespmem:s23+$0x1E0];
	v0 =	vadd.f32 v0, v21;
	v17 =	vmul.f32 v17, v19  }
0x513: {  	v38 =	vmul.f32 v38, v34;
	v22 =	vmul.f32 v22, v29;
	v19 =	vunpack.i.l.bf16.f32 v44;
	v21 =	vld [tilespmem:s22+$0xFFFFFF80]  }
0x514: {  	v23 =	vadd.f32 v23, v24;
	v0 =	vadd.f32 v17, v0;
	v17 =	vmul.f32 v26, v29  }
0x515: {  	v56 =	vunpack.i.u.bf16.f32 v62;
	v11 =	vbroadcast v11, $0x0;
	v19 =	vmul.f32 v19, v27;
	v24 =	vld [tilespmem:s23+$0x1B0]  }
0x516: {  	v26 =	vld [tilespmem:s23+$0xFFFFFF00];
	v22 =	vadd.f32 v22, v23;
	v0 =	vadd.f32 v17, v0;
	v17 =	vmul.f32 v30, v27  }
0x517: {  	v30 =	vunpack.i.l.bf16.f32 v48;
	v29 =	vunpack.i.l.bf16.f32 v28;
	v28 =	vunpack.i.u.bf16.f32 v28  }
0x518: {  	v23 =	vld [tilespmem:s23+$0x1F0];
	v50 =	vunpack.i.l.bf16.f32 v21;
	v30 =	vmul.f32 v30, v55;
	v21 =	vunpack.i.u.bf16.f32 v21  }
0x519: {  	v27 =	vld [tilespmem:s23+$0xFFFFFF80];
	v19 =	vadd.f32 v19, v22;
	v29 =	vmul.f32 v29, v20;
	v0 =	vadd.f32 v17, v0  }
0x51a: {  	v17 =	vmul.f32 v28, v20;
	v47 =	vunpack.i.l.bf16.f32 v24;
	v24 =	vunpack.i.u.bf16.f32 v24  }
0x51b: {  	v51 =	vunpack.i.u.bf16.f32 v26;
	v26 =	vunpack.i.l.bf16.f32 v26;
	v30 =	vadd.f32 $0.0e+00, v30  }
0x51c: {  	v55 =	vld [tilespmem:s23+$0xC0];
	v19 =	vadd.f32 v29, v19;
	v29 =	vmul.f32 v47, v18;
	v0 =	vadd.f32 v17, v0  }
0x51d: {  	v28 =	vld [tilespmem:s22+$0x40];
	v18 =	vmul.f32 v24, v18;
	v36 =	vmul.f32 v51, v50;
	v20 =	vunpack.i.l.bf16.f32 v23  }
0x51e: {  	v32 =	vld [tilespmem:s22+$0xFFFFFF40];
	v23 =	vunpack.i.u.bf16.f32 v23;
	v52 =	vunpack.i.u.bf16.f32 v27;
	v27 =	vunpack.i.l.bf16.f32 v27  }
0x51f: {  	v22 =	vld [tilespmem:s22+$0xFFFFFFC0];
	v30 =	vadd.f32 v38, v30;
	v19 =	vadd.f32 v29, v19;
	v20 =	vmul.f32 v20, v25  }
0x520: {  	v29 =	vunpack.i.u.bf16.f32 v45;
	v0 =	vadd.f32 v18, v0;
	v18 =	vmul.f32 v23, v25  }
0x521: {  	v23 =	vunpack.i.u.bf16.f32 v46;
	v51 =	vunpack.i.u.bf16.f32 v55;
	v42 =	vunpack.i.l.bf16.f32 v55  }
0x522: {  	v36 =	vadd.f32 $0.0e+00, v36;
	v58 =	vunpack.i.l.bf16.f32 v28;
	v28 =	vunpack.i.u.bf16.f32 v28  }
0x523: {  	v24 =	vld [tilespmem:s22+$0xFFFFFF00];
	v17 =	vadd.f32 v20, v19;
	v19 =	vunpack.i.l.bf16.f32 v32;
	v18 =	vadd.f32 v18, v0  }
0x524: {  	v0 =	vunpack.i.l.bf16.f32 v22;
	v35 =	vmul.f32 v35, v58;
	v43 =	vmul.f32 v59, v58  }
0x525: {  	v32 =	vunpack.i.u.bf16.f32 v32;
	v42 =	vmul.f32 v42, v28;
	v28 =	vmul.f32 v51, v28  }
0x526: {  	v59 =	vunpack.i.l.bf16.f32 v62;
	v33 =	vmul.f32 v33, v19;
	v19 =	vmul.f32 v23, v19  }
0x527: {  	v22 =	vunpack.i.u.bf16.f32 v22;
	v23 =	vmul.f32 v26, v50;
	v27 =	vmul.f32 v27, v0  }
0x528: {  	v48 =	vld [tilespmem:s22+$0xFFFFFF50];
	v53 =	vunpack.i.l.bf16.f32 v24;
	v0 =	vmul.f32 v52, v0;
	v46 =	vmul.f32 v59, v32  }
0x529: {  	v24 =	vunpack.i.u.bf16.f32 v24;
	v32 =	vmul.f32 v56, v32;
	v31 =	vmul.f32 v31, v53  }
0x52a: {  	v25 =	vld [tilespmem:s23+$0x100];
	v50 =	vunpack.i.u.bf16.f32 v54;
	v29 =	vmul.f32 v29, v53;
	v40 =	vmul.f32 v40, v24  }
0x52b: {  	v20 =	vld [tilespmem:s22+$0x80];
	v24 =	vmul.f32 v63, v24;
	v35 =	vadd.f32 $0.0e+00, v35;
	v43 =	vadd.f32 $0.0e+00, v43  }
0x52c: {  	v58 =	vld [tilespmem:s23+$0x140];
	v34 =	vmul.f32 v50, v34;
	v33 =	vadd.f32 $0.0e+00, v33;
	v19 =	vadd.f32 $0.0e+00, v19  }
0x52d: {  	v50 =	vunpack.i.l.bf16.f32 v48;
	v23 =	vadd.f32 $0.0e+00, v23;
	v27 =	vadd.f32 $0.0e+00, v27  }
0x52e: {  	v26 =	vld [tilespmem:s23+$0xFFFFFF40];
	v48 =	vunpack.i.u.bf16.f32 v48;
	v0 =	vadd.f32 $0.0e+00, v0;
	v31 =	vadd.f32 $0.0e+00, v31  }
0x52f: {  	v61 =	vunpack.i.u.bf16.f32 v25;
	v29 =	vadd.f32 $0.0e+00, v29;
	v34 =	vadd.f32 v34, v41  }
0x530: {  	v55 =	vld [tilespmem:s22+$0xFFFFFF90];
	v25 =	vunpack.i.l.bf16.f32 v25;
	v35 =	vadd.f32 v42, v35;
	v28 =	vadd.f32 v28, v43  }
0x531: {  	v53 =	vld [tilespmem:s23+$0xFFFFFFC0];
	v60 =	vunpack.i.l.bf16.f32 v20;
	v20 =	vunpack.i.u.bf16.f32 v20;
	v62 =	vunpack.i.u.bf16.f32 v58  }
0x532: {  	v63 =	vld [tilespmem:s23+$0xFFFFFE10];
	v44 =	vunpack.i.l.bf16.f32 v58;
	v19 =	vadd.f32 v32, v19;
	v25 =	vmul.f32 v25, v60  }
0x533: {  	v45 =	vmul.f32 v61, v60;
	v60 =	vunpack.i.u.bf16.f32 v26;
	v26 =	vunpack.i.l.bf16.f32 v26  }
0x534: {  	v54 =	vld [tilespmem:s23+$0xFFFFFE90];
	v44 =	vmul.f32 v44, v20;
	v20 =	vmul.f32 v62, v20;
	v31 =	vadd.f32 v40, v31  }
0x535: {  	v24 =	vadd.f32 v24, v29;
	v29 =	vadd.f32 v46, v33;
	v46 =	vunpack.i.l.bf16.f32 v55  }
0x536: {  	v51 =	vld [tilespmem:s22+$0xFFFFFFD0];
	v55 =	vunpack.i.u.bf16.f32 v55;
	v61 =	vunpack.i.u.bf16.f32 v53;
	v37 =	vunpack.i.l.bf16.f32 v53  }
0x537: {  	v58 =	vld [tilespmem:s23+$0xFFFFFED0];
	v26 =	vmul.f32 v26, v21;
	v21 =	vmul.f32 v60, v21;
	v39 =	vunpack.i.l.bf16.f32 v63  }
0x538: {  	v62 =	vld [tilespmem:s23+$0xFFFFFF90];
	v25 =	vadd.f32 $0.0e+00, v25;
	v45 =	vadd.f32 $0.0e+00, v45;
	v37 =	vmul.f32 v37, v22  }
0x539: {  	v33 =	vld [tilespmem:s22+$0x10];
	v22 =	vmul.f32 v61, v22;
	v61 =	vunpack.i.u.bf16.f32 v63;
	v63 =	vunpack.i.u.bf16.f32 v54  }
0x53a: {  	v54 =	vunpack.i.l.bf16.f32 v54;
	v23 =	vadd.f32 v26, v23;
	v21 =	vadd.f32 v21, v36  }
0x53b: {  	v53 =	vld [tilespmem:s22+$0xFFFFFF10];
	v54 =	vmul.f32 v54, v50;
	v50 =	vmul.f32 v63, v50;
	v27 =	vadd.f32 v37, v27  }
0x53c: {  	v37 =	vunpack.i.l.bf16.f32 v51;
	v0 =	vadd.f32 v22, v0;
	v25 =	vadd.f32 v44, v25  }
0x53d: {  	v56 =	vld [tilespmem:s23+$0xFFFFFF10];
	v20 =	vadd.f32 v20, v45;
	v41 =	vunpack.i.l.bf16.f32 v58;
	v51 =	vunpack.i.u.bf16.f32 v51  }
0x53e: {  	v63 =	vunpack.i.u.bf16.f32 v62;
	v40 =	vunpack.i.l.bf16.f32 v62;
	v38 =	vunpack.i.l.bf16.f32 v33  }
0x53f: {  	v26 =	vld [tilespmem:s22+$0x50];
	v29 =	vadd.f32 v54, v29;
	v19 =	vadd.f32 v50, v19;
	v33 =	vunpack.i.u.bf16.f32 v33  }
0x540: {  	v22 =	vld [tilespmem:s22+$0x90];
	v41 =	vmul.f32 v41, v48;
	v60 =	vunpack.i.l.bf16.f32 v53;
	v40 =	vmul.f32 v40, v37  }
0x541: {  	v36 =	vld [tilespmem:s23+$0x90];
	v37 =	vmul.f32 v63, v37;
	v53 =	vunpack.i.u.bf16.f32 v53;
	v39 =	vmul.f32 v39, v60  }
0x542: {  	v47 =	vmul.f32 v61, v60;
	v60 =	vld [tilespmem:s23+$0x10];
	v61 =	vunpack.i.u.bf16.f32 v56;
	v56 =	vunpack.i.l.bf16.f32 v56  }
0x543: {  	v29 =	vadd.f32 v41, v29;
	v56 =	vmul.f32 v56, v46;
	v32 =	vmul.f32 v61, v46  }
0x544: {  	v42 =	vld [tilespmem:s23+$0x110];
	v59 =	vunpack.i.l.bf16.f32 v26;
	v27 =	vadd.f32 v40, v27;
	v26 =	vunpack.i.u.bf16.f32 v26  }
0x545: {  	v61 =	vld [tilespmem:s23+$0xFFFFFE50];
	v0 =	vadd.f32 v37, v0;
	v63 =	vunpack.i.l.bf16.f32 v22;
	v31 =	vadd.f32 v39, v31  }
0x546: {  	v52 =	vld [tilespmem:s23+$0x50];
	v24 =	vadd.f32 v47, v24;
	v22 =	vunpack.i.u.bf16.f32 v22;
	v23 =	vadd.f32 v56, v23  }
0x547: {  	v62 =	vunpack.i.u.bf16.f32 v60;
	v49 =	vunpack.i.l.bf16.f32 v60;
	v60 =	vunpack.i.u.bf16.f32 v36  }
0x548: {  	v36 =	vunpack.i.l.bf16.f32 v36;
	v49 =	vmul.f32 v49, v38;
	v38 =	vmul.f32 v62, v38  }
0x549: {  	v21 =	vadd.f32 v32, v21;
	v36 =	vmul.f32 v36, v59;
	v43 =	vmul.f32 v60, v59  }
0x54a: {  	v40 =	vld [tilespmem:s22+$0xFFFFFF20];
	v62 =	vunpack.i.u.bf16.f32 v42;
	v42 =	vunpack.i.l.bf16.f32 v42;
	v60 =	vunpack.i.u.bf16.f32 v61  }
0x54b: {  	v44 =	vunpack.i.l.bf16.f32 v61;
	v61 =	vunpack.i.u.bf16.f32 v58;
	v58 =	vunpack.i.u.bf16.f32 v52  }
0x54c: {  	v59 =	vld [tilespmem:s23+$0xFFFFFF50];
	v52 =	vunpack.i.l.bf16.f32 v52;
	v42 =	vmul.f32 v42, v63;
	v46 =	vmul.f32 v62, v63  }
0x54d: {  	v63 =	vld [tilespmem:s23+$0xFFFFFFD0];
	v44 =	vmul.f32 v44, v53;
	v47 =	vmul.f32 v60, v53;
	v30 =	vadd.f32 v49, v30  }
0x54e: {  	v48 =	vmul.f32 v61, v48;
	v34 =	vadd.f32 v38, v34;
	v35 =	vadd.f32 v36, v35  }
0x54f: {  	v62 =	vld [tilespmem:s23+$0xD0];
	v28 =	vadd.f32 v43, v28;
	v43 =	vunpack.i.l.bf16.f32 v40;
	v25 =	vadd.f32 v42, v25  }
0x550: {  	v40 =	vunpack.i.u.bf16.f32 v40;
	v20 =	vadd.f32 v46, v20;
	v31 =	vadd.f32 v44, v31  }
0x551: {  	v42 =	vld [tilespmem:s22+$0xFFFFFFA0];
	v24 =	vadd.f32 v47, v24;
	v19 =	vadd.f32 v48, v19;
	v45 =	vunpack.i.l.bf16.f32 v59  }
0x552: {  	v49 =	vld [tilespmem:s22+$0xFFFFFFE0];
	v54 =	vunpack.i.u.bf16.f32 v59;
	v39 =	vunpack.i.l.bf16.f32 v63;
	v45 =	vmul.f32 v45, v55  }
0x553: {  	v60 =	vunpack.i.u.bf16.f32 v63;
	v38 =	vmul.f32 v54, v55;
	v39 =	vmul.f32 v39, v51  }
0x554: {  	v59 =	vld [tilespmem:s23+$0xFFFFFE20];
	v50 =	vunpack.i.l.bf16.f32 v62;
	v46 =	vmul.f32 v60, v51;
	v51 =	vmul.f32 v52, v33  }
0x555: {  	v63 =	vld [tilespmem:s23+$0x150];
	v61 =	vunpack.i.u.bf16.f32 v62;
	v33 =	vmul.f32 v58, v33;
	v50 =	vmul.f32 v50, v26  }
0x556: {  	v54 =	vld [tilespmem:s22+$0xFFFFFF60];
	v26 =	vmul.f32 v61, v26;
	v47 =	vunpack.i.l.bf16.f32 v42;
	v23 =	vadd.f32 v45, v23  }
0x557: {  	v41 =	vld [tilespmem:s22+$0x20];
	v21 =	vadd.f32 v38, v21;
	v38 =	vunpack.i.l.bf16.f32 v49;
	v27 =	vadd.f32 v39, v27  }
0x558: {  	v36 =	vld [tilespmem:s23+$0xFFFFFEA0];
	v42 =	vunpack.i.u.bf16.f32 v42;
	v0 =	vadd.f32 v46, v0;
	v30 =	vadd.f32 v51, v30  }
0x559: {  	v60 =	vld [tilespmem:s23+$0xFFFFFF20];
	v49 =	vunpack.i.u.bf16.f32 v49;
	v33 =	vadd.f32 v33, v34;
	v34 =	vadd.f32 v50, v35  }
0x55a: {  	v61 =	vld [tilespmem:s23+$0xFFFFFFA0];
	v26 =	vadd.f32 v26, v28;
	v37 =	vunpack.i.l.bf16.f32 v59;
	v62 =	vunpack.i.u.bf16.f32 v63  }
0x55b: {  	v52 =	vld [tilespmem:s22+$0xFFFFFFB0];
	v32 =	vunpack.i.l.bf16.f32 v63;
	v63 =	vunpack.i.u.bf16.f32 v59;
	v56 =	vunpack.i.l.bf16.f32 v54  }
0x55c: {  	v48 =	vld [tilespmem:s23+$0x20];
	v37 =	vmul.f32 v37, v43;
	v59 =	vunpack.i.u.bf16.f32 v54;
	v32 =	vmul.f32 v32, v22  }
0x55d: {  	v45 =	vld [tilespmem:s22+$0x60];
	v22 =	vmul.f32 v62, v22;
	v62 =	vunpack.i.u.bf16.f32 v36;
	v36 =	vunpack.i.l.bf16.f32 v36  }
0x55e: {  	v39 =	vld [tilespmem:s23+$0xA0];
	v43 =	vmul.f32 v63, v43;
	v63 =	vunpack.i.u.bf16.f32 v60;
	v53 =	vunpack.i.l.bf16.f32 v60  }
0x55f: {  	v60 =	vunpack.i.u.bf16.f32 v61;
	v55 =	vunpack.i.l.bf16.f32 v61;
	v61 =	vunpack.i.l.bf16.f32 v41  }
0x560: {  	v51 =	vld [tilespmem:s22+$0xA0];
	v41 =	vunpack.i.u.bf16.f32 v41;
	v12 =	vunpack.i.u.bf16.f32 v52;
	v36 =	vmul.f32 v36, v56  }
0x561: {  	v35 =	vld [tilespmem:s23+$0x120];
	v44 =	vmul.f32 v62, v56;
	v62 =	vunpack.i.u.bf16.f32 v48;
	v48 =	vunpack.i.l.bf16.f32 v48  }
0x562: {  	v28 =	vunpack.i.l.bf16.f32 v45;
	v53 =	vmul.f32 v53, v47;
	v47 =	vmul.f32 v63, v47  }
0x563: {  	v31 =	vadd.f32 v37, v31;
	v45 =	vunpack.i.u.bf16.f32 v45;
	v63 =	vunpack.i.u.bf16.f32 v39  }
0x564: {  	v25 =	vadd.f32 v32, v25;
	v32 =	vmul.f32 v55, v38;
	v39 =	vunpack.i.l.bf16.f32 v39  }
0x565: {  	v38 =	vmul.f32 v60, v38;
	v46 =	vmul.f32 v48, v61;
	v60 =	vunpack.i.l.bf16.f32 v51  }
0x566: {  	v50 =	vmul.f32 v62, v61;
	v62 =	vunpack.i.u.bf16.f32 v35;
	v20 =	vadd.f32 v22, v20  }
0x567: {  	v56 =	vld [tilespmem:s23+$0x160];
	v35 =	vunpack.i.l.bf16.f32 v35;
	v24 =	vadd.f32 v43, v24;
	v29 =	vadd.f32 v36, v29  }
0x568: {  	v55 =	vld [tilespmem:s23+$0xFFFFFE60];
	v39 =	vmul.f32 v39, v28;
	v19 =	vadd.f32 v44, v19;
	v23 =	vadd.f32 v53, v23  }
0x569: {  	v61 =	vld [tilespmem:s23+$0xFFFFFEE0];
	v28 =	vmul.f32 v63, v28;
	v21 =	vadd.f32 v47, v21;
	v27 =	vadd.f32 v32, v27  }
0x56a: {  	v22 =	vmul.f32 v35, v60;
	v0 =	vadd.f32 v38, v0;
	v30 =	vadd.f32 v46, v30  }
0x56b: {  	v37 =	vld [tilespmem:s23+$0xFFFFFF60];
	v35 =	vmul.f32 v62, v60;
	v33 =	vadd.f32 v50, v33;
	v34 =	vadd.f32 v39, v34  }
0x56c: {  	v43 =	vld [tilespmem:s23+$0x60];
	v51 =	vunpack.i.u.bf16.f32 v51;
	v26 =	vadd.f32 v28, v26;
	v22 =	vadd.f32 v22, v25  }
0x56d: {  	v36 =	vld [tilespmem:s23+$0xFFFFFFE0];
	v20 =	vadd.f32 v35, v20;
	v28 =	vunpack.i.u.bf16.f32 v56;
	v44 =	vunpack.i.l.bf16.f32 v56  }
0x56e: {  	v62 =	vld [tilespmem:s23+$0xE0];
	v63 =	vunpack.i.u.bf16.f32 v55;
	v58 =	vunpack.i.l.bf16.f32 v55;
	v60 =	vunpack.i.u.bf16.f32 v61  }
0x56f: {  	v61 =	vunpack.i.l.bf16.f32 v61;
	v44 =	vmul.f32 v44, v51;
	v28 =	vmul.f32 v28, v51  }
0x570: {  	v46 =	vld [tilespmem:s22+$0xFFFFFF30];
	v48 =	vmul.f32 v58, v40;
	v40 =	vmul.f32 v63, v40;
	v63 =	vunpack.i.u.bf16.f32 v37  }
0x571: {  	v37 =	vunpack.i.l.bf16.f32 v37;
	v54 =	vmul.f32 v61, v59;
	v32 =	vmul.f32 v60, v59  }
0x572: {  	v58 =	vunpack.i.u.bf16.f32 v36;
	v36 =	vunpack.i.l.bf16.f32 v36;
	v59 =	vunpack.i.u.bf16.f32 v43  }
0x573: {  	v43 =	vunpack.i.l.bf16.f32 v43;
	v61 =	vunpack.i.u.bf16.f32 v62;
	v37 =	vmul.f32 v37, v42  }
0x574: {  	v47 =	vunpack.i.l.bf16.f32 v62;
	v42 =	vmul.f32 v63, v42;
	v25 =	vmul.f32 v36, v49  }
0x575: {  	v53 =	vld [tilespmem:s22+$0xFFFFFF70];
	v36 =	vmul.f32 v58, v49;
	v63 =	vunpack.i.l.bf16.f32 v46;
	v22 =	vadd.f32 v44, v22  }
0x576: {  	v60 =	vld [tilespmem:s23+$0xFFFFFE30];
	v43 =	vmul.f32 v43, v41;
	v20 =	vadd.f32 v28, v20;
	v31 =	vadd.f32 v48, v31  }
0x577: {  	v62 =	vld [tilespmem:s23+$0xFFFFFEB0];
	v38 =	vmul.f32 v59, v41;
	v24 =	vadd.f32 v40, v24;
	v29 =	vadd.f32 v54, v29  }
0x578: {  	v50 =	vld [tilespmem:s23+$0xFFFFFF30];
	v47 =	vmul.f32 v47, v45;
	v19 =	vadd.f32 v32, v19;
	v23 =	vadd.f32 v37, v23  }
0x579: {  	v39 =	vmul.f32 v61, v45;
	v59 =	vld [tilespmem:s23+$0xFFFFFFB0];
	v21 =	vadd.f32 v42, v21;
	v25 =	vadd.f32 v25, v27  }
0x57a: {  	v58 =	vunpack.i.l.bf16.f32 v53;
	v45 =	vld [tilespmem:s22+$0x70];
	v0 =	vadd.f32 v36, v0;
	v30 =	vadd.f32 v43, v30  }
0x57b: {  	v61 =	vunpack.i.l.bf16.f32 v52;
	v48 =	vld [tilespmem:s22+$0xFFFFFFF0];
	v33 =	vadd.f32 v38, v33;
	v34 =	vadd.f32 v47, v34  }
0x57c: {  	v54 =	vld [tilespmem:s22+$0x30];
	v55 =	vunpack.i.u.bf16.f32 v60;
	v56 =	vunpack.i.l.bf16.f32 v60;
	v60 =	vunpack.i.u.bf16.f32 v62  }
0x57d: {  	v49 =	vunpack.i.l.bf16.f32 v62;
	v40 =	vmul.f32 v56, v63;
	v35 =	vmul.f32 v55, v63  }
0x57e: {  	v38 =	vld [tilespmem:s22+$0xB0];
	v26 =	vadd.f32 v39, v26;
	v49 =	vmul.f32 v49, v58;
	v42 =	vmul.f32 v60, v58  }
0x57f: {  	v63 =	vunpack.i.u.bf16.f32 v50;
	v50 =	vunpack.i.l.bf16.f32 v50;
	v56 =	vunpack.i.u.bf16.f32 v59  }
0x580: {  	v62 =	vld [tilespmem:s23+$0x30];
	v41 =	vunpack.i.l.bf16.f32 v59;
	v27 =	vunpack.i.l.bf16.f32 v48;
	v50 =	vmul.f32 v50, v61  }
0x581: {  	v32 =	vmul.f32 v63, v61;
	v59 =	vunpack.i.l.bf16.f32 v54;
	v61 =	vunpack.i.l.bf16.f32 v45  }
0x582: {  	v55 =	vld [tilespmem:s23+$0xB0];
	v41 =	vmul.f32 v41, v27;
	v27 =	vmul.f32 v56, v27;
	v31 =	vadd.f32 v40, v31  }
0x583: {  	s30 =	simm.s32 $0x26C0;
	v58 =	vld [tilespmem:s23+$0x130];
	v63 =	vunpack.i.l.bf16.f32 v38;
	v24 =	vadd.f32 v35, v24;
	v29 =	vadd.f32 v49, v29  }
0x584: {  	v28 =	vld [tilespmem:s23+$0xFFFFFE70];
	v19 =	vadd.f32 v42, v19;
	v35 =	vadd.f32 v50, v23;
	v23 =	vmov s30  }
0x585: {  	v21 =	vadd.f32 v32, v21;
	v60 =	vunpack.i.u.bf16.f32 v62;
	v37 =	vunpack.i.l.bf16.f32 v62  }
0x586: {  	v25 =	vadd.f32 v41, v25;
	v0 =	vadd.f32 v27, v0;
	v23 =	vshrl.u32 v23, $0x3  }
0x587: {  	v62 =	vunpack.i.u.bf16.f32 v55;
	v36 =	vunpack.i.l.bf16.f32 v55;
	v37 =	vmul.f32 v37, v59  }
0x588: {  	v39 =	vmul.f32 v60, v59;
	v55 =	vunpack.i.u.bf16.f32 v58;
	v56 =	vunpack.i.l.bf16.f32 v58  }
0x589: {  	v59 =	vunpack.i.u.bf16.f32 v46;
	v60 =	vunpack.i.u.bf16.f32 v28;
	v36 =	vmul.f32 v36, v61  }
0x58a: {  	v16 =	vld [tilespmem:s23+$0xFFFFFF70];
	v28 =	vunpack.i.l.bf16.f32 v28;
	v2 =	vmul.f32 v62, v61;
	v44 =	vmul.f32 v56, v63  }
0x58b: {  	s31 =	simm.s32 $0x26C7;
	v23 =	vshll.u32 v23, v57;
	v43 =	vmul.f32 v55, v63;
	v1 =	vmul.f32 v28, v59  }
0x58c: {  	v28 =	vmul.f32 v60, v59;
	v61 =	vmov s31;
	v62 =	vunpack.i.u.bf16.f32 v53  }
0x58d: {  	v50, _, _ =	vpop (xrf2);
	v15 =	vbroadcast v23, $0x0;
	v32 =	vshrl.u32 v61, $0x3;
	v14 =	vadd.f32 v37, v30  }
0x58e: {  	v58 =	vld [tilespmem:s23+$0xFFFFFEF0];
	v49 =	vadd.f32 v39, v33;
	v47 =	vshll.u32 v32, v57;
	v32 =	vmax.f32 v50, $0.0e+00  }
0x58f: {  	v51 =	vadd.f32 v36, v34;
	v2 =	vadd.f32 v2, v26;
	v26 =	vunpack.i.l.bf16.f32 v16  }
0x590: {  	v16 =	vunpack.i.u.bf16.f32 v16;
	v52 =	vadd.f32 v43, v20;
	v1 =	vadd.f32 v1, v31  }
0x591: {  	(xrf2) =	vadd.scan.msk.f32 $0xffff, v10;
	v23 =	vadd.s32 $0x7, v47;
	v10 =	vmul.f32 v16, v12;
	v16 =	vadd.f32 v44, v22;
	v22 =	vld [tilespmem:s23+$0x70]  }
0x592: {  	v24 =	vadd.f32 v28, v24;
	v26 =	vmul.f32 v26, v12;
	v12, _, _ =	vpop (xrf2);
	(xrf2) =	vadd.scan.msk.f32 $0xffff, v9;
	v13 =	vbroadcast v23, $0x0;
	v23 =	vld [tilespmem:s23+$0xFFFFFFF0]  }
0x593: {  	v63 =	vunpack.i.l.bf16.f32 v58;
	v27 =	vunpack.i.u.bf16.f32 v58;
	v9 =	vmax.f32 v12, $0.0e+00;
	(xrf2) =	vadd.scan.msk.f32 $0xffff, v8  }
0x594: {  	s11 =	simm.s32 $0x26C2;
	v12 =	vunpack.i.u.bf16.f32 v48;
	v8 =	vld [tilespmem:s23+$0xF0];
	v46 =	vmul.f32 v63, v62;
	v27 =	vmul.f32 v27, v62;
	(xrf2) =	vadd.scan.msk.f32 $0xffff, v7;
	v7, _, _ =	vpop (xrf2)  }
0x595: {  	v21 =	vadd.f32 v10, v21;
	(xrf2) =	vadd.scan.msk.f32 $0xffff, v6;
	v6 =	vmov s11;
	v7 =	vmax.f32 v7, $0.0e+00  }
0x596: {  	v29 =	vadd.f32 v46, v29;
	v6 =	vshrl.u32 v6, $0x3;
	v28 =	vunpack.i.u.bf16.f32 v22  }
0x597: {  	(xrf2) =	vadd.scan.msk.f32 $0xffff, v5;
	v5, _, _ =	vpop (xrf2);
	v22 =	vunpack.i.l.bf16.f32 v22;
	v20 =	vunpack.i.u.bf16.f32 v23;
	v23 =	vunpack.i.l.bf16.f32 v23  }
0x598: {  	(xrf2) =	vadd.scan.msk.f32 $0xffff, v4;
	v4, _, _ =	vpop (xrf2);
	v6 =	vshll.u32 v6, v57;
	v53 =	vmul.f32 v23, v12;
	v12 =	vmul.f32 v20, v12;
	v20 =	vld [tilespmem:s23+$0x170]  }
0x599: {  	v5 =	vmax.f32 v5, $0.0e+00;
	v56, _, _ =	vpop (xrf2);
	(xrf2) =	vadd.scan.msk.f32 $0xffff, v3;
	v3 =	vunpack.i.u.bf16.f32 v8;
	v23 =	vunpack.i.u.bf16.f32 v54  }
0x59a: {  	s24 =	simm.s32 $0x26CF;
	v8 =	vunpack.i.l.bf16.f32 v8;
	v54 =	vunpack.i.u.bf16.f32 v45;
	(xrf2) =	vadd.scan.msk.f32 $0xffff, v17;
	v58, _, _ =	vpop (xrf2);
	v55 =	vmul.f32 v22, v23  }
0x59b: {  	v28 =	vmul.f32 v28, v23;
	(xrf2) =	vadd.scan.msk.f32 $0xffff, v18;
	v59, _, _ =	vpop (xrf2);
	v18 =	vmul.f32 v8, v54;
	v8 =	vmov s24  }
0x59c: {  	[tilespmem:v15+s18+$0x0] =	vst.idx.msk vm0, v7;
	v22 =	vunpack.i.u.bf16.f32 v38;
	v23 =	vadd.f32 v27, v19;
	v27, _, _ =	vpop (xrf2);
	v8 =	vshrl.u32 v8, $0x3  }
0x59d: {  	[tilespmem:v15+s19+$0x0] =	vst.idx.msk vm0, v5;
	v62, _, _ =	vpop (xrf2);
	v8 =	vshll.u32 v8, v57;
	v17 =	vunpack.i.u.bf16.f32 v20;
	v20 =	vunpack.i.l.bf16.f32 v20  }
0x59e: {  	v60 =	vmul.f32 v20, v22;
	v61 =	vmul.f32 v17, v22;
	v22 =	vadd.f32 v26, v35;
	v26, _, _ =	vpop (xrf2)  }
0x59f: {  	s25 =	simm.s32 $0x26C3;
	v6 =	vadd.s32 $0x2, v6;
	v4 =	vmax.f32 v4, $0.0e+00;
	[tilespmem:v13+s18+$0x0] =	vst.idx.msk vm0, v32;
	v8 =	vadd.s32 $0x7, v8;
	v10, _, _ =	vpop (xrf2)  }
0x5a0: {  	[tilespmem:v11+s18+$0x0] =	vst.idx.msk vm0, v4;
	v63 =	vbroadcast v8, $0x0;
	v20 =	vadd.f32 v53, v25;
	v17 =	vmov s25;
	v25, _, _ =	vpop (xrf2)  }
0x5a1: {  	v6 =	vbroadcast v6, $0x0;
	v4 =	vmax.f32 v56, $0.0e+00;
	[tilespmem:v13+s19+$0x0] =	vst.idx.msk vm0, v9;
	v8 =	vshrl.u32 v17, $0x3;
	v13, _, _ =	vpop (xrf2)  }
0x5a2: {  	s30 =	simm.s32 $0x26C6;
	v3 =	vmul.f32 v3, v54;
	v19 =	vadd.f32 v12, v0;
	v7 =	vshll.u32 v8, v57;
	v0, _, _ =	vpop (xrf2)  }
0x5a3: {  	[tilespmem:v11+s19+$0x0] =	vst.idx.msk vm0, v4;
	v11 =	vmov s30;
	v5 =	vadd.s32 $0x3, v7;
	v7 =	vadd.f32 v55, v14;
	v14, _, _ =	vpop (xrf2)  }
0x5a4: {  	s26 =	simm.s32 $0x26C4;
	v9 =	vadd.f32 v18, v51;
	v18 =	vadd.f32 v3, v2;
	v5 =	vbroadcast v5, $0x0;
	v12, _, _ =	vpop (xrf2)  }
0x5a5: {  	v3 =	vmov s26;
	v8 =	vadd.f32 v28, v49;
	v4 =	vmax.f32 v12, $0.0e+00;
	v2, _, _ =	vpop (xrf2)  }
0x5a6: {  	v17 =	vadd.f32 v60, v16;
	v16 =	vadd.f32 v61, v52;
	[tilespmem:v63+s18+$0x0] =	vst.idx.msk vm0, v4;
	v2 =	vmax.f32 v2, $0.0e+00  }
0x5a7: {  	(xrf2) =	vadd.scan.msk.f32 $0xffff, v1;
	[tilespmem:v63+s19+$0x0] =	vst.idx.msk vm0, v2;
	v2 =	vshrl.u32 v3, $0x3;
	v3 =	vmax.f32 v58, $0.0e+00  }
0x5a8: {  	(xrf2) =	vadd.scan.msk.f32 $0xffff, v24;
	v4 =	vmax.f32 v59, $0.0e+00;
	[tilespmem:v6+s18+$0x0] =	vst.idx.msk vm0, v3;
	v2 =	vshll.u32 v2, v57  }
0x5a9: {  	s31 =	simm.s32 $0x26C9;
	v24 =	vmax.f32 v10, $0.0e+00;
	[tilespmem:v6+s19+$0x0] =	vst.idx.msk vm0, v4;
	v2 =	vadd.s32 $0x4, v2;
	v4 =	vmax.f32 v27, $0.0e+00  }
0x5aa: {  	s28 =	simm.s32 $0x26C8;
	s29 =	simm.s32 $0x26C5;
	v10 =	vmax.f32 v13, $0.0e+00;
	v12 =	vmov s31;
	[tilespmem:v5+s18+$0x0] =	vst.idx.msk vm0, v4;
	v4 =	vbroadcast v2, $0x0  }
0x5ab: {  	v3 =	vmov s28;
	v6 =	vmov s29;
	v2 =	vmax.f32 v62, $0.0e+00  }
0x5ac: {  	[tilespmem:v5+s19+$0x0] =	vst.idx.msk vm0, v2;
	v2 =	vshrl.u32 v3, $0x3;
	v3 =	vshrl.u32 v6, $0x3;
	v5 =	vshrl.u32 v11, $0x3  }
0x5ad: {  	v11 =	vmax.f32 v25, $0.0e+00;
	v2 =	vshll.u32 v2, v57;
	v5 =	vshll.u32 v5, v57  }
0x5ae: {  	v3 =	vshll.u32 v3, v57;
	v15 =	vbroadcast v2, $0x0;
	v5 =	vadd.s32 $0x6, v5  }
0x5af: {  	(xrf2) =	vadd.scan.msk.f32 $0xffff, v29;
	v2 =	vadd.s32 $0x5, v3;
	v27 =	vbroadcast v5, $0x0;
	v5 =	vmax.f32 v26, $0.0e+00  }
0x5b0: {  	s24 =	simm.s32 $0x0;
	s25 =	simm.s32 $0x8;
	v6 =	vmax.f32 v0, $0.0e+00;
	v3 =	vbroadcast v2, $0x0;
	[tilespmem:v4+s18+$0x0] =	vst.idx.msk vm0, v5;
	v5 =	vmax.f32 v14, $0.0e+00  }
.LBB2_8:
0x5b1: {  	_ =	sdelay $0x2  }
0x5b2: {  	s0 =	sadd.s32 $0x26C8, s25;
	v0 =	vshrl.u32 v12, $0x3;
	s2 =	sadd.s32 $0x26CA, s24;
	(xrf2) =	vadd.scan.msk.f32 $0xffff, v23;
	v13, _, _ =	vpop (xrf2)  }
0x5b3: {  	[tilespmem:v4+s19+$0x0] =	vst.idx.msk vm0, v24;
	s22 =	sadd.s32 $0x200, s22;
	v4 =	vmov s0;
	v12 =	vmov s2;
	(xrf2) =	vadd.scan.msk.f32 $0xffff, v22;
	v14, _, _ =	vpop (xrf2)  }
0x5b4: {  	s11 =	sadd.s32 $0x26CB, s24;
	s23 =	sadd.s32 $0x400, s23;
	v22 =	vld [tilespmem:s22+$0xD0];
	v4 =	vshrl.u32 v4, $0x3;
	v14 =	vmax.f32 v14, $0.0e+00;
	v12 =	vshrl.u32 v12, $0x3;
	(xrf2) =	vadd.scan.msk.f32 $0xffff, v21  }
0x5b5: {  	s26 =	sadd.s32 $0x26CC, s24;
	s28 =	sadd.s32 $0x26CD, s24;
	v32 =	vld [tilespmem:s23+$0x1B0];
	v0 =	vshll.u32 v0, v57;
	[tilespmem:v3+s18+$0x0] =	vst.idx.msk vm0, v11;
	v11 =	vmax.f32 v13, $0.0e+00;
	v13 =	vmov s11  }
0x5b6: {  	s29 =	sadd.s32 $0x26CE, s24;
	v33 =	vld [tilespmem:s23+$0x1F0];
	v0 =	vadd.s32 $0x1, v0;
	[tilespmem:v3+s19+$0x0] =	vst.idx.msk vm0, v10;
	v3 =	vmov s26;
	v10 =	vmov s28  }
0x5b7: {  	[tilespmem:v15+s18+$0x0] =	vst.idx.msk vm0, v11;
	v11 =	vmov s29;
	v13 =	vshrl.u32 v13, $0x3;
	v0 =	vbroadcast v0, $0x0  }
0x5b8: {  	[tilespmem:v27+s18+$0x0] =	vst.idx.msk vm0, v6;
	v1 =	vshrl.u32 v3, $0x3;
	v2 =	vshrl.u32 v10, $0x3;
	v3 =	vshll.u32 v4, v57;
	v10 =	vld [tilespmem:s22+$0xF0]  }
0x5b9: {  	[tilespmem:v27+s19+$0x0] =	vst.idx.msk vm0, v5;
	v4 =	vshll.u32 v12, v57;
	v5 =	vshrl.u32 v11, $0x3;
	v11 =	vld [tilespmem:s22+$0xE0];
	v12 =	vshll.u32 v13, v57  }
0x5ba: {  	[tilespmem:v15+s19+$0x0] =	vst.idx.msk vm0, v14;
	v15 =	vld [tilespmem:s23+$0x180];
	v24 =	vunpack.i.u.bf16.f32 v22;
	v13 =	vshll.u32 v1, v57;
	v1 =	vbroadcast v3, $0x0  }
0x5bb: {  	v14 =	vld [tilespmem:s22+$0xC0];
	v56 =	vunpack.i.u.bf16.f32 v32;
	v59 =	vunpack.i.u.bf16.f32 v33;
	v4 =	vadd.s32 $0x2, v4;
	v6, _, _ =	vpop (xrf2)  }
0x5bc: {  	v58 =	vld [tilespmem:s23+$0x100];
	(xrf2) =	vadd.scan.msk.f32 $0xffff, v20;
	[tilespmem:$0x1F910] =	vst v1;
	v1 =	vbroadcast v4, $0x0;
	v6 =	vmax.f32 v6, $0.0e+00;
	v3, _, _ =	vpop (xrf2)  }
0x5bd: {  	v60 =	vld [tilespmem:s23+$0xFFFFFE40];
	v4 =	vadd.s32 $0x3, v12;
	(xrf2) =	vadd.scan.msk.f32 $0xffff, v19;
	v3 =	vmax.f32 v3, $0.0e+00;
	[tilespmem:v0+s18+$0x0] =	vst.idx.msk vm0, v6  }
0x5be: {  	v48 =	vld [tilespmem:s23+$0x140];
	v2 =	vshll.u32 v2, v57;
	v20 =	vshll.u32 v5, v57;
	[tilespmem:v0+s19+$0x0] =	vst.idx.msk vm0, v3;
	v0 =	vbroadcast v4, $0x0  }
0x5bf: {  	v46 =	vld [tilespmem:s23+$0xC0];
	v12 =	vadd.s32 $0x4, v13;
	v23 =	vunpack.i.l.bf16.f32 v15;
	v26 =	vunpack.i.l.bf16.f32 v10  }
0x5c0: {  	v13 =	vld [tilespmem:s23+$0x1C0];
	v27 =	vunpack.i.u.bf16.f32 v11;
	v3 =	vbroadcast v12, $0x0;
	[tilespmem:$0x1F8F0] =	vst v0;
	v0 =	vadd.s32 $0x5, v2  }
0x5c1: {  	[tilespmem:$0x1F8B0] =	vst v1;
	v11 =	vunpack.i.l.bf16.f32 v11;
	v15 =	vunpack.i.u.bf16.f32 v15;
	v19 =	vld [tilespmem:s22+$0xFFFFFF40];
	v0 =	vbroadcast v0, $0x0  }
0x5c2: {  	v50 =	vunpack.i.u.bf16.f32 v58;
	v54 =	vunpack.i.u.bf16.f32 v60;
	[tilespmem:$0x1F8D0] =	vst v3;
	v2, _, _ =	vpop (xrf2);
	(xrf2) =	vadd.scan.msk.f32 $0xffff, v7  }
0x5c3: {  	v3 =	vunpack.i.u.bf16.f32 v48;
	v21 =	vmax.f32 v2, $0.0e+00;
	[tilespmem:$0x1F8A0] =	vst v0;
	v0 =	vadd.s32 $0x6, v20  }
0x5c4: {  	v12 =	vld [tilespmem:s23+$0x190];
	v2 =	vunpack.i.u.bf16.f32 v46;
	[tilespmem:v1+s18+$0x0] =	vst.idx.msk vm0, v21;
	v1, _, _ =	vpop (xrf2);
	(xrf2) =	vadd.scan.msk.f32 $0xffff, v8;
	v0 =	vbroadcast v0, $0x0  }
0x5c5: {  	v30 =	vld [tilespmem:s23+$0x1A0];
	v21 =	vunpack.i.l.bf16.f32 v13;
	v13 =	vunpack.i.u.bf16.f32 v13;
	v20 =	vunpack.i.u.bf16.f32 v10;
	[tilespmem:$0x1F880] =	vst v1  }
0x5c6: {  	v31 =	vld [tilespmem:s23+$0xFFFFFF00];
	v1, _, _ =	vpop (xrf2);
	(xrf2) =	vadd.scan.msk.f32 $0xffff, v9;
	v34 =	vunpack.i.l.bf16.f32 v19;
	[tilespmem:$0x1F8E0] =	vst v0;
	v0 =	vunpack.i.l.bf16.f32 v14  }
0x5c7: {  	[tilespmem:$0x1F890] =	vst v1;
	v1, _, _ =	vpop (xrf2);
	(xrf2) =	vadd.scan.msk.f32 $0xffff, v18;
	v18 =	vld [tilespmem:s23+$0xFFFFFF80];
	v14 =	vunpack.i.u.bf16.f32 v14;
	v10 =	vmul.f32 v23, v0  }
0x5c8: {  	v23 =	vld [tilespmem:s23+$0x1D0];
	v29 =	vmul.f32 v21, v14;
	v0 =	vmul.f32 v15, v0;
	v15 =	vunpack.i.l.bf16.f32 v22  }
0x5c9: {  	v25 =	vld [tilespmem:s23+$0xFFFFFE00];
	v22 =	vunpack.i.l.bf16.f32 v12;
	v13 =	vmul.f32 v13, v14;
	v12 =	vunpack.i.u.bf16.f32 v12  }
0x5ca: {  	v21 =	vld [tilespmem:s22+$0xFFFFFF80];
	v22 =	vmul.f32 v22, v15;
	v12 =	vmul.f32 v12, v15;
	v10 =	vadd.f32 $0.0e+00, v10  }
0x5cb: {  	[tilespmem:$0x1F8C0] =	vst v1;
	v36 =	vunpack.i.u.bf16.f32 v31;
	v31 =	vunpack.i.l.bf16.f32 v31;
	v0 =	vadd.f32 $0.0e+00, v0  }
0x5cc: {  	v1, _, _ =	vpop (xrf2);
	(xrf2) =	vadd.scan.msk.f32 $0xffff, v17;
	v39 =	vunpack.i.u.bf16.f32 v18;
	v40 =	vunpack.i.l.bf16.f32 v18;
	v10 =	vadd.f32 v29, v10  }
0x5cd: {  	v0 =	vadd.f32 v13, v0;
	v13 =	vunpack.i.l.bf16.f32 v30;
	[tilespmem:$0x1F900] =	vst v1;
	v14 =	vunpack.i.l.bf16.f32 v23  }
0x5ce: {  	v15 =	vunpack.i.u.bf16.f32 v23;
	v13 =	vmul.f32 v13, v11;
	v1, _, _ =	vpop (xrf2);
	(xrf2) =	vadd.scan.msk.f32 $0xffff, v16;
	v16 =	vunpack.i.u.bf16.f32 v25  }
0x5cf: {  	v29 =	vld [tilespmem:s23+$0x1E0];
	v25 =	vunpack.i.l.bf16.f32 v25;
	v35 =	vunpack.i.l.bf16.f32 v21;
	v10 =	vadd.f32 v22, v10  }
0x5d0: {  	v14 =	vmul.f32 v14, v24;
	v0 =	vadd.f32 v12, v0;
	v12 =	vmul.f32 v15, v24  }
0x5d1: {  	v23 =	vld [tilespmem:s22+$0x0];
	v24 =	vunpack.i.u.bf16.f32 v30;
	v31 =	vmul.f32 v31, v35;
	v35 =	vmul.f32 v36, v35  }
0x5d2: {  	v22 =	vld [tilespmem:s22+$0xFFFFFFC0];
	v36 =	vunpack.i.u.bf16.f32 v19;
	v14 =	vadd.f32 v14, v10;
	v0 =	vadd.f32 v12, v0  }
0x5d3: {  	v12 =	vmul.f32 v24, v11;
	v11 =	vunpack.i.l.bf16.f32 v32;
	v24 =	vld [tilespmem:s22+$0x40];
	v32 =	vunpack.i.l.bf16.f32 v58  }
0x5d4: {  	v15 =	vunpack.i.l.bf16.f32 v29;
	v17 =	vunpack.i.u.bf16.f32 v29;
	v29 =	vld [tilespmem:s23+$0x80];
	v13 =	vadd.f32 v13, v14  }
0x5d5: {  	v14 =	vmul.f32 v15, v27;
	v15 =	vld [tilespmem:s23+$0x0];
	v0 =	vadd.f32 v12, v0;
	v12 =	vmul.f32 v17, v27  }
0x5d6: {  	v17 =	vunpack.i.l.bf16.f32 v33;
	v27 =	vld [tilespmem:s22+$0x80];
	v42 =	vunpack.i.l.bf16.f32 v23;
	v33 =	vunpack.i.l.bf16.f32 v60  }
0x5d7: {  	v61 =	vld [tilespmem:s23+$0xFFFFFEC0];
	v38 =	vunpack.i.l.bf16.f32 v22;
	v13 =	vadd.f32 v14, v13;
	v14 =	vmul.f32 v11, v26  }
0x5d8: {  	v28 =	vld [tilespmem:s23+$0xFFFFFE80];
	v22 =	vunpack.i.u.bf16.f32 v22;
	v0 =	vadd.f32 v12, v0;
	v45 =	vunpack.i.l.bf16.f32 v24  }
0x5d9: {  	v13 =	vadd.f32 v14, v13;
	v14 =	vmul.f32 v17, v20;
	v17 =	vmul.f32 v56, v26  }
0x5da: {  	v37 =	vld [tilespmem:s23+$0xFFFFFF40];
	v47 =	vunpack.i.u.bf16.f32 v29;
	v29 =	vunpack.i.l.bf16.f32 v29;
	v43 =	vunpack.i.u.bf16.f32 v15  }
0x5db: {  	v26 =	vld [tilespmem:s22+$0xFFFFFF00];
	v49 =	vunpack.i.l.bf16.f32 v27;
	v29 =	vmul.f32 v29, v45;
	v45 =	vmul.f32 v47, v45  }
0x5dc: {  	v5 =	vld [tilespmem:s22+$0xFFFFFF10];
	v47 =	vunpack.i.l.bf16.f32 v61;
	v13 =	vadd.f32 v14, v13;
	v0 =	vadd.f32 v17, v0  }
0x5dd: {  	v14 =	vmul.f32 v59, v20;
	v20 =	vunpack.i.u.bf16.f32 v28;
	v28 =	vunpack.i.l.bf16.f32 v28  }
0x5de: {  	[tilespmem:$0x1F920] =	vst v1;
	v1, _, _ =	vpop (xrf2);
	v58 =	vmul.f32 v32, v49;
	v49 =	vmul.f32 v50, v49;
	v50 =	vunpack.i.u.bf16.f32 v21  }
0x5df: {  	[tilespmem:$0x1F930] =	vst v1;
	v1, _, _ =	vpop (xrf2);
	v59 =	vunpack.i.u.bf16.f32 v37;
	v28 =	vmul.f32 v28, v34;
	v34 =	vmul.f32 v20, v34  }
0x5e0: {  	s24 =	smov.u32 s25;
	v41 =	vld [tilespmem:s23+$0xFFFFFFC0];
	[tilespmem:$0x1F940] =	vst v1;
	v37 =	vunpack.i.l.bf16.f32 v37;
	v1 =	vadd.f32 v14, v0;
	v18 =	vunpack.i.l.bf16.f32 v26  }
0x5e1: {  	v44 =	vld [tilespmem:s23+$0x40];
	s30 =	sadd.s32 $0x26CF, s24;
	(xrf2) =	vadd.scan.msk.f32 $0xffff, v13;
	v26 =	vunpack.i.u.bf16.f32 v26;
	v19 =	vadd.f32 $0.0e+00, v34;
	v34 =	vunpack.i.l.bf16.f32 v5;
	v0, _, _ =	vpop (xrf2)  }
0x5e2: {  	v52 =	vld [tilespmem:s23+$0xFFFFFE10];
	v25 =	vmul.f32 v25, v18;
	[tilespmem:$0x1F950] =	vst v0;
	v0 =	vunpack.i.l.bf16.f32 v15;
	v15 =	vmov s30  }
0x5e3: {  	v4 =	vld [tilespmem:s22+$0xFFFFFF50];
	(xrf2) =	vadd.scan.msk.f32 $0xffff, v1;
	v54 =	vmul.f32 v54, v26;
	v15 =	vshrl.u32 v15, $0x3;
	v0 =	vmul.f32 v0, v42  }
0x5e4: {  	v7 =	vld [tilespmem:s22+$0x90];
	v42 =	vmul.f32 v43, v42;
	v11 =	vadd.f32 $0.0e+00, v25;
	v25 =	vunpack.i.l.bf16.f32 v48  }
0x5e5: {  	v8 =	vld [tilespmem:s22+$0xFFFFFF90];
	v1, _, _ =	vpop (xrf2);
	v48 =	vmul.f32 v33, v26;
	v33 =	vmul.f32 v37, v50;
	v51 =	vshll.u32 v15, v57  }
0x5e6: {  	v10 =	vld [tilespmem:s23+$0xFFFFFE90];
	[tilespmem:$0x1F960] =	vst v1;
	v57 =	vmul.f32 v40, v38;
	v38 =	vmul.f32 v39, v38;
	v1 =	vunpack.i.u.bf16.f32 v24  }
0x5e7: {  	v56 =	vld [tilespmem:s23+$0xFFFFFF10];
	v51 =	vadd.s32 $0x7, v51;
	v21 =	vadd.f32 $0.0e+00, v0;
	v0 =	vadd.f32 $0.0e+00, v42  }
0x5e8: {  	v26 =	vadd.f32 $0.0e+00, v31;
	v17 =	vmul.f32 v2, v1;
	v2 =	vld [tilespmem:s22+$0xFFFFFFE0];
	v51 =	vbroadcast v51, $0x0  }
0x5e9: {  	v60 =	vld [tilespmem:s23+$0x10];
	v37 =	vunpack.i.l.bf16.f32 v4;
	v39 =	vunpack.i.u.bf16.f32 v61;
	[tilespmem:$0x1F670] =	vst v0;
	v0 =	vadd.f32 $0.0e+00, v45  }
0x5ea: {  	v14 =	vld [tilespmem:s22+$0x10];
	v31 =	vmul.f32 v39, v36;
	v6 =	vadd.f32 $0.0e+00, v38;
	v45 =	vmul.f32 v59, v50  }
0x5eb: {  	v50 =	vadd.f32 $0.0e+00, v58;
	v58 =	vadd.f32 $0.0e+00, v49;
	v49 =	vmovc v5;
	v5 =	vunpack.i.l.bf16.f32 v10;
	[tilespmem:$0x1F680] =	vst v0;
	v0 =	vld [tilespmem:s22+$0xFFFFFF20]  }
0x5ec: {  	v47 =	vmul.f32 v47, v36;
	v31 =	vadd.f32 v31, v19;
	[tilespmem:$0x1F660] =	vst v6;
	v19 =	vmul.f32 v5, v37;
	v5 =	vld [tilespmem:s22+$0xA0];
	v20, _, _ =	vpop (xrf2)  }
0x5ed: {  	v9 =	vld [tilespmem:s22+$0xFFFFFFD0];
	v28 =	vadd.f32 $0.0e+00, v28;
	v12 =	vunpack.i.u.bf16.f32 v56;
	v62 =	vmax.f32 v20, $0.0e+00;
	[tilespmem:$0x1F6D0] =	vst v2;
	v63, _, _ =	vpop (xrf2)  }
0x5ee: {  	v30 =	vld [tilespmem:s23+$0xFFFFFF50];
	v53 =	vmul.f32 v16, v18;
	v18 =	vadd.f32 $0.0e+00, v35;
	v55 =	vmax.f32 v63, $0.0e+00;
	[tilespmem:v51+s18+$0x0] =	vst.idx.msk vm0, v62  }
0x5ef: {  	v32 =	vld [tilespmem:s23+$0xFFFFFFD0];
	v47 =	vadd.f32 v47, v28;
	v61 =	vunpack.i.u.bf16.f32 v23;
	v57 =	vadd.f32 $0.0e+00, v57;
	[tilespmem:v51+s19+$0x0] =	vst.idx.msk vm0, v55  }
0x5f0: {  	v6 =	vunpack.i.u.bf16.f32 v10;
	v10 =	vunpack.i.l.bf16.f32 v60;
	v20 =	vadd.f32 $0.0e+00, v29;
	[tilespmem:$0x1F690] =	vst v0;
	v0 =	vld [tilespmem:s23+$0xFFFFFE20]  }
0x5f1: {  	v2 =	vunpack.i.l.bf16.f32 v14;
	v51 =	vunpack.i.u.bf16.f32 v41;
	v41 =	vunpack.i.l.bf16.f32 v41;
	[tilespmem:$0x1F710] =	vst v5;
	v5 =	vld [tilespmem:$0x1F660]  }
0x5f2: {  	v35 =	vld [tilespmem:s23+$0x50];
	v62 =	vunpack.i.u.bf16.f32 v44;
	v44 =	vunpack.i.l.bf16.f32 v44;
	v41 =	vmul.f32 v41, v22  }
0x5f3: {  	v28 =	vld [tilespmem:s22+$0x60];
	v29 =	vmovc v14;
	v14 =	vunpack.i.u.bf16.f32 v60;
	v60 =	vadd.f32 v33, v26;
	v44 =	vmul.f32 v44, v61  }
0x5f4: {  	v43 =	vld [tilespmem:s23+$0xFFFFFF90];
	v26 =	vadd.f32 v45, v18;
	v22 =	vmul.f32 v51, v22;
	v33 =	vadd.f32 v41, v57  }
0x5f5: {  	v15 =	vld [tilespmem:s22+$0x50];
	v36 =	vmovc v8;
	v41 =	vadd.f32 v44, v21;
	[tilespmem:$0x1F6A0] =	vst v0;
	v0 =	vunpack.i.l.bf16.f32 v8;
	v8 =	vunpack.i.l.bf16.f32 v56  }
0x5f6: {  	v45 =	vadd.f32 v22, v5;
	v22 =	vmul.f32 v8, v0;
	v44 =	vmul.f32 v12, v0;
	v0 =	vld [tilespmem:$0x1F680]  }
0x5f7: {  	v27 =	vunpack.i.u.bf16.f32 v27;
	v23 =	vld [tilespmem:s23+$0xFFFFFE50]  }
0x5f8: {  	v46 =	vunpack.i.l.bf16.f32 v46;
	v16 =	vmul.f32 v25, v27;
	v27 =	vmul.f32 v3, v27;
	v3 =	vld [tilespmem:s23+$0xFFFFFFA0]  }
0x5f9: {  	v46 =	vmul.f32 v46, v1;
	v1 =	vld [tilespmem:s22+$0xFFFFFFA0]  }
0x5fa: {  	v39 =	vld [tilespmem:s23+$0x150]  }
0x5fb: {  	[tilespmem:$0x1F700] =	vst v28;
	v28 =	vadd.f32 v46, v20;
	v20 =	vadd.f32 v17, v0;
	v0 =	vld [tilespmem:s23+$0xFFFFFF60]  }
0x5fc: {  	v38 =	vld [tilespmem:s23+$0xD0]  }
0x5fd: {  	v53 =	vadd.f32 $0.0e+00, v53;
	v42 =	vmov v4;
	v4 =	vld [tilespmem:s22+$0x20]  }
0x5fe: {  	v48 =	vadd.f32 v48, v11;
	[tilespmem:$0x1F6B0] =	vst v1;
	v1 =	vld [tilespmem:s23+$0xFFFFFF20]  }
0x5ff: {  	v53 =	vadd.f32 v54, v53;
	v59 =	vld [tilespmem:s23+$0xFFFFFEA0];
	v13 =	vunpack.i.u.bf16.f32 v43;
	v43 =	vunpack.i.l.bf16.f32 v43;
	[tilespmem:$0x1F6E0] =	vst v3  }
0x600: {  	v3 =	vunpack.i.l.bf16.f32 v15;
	v27 =	vadd.f32 v27, v58;
	v58 =	vunpack.i.l.bf16.f32 v35;
	[tilespmem:$0x1F740] =	vst v0;
	v0 =	vld [tilespmem:s23+$0xFFFFFFE0]  }
0x601: {  	v18 =	vmul.f32 v6, v37;
	v6 =	vunpack.i.l.bf16.f32 v30;
	v14 =	vmul.f32 v14, v2;
	v5 =	vld [tilespmem:s23+$0xFFFFFE60]  }
0x602: {  	v63 =	vld [tilespmem:s23+$0x90];
	[tilespmem:$0x1F6F0] =	vst v4;
	v4 =	vunpack.i.l.bf16.f32 v7;
	v46 =	vunpack.i.u.bf16.f32 v23;
	v62 =	vmul.f32 v62, v61  }
0x603: {  	v55 =	vld [tilespmem:s23+$0x110];
	v51 =	vunpack.i.u.bf16.f32 v52;
	v52 =	vunpack.i.l.bf16.f32 v52;
	[tilespmem:$0x1F6C0] =	vst v1;
	v1 =	vunpack.i.l.bf16.f32 v9  }
0x604: {  	v61 =	vld [tilespmem:s22+$0xFFFFFF60];
	v54 =	vmul.f32 v52, v34;
	v34 =	vmul.f32 v51, v34;
	v51 =	vadd.f32 v16, v50  }
0x605: {  	v21 =	vmul.f32 v43, v1;
	v16 =	vmul.f32 v13, v1;
	v43 =	vunpack.i.u.bf16.f32 v49;
	[tilespmem:$0x1F750] =	vst v0;
	v0 =	vld [tilespmem:s23+$0x60]  }
0x606: {  	v13 =	vmul.f32 v10, v2;
	v10 =	vunpack.i.u.bf16.f32 v39;
	v39 =	vunpack.i.l.bf16.f32 v39;
	[tilespmem:$0x1F720] =	vst v5;
	v5 =	vld [tilespmem:$0x1F670]  }
0x607: {  	v25 =	vmovc v15;
	v1 =	vld [tilespmem:s22+$0xFFFFFF70];
	v15 =	vunpack.i.u.bf16.f32 v63;
	v63 =	vunpack.i.l.bf16.f32 v63;
	v54 =	vadd.f32 v54, v48  }
0x608: {  	v2 =	vld [tilespmem:s23+$0xFFFFFEB0];
	v53 =	vadd.f32 v34, v53;
	v34 =	vmul.f32 v46, v43;
	v48 =	vadd.f32 v18, v31  }
0x609: {  	v24 =	vmovc v9;
	v11 =	vunpack.i.u.bf16.f32 v55;
	v9 =	vunpack.i.l.bf16.f32 v55;
	v55 =	vld [tilespmem:s23+$0xA0];
	v57 =	vmul.f32 v63, v3  }
0x60a: {  	v63 =	vunpack.i.u.bf16.f32 v30;
	v30 =	vadd.f32 v19, v47;
	v46 =	vadd.f32 v21, v33;
	[tilespmem:$0x1F760] =	vst v0;
	v0 =	vld [tilespmem:s23+$0xE0]  }
0x60b: {  	v11 =	vmul.f32 v11, v4;
	v34 =	vadd.f32 v34, v53;
	v37 =	vadd.f32 v62, v5;
	v5 =	vld [tilespmem:s23+$0xFFFFFEE0]  }
0x60c: {  	v33 =	vld [tilespmem:$0x1F690];
	v12 =	vmul.f32 v15, v3;
	v15 =	vmul.f32 v9, v4;
	v4 =	vunpack.i.u.bf16.f32 v42  }
0x60d: {  	v56 =	vld [tilespmem:s23+$0x20];
	v8 =	vunpack.i.u.bf16.f32 v35;
	v9 =	vunpack.i.u.bf16.f32 v38;
	v38 =	vunpack.i.l.bf16.f32 v38;
	[tilespmem:$0x1F7A0] =	vst v1  }
0x60e: {  	v3 =	vld [tilespmem:s22+$0xFFFFFFB0];
	v45 =	vadd.f32 v16, v45;
	v1 =	vunpack.i.u.bf16.f32 v29;
	[tilespmem:$0x1F7B0] =	vst v2;
	v29 =	vadd.f32 v11, v27  }
0x60f: {  	v2 =	vunpack.i.u.bf16.f32 v25;
	v47 =	vadd.f32 v22, v60;
	v22 =	vadd.f32 v57, v28;
	[tilespmem:$0x1F770] =	vst v0;
	v0 =	vld [tilespmem:s22+$0xFFFFFF30]  }
0x610: {  	v28 =	vmul.f32 v58, v1;
	v19 =	vmul.f32 v8, v1;
	v1 =	vld [tilespmem:$0x1F6C0];
	[tilespmem:$0x1F730] =	vst v5;
	v5 =	vunpack.i.l.bf16.f32 v23  }
0x611: {  	v26 =	vadd.f32 v44, v26;
	v31 =	vadd.f32 v15, v51;
	v35 =	vmul.f32 v5, v43;
	v5 =	vld [tilespmem:s23+$0xFFFFFF30]  }
0x612: {  	v40 =	vld [tilespmem:s23+$0xFFFFFED0];
	v8 =	vunpack.i.u.bf16.f32 v59;
	v59 =	vunpack.i.l.bf16.f32 v59;
	v27 =	vunpack.i.l.bf16.f32 v33  }
0x613: {  	v52 =	vld [tilespmem:s23+$0x120];
	v15 =	vunpack.i.u.bf16.f32 v56;
	v42 =	vunpack.i.l.bf16.f32 v56;
	[tilespmem:$0x1F7C0] =	vst v3;
	v3 =	vunpack.i.u.bf16.f32 v7  }
0x614: {  	v17 =	vunpack.i.u.bf16.f32 v32;
	v32 =	vunpack.i.l.bf16.f32 v32;
	v18 =	vmul.f32 v39, v3;
	[tilespmem:$0x1F780] =	vst v0;
	v0 =	vld [tilespmem:s23+$0xFFFFFE30]  }
0x615: {  	v39 =	vunpack.i.l.bf16.f32 v61;
	v16 =	vmul.f32 v10, v3;
	v10 =	vld [tilespmem:$0x1F6D0];
	v62 =	vunpack.i.u.bf16.f32 v36  }
0x616: {  	v36 =	vunpack.i.l.bf16.f32 v1;
	v25 =	vmul.f32 v6, v62;
	v6 =	vunpack.i.l.bf16.f32 v55;
	[tilespmem:$0x1F7D0] =	vst v5;
	v5 =	vld [tilespmem:s22+$0xFFFFFFF0]  }
0x617: {  	v44 =	vadd.f32 v14, v37;
	v14 =	vunpack.i.u.bf16.f32 v55;
	v23 =	vunpack.i.u.bf16.f32 v40  }
0x618: {  	v40 =	vunpack.i.l.bf16.f32 v40;
	v43 =	vadd.f32 v13, v41;
	v41 =	vmul.f32 v63, v62  }
0x619: {  	v11 =	vld [tilespmem:$0x1F6B0];
	v62 =	vmul.f32 v38, v2;
	[tilespmem:$0x1F790] =	vst v0;
	v0 =	vunpack.i.u.bf16.f32 v24;
	v24 =	vmul.f32 v40, v4  }
0x61a: {  	v40 =	vadd.f32 v12, v20;
	v21 =	vmul.f32 v32, v0;
	v20 =	vmul.f32 v17, v0;
	v0 =	vld [tilespmem:s22+$0xB0]  }
0x61b: {  	v37 =	vunpack.i.l.bf16.f32 v10;
	v23 =	vmul.f32 v23, v4;
	v13 =	vunpack.i.u.bf16.f32 v52;
	[tilespmem:$0x1F7E0] =	vst v5;
	v5 =	vld [tilespmem:$0x1F700]  }
0x61c: {  	v52 =	vunpack.i.l.bf16.f32 v52;
	v35 =	vadd.f32 v35, v54;
	v22 =	vadd.f32 v62, v22;
	v4 =	vld [tilespmem:s22+$0x30]  }
0x61d: {  	v62 =	vadd.f32 v16, v29;
	v12 =	vunpack.i.u.bf16.f32 v1;
	v1 =	vld [tilespmem:$0x1F6E0];
	v32 =	vadd.f32 v23, v48  }
0x61e: {  	v60 =	vld [tilespmem:s23+$0xFFFFFFB0];
	v17 =	vmul.f32 v9, v2;
	v23 =	vadd.f32 v28, v43;
	v43 =	vadd.f32 v19, v44  }
0x61f: {  	v2 =	vunpack.i.l.bf16.f32 v11;
	v30 =	vadd.f32 v24, v30;
	v24 =	vadd.f32 v25, v47;
	[tilespmem:$0x1F830] =	vst v0;
	v0 =	vld [tilespmem:$0x1F6A0]  }
0x620: {  	v9 =	vld [tilespmem:$0x1F6F0];
	v25 =	vadd.f32 v41, v26;
	v26 =	vmul.f32 v59, v39;
	v19 =	vmul.f32 v36, v2  }
0x621: {  	v2 =	vmul.f32 v12, v2;
	v48 =	vadd.f32 v21, v46;
	v46 =	vunpack.i.u.bf16.f32 v5;
	[tilespmem:$0x1F7F0] =	vst v4;
	v4 =	vld [tilespmem:s23+$0x30]  }
0x622: {  	v38 =	vunpack.i.u.bf16.f32 v1;
	v7 =	vunpack.i.l.bf16.f32 v1;
	v1 =	vunpack.i.l.bf16.f32 v5;
	v5 =	vld [tilespmem:$0x1F770]  }
0x623: {  	v12 =	vunpack.i.u.bf16.f32 v33;
	v54 =	vadd.f32 v20, v45;
	v21 =	vmul.f32 v8, v39  }
0x624: {  	v40 =	vadd.f32 v17, v40;
	v57 =	vunpack.i.u.bf16.f32 v0;
	v63 =	vunpack.i.l.bf16.f32 v0;
	v0 =	vld [tilespmem:s23+$0xFFFFFE70]  }
0x625: {  	v49 =	vld [tilespmem:s23+$0x160];
	v39 =	vunpack.i.u.bf16.f32 v60;
	v26 =	vadd.f32 v26, v30;
	v19 =	vadd.f32 v19, v24  }
0x626: {  	v3 =	vunpack.i.l.bf16.f32 v9;
	v20 =	vmul.f32 v38, v37;
	v41 =	vunpack.i.u.bf16.f32 v9;
	v9 =	vld [tilespmem:$0x1F760]  }
0x627: {  	v59 =	vmul.f32 v6, v1;
	v1 =	vmul.f32 v14, v1;
	[tilespmem:$0x1F800] =	vst v4;
	v4 =	vld [tilespmem:s22+$0x70];
	v47 =	vunpack.i.u.bf16.f32 v5  }
0x628: {  	v2 =	vadd.f32 v2, v25;
	v17 =	vmul.f32 v42, v3;
	v24 =	vmul.f32 v47, v46;
	v47 =	vld [tilespmem:$0x1F800]  }
0x629: {  	v3 =	vmul.f32 v15, v3;
	v1 =	vadd.f32 v1, v40;
	v40 =	vunpack.i.l.bf16.f32 v60;
	[tilespmem:$0x1F840] =	vst v0;
	v0 =	vld [tilespmem:s23+$0xFFFFFEF0]  }
0x62a: {  	v53 =	vmul.f32 v63, v27;
	v63 =	vadd.f32 v18, v31;
	v18 =	vmul.f32 v7, v37;
	v7 =	vld [tilespmem:$0x1F720]  }
0x62b: {  	v14 =	vadd.f32 v17, v23;
	v3 =	vadd.f32 v3, v43;
	v31 =	vunpack.i.u.bf16.f32 v11;
	v11 =	vld [tilespmem:$0x1F740]  }
0x62c: {  	v44 =	vunpack.i.l.bf16.f32 v5;
	v42 =	vunpack.i.u.bf16.f32 v9;
	v37 =	vunpack.i.u.bf16.f32 v10;
	v10 =	vld [tilespmem:$0x1F750]  }
0x62d: {  	v45 =	vunpack.i.l.bf16.f32 v9;
	v23 =	vmul.f32 v44, v46;
	v27 =	vmul.f32 v57, v27;
	[tilespmem:$0x1F810] =	vst v4;
	v4 =	vld [tilespmem:s23+$0xB0]  }
0x62e: {  	v1 =	vadd.f32 v24, v1;
	v5 =	vadd.f32 v18, v48;
	v18 =	vmul.f32 v45, v41;
	[tilespmem:$0x1F850] =	vst v0;
	v0 =	vld [tilespmem:s23+$0xFFFFFF70]  }
0x62f: {  	v46 =	vld [tilespmem:$0x1F7D0];
	v35 =	vadd.f32 v53, v35;
	v27 =	vadd.f32 v27, v34;
	v43 =	vunpack.i.l.bf16.f32 v47  }
0x630: {  	v53 =	vld [tilespmem:$0x1F7E0];
	v14 =	vadd.f32 v18, v14;
	v16 =	vunpack.i.u.bf16.f32 v7;
	v8 =	vunpack.i.l.bf16.f32 v7  }
0x631: {  	v60 =	vld [tilespmem:$0x1F810];
	v7 =	vunpack.i.u.bf16.f32 v61;
	v33 =	vunpack.i.u.bf16.f32 v11;
	v36 =	vunpack.i.l.bf16.f32 v11  }
0x632: {  	v38 =	vunpack.i.u.bf16.f32 v10;
	v56 =	vunpack.i.l.bf16.f32 v10;
	v61 =	vunpack.i.u.bf16.f32 v49;
	[tilespmem:$0x1F820] =	vst v4;
	v4 =	vld [tilespmem:$0x1F710]  }
0x633: {  	v49 =	vunpack.i.l.bf16.f32 v49;
	v8 =	vmul.f32 v8, v12;
	v12 =	vmul.f32 v16, v12;
	[tilespmem:$0x1F860] =	vst v0;
	v0 =	vld [tilespmem:s23+$0xFFFFFFF0]  }
0x634: {  	v16 =	vadd.f32 v21, v32;
	v15 =	vmul.f32 v36, v31;
	v11 =	vmul.f32 v56, v37;
	v48 =	vld [tilespmem:$0x1F820]  }
0x635: {  	v25 =	vld [tilespmem:$0x1F790];
	v17 =	vmul.f32 v38, v37;
	v36 =	vunpack.i.u.bf16.f32 v46;
	v38 =	vunpack.i.l.bf16.f32 v53  }
0x636: {  	v8 =	vadd.f32 v8, v35;
	v5 =	vadd.f32 v11, v5;
	v18 =	vmul.f32 v40, v38  }
0x637: {  	v50 =	vld [tilespmem:s23+$0x130];
	v37 =	vunpack.i.l.bf16.f32 v46;
	v12 =	vadd.f32 v12, v27;
	v15 =	vadd.f32 v15, v19  }
0x638: {  	v27 =	vld [tilespmem:$0x1F840];
	v44 =	vunpack.i.l.bf16.f32 v60;
	v5 =	vadd.f32 v18, v5;
	[tilespmem:$0x1F870] =	vst v0;
	v0 =	vunpack.i.l.bf16.f32 v4  }
0x639: {  	v32 =	vunpack.i.l.bf16.f32 v48;
	v28 =	vmul.f32 v52, v0;
	v0 =	vmul.f32 v13, v0;
	v13 =	vld [tilespmem:$0x1F730]  }
0x63a: {  	v45 =	vld [tilespmem:$0x1F7B0];
	v52 =	vunpack.i.u.bf16.f32 v4;
	v4 =	vadd.f32 v59, v22;
	v22 =	vunpack.i.u.bf16.f32 v25  }
0x63b: {  	v25 =	vunpack.i.l.bf16.f32 v25;
	v9 =	vadd.f32 v28, v63;
	v0 =	vadd.f32 v0, v62  }
0x63c: {  	v28 =	vmul.f32 v49, v52;
	v62 =	vunpack.i.u.bf16.f32 v50;
	v63 =	vunpack.i.l.bf16.f32 v50  }
0x63d: {  	v59 =	vld [tilespmem:$0x1F7F0];
	v4 =	vadd.f32 v23, v4;
	v23 =	vunpack.i.u.bf16.f32 v27;
	v27 =	vunpack.i.l.bf16.f32 v27  }
0x63e: {  	v49 =	vld [tilespmem:$0x1F7A0];
	v9 =	vadd.f32 v28, v9;
	v6 =	vunpack.i.u.bf16.f32 v13;
	v29 =	vunpack.i.l.bf16.f32 v13  }
0x63f: {  	v13 =	vmul.f32 v33, v31;
	v31 =	vunpack.i.u.bf16.f32 v45;
	v33 =	vunpack.i.l.bf16.f32 v45  }
0x640: {  	v45 =	vunpack.i.u.bf16.f32 v48;
	v21 =	vmul.f32 v29, v7;
	v6 =	vmul.f32 v6, v7  }
0x641: {  	v7 =	vadd.f32 v20, v54;
	v20 =	vmul.f32 v42, v41;
	v29 =	vmul.f32 v61, v52  }
0x642: {  	v50 =	vld [tilespmem:$0x1F870];
	v41 =	vunpack.i.l.bf16.f32 v59;
	v42 =	vunpack.i.u.bf16.f32 v47;
	v28 =	vmul.f32 v45, v44  }
0x643: {  	v54 =	vld [tilespmem:$0x1F780];
	v30 =	vunpack.i.l.bf16.f32 v49;
	v2 =	vadd.f32 v13, v2;
	v24 =	vmul.f32 v42, v41  }
0x644: {  	v52 =	vld [tilespmem:$0x1F7C0];
	v21 =	vadd.f32 v21, v26;
	v6 =	vadd.f32 v6, v16;
	v16 =	vmul.f32 v33, v30  }
0x645: {  	v61 =	vld [tilespmem:$0x1F830];
	v13 =	vmul.f32 v31, v30;
	v7 =	vadd.f32 v17, v7;
	v3 =	vadd.f32 v20, v3  }
0x646: {  	v45 =	vld [tilespmem:$0x1F850];
	v0 =	vadd.f32 v29, v0;
	v20 =	vmul.f32 v39, v38;
	v26 =	vmul.f32 v32, v44  }
0x647: {  	v47 =	vld [tilespmem:$0x1F860];
	v30 =	vunpack.i.u.bf16.f32 v49;
	v49 =	vunpack.i.u.bf16.f32 v53;
	v16 =	vadd.f32 v16, v21  }
0x648: {  	v58 =	vld [tilespmem:s23+$0x70];
	v39 =	vunpack.i.l.bf16.f32 v50;
	v6 =	vadd.f32 v13, v6;
	v7 =	vadd.f32 v20, v7  }
0x649: {  	v3 =	vadd.f32 v24, v3;
	v4 =	vadd.f32 v26, v4;
	v10 =	vunpack.i.l.bf16.f32 v54  }
0x64a: {  	v34 =	vunpack.i.l.bf16.f32 v52;
	v56 =	vunpack.i.l.bf16.f32 v61;
	v19 =	vunpack.i.u.bf16.f32 v54  }
0x64b: {  	v31 =	vunpack.i.u.bf16.f32 v45;
	v33 =	vunpack.i.l.bf16.f32 v45;
	v25 =	vmul.f32 v25, v10  }
0x64c: {  	v48 =	vunpack.i.u.bf16.f32 v47;
	v10 =	vmul.f32 v22, v10;
	v29 =	vmul.f32 v63, v56  }
0x64d: {  	v51 =	vld [tilespmem:s23+$0xF0];
	v54 =	vunpack.i.u.bf16.f32 v58;
	v11 =	vmul.f32 v37, v34;
	v17 =	vmul.f32 v36, v34  }
0x64e: {  	v55 =	vld [tilespmem:s23+$0x170];
	v34 =	vunpack.i.u.bf16.f32 v52;
	v24 =	vadd.f32 v29, v9;
	v9 =	vmul.f32 v39, v49  }
0x64f: {  	v13 =	vmul.f32 v23, v19;
	v8 =	vadd.f32 v25, v8;
	v25 =	vmul.f32 v27, v19  }
0x650: {  	v2 =	vadd.f32 v17, v2;
	v19 =	vmul.f32 v48, v34;
	v20 =	vadd.f32 v9, v5;
	v9 =	vld [tilespmem:$0x1F8B0]  }
0x651: {  	v32 =	vmul.f32 v62, v56;
	v56 =	vunpack.i.l.bf16.f32 v58;
	v58 =	vunpack.i.u.bf16.f32 v60  }
0x652: {  	v60 =	vunpack.i.l.bf16.f32 v51;
	v62 =	vunpack.i.u.bf16.f32 v61;
	v21 =	vadd.f32 v19, v2;
	v2 =	vld [tilespmem:$0x1F880]  }
0x653: {  	v63 =	vunpack.i.u.bf16.f32 v55;
	v11 =	vadd.f32 v11, v15;
	v15 =	vmul.f32 v33, v30  }
0x654: {  	v10 =	vadd.f32 v10, v12;
	v12 =	vunpack.i.l.bf16.f32 v55;
	v17 =	vmul.f32 v31, v30  }
0x655: {  	v0 =	vadd.f32 v32, v0;
	v15 =	vadd.f32 v15, v16;
	v16 =	vmul.f32 v60, v58  }
0x656: {  	v23 =	vadd.f32 v17, v6;
	v6 =	vmul.f32 v12, v62;
	v12 =	vmul.f32 v63, v62  }
0x657: {  	v2 =	vmax.f32 v2, $0.0e+00  }
0x658: {  	[tilespmem:v9+s19+$0x0] =	vst.idx.msk vm0, v2;
	v9 =	vadd.f32 v16, v4;
	v16 =	vadd.f32 v12, v0;
	v0 =	vld [tilespmem:$0x1F920];
	_ =	sdelay $0x2  }
0x659: {  	v8 =	vadd.f32 v25, v8  }
0x65a: {  	v10 =	vadd.f32 v13, v10  }
0x65b: {  	(xrf2) =	vadd.scan.msk.f32 $0xffff, v8;
	v17 =	vadd.f32 v6, v24;
	v24 =	vmax.f32 v0, $0.0e+00;
	v0 =	vld [tilespmem:$0x1F930]  }
0x65c: {  	(xrf2) =	vadd.scan.msk.f32 $0xffff, v10;
	v10 =	vld [tilespmem:$0x1F8F0]  }
0x65d: {  	v36 =	vunpack.i.l.bf16.f32 v47  }
0x65e: {  	v22 =	vmul.f32 v43, v41;
	v18 =	vmul.f32 v36, v34;
	v5 =	vld [tilespmem:$0x1F890]  }
0x65f: {  	v2 =	vld [tilespmem:$0x1F8C0]  }
0x660: {  	v14 =	vadd.f32 v22, v14;
	v22 =	vadd.f32 v18, v11;
	v11 =	vmax.f32 v0, $0.0e+00;
	v0 =	vld [tilespmem:$0x1F940];
	_ =	sdelay $0x2  }
0x661: {  	v5 =	vmax.f32 v5, $0.0e+00  }
0x662: {  	[tilespmem:v10+s18+$0x0] =	vst.idx.msk vm0, v5;
	v2 =	vmax.f32 v2, $0.0e+00  }
0x663: {  	[tilespmem:v10+s19+$0x0] =	vst.idx.msk vm0, v2;
	v10 =	vmax.f32 v0, $0.0e+00;
	v0 =	vld [tilespmem:$0x1F950]  }
0x664: {  	v53 =	vunpack.i.u.bf16.f32 v59;
	v59 =	vunpack.i.u.bf16.f32 v51  }
0x665: {  	v1 =	vadd.f32 v28, v1;
	v27 =	vmul.f32 v59, v58;
	v4 =	vld [tilespmem:$0x1F8D0];
	_ =	sdelay $0x1  }
0x666: {  	s25 =	sadd.s32 $0x8, s25;
	v18 =	vadd.f32 v27, v1;
	v1 =	vld [tilespmem:$0x1F900]  }
0x667: {  	p0 =	slt.u32 s25, $0x48;
	v52 =	vunpack.i.u.bf16.f32 v50;
	v6 =	vmax.f32 v0, $0.0e+00;
	v0 =	vld [tilespmem:$0x1F960]  }
.Ltmp3:
0x668: {  	v25 =	vmul.f32 v52, v49;
	(pc) =	sbr.rel @p0 .LBB2_8-.Ltmp3, $4  }
0x669: {  	v57 =	vld [tilespmem:$0x1FFF0];
	v26 =	vmul.f32 v54, v53;
	v13 =	vmul.f32 v56, v53  }
0x66a: {  	v27 =	vld [tilespmem:$0x1F8E0];
	v19 =	vadd.f32 v25, v7  }
0x66b: {  	s31 =	sadd.s32 $0x26C9, s24;
	v7 =	vadd.f32 v13, v14;
	v8 =	vadd.f32 v26, v3;
	v3 =	vld [tilespmem:$0x1F8A0];
	v1 =	vmax.f32 v1, $0.0e+00  }
0x66c: {  	(xrf2) =	vadd.scan.msk.f32 $0xffff, v15;
	v15 =	vld [tilespmem:$0x1F910];
	v12 =	vmov s31;
	[tilespmem:v4+s18+$0x0] =	vst.idx.msk vm0, v1;
	v5 =	vmax.f32 v0, $0.0e+00  }
0x66d: {  	_ =	sdelay $0x3  }
0x66e: {  	v0 =	vshrl.u32 v12, $0x3;
	(xrf2) =	vadd.scan.msk.f32 $0xffff, v23;
	s0 =	sadd.s32 $0x26CA, s24  }
0x66f: {  	[tilespmem:v4+s19+$0x0] =	vst.idx.msk vm0, v24;
	v1, _, _ =	vpop (xrf2);
	s29 =	sadd.s32 $0x26CB, s24;
	s30 =	sadd.s32 $0x26CC, s24;
	v0 =	vshll.u32 v0, v57;
	(xrf2) =	vadd.scan.msk.f32 $0xffff, v22;
	v2 =	vmov s0  }
0x670: {  	s31 =	sadd.s32 $0x26CD, s24;
	s2 =	sadd.s32 $0x26CE, s24;
	v1 =	vmax.f32 v1, $0.0e+00;
	v37 =	vmov s29;
	v38 =	vmov s30;
	(xrf2) =	vadd.scan.msk.f32 $0xffff, v21  }
0x671: {  	v39 =	vmov s31;
	v40 =	vmov s2;
	v41, _, _ =	vpop (xrf2);
	v0 =	vadd.s32 $0x1, v0;
	(xrf2) =	vadd.scan.msk.f32 $0xffff, v20  }
0x672: {  	v2 =	vshrl.u32 v2, $0x3;
	[tilespmem:v27+s18+$0x0] =	vst.idx.msk vm0, v6;
	v42 =	vmax.f32 v41, $0.0e+00;
	(xrf2) =	vadd.scan.msk.f32 $0xffff, v19  }
0x673: {  	[tilespmem:v3+s18+$0x0] =	vst.idx.msk vm0, v11;
	v0 =	vbroadcast v0, $0x0;
	v2 =	vshll.u32 v2, v57;
	(xrf2) =	vadd.scan.msk.f32 $0xffff, v7  }
0x674: {  	[tilespmem:v3+s19+$0x0] =	vst.idx.msk vm0, v10;
	v3 =	vshrl.u32 v37, $0x3;
	v2 =	vadd.s32 $0x2, v2;
	(xrf2) =	vadd.scan.msk.f32 $0xffff, v8  }
0x675: {  	v4 =	vshrl.u32 v39, $0x3;
	v3 =	vshll.u32 v3, v57;
	v2 =	vbroadcast v2, $0x0;
	(xrf2) =	vadd.scan.msk.f32 $0xffff, v9  }
0x676: {  	[tilespmem:v15+s18+$0x0] =	vst.idx.msk vm0, v1;
	v1 =	vshrl.u32 v38, $0x3;
	v3 =	vadd.s32 $0x3, v3;
	(xrf2) =	vadd.scan.msk.f32 $0xffff, v18  }
0x677: {  	[tilespmem:v27+s19+$0x0] =	vst.idx.msk vm0, v5;
	v1 =	vshll.u32 v1, v57;
	v3 =	vbroadcast v3, $0x0;
	v43, _, _ =	vpop (xrf2);
	(xrf2) =	vadd.scan.msk.f32 $0xffff, v17  }
0x678: {  	[tilespmem:v15+s19+$0x0] =	vst.idx.msk vm0, v42;
	v1 =	vadd.s32 $0x4, v1;
	v5 =	vmax.f32 v43, $0.0e+00;
	v44, _, _ =	vpop (xrf2);
	(xrf2) =	vadd.scan.msk.f32 $0xffff, v16  }
0x679: {  	v4 =	vshll.u32 v4, v57;
	v1 =	vbroadcast v1, $0x0;
	v45, _, _ =	vpop (xrf2);
	[tilespmem:v0+s18+$0x0] =	vst.idx.msk vm0, v5;
	v46 =	vmax.f32 v44, $0.0e+00  }
0x67a: {  	v48 =	vshrl.u32 v40, $0x3;
	v49 =	vadd.s32 $0x5, v4;
	v47, _, _ =	vpop (xrf2);
	[tilespmem:v0+s19+$0x0] =	vst.idx.msk vm0, v46;
	v50 =	vmax.f32 v45, $0.0e+00  }
0x67b: {  	v52 =	vshll.u32 v48, v57;
	v0 =	vbroadcast v49, $0x0;
	v51, _, _ =	vpop (xrf2);
	[tilespmem:v2+s18+$0x0] =	vst.idx.msk vm0, v50;
	v53 =	vmax.f32 v47, $0.0e+00  }
0x67c: {  	v7 =	vadd.s32 $0x6, v52;
	v54, _, _ =	vpop (xrf2);
	v5 =	vmax.f32 v51, $0.0e+00;
	[tilespmem:v2+s19+$0x0] =	vst.idx.msk vm0, v53  }
0x67d: {  	v56 =	vbroadcast v7, $0x0;
	v55, _, _ =	vpop (xrf2);
	v6 =	vmax.f32 v54, $0.0e+00;
	[tilespmem:v3+s18+$0x0] =	vst.idx.msk vm0, v5  }
0x67e: {  	v58, _, _ =	vpop (xrf2);
	v2 =	vmax.f32 v55, $0.0e+00;
	[tilespmem:v3+s19+$0x0] =	vst.idx.msk vm0, v6  }
0x67f: {  	v59, _, _ =	vpop (xrf2);
	v5 =	vmax.f32 v58, $0.0e+00;
	[tilespmem:v1+s18+$0x0] =	vst.idx.msk vm0, v2  }
0x680: {  	v60, _, _ =	vpop (xrf2);
	v3 =	vmax.f32 v59, $0.0e+00;
	[tilespmem:v1+s19+$0x0] =	vst.idx.msk vm0, v5  }
0x681: {  	v61, _, _ =	vpop (xrf2);
	v2 =	vmax.f32 v60, $0.0e+00;
	[tilespmem:v0+s18+$0x0] =	vst.idx.msk vm0, v3  }
0x682: {  	v62, _, _ =	vpop (xrf2);
	v1 =	vmax.f32 v61, $0.0e+00;
	[tilespmem:v0+s19+$0x0] =	vst.idx.msk vm0, v2  }
0x683: {  	v63 =	vmax.f32 v62, $0.0e+00;
	[tilespmem:v56+s18+$0x0] =	vst.idx.msk vm0, v1  }
0x684: {  	[tilespmem:v56+s19+$0x0] =	vst.idx.msk vm0, v63  }
0x685: {  	[hbm4b:s7+s3] =	stream.linear.scatter [tilespmem:s18], [sflag:$0x3], $0x2710, $0x38;
	[tilespmem:$0x11440] =	vst v63  }
0x686: {  	s21 =	sadd.s32 $0x1, s21;
	_ =	swait.ge [sflag:s10], $0x2710  }
0x687: {  	p0 =	sne.s32 s21, s9;
	[sflag:s10] =	ssyncset.done $0x0  }
.Ltmp4:
0x688: {  	[sflag:s10] =	ssyncadd.s32 $0xFFFFD8F0;
	(pc) =	sbr.rel @p0 .LBB2_1-.Ltmp4, $4  }
0x689: {  	[hbm4b:s8+s3] =	stream.linear.scatter [tilespmem:s19], [sflag:$0x3], $0x2710, $0x38;
	[tilespmem:$0x11440] =	vst v63  }
0x68a: {  	_ =	swait.ge [sflag:s10], $0x2710  }
0x68b: {  	[sflag:s10] =	ssyncset.done $0x0  }
0x68c: {  	[sflag:s10] =	ssyncadd.s32 $0xFFFFD8F0  }
0x68d: {  	_ =	sfence.sel $0x180000  }
0x68e: {  	[bflag:$0x0] =	sbarrier.arrive $0xFFFF  }
0x68f: {  	_ =	strace $0x90000047  }
0x690: {  	s0 =	stileid.u32;
	[bflag:$0x2] =	sbarrier.arrive $0xFFFF  }
0x691: {  	p0 =	sne.s32 s0, $0x0;
	s0 =	rddreg [dreg:$0x4]  }
0x692: {  	s0 =	sadd.s32 @!p0 $0x100000, s0  }
0x693: {  	[sflag:s0] =	ssyncadd.tile.s32 @!p0 $0x1;
	_ =	shalt  }
.Lfunc_end2:
_tile_overlayer_lowered:
.L_overlay_start_2:
0x694: {  	(tag) =	ssettag $0x2  }
0x695: {  	s0 =	rddreg [dreg:$0x0];
	s2 =	stileid.u32  }
0x696: {  	s1 =	rddreg [dreg:$0x1];
	p0 =	sne.s32 s2, $0x0  }
0x697: {  	s3 =	rddreg [dreg:$0x2];
	[bflag:$0x3] =	sbarrier.arrive $0xFFFF;
	s2 =	simm.s32 @!p0 $0x1C03  }
0x698: {  	[timem:s3], [sflag:s2] =	dma.local @!p0 [hbm:s0], s1  }
0x699: {  	s0 =	simm.s32 @!p0 $0x3  }
0x69a: {  	_ =	swait.ge @!p0 [sflag:s0], s1  }
0x69b: {  	s1 =	ssub.s32 @!p0 $0x0, s1;
	[sflag:s0] =	ssyncset.done @!p0 $0x0  }
0x69c: {  	[sflag:s0] =	ssyncadd.s32 @!p0 s1  }
0x69d: {  	[bflag:$0x3] =	sbarrier.arrive $0xFFFF  }
0x69e: {  	_ =	shalt  }

</sc_bundles>
